<compile_context>
chip_gen: v7x
topology: tpu7x:2x2x1
jax: 0.10.2.dev20260603
libtpu: 0.0.44.dev20260713+nightly
codegen_flags: <defaults>
</compile_context>

<pallas_src>
import functools

import numpy as np
import jax
import jax.numpy as jnp
from jax import lax
from jax.experimental import pallas as pl
from jax.experimental.pallas import tpu as pltpu
from jax.experimental.pallas import tpu_sc as plsc

D_EMBED = 64
SEQ = 200
BATCH = 4096
NC, NS, LANES = 2, 16, 16
NW = NC * NS
BBLK = BATCH // NW
NBUF = 2
NGRP = D_EMBED // LANES


def _encoding() -> np.ndarray:
    pos = np.arange(SEQ, dtype=np.float32)[:, None]
    two_i = 2.0 * np.floor(np.arange(D_EMBED, dtype=np.float32) / 2.0)[None, :]
    angles = (pos / np.power(np.float32(10000.0),
                             two_i / np.float32(D_EMBED))).astype(np.float32)
    even = (np.arange(D_EMBED) % 2) == 0
    return np.where(even[None, :], np.sin(angles), np.cos(angles)).astype(np.float32)


_ENC = _encoding()


def _sc_embed(xt_hbm, table2_hbm, enc_hbm, out_hbm,
              idx_v, enc_v,
              in0, in1, ot0, ot1,
              gs0, gs1, ws0, ws1):
    wid = lax.axis_index("s") * NC + lax.axis_index("c")
    boff = pl.multiple_of(wid * BBLK, BBLK)
    ins = [in0, in1]
    outs = [ot0, ot1]
    gsems = [gs0, gs1]
    wsems = [ws0, ws1]

    pltpu.sync_copy(enc_hbm, enc_v)
    pltpu.sync_copy(xt_hbm.at[:, pl.ds(boff, BBLK)], idx_v)

    colv = [lax.broadcasted_iota(jnp.int32, (LANES,), 0) + LANES * k
            for k in range(NGRP)]
    dtv = [c // 8 for c in colv]
    div = [c % 8 for c in colv]

    def fire_gather(c, b):
        pltpu.async_copy(table2_hbm.at[idx_v.at[c]], ins[b], gsems[b])

    def wait_gather(c, b):
        pltpu.make_async_copy(table2_hbm.at[idx_v.at[c]], ins[b],
                              gsems[b]).wait()

    def fire_write(c, b):
        pltpu.async_copy(outs[b].at[:, :, pl.ds(0, BBLK)],
                         out_hbm.at[c, :, wid], wsems[b])

    def wait_write(c, b):
        pltpu.make_async_copy(outs[b].at[:, :, pl.ds(0, BBLK)],
                              out_hbm.at[c, :, wid], wsems[b]).wait()

    def compute(c, b):
        inb, outb = ins[b], outs[b]
        evec = [enc_v[c, pl.ds(LANES * k, LANES)] for k in range(NGRP)]

        def g_body(g, carry):
            base = g * 8
            vals = [inb[base + u, pl.ds(LANES * k, LANES)] * 8.0 + evec[k]
                    for u in range(8) for k in range(NGRP)]
            for u in range(8):
                bsplat = jnp.full((LANES,), base + u, dtype=jnp.int32)
                for k in range(NGRP):
                    plsc.store_scatter(outb, [dtv[k], div[k], bsplat],
                                       vals[u * NGRP + k])
            return carry

        lax.fori_loop(0, BBLK // 8, g_body, 0)

    for b in range(NBUF):
        fire_gather(b, b)
    for b in range(NBUF):
        wait_gather(b, b)
        compute(b, b)
        fire_gather(b + NBUF, b)
        fire_write(b, b)

    def round_body(i, carry):
        c0 = NBUF * i
        for b in range(NBUF):
            c = c0 + b
            wait_write(c - NBUF, b)
            wait_gather(c, b)
            compute(c, b)
            fire_gather(c + NBUF, b)
            fire_write(c, b)
        return carry

    lax.fori_loop(1, SEQ // NBUF - 1, round_body, 0)

    for b in range(NBUF):
        c = SEQ - NBUF + b
        wait_write(c - NBUF, b)
        wait_gather(c, b)
        compute(c, b)
        fire_write(c, b)
    for b in range(NBUF):
        wait_write(SEQ - NBUF + b, b)


_embed_call = pl.kernel(
    _sc_embed,
    out_type=jax.ShapeDtypeStruct((SEQ, D_EMBED // 8, BATCH // BBLK, 8, BBLK),
                                  jnp.float32),
    mesh=plsc.VectorSubcoreMesh(core_axis_name="c", subcore_axis_name="s"),
    compiler_params=pltpu.CompilerParams(use_tc_tiling_on_sc=False,
                                         needs_layout_passes=False),
    scratch_types=(
        [pltpu.VMEM((SEQ, BBLK), jnp.int32),
         pltpu.VMEM((SEQ, D_EMBED), jnp.float32)]
        + [pltpu.VMEM((BBLK, 2 * D_EMBED), jnp.float32) for _ in range(NBUF)]
        + [pltpu.VMEM((D_EMBED // 8, 8, BBLK + 1), jnp.float32)
           for _ in range(NBUF)]
        + [pltpu.SemaphoreType.DMA for _ in range(2 * NBUF)]
    ),
)


def kernel(x, table):
    xt = jnp.transpose(x)
    table2 = jnp.pad(table, ((0, 0), (0, 64)))
    enc = jnp.asarray(_ENC)
    out5 = _embed_call(xt, table2, enc)
    out = jnp.transpose(out5, (2, 4, 0, 1, 3)).reshape(BATCH, SEQ, D_EMBED)
    return out

# --- scband reference (transcript-rebuilt; emitter-appended) ---
"""Pipeline reference for scband-positional-embedding-76072460746941 (READ-ONLY COPY).

The authoritative reference and input builder live on the scoring server;
editing this copy changes nothing except your own understanding.
"""

import jax, jax.numpy as jnp
import numpy as np

NUM_EMBEDDINGS = 1000000
D_EMBED = 64


def setup_inputs(seed: int = 0) -> dict:
    key = jax.random.key(seed)
    k1, k2 = jax.random.split(key)
    x = jax.random.randint(k1, (4096, 200), 0, NUM_EMBEDDINGS, dtype=jnp.int32)
    table = jax.random.normal(k2, (NUM_EMBEDDINGS, D_EMBED), dtype=jnp.float32)
    return {"x": x, "table": table}


def reference(x, table):
    d = D_EMBED
    # embedding lookup
    y = jnp.take(table, x, axis=0)
    # scale by sqrt(d_embed)
    y = y * jnp.sqrt(jnp.asarray(float(d), dtype=jnp.float32))
    # positional encoding
    n = x.shape[1]
    pos = jnp.arange(n, dtype=jnp.float32)[:, None]                      # [n, 1]
    two_i = 2.0 * jnp.floor(jnp.arange(d, dtype=jnp.float32) / 2.0)      # [d]
    two_i = two_i[None, :]                                               # [1, d]
    angles = pos / jnp.power(10000.0, two_i / float(d))                  # [n, d]
    indices = jnp.tile(jnp.array([True, False]), d // 2 + 1)[:d]         # [d]
    encoding = jnp.where(indices[None, :], jnp.sin(angles), jnp.cos(angles))  # [n, d]
    y = y + encoding[None, :, :]
    return y

if __name__ == "__main__":
    import jax
    _d = setup_inputs()
    print(jax.jit(kernel)(*tuple(_d.values())))

</pallas_src>

<mosaic_0001>
#map = affine_map<(d0, d1) -> (0, 0)>
#map1 = affine_map<(d0, d1) -> (0, 0, 0, 0, 0)>
module attributes {stable_mosaic.version = 14 : i64} {
  func.func @_sc_embed(%arg0: i32, %arg1: i32, %arg2: memref<200x4096xi32, #tpu.memory_space<hbm>>, %arg3: memref<1000000x128xf32, #tpu.memory_space<hbm>>, %arg4: memref<200x64xf32, #tpu.memory_space<hbm>>, %arg5: memref<200x8x32x8x128xf32, #tpu.memory_space<hbm>>, %arg6: memref<200x128xi32, #tpu.memory_space<vmem>>, %arg7: memref<200x64xf32, #tpu.memory_space<vmem>>, %arg8: memref<128x128xf32, #tpu.memory_space<vmem>>, %arg9: memref<128x128xf32, #tpu.memory_space<vmem>>, %arg10: memref<8x8x129xf32, #tpu.memory_space<vmem>>, %arg11: memref<8x8x129xf32, #tpu.memory_space<vmem>>, %arg12: memref<!tpu.dma_semaphore, #tpu.memory_space<semaphore_mem>>, %arg13: memref<!tpu.dma_semaphore, #tpu.memory_space<semaphore_mem>>, %arg14: memref<!tpu.dma_semaphore, #tpu.memory_space<semaphore_mem>>, %arg15: memref<!tpu.dma_semaphore, #tpu.memory_space<semaphore_mem>>) attributes {dimension_semantics = [#tpu.dimension_semantics<core_parallel>, #tpu.dimension_semantics<subcore_parallel>], iteration_bounds = array<i64: 2, 16>, scalar_prefetch = 0 : i64, scratch_operands = 10 : i64, tpu.core_type = #tpu.core_type<sc_vector_subcore>, window_params = [{transform_indices = #map}, {transform_indices = #map}, {transform_indices = #map}, {transform_indices = #map1}]} {
    %mul3A = arith.constant 2 : i32
    %mul3A_0 = arith.muli %arg1, %mul3A : i32
    %add3A = arith.addi %mul3A_0, %arg0 : i32
    %mul3A_1 = arith.constant 128 : i32
    %mul3A_2 = arith.muli %add3A, %mul3A_1 : i32
    %multiple_of3A = tpu.assume_multiple %mul3A_2, 128 : i32
    "tpu.region"() ({
      %run_scoped3A = tpu.sem_alloc : memref<!tpu.dma_semaphore, #tpu.memory_space<semaphore_mem>>
      tpu.enqueue_dma source(%arg4 : memref<200x64xf32, #tpu.memory_space<hbm>>) target(%arg7 : memref<200x64xf32, #tpu.memory_space<vmem>>) target_semaphore(%run_scoped3A : memref<!tpu.dma_semaphore, #tpu.memory_space<semaphore_mem>>)
      tpu.wait_dma2 semaphore(%run_scoped3A : memref<!tpu.dma_semaphore, #tpu.memory_space<semaphore_mem>>) src(%arg4 : memref<200x64xf32, #tpu.memory_space<hbm>>) dst(%arg7 : memref<200x64xf32, #tpu.memory_space<vmem>>)
      tpu.yield
    }) : () -> ()
    "tpu.region"() ({
      %run_scoped3A = tpu.sem_alloc : memref<!tpu.dma_semaphore, #tpu.memory_space<semaphore_mem>>
      %dma_start3A_518 = arith.constant 0 : i32
      %dma_start3A_519 = tpu.memref_slice %arg2[%dma_start3A_518, %multiple_of3A] : memref<200x4096xi32, #tpu.memory_space<hbm>> -> memref<200x128xi32, #tpu.memory_space<hbm>>
      %dma_start3A_520 = arith.constant 0 : i32
      %dma_start3A_521 = tpu.memref_slice %arg2[%dma_start3A_520, %multiple_of3A] : memref<200x4096xi32, #tpu.memory_space<hbm>> -> memref<200x128xi32, #tpu.memory_space<hbm>>
      tpu.enqueue_dma source(%dma_start3A_521 : memref<200x128xi32, #tpu.memory_space<hbm>>) target(%arg6 : memref<200x128xi32, #tpu.memory_space<vmem>>) target_semaphore(%run_scoped3A : memref<!tpu.dma_semaphore, #tpu.memory_space<semaphore_mem>>)
      %dma_wait3A_522 = arith.constant 0 : i32
      %dma_wait3A_523 = tpu.memref_slice %arg2[%dma_wait3A_522, %multiple_of3A] : memref<200x4096xi32, #tpu.memory_space<hbm>> -> memref<200x128xi32, #tpu.memory_space<hbm>>
      %dma_wait3A_524 = arith.constant 0 : i32
      %dma_wait3A_525 = tpu.memref_slice %arg2[%dma_wait3A_524, %multiple_of3A] : memref<200x4096xi32, #tpu.memory_space<hbm>> -> memref<200x128xi32, #tpu.memory_space<hbm>>
      tpu.wait_dma2 semaphore(%run_scoped3A : memref<!tpu.dma_semaphore, #tpu.memory_space<semaphore_mem>>) src(%dma_wait3A_525 : memref<200x128xi32, #tpu.memory_space<hbm>>) dst(%arg6 : memref<200x128xi32, #tpu.memory_space<vmem>>)
      tpu.yield
    }) : () -> ()
    %iota3A = tpu.iota {dimensions = array<i32: 0>} : vector<16xi32>
    %add3A_3 = arith.constant 0 : i32
    %add3A_4 = vector.broadcast %add3A_3 : i32 to vector<16xi32>
    %add3A_5 = arith.addi %iota3A, %add3A_4 : vector<16xi32>
    %iota3A_6 = tpu.iota {dimensions = array<i32: 0>} : vector<16xi32>
    %add3A_7 = arith.constant 16 : i32
    %add3A_8 = vector.broadcast %add3A_7 : i32 to vector<16xi32>
    %add3A_9 = arith.addi %iota3A_6, %add3A_8 : vector<16xi32>
    %iota3A_10 = tpu.iota {dimensions = array<i32: 0>} : vector<16xi32>
    %add3A_11 = arith.constant 32 : i32
    %add3A_12 = vector.broadcast %add3A_11 : i32 to vector<16xi32>
    %add3A_13 = arith.addi %iota3A_10, %add3A_12 : vector<16xi32>
    %iota3A_14 = tpu.iota {dimensions = array<i32: 0>} : vector<16xi32>
    %add3A_15 = arith.constant 48 : i32
    %add3A_16 = vector.broadcast %add3A_15 : i32 to vector<16xi32>
    %add3A_17 = arith.addi %iota3A_14, %add3A_16 : vector<16xi32>
    %jit3A = arith.constant 8 : i32
    %div3A = vector.broadcast %jit3A : i32 to vector<16xi32>
    %div3A_18 = arith.divsi %add3A_5, %div3A : vector<16xi32>
    %sign3A = arith.constant 0 : i32
    %sign3A_19 = vector.broadcast %sign3A : i32 to vector<16xi32>
    %sign3A_20 = arith.cmpi sgt, %add3A_5, %sign3A_19 : vector<16xi32>
    %sign3A_21 = arith.extui %sign3A_20 : vector<16xi1> to vector<16xi32>
    %sign3A_22 = arith.constant 0 : i32
    %sign3A_23 = vector.broadcast %sign3A_22 : i32 to vector<16xi32>
    %sign3A_24 = arith.cmpi slt, %add3A_5, %sign3A_23 : vector<16xi32>
    %sign3A_25 = arith.extui %sign3A_24 : vector<16xi1> to vector<16xi32>
    %sign3A_26 = arith.subi %sign3A_21, %sign3A_25 : vector<16xi32>
    %sign3A_27 = arith.constant 0 : i32
    %sign3A_28 = arith.cmpi sgt, %jit3A, %sign3A_27 : i32
    %sign3A_29 = arith.extui %sign3A_28 : i1 to i32
    %sign3A_30 = arith.constant 0 : i32
    %sign3A_31 = arith.cmpi slt, %jit3A, %sign3A_30 : i32
    %sign3A_32 = arith.extui %sign3A_31 : i1 to i32
    %sign3A_33 = arith.subi %sign3A_29, %sign3A_32 : i32
    %ne3A = vector.broadcast %sign3A_33 : i32 to vector<16xi32>
    %ne3A_34 = arith.cmpi ne, %sign3A_26, %ne3A : vector<16xi32>
    %rem3A = vector.broadcast %jit3A : i32 to vector<16xi32>
    %rem3A_35 = arith.remsi %add3A_5, %rem3A : vector<16xi32>
    %ne3A_36 = arith.constant 0 : i32
    %ne3A_37 = vector.broadcast %ne3A_36 : i32 to vector<16xi32>
    %ne3A_38 = arith.cmpi ne, %rem3A_35, %ne3A_37 : vector<16xi32>
    %and3A = arith.andi %ne3A_34, %ne3A_38 : vector<16xi1>
    %sub3A = arith.constant 1 : i32
    %sub3A_39 = vector.broadcast %sub3A : i32 to vector<16xi32>
    %sub3A_40 = arith.subi %div3A_18, %sub3A_39 : vector<16xi32>
    %select_n3A = arith.select %and3A, %sub3A_40, %div3A_18 : vector<16xi1>, vector<16xi32>
    %jit3A_41 = arith.constant 8 : i32
    %div3A_42 = vector.broadcast %jit3A_41 : i32 to vector<16xi32>
    %div3A_43 = arith.divsi %add3A_9, %div3A_42 : vector<16xi32>
    %sign3A_44 = arith.constant 0 : i32
    %sign3A_45 = vector.broadcast %sign3A_44 : i32 to vector<16xi32>
    %sign3A_46 = arith.cmpi sgt, %add3A_9, %sign3A_45 : vector<16xi32>
    %sign3A_47 = arith.extui %sign3A_46 : vector<16xi1> to vector<16xi32>
    %sign3A_48 = arith.constant 0 : i32
    %sign3A_49 = vector.broadcast %sign3A_48 : i32 to vector<16xi32>
    %sign3A_50 = arith.cmpi slt, %add3A_9, %sign3A_49 : vector<16xi32>
    %sign3A_51 = arith.extui %sign3A_50 : vector<16xi1> to vector<16xi32>
    %sign3A_52 = arith.subi %sign3A_47, %sign3A_51 : vector<16xi32>
    %sign3A_53 = arith.constant 0 : i32
    %sign3A_54 = arith.cmpi sgt, %jit3A_41, %sign3A_53 : i32
    %sign3A_55 = arith.extui %sign3A_54 : i1 to i32
    %sign3A_56 = arith.constant 0 : i32
    %sign3A_57 = arith.cmpi slt, %jit3A_41, %sign3A_56 : i32
    %sign3A_58 = arith.extui %sign3A_57 : i1 to i32
    %sign3A_59 = arith.subi %sign3A_55, %sign3A_58 : i32
    %ne3A_60 = vector.broadcast %sign3A_59 : i32 to vector<16xi32>
    %ne3A_61 = arith.cmpi ne, %sign3A_52, %ne3A_60 : vector<16xi32>
    %rem3A_62 = vector.broadcast %jit3A_41 : i32 to vector<16xi32>
    %rem3A_63 = arith.remsi %add3A_9, %rem3A_62 : vector<16xi32>
    %ne3A_64 = arith.constant 0 : i32
    %ne3A_65 = vector.broadcast %ne3A_64 : i32 to vector<16xi32>
    %ne3A_66 = arith.cmpi ne, %rem3A_63, %ne3A_65 : vector<16xi32>
    %and3A_67 = arith.andi %ne3A_61, %ne3A_66 : vector<16xi1>
    %sub3A_68 = arith.constant 1 : i32
    %sub3A_69 = vector.broadcast %sub3A_68 : i32 to vector<16xi32>
    %sub3A_70 = arith.subi %div3A_43, %sub3A_69 : vector<16xi32>
    %select_n3A_71 = arith.select %and3A_67, %sub3A_70, %div3A_43 : vector<16xi1>, vector<16xi32>
    %jit3A_72 = arith.constant 8 : i32
    %div3A_73 = vector.broadcast %jit3A_72 : i32 to vector<16xi32>
    %div3A_74 = arith.divsi %add3A_13, %div3A_73 : vector<16xi32>
    %sign3A_75 = arith.constant 0 : i32
    %sign3A_76 = vector.broadcast %sign3A_75 : i32 to vector<16xi32>
    %sign3A_77 = arith.cmpi sgt, %add3A_13, %sign3A_76 : vector<16xi32>
    %sign3A_78 = arith.extui %sign3A_77 : vector<16xi1> to vector<16xi32>
    %sign3A_79 = arith.constant 0 : i32
    %sign3A_80 = vector.broadcast %sign3A_79 : i32 to vector<16xi32>
    %sign3A_81 = arith.cmpi slt, %add3A_13, %sign3A_80 : vector<16xi32>
    %sign3A_82 = arith.extui %sign3A_81 : vector<16xi1> to vector<16xi32>
    %sign3A_83 = arith.subi %sign3A_78, %sign3A_82 : vector<16xi32>
    %sign3A_84 = arith.constant 0 : i32
    %sign3A_85 = arith.cmpi sgt, %jit3A_72, %sign3A_84 : i32
    %sign3A_86 = arith.extui %sign3A_85 : i1 to i32
    %sign3A_87 = arith.constant 0 : i32
    %sign3A_88 = arith.cmpi slt, %jit3A_72, %sign3A_87 : i32
    %sign3A_89 = arith.extui %sign3A_88 : i1 to i32
    %sign3A_90 = arith.subi %sign3A_86, %sign3A_89 : i32
    %ne3A_91 = vector.broadcast %sign3A_90 : i32 to vector<16xi32>
    %ne3A_92 = arith.cmpi ne, %sign3A_83, %ne3A_91 : vector<16xi32>
    %rem3A_93 = vector.broadcast %jit3A_72 : i32 to vector<16xi32>
    %rem3A_94 = arith.remsi %add3A_13, %rem3A_93 : vector<16xi32>
    %ne3A_95 = arith.constant 0 : i32
    %ne3A_96 = vector.broadcast %ne3A_95 : i32 to vector<16xi32>
    %ne3A_97 = arith.cmpi ne, %rem3A_94, %ne3A_96 : vector<16xi32>
    %and3A_98 = arith.andi %ne3A_92, %ne3A_97 : vector<16xi1>
    %sub3A_99 = arith.constant 1 : i32
    %sub3A_100 = vector.broadcast %sub3A_99 : i32 to vector<16xi32>
    %sub3A_101 = arith.subi %div3A_74, %sub3A_100 : vector<16xi32>
    %select_n3A_102 = arith.select %and3A_98, %sub3A_101, %div3A_74 : vector<16xi1>, vector<16xi32>
    %jit3A_103 = arith.constant 8 : i32
    %div3A_104 = vector.broadcast %jit3A_103 : i32 to vector<16xi32>
    %div3A_105 = arith.divsi %add3A_17, %div3A_104 : vector<16xi32>
    %sign3A_106 = arith.constant 0 : i32
    %sign3A_107 = vector.broadcast %sign3A_106 : i32 to vector<16xi32>
    %sign3A_108 = arith.cmpi sgt, %add3A_17, %sign3A_107 : vector<16xi32>
    %sign3A_109 = arith.extui %sign3A_108 : vector<16xi1> to vector<16xi32>
    %sign3A_110 = arith.constant 0 : i32
    %sign3A_111 = vector.broadcast %sign3A_110 : i32 to vector<16xi32>
    %sign3A_112 = arith.cmpi slt, %add3A_17, %sign3A_111 : vector<16xi32>
    %sign3A_113 = arith.extui %sign3A_112 : vector<16xi1> to vector<16xi32>
    %sign3A_114 = arith.subi %sign3A_109, %sign3A_113 : vector<16xi32>
    %sign3A_115 = arith.constant 0 : i32
    %sign3A_116 = arith.cmpi sgt, %jit3A_103, %sign3A_115 : i32
    %sign3A_117 = arith.extui %sign3A_116 : i1 to i32
    %sign3A_118 = arith.constant 0 : i32
    %sign3A_119 = arith.cmpi slt, %jit3A_103, %sign3A_118 : i32
    %sign3A_120 = arith.extui %sign3A_119 : i1 to i32
    %sign3A_121 = arith.subi %sign3A_117, %sign3A_120 : i32
    %ne3A_122 = vector.broadcast %sign3A_121 : i32 to vector<16xi32>
    %ne3A_123 = arith.cmpi ne, %sign3A_114, %ne3A_122 : vector<16xi32>
    %rem3A_124 = vector.broadcast %jit3A_103 : i32 to vector<16xi32>
    %rem3A_125 = arith.remsi %add3A_17, %rem3A_124 : vector<16xi32>
    %ne3A_126 = arith.constant 0 : i32
    %ne3A_127 = vector.broadcast %ne3A_126 : i32 to vector<16xi32>
    %ne3A_128 = arith.cmpi ne, %rem3A_125, %ne3A_127 : vector<16xi32>
    %and3A_129 = arith.andi %ne3A_123, %ne3A_128 : vector<16xi1>
    %sub3A_130 = arith.constant 1 : i32
    %sub3A_131 = vector.broadcast %sub3A_130 : i32 to vector<16xi32>
    %sub3A_132 = arith.subi %div3A_105, %sub3A_131 : vector<16xi32>
    %select_n3A_133 = arith.select %and3A_129, %sub3A_132, %div3A_105 : vector<16xi1>, vector<16xi32>
    %jit3A_134 = arith.constant 8 : i32
    %eq3A = arith.constant 0 : i32
    %eq3A_135 = arith.cmpi eq, %jit3A_134, %eq3A : i32
    %jit3A_136 = arith.constant 1 : i32
    %select_n3A_137 = arith.select %eq3A_135, %jit3A_136, %jit3A_134 : i32
    %rem3A_138 = vector.broadcast %select_n3A_137 : i32 to vector<16xi32>
    %rem3A_139 = arith.remsi %add3A_5, %rem3A_138 : vector<16xi32>
    %ne3A_140 = arith.constant 0 : i32
    %ne3A_141 = vector.broadcast %ne3A_140 : i32 to vector<16xi32>
    %ne3A_142 = arith.cmpi ne, %rem3A_139, %ne3A_141 : vector<16xi32>
    %lt3A = arith.constant 0 : i32
    %lt3A_143 = vector.broadcast %lt3A : i32 to vector<16xi32>
    %lt3A_144 = arith.cmpi slt, %rem3A_139, %lt3A_143 : vector<16xi32>
    %lt3A_145 = arith.constant 0 : i32
    %lt3A_146 = arith.cmpi slt, %select_n3A_137, %lt3A_145 : i32
    %ne3A_147 = vector.broadcast %lt3A_146 : i1 to vector<16xi1>
    %ne3A_148 = vector.broadcast %ne3A_147 : vector<16xi1> to vector<16xi1>
    %ne3A_149 = arith.xori %lt3A_144, %ne3A_148 : vector<16xi1>
    %and3A_150 = arith.andi %ne3A_149, %ne3A_142 : vector<16xi1>
    %add3A_151 = vector.broadcast %select_n3A_137 : i32 to vector<16xi32>
    %add3A_152 = arith.addi %rem3A_139, %add3A_151 : vector<16xi32>
    %select_n3A_153 = arith.select %and3A_150, %add3A_152, %rem3A_139 : vector<16xi1>, vector<16xi32>
    %jit3A_154 = arith.constant 8 : i32
    %eq3A_155 = arith.constant 0 : i32
    %eq3A_156 = arith.cmpi eq, %jit3A_154, %eq3A_155 : i32
    %jit3A_157 = arith.constant 1 : i32
    %select_n3A_158 = arith.select %eq3A_156, %jit3A_157, %jit3A_154 : i32
    %rem3A_159 = vector.broadcast %select_n3A_158 : i32 to vector<16xi32>
    %rem3A_160 = arith.remsi %add3A_9, %rem3A_159 : vector<16xi32>
    %ne3A_161 = arith.constant 0 : i32
    %ne3A_162 = vector.broadcast %ne3A_161 : i32 to vector<16xi32>
    %ne3A_163 = arith.cmpi ne, %rem3A_160, %ne3A_162 : vector<16xi32>
    %lt3A_164 = arith.constant 0 : i32
    %lt3A_165 = vector.broadcast %lt3A_164 : i32 to vector<16xi32>
    %lt3A_166 = arith.cmpi slt, %rem3A_160, %lt3A_165 : vector<16xi32>
    %lt3A_167 = arith.constant 0 : i32
    %lt3A_168 = arith.cmpi slt, %select_n3A_158, %lt3A_167 : i32
    %ne3A_169 = vector.broadcast %lt3A_168 : i1 to vector<16xi1>
    %ne3A_170 = vector.broadcast %ne3A_169 : vector<16xi1> to vector<16xi1>
    %ne3A_171 = arith.xori %lt3A_166, %ne3A_170 : vector<16xi1>
    %and3A_172 = arith.andi %ne3A_171, %ne3A_163 : vector<16xi1>
    %add3A_173 = vector.broadcast %select_n3A_158 : i32 to vector<16xi32>
    %add3A_174 = arith.addi %rem3A_160, %add3A_173 : vector<16xi32>
    %select_n3A_175 = arith.select %and3A_172, %add3A_174, %rem3A_160 : vector<16xi1>, vector<16xi32>
    %jit3A_176 = arith.constant 8 : i32
    %eq3A_177 = arith.constant 0 : i32
    %eq3A_178 = arith.cmpi eq, %jit3A_176, %eq3A_177 : i32
    %jit3A_179 = arith.constant 1 : i32
    %select_n3A_180 = arith.select %eq3A_178, %jit3A_179, %jit3A_176 : i32
    %rem3A_181 = vector.broadcast %select_n3A_180 : i32 to vector<16xi32>
    %rem3A_182 = arith.remsi %add3A_13, %rem3A_181 : vector<16xi32>
    %ne3A_183 = arith.constant 0 : i32
    %ne3A_184 = vector.broadcast %ne3A_183 : i32 to vector<16xi32>
    %ne3A_185 = arith.cmpi ne, %rem3A_182, %ne3A_184 : vector<16xi32>
    %lt3A_186 = arith.constant 0 : i32
    %lt3A_187 = vector.broadcast %lt3A_186 : i32 to vector<16xi32>
    %lt3A_188 = arith.cmpi slt, %rem3A_182, %lt3A_187 : vector<16xi32>
    %lt3A_189 = arith.constant 0 : i32
    %lt3A_190 = arith.cmpi slt, %select_n3A_180, %lt3A_189 : i32
    %ne3A_191 = vector.broadcast %lt3A_190 : i1 to vector<16xi1>
    %ne3A_192 = vector.broadcast %ne3A_191 : vector<16xi1> to vector<16xi1>
    %ne3A_193 = arith.xori %lt3A_188, %ne3A_192 : vector<16xi1>
    %and3A_194 = arith.andi %ne3A_193, %ne3A_185 : vector<16xi1>
    %add3A_195 = vector.broadcast %select_n3A_180 : i32 to vector<16xi32>
    %add3A_196 = arith.addi %rem3A_182, %add3A_195 : vector<16xi32>
    %select_n3A_197 = arith.select %and3A_194, %add3A_196, %rem3A_182 : vector<16xi1>, vector<16xi32>
    %jit3A_198 = arith.constant 8 : i32
    %eq3A_199 = arith.constant 0 : i32
    %eq3A_200 = arith.cmpi eq, %jit3A_198, %eq3A_199 : i32
    %jit3A_201 = arith.constant 1 : i32
    %select_n3A_202 = arith.select %eq3A_200, %jit3A_201, %jit3A_198 : i32
    %rem3A_203 = vector.broadcast %select_n3A_202 : i32 to vector<16xi32>
    %rem3A_204 = arith.remsi %add3A_17, %rem3A_203 : vector<16xi32>
    %ne3A_205 = arith.constant 0 : i32
    %ne3A_206 = vector.broadcast %ne3A_205 : i32 to vector<16xi32>
    %ne3A_207 = arith.cmpi ne, %rem3A_204, %ne3A_206 : vector<16xi32>
    %lt3A_208 = arith.constant 0 : i32
    %lt3A_209 = vector.broadcast %lt3A_208 : i32 to vector<16xi32>
    %lt3A_210 = arith.cmpi slt, %rem3A_204, %lt3A_209 : vector<16xi32>
    %lt3A_211 = arith.constant 0 : i32
    %lt3A_212 = arith.cmpi slt, %select_n3A_202, %lt3A_211 : i32
    %ne3A_213 = vector.broadcast %lt3A_212 : i1 to vector<16xi1>
    %ne3A_214 = vector.broadcast %ne3A_213 : vector<16xi1> to vector<16xi1>
    %ne3A_215 = arith.xori %lt3A_210, %ne3A_214 : vector<16xi1>
    %and3A_216 = arith.andi %ne3A_215, %ne3A_207 : vector<16xi1>
    %add3A_217 = vector.broadcast %select_n3A_202 : i32 to vector<16xi32>
    %add3A_218 = arith.addi %rem3A_204, %add3A_217 : vector<16xi32>
    %select_n3A_219 = arith.select %and3A_216, %add3A_218, %rem3A_204 : vector<16xi1>, vector<16xi32>
    %dma_start3A = arith.constant 0 : i32
    %dma_start3A_220 = arith.constant 0 : i32
    %dma_start3A_221 = tpu.memref_slice %arg6[%dma_start3A, %dma_start3A_220] : memref<200x128xi32, #tpu.memory_space<vmem>> -> memref<1x128xi32, #tpu.memory_space<vmem>>
    %dma_start3A_222 = tpu.memref_squeeze %dma_start3A_221 : memref<1x128xi32, #tpu.memory_space<vmem>> -> memref<128xi32, #tpu.memory_space<vmem>>
    %dma_start3A_223 = arith.constant 0 : i32
    %dma_start3A_224 = arith.constant 0 : i32
    %dma_start3A_225 = tpu.memref_slice %arg3[%dma_start3A_223, %dma_start3A_224] : memref<1000000x128xf32, #tpu.memory_space<hbm>> -> memref<1000000x128xf32, #tpu.memory_space<hbm>>
    tpu.enqueue_indirect_dma source(%dma_start3A_225 : memref<1000000x128xf32, #tpu.memory_space<hbm>>) target(%arg8 : memref<128x128xf32, #tpu.memory_space<vmem>>) offsets(%dma_start3A_222 : memref<128xi32, #tpu.memory_space<vmem>>) semaphore(%arg12 : memref<!tpu.dma_semaphore, #tpu.memory_space<semaphore_mem>>)
    %dma_start3A_226 = arith.constant 1 : i32
    %dma_start3A_227 = arith.constant 0 : i32
    %dma_start3A_228 = tpu.memref_slice %arg6[%dma_start3A_226, %dma_start3A_227] : memref<200x128xi32, #tpu.memory_space<vmem>> -> memref<1x128xi32, #tpu.memory_space<vmem>>
    %dma_start3A_229 = tpu.memref_squeeze %dma_start3A_228 : memref<1x128xi32, #tpu.memory_space<vmem>> -> memref<128xi32, #tpu.memory_space<vmem>>
    %dma_start3A_230 = arith.constant 0 : i32
    %dma_start3A_231 = arith.constant 0 : i32
    %dma_start3A_232 = tpu.memref_slice %arg3[%dma_start3A_230, %dma_start3A_231] : memref<1000000x128xf32, #tpu.memory_space<hbm>> -> memref<1000000x128xf32, #tpu.memory_space<hbm>>
    tpu.enqueue_indirect_dma source(%dma_start3A_232 : memref<1000000x128xf32, #tpu.memory_space<hbm>>) target(%arg9 : memref<128x128xf32, #tpu.memory_space<vmem>>) offsets(%dma_start3A_229 : memref<128xi32, #tpu.memory_space<vmem>>) semaphore(%arg13 : memref<!tpu.dma_semaphore, #tpu.memory_space<semaphore_mem>>)
    %dma_wait3A = arith.constant 0 : i32
    %dma_wait3A_233 = arith.constant 0 : i32
    %dma_wait3A_234 = tpu.memref_slice %arg6[%dma_wait3A, %dma_wait3A_233] : memref<200x128xi32, #tpu.memory_space<vmem>> -> memref<1x128xi32, #tpu.memory_space<vmem>>
    %dma_wait3A_235 = tpu.memref_squeeze %dma_wait3A_234 : memref<1x128xi32, #tpu.memory_space<vmem>> -> memref<128xi32, #tpu.memory_space<vmem>>
    %dma_wait3A_236 = arith.constant 0 : i32
    %dma_wait3A_237 = arith.constant 0 : i32
    %dma_wait3A_238 = tpu.memref_slice %arg3[%dma_wait3A_236, %dma_wait3A_237] : memref<1000000x128xf32, #tpu.memory_space<hbm>> -> memref<1000000x128xf32, #tpu.memory_space<hbm>>
    tpu.wait_indirect_dma semaphore(%arg12 : memref<!tpu.dma_semaphore, #tpu.memory_space<semaphore_mem>>) src(%dma_wait3A_238 : memref<1000000x128xf32, #tpu.memory_space<hbm>>) dst(%arg8 : memref<128x128xf32, #tpu.memory_space<vmem>>)
    %get3A = arith.constant 0 : i32
    %get3A_239 = arith.index_cast %get3A : i32 to index
    %get3A_240 = arith.constant 0 : index
    %get3A_241 = tpu.vector_load %arg7[%get3A_239, %get3A_240] {strides = array<i32>} : memref<200x64xf32, #tpu.memory_space<vmem>>, vector<16xf32>,
    %get3A_242 = arith.constant 0 : i32
    %get3A_243 = arith.index_cast %get3A_242 : i32 to index
    %get3A_244 = arith.constant 16 : index
    %get3A_245 = tpu.vector_load %arg7[%get3A_243, %get3A_244] {strides = array<i32>} : memref<200x64xf32, #tpu.memory_space<vmem>>, vector<16xf32>,
    %get3A_246 = arith.constant 0 : i32
    %get3A_247 = arith.index_cast %get3A_246 : i32 to index
    %get3A_248 = arith.constant 32 : index
    %get3A_249 = tpu.vector_load %arg7[%get3A_247, %get3A_248] {strides = array<i32>} : memref<200x64xf32, #tpu.memory_space<vmem>>, vector<16xf32>,
    %get3A_250 = arith.constant 0 : i32
    %get3A_251 = arith.index_cast %get3A_250 : i32 to index
    %get3A_252 = arith.constant 48 : index
    %get3A_253 = tpu.vector_load %arg7[%get3A_251, %get3A_252] {strides = array<i32>} : memref<200x64xf32, #tpu.memory_space<vmem>>, vector<16xf32>,
    %scan3A = arith.constant 0 : i32
    %scan3A_254 = arith.constant 0 : i32
    %scan3A_255 = arith.constant 16 : i32
    %scan3A_256 = arith.addi %scan3A_254, %scan3A_255 : i32
    %scan3A_257 = arith.constant 1 : i32
    scf.for %scan3A_518 = %scan3A_254 to %scan3A_256 step %scan3A_257  : i32 {
      %mul3A_519 = arith.constant 8 : i32
      %mul3A_520 = arith.muli %scan3A_518, %mul3A_519 : i32
      %add3A_521 = arith.constant 0 : i32
      %add3A_522 = arith.addi %mul3A_520, %add3A_521 : i32
      %get3A_523 = arith.index_cast %add3A_522 : i32 to index
      %get3A_524 = arith.constant 0 : index
      %get3A_525 = tpu.vector_load %arg8[%get3A_523, %get3A_524] {strides = array<i32>} : memref<128x128xf32, #tpu.memory_space<vmem>>, vector<16xf32>,
      %mul3A_526 = arith.constant 8.000000e+00 : f32
      %mul3A_527 = vector.broadcast %mul3A_526 : f32 to vector<16xf32>
      %mul3A_528 = arith.mulf %get3A_525, %mul3A_527 : vector<16xf32>
      %add3A_529 = arith.addf %mul3A_528, %get3A_241 : vector<16xf32>
      %add3A_530 = arith.constant 0 : i32
      %add3A_531 = arith.addi %mul3A_520, %add3A_530 : i32
      %get3A_532 = arith.index_cast %add3A_531 : i32 to index
      %get3A_533 = arith.constant 16 : index
      %get3A_534 = tpu.vector_load %arg8[%get3A_532, %get3A_533] {strides = array<i32>} : memref<128x128xf32, #tpu.memory_space<vmem>>, vector<16xf32>,
      %mul3A_535 = arith.constant 8.000000e+00 : f32
      %mul3A_536 = vector.broadcast %mul3A_535 : f32 to vector<16xf32>
      %mul3A_537 = arith.mulf %get3A_534, %mul3A_536 : vector<16xf32>
      %add3A_538 = arith.addf %mul3A_537, %get3A_245 : vector<16xf32>
      %add3A_539 = arith.constant 0 : i32
      %add3A_540 = arith.addi %mul3A_520, %add3A_539 : i32
      %get3A_541 = arith.index_cast %add3A_540 : i32 to index
      %get3A_542 = arith.constant 32 : index
      %get3A_543 = tpu.vector_load %arg8[%get3A_541, %get3A_542] {strides = array<i32>} : memref<128x128xf32, #tpu.memory_space<vmem>>, vector<16xf32>,
      %mul3A_544 = arith.constant 8.000000e+00 : f32
      %mul3A_545 = vector.broadcast %mul3A_544 : f32 to vector<16xf32>
      %mul3A_546 = arith.mulf %get3A_543, %mul3A_545 : vector<16xf32>
      %add3A_547 = arith.addf %mul3A_546, %get3A_249 : vector<16xf32>
      %add3A_548 = arith.constant 0 : i32
      %add3A_549 = arith.addi %mul3A_520, %add3A_548 : i32
      %get3A_550 = arith.index_cast %add3A_549 : i32 to index
      %get3A_551 = arith.constant 48 : index
      %get3A_552 = tpu.vector_load %arg8[%get3A_550, %get3A_551] {strides = array<i32>} : memref<128x128xf32, #tpu.memory_space<vmem>>, vector<16xf32>,
      %mul3A_553 = arith.constant 8.000000e+00 : f32
      %mul3A_554 = vector.broadcast %mul3A_553 : f32 to vector<16xf32>
      %mul3A_555 = arith.mulf %get3A_552, %mul3A_554 : vector<16xf32>
      %add3A_556 = arith.addf %mul3A_555, %get3A_253 : vector<16xf32>
      %add3A_557 = arith.constant 1 : i32
      %add3A_558 = arith.addi %mul3A_520, %add3A_557 : i32
      %get3A_559 = arith.index_cast %add3A_558 : i32 to index
      %get3A_560 = arith.constant 0 : index
      %get3A_561 = tpu.vector_load %arg8[%get3A_559, %get3A_560] {strides = array<i32>} : memref<128x128xf32, #tpu.memory_space<vmem>>, vector<16xf32>,
      %mul3A_562 = arith.constant 8.000000e+00 : f32
      %mul3A_563 = vector.broadcast %mul3A_562 : f32 to vector<16xf32>
      %mul3A_564 = arith.mulf %get3A_561, %mul3A_563 : vector<16xf32>
      %add3A_565 = arith.addf %mul3A_564, %get3A_241 : vector<16xf32>
      %add3A_566 = arith.constant 1 : i32
      %add3A_567 = arith.addi %mul3A_520, %add3A_566 : i32
      %get3A_568 = arith.index_cast %add3A_567 : i32 to index
      %get3A_569 = arith.constant 16 : index
      %get3A_570 = tpu.vector_load %arg8[%get3A_568, %get3A_569] {strides = array<i32>} : memref<128x128xf32, #tpu.memory_space<vmem>>, vector<16xf32>,
      %mul3A_571 = arith.constant 8.000000e+00 : f32
      %mul3A_572 = vector.broadcast %mul3A_571 : f32 to vector<16xf32>
      %mul3A_573 = arith.mulf %get3A_570, %mul3A_572 : vector<16xf32>
      %add3A_574 = arith.addf %mul3A_573, %get3A_245 : vector<16xf32>
      %add3A_575 = arith.constant 1 : i32
      %add3A_576 = arith.addi %mul3A_520, %add3A_575 : i32
      %get3A_577 = arith.index_cast %add3A_576 : i32 to index
      %get3A_578 = arith.constant 32 : index
      %get3A_579 = tpu.vector_load %arg8[%get3A_577, %get3A_578] {strides = array<i32>} : memref<128x128xf32, #tpu.memory_space<vmem>>, vector<16xf32>,
      %mul3A_580 = arith.constant 8.000000e+00 : f32
      %mul3A_581 = vector.broadcast %mul3A_580 : f32 to vector<16xf32>
      %mul3A_582 = arith.mulf %get3A_579, %mul3A_581 : vector<16xf32>
      %add3A_583 = arith.addf %mul3A_582, %get3A_249 : vector<16xf32>
      %add3A_584 = arith.constant 1 : i32
      %add3A_585 = arith.addi %mul3A_520, %add3A_584 : i32
      %get3A_586 = arith.index_cast %add3A_585 : i32 to index
      %get3A_587 = arith.constant 48 : index
      %get3A_588 = tpu.vector_load %arg8[%get3A_586, %get3A_587] {strides = array<i32>} : memref<128x128xf32, #tpu.memory_space<vmem>>, vector<16xf32>,
      %mul3A_589 = arith.constant 8.000000e+00 : f32
      %mul3A_590 = vector.broadcast %mul3A_589 : f32 to vector<16xf32>
      %mul3A_591 = arith.mulf %get3A_588, %mul3A_590 : vector<16xf32>
      %add3A_592 = arith.addf %mul3A_591, %get3A_253 : vector<16xf32>
      %add3A_593 = arith.constant 2 : i32
      %add3A_594 = arith.addi %mul3A_520, %add3A_593 : i32
      %get3A_595 = arith.index_cast %add3A_594 : i32 to index
      %get3A_596 = arith.constant 0 : index
      %get3A_597 = tpu.vector_load %arg8[%get3A_595, %get3A_596] {strides = array<i32>} : memref<128x128xf32, #tpu.memory_space<vmem>>, vector<16xf32>,
      %mul3A_598 = arith.constant 8.000000e+00 : f32
      %mul3A_599 = vector.broadcast %mul3A_598 : f32 to vector<16xf32>
      %mul3A_600 = arith.mulf %get3A_597, %mul3A_599 : vector<16xf32>
      %add3A_601 = arith.addf %mul3A_600, %get3A_241 : vector<16xf32>
      %add3A_602 = arith.constant 2 : i32
      %add3A_603 = arith.addi %mul3A_520, %add3A_602 : i32
      %get3A_604 = arith.index_cast %add3A_603 : i32 to index
      %get3A_605 = arith.constant 16 : index
      %get3A_606 = tpu.vector_load %arg8[%get3A_604, %get3A_605] {strides = array<i32>} : memref<128x128xf32, #tpu.memory_space<vmem>>, vector<16xf32>,
      %mul3A_607 = arith.constant 8.000000e+00 : f32
      %mul3A_608 = vector.broadcast %mul3A_607 : f32 to vector<16xf32>
      %mul3A_609 = arith.mulf %get3A_606, %mul3A_608 : vector<16xf32>
      %add3A_610 = arith.addf %mul3A_609, %get3A_245 : vector<16xf32>
      %add3A_611 = arith.constant 2 : i32
      %add3A_612 = arith.addi %mul3A_520, %add3A_611 : i32
      %get3A_613 = arith.index_cast %add3A_612 : i32 to index
      %get3A_614 = arith.constant 32 : index
      %get3A_615 = tpu.vector_load %arg8[%get3A_613, %get3A_614] {strides = array<i32>} : memref<128x128xf32, #tpu.memory_space<vmem>>, vector<16xf32>,
      %mul3A_616 = arith.constant 8.000000e+00 : f32
      %mul3A_617 = vector.broadcast %mul3A_616 : f32 to vector<16xf32>
      %mul3A_618 = arith.mulf %get3A_615, %mul3A_617 : vector<16xf32>
      %add3A_619 = arith.addf %mul3A_618, %get3A_249 : vector<16xf32>
      %add3A_620 = arith.constant 2 : i32
      %add3A_621 = arith.addi %mul3A_520, %add3A_620 : i32
      %get3A_622 = arith.index_cast %add3A_621 : i32 to index
      %get3A_623 = arith.constant 48 : index
      %get3A_624 = tpu.vector_load %arg8[%get3A_622, %get3A_623] {strides = array<i32>} : memref<128x128xf32, #tpu.memory_space<vmem>>, vector<16xf32>,
      %mul3A_625 = arith.constant 8.000000e+00 : f32
      %mul3A_626 = vector.broadcast %mul3A_625 : f32 to vector<16xf32>
      %mul3A_627 = arith.mulf %get3A_624, %mul3A_626 : vector<16xf32>
      %add3A_628 = arith.addf %mul3A_627, %get3A_253 : vector<16xf32>
      %add3A_629 = arith.constant 3 : i32
      %add3A_630 = arith.addi %mul3A_520, %add3A_629 : i32
      %get3A_631 = arith.index_cast %add3A_630 : i32 to index
      %get3A_632 = arith.constant 0 : index
      %get3A_633 = tpu.vector_load %arg8[%get3A_631, %get3A_632] {strides = array<i32>} : memref<128x128xf32, #tpu.memory_space<vmem>>, vector<16xf32>,
      %mul3A_634 = arith.constant 8.000000e+00 : f32
      %mul3A_635 = vector.broadcast %mul3A_634 : f32 to vector<16xf32>
      %mul3A_636 = arith.mulf %get3A_633, %mul3A_635 : vector<16xf32>
      %add3A_637 = arith.addf %mul3A_636, %get3A_241 : vector<16xf32>
      %add3A_638 = arith.constant 3 : i32
      %add3A_639 = arith.addi %mul3A_520, %add3A_638 : i32
      %get3A_640 = arith.index_cast %add3A_639 : i32 to index
      %get3A_641 = arith.constant 16 : index
      %get3A_642 = tpu.vector_load %arg8[%get3A_640, %get3A_641] {strides = array<i32>} : memref<128x128xf32, #tpu.memory_space<vmem>>, vector<16xf32>,
      %mul3A_643 = arith.constant 8.000000e+00 : f32
      %mul3A_644 = vector.broadcast %mul3A_643 : f32 to vector<16xf32>
      %mul3A_645 = arith.mulf %get3A_642, %mul3A_644 : vector<16xf32>
      %add3A_646 = arith.addf %mul3A_645, %get3A_245 : vector<16xf32>
      %add3A_647 = arith.constant 3 : i32
      %add3A_648 = arith.addi %mul3A_520, %add3A_647 : i32
      %get3A_649 = arith.index_cast %add3A_648 : i32 to index
      %get3A_650 = arith.constant 32 : index
      %get3A_651 = tpu.vector_load %arg8[%get3A_649, %get3A_650] {strides = array<i32>} : memref<128x128xf32, #tpu.memory_space<vmem>>, vector<16xf32>,
      %mul3A_652 = arith.constant 8.000000e+00 : f32
      %mul3A_653 = vector.broadcast %mul3A_652 : f32 to vector<16xf32>
      %mul3A_654 = arith.mulf %get3A_651, %mul3A_653 : vector<16xf32>
      %add3A_655 = arith.addf %mul3A_654, %get3A_249 : vector<16xf32>
      %add3A_656 = arith.constant 3 : i32
      %add3A_657 = arith.addi %mul3A_520, %add3A_656 : i32
      %get3A_658 = arith.index_cast %add3A_657 : i32 to index
      %get3A_659 = arith.constant 48 : index
      %get3A_660 = tpu.vector_load %arg8[%get3A_658, %get3A_659] {strides = array<i32>} : memref<128x128xf32, #tpu.memory_space<vmem>>, vector<16xf32>,
      %mul3A_661 = arith.constant 8.000000e+00 : f32
      %mul3A_662 = vector.broadcast %mul3A_661 : f32 to vector<16xf32>
      %mul3A_663 = arith.mulf %get3A_660, %mul3A_662 : vector<16xf32>
      %add3A_664 = arith.addf %mul3A_663, %get3A_253 : vector<16xf32>
      %add3A_665 = arith.constant 4 : i32
      %add3A_666 = arith.addi %mul3A_520, %add3A_665 : i32
      %get3A_667 = arith.index_cast %add3A_666 : i32 to index
      %get3A_668 = arith.constant 0 : index
      %get3A_669 = tpu.vector_load %arg8[%get3A_667, %get3A_668] {strides = array<i32>} : memref<128x128xf32, #tpu.memory_space<vmem>>, vector<16xf32>,
      %mul3A_670 = arith.constant 8.000000e+00 : f32
      %mul3A_671 = vector.broadcast %mul3A_670 : f32 to vector<16xf32>
      %mul3A_672 = arith.mulf %get3A_669, %mul3A_671 : vector<16xf32>
      %add3A_673 = arith.addf %mul3A_672, %get3A_241 : vector<16xf32>
      %add3A_674 = arith.constant 4 : i32
      %add3A_675 = arith.addi %mul3A_520, %add3A_674 : i32
      %get3A_676 = arith.index_cast %add3A_675 : i32 to index
      %get3A_677 = arith.constant 16 : index
      %get3A_678 = tpu.vector_load %arg8[%get3A_676, %get3A_677] {strides = array<i32>} : memref<128x128xf32, #tpu.memory_space<vmem>>, vector<16xf32>,
      %mul3A_679 = arith.constant 8.000000e+00 : f32
      %mul3A_680 = vector.broadcast %mul3A_679 : f32 to vector<16xf32>
      %mul3A_681 = arith.mulf %get3A_678, %mul3A_680 : vector<16xf32>
      %add3A_682 = arith.addf %mul3A_681, %get3A_245 : vector<16xf32>
      %add3A_683 = arith.constant 4 : i32
      %add3A_684 = arith.addi %mul3A_520, %add3A_683 : i32
      %get3A_685 = arith.index_cast %add3A_684 : i32 to index
      %get3A_686 = arith.constant 32 : index
      %get3A_687 = tpu.vector_load %arg8[%get3A_685, %get3A_686] {strides = array<i32>} : memref<128x128xf32, #tpu.memory_space<vmem>>, vector<16xf32>,
      %mul3A_688 = arith.constant 8.000000e+00 : f32
      %mul3A_689 = vector.broadcast %mul3A_688 : f32 to vector<16xf32>
      %mul3A_690 = arith.mulf %get3A_687, %mul3A_689 : vector<16xf32>
      %add3A_691 = arith.addf %mul3A_690, %get3A_249 : vector<16xf32>
      %add3A_692 = arith.constant 4 : i32
      %add3A_693 = arith.addi %mul3A_520, %add3A_692 : i32
      %get3A_694 = arith.index_cast %add3A_693 : i32 to index
      %get3A_695 = arith.constant 48 : index
      %get3A_696 = tpu.vector_load %arg8[%get3A_694, %get3A_695] {strides = array<i32>} : memref<128x128xf32, #tpu.memory_space<vmem>>, vector<16xf32>,
      %mul3A_697 = arith.constant 8.000000e+00 : f32
      %mul3A_698 = vector.broadcast %mul3A_697 : f32 to vector<16xf32>
      %mul3A_699 = arith.mulf %get3A_696, %mul3A_698 : vector<16xf32>
      %add3A_700 = arith.addf %mul3A_699, %get3A_253 : vector<16xf32>
      %add3A_701 = arith.constant 5 : i32
      %add3A_702 = arith.addi %mul3A_520, %add3A_701 : i32
      %get3A_703 = arith.index_cast %add3A_702 : i32 to index
      %get3A_704 = arith.constant 0 : index
      %get3A_705 = tpu.vector_load %arg8[%get3A_703, %get3A_704] {strides = array<i32>} : memref<128x128xf32, #tpu.memory_space<vmem>>, vector<16xf32>,
      %mul3A_706 = arith.constant 8.000000e+00 : f32
      %mul3A_707 = vector.broadcast %mul3A_706 : f32 to vector<16xf32>
      %mul3A_708 = arith.mulf %get3A_705, %mul3A_707 : vector<16xf32>
      %add3A_709 = arith.addf %mul3A_708, %get3A_241 : vector<16xf32>
      %add3A_710 = arith.constant 5 : i32
      %add3A_711 = arith.addi %mul3A_520, %add3A_710 : i32
      %get3A_712 = arith.index_cast %add3A_711 : i32 to index
      %get3A_713 = arith.constant 16 : index
      %get3A_714 = tpu.vector_load %arg8[%get3A_712, %get3A_713] {strides = array<i32>} : memref<128x128xf32, #tpu.memory_space<vmem>>, vector<16xf32>,
      %mul3A_715 = arith.constant 8.000000e+00 : f32
      %mul3A_716 = vector.broadcast %mul3A_715 : f32 to vector<16xf32>
      %mul3A_717 = arith.mulf %get3A_714, %mul3A_716 : vector<16xf32>
      %add3A_718 = arith.addf %mul3A_717, %get3A_245 : vector<16xf32>
      %add3A_719 = arith.constant 5 : i32
      %add3A_720 = arith.addi %mul3A_520, %add3A_719 : i32
      %get3A_721 = arith.index_cast %add3A_720 : i32 to index
      %get3A_722 = arith.constant 32 : index
      %get3A_723 = tpu.vector_load %arg8[%get3A_721, %get3A_722] {strides = array<i32>} : memref<128x128xf32, #tpu.memory_space<vmem>>, vector<16xf32>,
      %mul3A_724 = arith.constant 8.000000e+00 : f32
      %mul3A_725 = vector.broadcast %mul3A_724 : f32 to vector<16xf32>
      %mul3A_726 = arith.mulf %get3A_723, %mul3A_725 : vector<16xf32>
      %add3A_727 = arith.addf %mul3A_726, %get3A_249 : vector<16xf32>
      %add3A_728 = arith.constant 5 : i32
      %add3A_729 = arith.addi %mul3A_520, %add3A_728 : i32
      %get3A_730 = arith.index_cast %add3A_729 : i32 to index
      %get3A_731 = arith.constant 48 : index
      %get3A_732 = tpu.vector_load %arg8[%get3A_730, %get3A_731] {strides = array<i32>} : memref<128x128xf32, #tpu.memory_space<vmem>>, vector<16xf32>,
      %mul3A_733 = arith.constant 8.000000e+00 : f32
      %mul3A_734 = vector.broadcast %mul3A_733 : f32 to vector<16xf32>
      %mul3A_735 = arith.mulf %get3A_732, %mul3A_734 : vector<16xf32>
      %add3A_736 = arith.addf %mul3A_735, %get3A_253 : vector<16xf32>
      %add3A_737 = arith.constant 6 : i32
      %add3A_738 = arith.addi %mul3A_520, %add3A_737 : i32
      %get3A_739 = arith.index_cast %add3A_738 : i32 to index
      %get3A_740 = arith.constant 0 : index
      %get3A_741 = tpu.vector_load %arg8[%get3A_739, %get3A_740] {strides = array<i32>} : memref<128x128xf32, #tpu.memory_space<vmem>>, vector<16xf32>,
      %mul3A_742 = arith.constant 8.000000e+00 : f32
      %mul3A_743 = vector.broadcast %mul3A_742 : f32 to vector<16xf32>
      %mul3A_744 = arith.mulf %get3A_741, %mul3A_743 : vector<16xf32>
      %add3A_745 = arith.addf %mul3A_744, %get3A_241 : vector<16xf32>
      %add3A_746 = arith.constant 6 : i32
      %add3A_747 = arith.addi %mul3A_520, %add3A_746 : i32
      %get3A_748 = arith.index_cast %add3A_747 : i32 to index
      %get3A_749 = arith.constant 16 : index
      %get3A_750 = tpu.vector_load %arg8[%get3A_748, %get3A_749] {strides = array<i32>} : memref<128x128xf32, #tpu.memory_space<vmem>>, vector<16xf32>,
      %mul3A_751 = arith.constant 8.000000e+00 : f32
      %mul3A_752 = vector.broadcast %mul3A_751 : f32 to vector<16xf32>
      %mul3A_753 = arith.mulf %get3A_750, %mul3A_752 : vector<16xf32>
      %add3A_754 = arith.addf %mul3A_753, %get3A_245 : vector<16xf32>
      %add3A_755 = arith.constant 6 : i32
      %add3A_756 = arith.addi %mul3A_520, %add3A_755 : i32
      %get3A_757 = arith.index_cast %add3A_756 : i32 to index
      %get3A_758 = arith.constant 32 : index
      %get3A_759 = tpu.vector_load %arg8[%get3A_757, %get3A_758] {strides = array<i32>} : memref<128x128xf32, #tpu.memory_space<vmem>>, vector<16xf32>,
      %mul3A_760 = arith.constant 8.000000e+00 : f32
      %mul3A_761 = vector.broadcast %mul3A_760 : f32 to vector<16xf32>
      %mul3A_762 = arith.mulf %get3A_759, %mul3A_761 : vector<16xf32>
      %add3A_763 = arith.addf %mul3A_762, %get3A_249 : vector<16xf32>
      %add3A_764 = arith.constant 6 : i32
      %add3A_765 = arith.addi %mul3A_520, %add3A_764 : i32
      %get3A_766 = arith.index_cast %add3A_765 : i32 to index
      %get3A_767 = arith.constant 48 : index
      %get3A_768 = tpu.vector_load %arg8[%get3A_766, %get3A_767] {strides = array<i32>} : memref<128x128xf32, #tpu.memory_space<vmem>>, vector<16xf32>,
      %mul3A_769 = arith.constant 8.000000e+00 : f32
      %mul3A_770 = vector.broadcast %mul3A_769 : f32 to vector<16xf32>
      %mul3A_771 = arith.mulf %get3A_768, %mul3A_770 : vector<16xf32>
      %add3A_772 = arith.addf %mul3A_771, %get3A_253 : vector<16xf32>
      %add3A_773 = arith.constant 7 : i32
      %add3A_774 = arith.addi %mul3A_520, %add3A_773 : i32
      %get3A_775 = arith.index_cast %add3A_774 : i32 to index
      %get3A_776 = arith.constant 0 : index
      %get3A_777 = tpu.vector_load %arg8[%get3A_775, %get3A_776] {strides = array<i32>} : memref<128x128xf32, #tpu.memory_space<vmem>>, vector<16xf32>,
      %mul3A_778 = arith.constant 8.000000e+00 : f32
      %mul3A_779 = vector.broadcast %mul3A_778 : f32 to vector<16xf32>
      %mul3A_780 = arith.mulf %get3A_777, %mul3A_779 : vector<16xf32>
      %add3A_781 = arith.addf %mul3A_780, %get3A_241 : vector<16xf32>
      %add3A_782 = arith.constant 7 : i32
      %add3A_783 = arith.addi %mul3A_520, %add3A_782 : i32
      %get3A_784 = arith.index_cast %add3A_783 : i32 to index
      %get3A_785 = arith.constant 16 : index
      %get3A_786 = tpu.vector_load %arg8[%get3A_784, %get3A_785] {strides = array<i32>} : memref<128x128xf32, #tpu.memory_space<vmem>>, vector<16xf32>,
      %mul3A_787 = arith.constant 8.000000e+00 : f32
      %mul3A_788 = vector.broadcast %mul3A_787 : f32 to vector<16xf32>
      %mul3A_789 = arith.mulf %get3A_786, %mul3A_788 : vector<16xf32>
      %add3A_790 = arith.addf %mul3A_789, %get3A_245 : vector<16xf32>
      %add3A_791 = arith.constant 7 : i32
      %add3A_792 = arith.addi %mul3A_520, %add3A_791 : i32
      %get3A_793 = arith.index_cast %add3A_792 : i32 to index
      %get3A_794 = arith.constant 32 : index
      %get3A_795 = tpu.vector_load %arg8[%get3A_793, %get3A_794] {strides = array<i32>} : memref<128x128xf32, #tpu.memory_space<vmem>>, vector<16xf32>,
      %mul3A_796 = arith.constant 8.000000e+00 : f32
      %mul3A_797 = vector.broadcast %mul3A_796 : f32 to vector<16xf32>
      %mul3A_798 = arith.mulf %get3A_795, %mul3A_797 : vector<16xf32>
      %add3A_799 = arith.addf %mul3A_798, %get3A_249 : vector<16xf32>
      %add3A_800 = arith.constant 7 : i32
      %add3A_801 = arith.addi %mul3A_520, %add3A_800 : i32
      %get3A_802 = arith.index_cast %add3A_801 : i32 to index
      %get3A_803 = arith.constant 48 : index
      %get3A_804 = tpu.vector_load %arg8[%get3A_802, %get3A_803] {strides = array<i32>} : memref<128x128xf32, #tpu.memory_space<vmem>>, vector<16xf32>,
      %mul3A_805 = arith.constant 8.000000e+00 : f32
      %mul3A_806 = vector.broadcast %mul3A_805 : f32 to vector<16xf32>
      %mul3A_807 = arith.mulf %get3A_804, %mul3A_806 : vector<16xf32>
      %add3A_808 = arith.addf %mul3A_807, %get3A_253 : vector<16xf32>
      %add3A_809 = arith.constant 0 : i32
      %add3A_810 = arith.addi %mul3A_520, %add3A_809 : i32
      %broadcast_in_dim3A = vector.broadcast %add3A_810 : i32 to vector<16xi32>
      tpu.vector_store_idx %arg10[%select_n3A, %select_n3A_153, %broadcast_in_dim3A], %add3A_529 : memref<8x8x129xf32, #tpu.memory_space<vmem>>[vector<16xi32>, vector<16xi32>, vector<16xi32>], vector<16xf32>,
      tpu.vector_store_idx %arg10[%select_n3A_71, %select_n3A_175, %broadcast_in_dim3A], %add3A_538 : memref<8x8x129xf32, #tpu.memory_space<vmem>>[vector<16xi32>, vector<16xi32>, vector<16xi32>], vector<16xf32>,
      tpu.vector_store_idx %arg10[%select_n3A_102, %select_n3A_197, %broadcast_in_dim3A], %add3A_547 : memref<8x8x129xf32, #tpu.memory_space<vmem>>[vector<16xi32>, vector<16xi32>, vector<16xi32>], vector<16xf32>,
      tpu.vector_store_idx %arg10[%select_n3A_133, %select_n3A_219, %broadcast_in_dim3A], %add3A_556 : memref<8x8x129xf32, #tpu.memory_space<vmem>>[vector<16xi32>, vector<16xi32>, vector<16xi32>], vector<16xf32>,
      %add3A_811 = arith.constant 1 : i32
      %add3A_812 = arith.addi %mul3A_520, %add3A_811 : i32
      %broadcast_in_dim3A_813 = vector.broadcast %add3A_812 : i32 to vector<16xi32>
      tpu.vector_store_idx %arg10[%select_n3A, %select_n3A_153, %broadcast_in_dim3A_813], %add3A_565 : memref<8x8x129xf32, #tpu.memory_space<vmem>>[vector<16xi32>, vector<16xi32>, vector<16xi32>], vector<16xf32>,
      tpu.vector_store_idx %arg10[%select_n3A_71, %select_n3A_175, %broadcast_in_dim3A_813], %add3A_574 : memref<8x8x129xf32, #tpu.memory_space<vmem>>[vector<16xi32>, vector<16xi32>, vector<16xi32>], vector<16xf32>,
      tpu.vector_store_idx %arg10[%select_n3A_102, %select_n3A_197, %broadcast_in_dim3A_813], %add3A_583 : memref<8x8x129xf32, #tpu.memory_space<vmem>>[vector<16xi32>, vector<16xi32>, vector<16xi32>], vector<16xf32>,
      tpu.vector_store_idx %arg10[%select_n3A_133, %select_n3A_219, %broadcast_in_dim3A_813], %add3A_592 : memref<8x8x129xf32, #tpu.memory_space<vmem>>[vector<16xi32>, vector<16xi32>, vector<16xi32>], vector<16xf32>,
      %add3A_814 = arith.constant 2 : i32
      %add3A_815 = arith.addi %mul3A_520, %add3A_814 : i32
      %broadcast_in_dim3A_816 = vector.broadcast %add3A_815 : i32 to vector<16xi32>
      tpu.vector_store_idx %arg10[%select_n3A, %select_n3A_153, %broadcast_in_dim3A_816], %add3A_601 : memref<8x8x129xf32, #tpu.memory_space<vmem>>[vector<16xi32>, vector<16xi32>, vector<16xi32>], vector<16xf32>,
      tpu.vector_store_idx %arg10[%select_n3A_71, %select_n3A_175, %broadcast_in_dim3A_816], %add3A_610 : memref<8x8x129xf32, #tpu.memory_space<vmem>>[vector<16xi32>, vector<16xi32>, vector<16xi32>], vector<16xf32>,
      tpu.vector_store_idx %arg10[%select_n3A_102, %select_n3A_197, %broadcast_in_dim3A_816], %add3A_619 : memref<8x8x129xf32, #tpu.memory_space<vmem>>[vector<16xi32>, vector<16xi32>, vector<16xi32>], vector<16xf32>,
      tpu.vector_store_idx %arg10[%select_n3A_133, %select_n3A_219, %broadcast_in_dim3A_816], %add3A_628 : memref<8x8x129xf32, #tpu.memory_space<vmem>>[vector<16xi32>, vector<16xi32>, vector<16xi32>], vector<16xf32>,
      %add3A_817 = arith.constant 3 : i32
      %add3A_818 = arith.addi %mul3A_520, %add3A_817 : i32
      %broadcast_in_dim3A_819 = vector.broadcast %add3A_818 : i32 to vector<16xi32>
      tpu.vector_store_idx %arg10[%select_n3A, %select_n3A_153, %broadcast_in_dim3A_819], %add3A_637 : memref<8x8x129xf32, #tpu.memory_space<vmem>>[vector<16xi32>, vector<16xi32>, vector<16xi32>], vector<16xf32>,
      tpu.vector_store_idx %arg10[%select_n3A_71, %select_n3A_175, %broadcast_in_dim3A_819], %add3A_646 : memref<8x8x129xf32, #tpu.memory_space<vmem>>[vector<16xi32>, vector<16xi32>, vector<16xi32>], vector<16xf32>,
      tpu.vector_store_idx %arg10[%select_n3A_102, %select_n3A_197, %broadcast_in_dim3A_819], %add3A_655 : memref<8x8x129xf32, #tpu.memory_space<vmem>>[vector<16xi32>, vector<16xi32>, vector<16xi32>], vector<16xf32>,
      tpu.vector_store_idx %arg10[%select_n3A_133, %select_n3A_219, %broadcast_in_dim3A_819], %add3A_664 : memref<8x8x129xf32, #tpu.memory_space<vmem>>[vector<16xi32>, vector<16xi32>, vector<16xi32>], vector<16xf32>,
      %add3A_820 = arith.constant 4 : i32
      %add3A_821 = arith.addi %mul3A_520, %add3A_820 : i32
      %broadcast_in_dim3A_822 = vector.broadcast %add3A_821 : i32 to vector<16xi32>
      tpu.vector_store_idx %arg10[%select_n3A, %select_n3A_153, %broadcast_in_dim3A_822], %add3A_673 : memref<8x8x129xf32, #tpu.memory_space<vmem>>[vector<16xi32>, vector<16xi32>, vector<16xi32>], vector<16xf32>,
      tpu.vector_store_idx %arg10[%select_n3A_71, %select_n3A_175, %broadcast_in_dim3A_822], %add3A_682 : memref<8x8x129xf32, #tpu.memory_space<vmem>>[vector<16xi32>, vector<16xi32>, vector<16xi32>], vector<16xf32>,
      tpu.vector_store_idx %arg10[%select_n3A_102, %select_n3A_197, %broadcast_in_dim3A_822], %add3A_691 : memref<8x8x129xf32, #tpu.memory_space<vmem>>[vector<16xi32>, vector<16xi32>, vector<16xi32>], vector<16xf32>,
      tpu.vector_store_idx %arg10[%select_n3A_133, %select_n3A_219, %broadcast_in_dim3A_822], %add3A_700 : memref<8x8x129xf32, #tpu.memory_space<vmem>>[vector<16xi32>, vector<16xi32>, vector<16xi32>], vector<16xf32>,
      %add3A_823 = arith.constant 5 : i32
      %add3A_824 = arith.addi %mul3A_520, %add3A_823 : i32
      %broadcast_in_dim3A_825 = vector.broadcast %add3A_824 : i32 to vector<16xi32>
      tpu.vector_store_idx %arg10[%select_n3A, %select_n3A_153, %broadcast_in_dim3A_825], %add3A_709 : memref<8x8x129xf32, #tpu.memory_space<vmem>>[vector<16xi32>, vector<16xi32>, vector<16xi32>], vector<16xf32>,
      tpu.vector_store_idx %arg10[%select_n3A_71, %select_n3A_175, %broadcast_in_dim3A_825], %add3A_718 : memref<8x8x129xf32, #tpu.memory_space<vmem>>[vector<16xi32>, vector<16xi32>, vector<16xi32>], vector<16xf32>,
      tpu.vector_store_idx %arg10[%select_n3A_102, %select_n3A_197, %broadcast_in_dim3A_825], %add3A_727 : memref<8x8x129xf32, #tpu.memory_space<vmem>>[vector<16xi32>, vector<16xi32>, vector<16xi32>], vector<16xf32>,
      tpu.vector_store_idx %arg10[%select_n3A_133, %select_n3A_219, %broadcast_in_dim3A_825], %add3A_736 : memref<8x8x129xf32, #tpu.memory_space<vmem>>[vector<16xi32>, vector<16xi32>, vector<16xi32>], vector<16xf32>,
      %add3A_826 = arith.constant 6 : i32
      %add3A_827 = arith.addi %mul3A_520, %add3A_826 : i32
      %broadcast_in_dim3A_828 = vector.broadcast %add3A_827 : i32 to vector<16xi32>
      tpu.vector_store_idx %arg10[%select_n3A, %select_n3A_153, %broadcast_in_dim3A_828], %add3A_745 : memref<8x8x129xf32, #tpu.memory_space<vmem>>[vector<16xi32>, vector<16xi32>, vector<16xi32>], vector<16xf32>,
      tpu.vector_store_idx %arg10[%select_n3A_71, %select_n3A_175, %broadcast_in_dim3A_828], %add3A_754 : memref<8x8x129xf32, #tpu.memory_space<vmem>>[vector<16xi32>, vector<16xi32>, vector<16xi32>], vector<16xf32>,
      tpu.vector_store_idx %arg10[%select_n3A_102, %select_n3A_197, %broadcast_in_dim3A_828], %add3A_763 : memref<8x8x129xf32, #tpu.memory_space<vmem>>[vector<16xi32>, vector<16xi32>, vector<16xi32>], vector<16xf32>,
      tpu.vector_store_idx %arg10[%select_n3A_133, %select_n3A_219, %broadcast_in_dim3A_828], %add3A_772 : memref<8x8x129xf32, #tpu.memory_space<vmem>>[vector<16xi32>, vector<16xi32>, vector<16xi32>], vector<16xf32>,
      %add3A_829 = arith.constant 7 : i32
      %add3A_830 = arith.addi %mul3A_520, %add3A_829 : i32
      %broadcast_in_dim3A_831 = vector.broadcast %add3A_830 : i32 to vector<16xi32>
      tpu.vector_store_idx %arg10[%select_n3A, %select_n3A_153, %broadcast_in_dim3A_831], %add3A_781 : memref<8x8x129xf32, #tpu.memory_space<vmem>>[vector<16xi32>, vector<16xi32>, vector<16xi32>], vector<16xf32>,
      tpu.vector_store_idx %arg10[%select_n3A_71, %select_n3A_175, %broadcast_in_dim3A_831], %add3A_790 : memref<8x8x129xf32, #tpu.memory_space<vmem>>[vector<16xi32>, vector<16xi32>, vector<16xi32>], vector<16xf32>,
      tpu.vector_store_idx %arg10[%select_n3A_102, %select_n3A_197, %broadcast_in_dim3A_831], %add3A_799 : memref<8x8x129xf32, #tpu.memory_space<vmem>>[vector<16xi32>, vector<16xi32>, vector<16xi32>], vector<16xf32>,
      tpu.vector_store_idx %arg10[%select_n3A_133, %select_n3A_219, %broadcast_in_dim3A_831], %add3A_808 : memref<8x8x129xf32, #tpu.memory_space<vmem>>[vector<16xi32>, vector<16xi32>, vector<16xi32>], vector<16xf32>,
    }
    %scan3A_258 = arith.constant 16 : i32
    %dma_start3A_259 = arith.constant 2 : i32
    %dma_start3A_260 = arith.constant 0 : i32
    %dma_start3A_261 = tpu.memref_slice %arg6[%dma_start3A_259, %dma_start3A_260] : memref<200x128xi32, #tpu.memory_space<vmem>> -> memref<1x128xi32, #tpu.memory_space<vmem>>
    %dma_start3A_262 = tpu.memref_squeeze %dma_start3A_261 : memref<1x128xi32, #tpu.memory_space<vmem>> -> memref<128xi32, #tpu.memory_space<vmem>>
    %dma_start3A_263 = arith.constant 0 : i32
    %dma_start3A_264 = arith.constant 0 : i32
    %dma_start3A_265 = tpu.memref_slice %arg3[%dma_start3A_263, %dma_start3A_264] : memref<1000000x128xf32, #tpu.memory_space<hbm>> -> memref<1000000x128xf32, #tpu.memory_space<hbm>>
    tpu.enqueue_indirect_dma source(%dma_start3A_265 : memref<1000000x128xf32, #tpu.memory_space<hbm>>) target(%arg8 : memref<128x128xf32, #tpu.memory_space<vmem>>) offsets(%dma_start3A_262 : memref<128xi32, #tpu.memory_space<vmem>>) semaphore(%arg12 : memref<!tpu.dma_semaphore, #tpu.memory_space<semaphore_mem>>)
    %dma_start3A_266 = arith.constant 0 : i32
    %dma_start3A_267 = arith.constant 0 : i32
    %dma_start3A_268 = arith.constant 0 : i32
    %dma_start3A_269 = arith.constant 0 : i32
    %dma_start3A_270 = tpu.memref_slice %arg10[%dma_start3A_267, %dma_start3A_268, %dma_start3A_269] : memref<8x8x129xf32, #tpu.memory_space<vmem>> -> memref<8x8x128xf32, #tpu.memory_space<vmem>>
    %dma_start3A_271 = arith.constant 0 : i32
    %dma_start3A_272 = arith.constant 0 : i32
    %dma_start3A_273 = arith.constant 0 : i32
    %dma_start3A_274 = tpu.memref_slice %arg5[%dma_start3A_266, %dma_start3A_271, %add3A, %dma_start3A_272, %dma_start3A_273] : memref<200x8x32x8x128xf32, #tpu.memory_space<hbm>> -> memref<1x8x1x8x128xf32, #tpu.memory_space<hbm>>
    %dma_start3A_275 = tpu.memref_squeeze %dma_start3A_274 : memref<1x8x1x8x128xf32, #tpu.memory_space<hbm>> -> memref<8x8x128xf32, #tpu.memory_space<hbm>>
    %dma_start3A_276 = arith.constant 0 : i32
    %dma_start3A_277 = arith.constant 0 : i32
    %dma_start3A_278 = arith.constant 0 : i32
    %dma_start3A_279 = tpu.memref_slice %arg5[%dma_start3A_266, %dma_start3A_276, %add3A, %dma_start3A_277, %dma_start3A_278] : memref<200x8x32x8x128xf32, #tpu.memory_space<hbm>> -> memref<1x8x1x8x128xf32, #tpu.memory_space<hbm>>
    %dma_start3A_280 = tpu.memref_squeeze %dma_start3A_279 : memref<1x8x1x8x128xf32, #tpu.memory_space<hbm>> -> memref<8x8x128xf32, #tpu.memory_space<hbm>>
    %dma_start3A_281 = arith.constant 0 : i32
    %dma_start3A_282 = arith.constant 0 : i32
    %dma_start3A_283 = arith.constant 0 : i32
    %dma_start3A_284 = tpu.memref_slice %arg10[%dma_start3A_281, %dma_start3A_282, %dma_start3A_283] : memref<8x8x129xf32, #tpu.memory_space<vmem>> -> memref<8x8x128xf32, #tpu.memory_space<vmem>>
    tpu.enqueue_dma source(%dma_start3A_284 : memref<8x8x128xf32, #tpu.memory_space<vmem>>) target(%dma_start3A_280 : memref<8x8x128xf32, #tpu.memory_space<hbm>>) target_semaphore(%arg14 : memref<!tpu.dma_semaphore, #tpu.memory_space<semaphore_mem>>)
    %dma_wait3A_285 = arith.constant 1 : i32
    %dma_wait3A_286 = arith.constant 0 : i32
    %dma_wait3A_287 = tpu.memref_slice %arg6[%dma_wait3A_285, %dma_wait3A_286] : memref<200x128xi32, #tpu.memory_space<vmem>> -> memref<1x128xi32, #tpu.memory_space<vmem>>
    %dma_wait3A_288 = tpu.memref_squeeze %dma_wait3A_287 : memref<1x128xi32, #tpu.memory_space<vmem>> -> memref<128xi32, #tpu.memory_space<vmem>>
    %dma_wait3A_289 = arith.constant 0 : i32
    %dma_wait3A_290 = arith.constant 0 : i32
    %dma_wait3A_291 = tpu.memref_slice %arg3[%dma_wait3A_289, %dma_wait3A_290] : memref<1000000x128xf32, #tpu.memory_space<hbm>> -> memref<1000000x128xf32, #tpu.memory_space<hbm>>
    tpu.wait_indirect_dma semaphore(%arg13 : memref<!tpu.dma_semaphore, #tpu.memory_space<semaphore_mem>>) src(%dma_wait3A_291 : memref<1000000x128xf32, #tpu.memory_space<hbm>>) dst(%arg9 : memref<128x128xf32, #tpu.memory_space<vmem>>)
    %get3A_292 = arith.constant 1 : i32
    %get3A_293 = arith.index_cast %get3A_292 : i32 to index
    %get3A_294 = arith.constant 0 : index
    %get3A_295 = tpu.vector_load %arg7[%get3A_293, %get3A_294] {strides = array<i32>} : memref<200x64xf32, #tpu.memory_space<vmem>>, vector<16xf32>,
    %get3A_296 = arith.constant 1 : i32
    %get3A_297 = arith.index_cast %get3A_296 : i32 to index
    %get3A_298 = arith.constant 16 : index
    %get3A_299 = tpu.vector_load %arg7[%get3A_297, %get3A_298] {strides = array<i32>} : memref<200x64xf32, #tpu.memory_space<vmem>>, vector<16xf32>,
    %get3A_300 = arith.constant 1 : i32
    %get3A_301 = arith.index_cast %get3A_300 : i32 to index
    %get3A_302 = arith.constant 32 : index
    %get3A_303 = tpu.vector_load %arg7[%get3A_301, %get3A_302] {strides = array<i32>} : memref<200x64xf32, #tpu.memory_space<vmem>>, vector<16xf32>,
    %get3A_304 = arith.constant 1 : i32
    %get3A_305 = arith.index_cast %get3A_304 : i32 to index
    %get3A_306 = arith.constant 48 : index
    %get3A_307 = tpu.vector_load %arg7[%get3A_305, %get3A_306] {strides = array<i32>} : memref<200x64xf32, #tpu.memory_space<vmem>>, vector<16xf32>,
    %scan3A_308 = arith.constant 0 : i32
    %scan3A_309 = arith.constant 0 : i32
    %scan3A_310 = arith.constant 16 : i32
    %scan3A_311 = arith.addi %scan3A_309, %scan3A_310 : i32
    %scan3A_312 = arith.constant 1 : i32
    scf.for %scan3A_518 = %scan3A_309 to %scan3A_311 step %scan3A_312  : i32 {
      %mul3A_519 = arith.constant 8 : i32
      %mul3A_520 = arith.muli %scan3A_518, %mul3A_519 : i32
      %add3A_521 = arith.constant 0 : i32
      %add3A_522 = arith.addi %mul3A_520, %add3A_521 : i32
      %get3A_523 = arith.index_cast %add3A_522 : i32 to index
      %get3A_524 = arith.constant 0 : index
      %get3A_525 = tpu.vector_load %arg9[%get3A_523, %get3A_524] {strides = array<i32>} : memref<128x128xf32, #tpu.memory_space<vmem>>, vector<16xf32>,
      %mul3A_526 = arith.constant 8.000000e+00 : f32
      %mul3A_527 = vector.broadcast %mul3A_526 : f32 to vector<16xf32>
      %mul3A_528 = arith.mulf %get3A_525, %mul3A_527 : vector<16xf32>
      %add3A_529 = arith.addf %mul3A_528, %get3A_295 : vector<16xf32>
      %add3A_530 = arith.constant 0 : i32
      %add3A_531 = arith.addi %mul3A_520, %add3A_530 : i32
      %get3A_532 = arith.index_cast %add3A_531 : i32 to index
      %get3A_533 = arith.constant 16 : index
      %get3A_534 = tpu.vector_load %arg9[%get3A_532, %get3A_533] {strides = array<i32>} : memref<128x128xf32, #tpu.memory_space<vmem>>, vector<16xf32>,
      %mul3A_535 = arith.constant 8.000000e+00 : f32
      %mul3A_536 = vector.broadcast %mul3A_535 : f32 to vector<16xf32>
      %mul3A_537 = arith.mulf %get3A_534, %mul3A_536 : vector<16xf32>
      %add3A_538 = arith.addf %mul3A_537, %get3A_299 : vector<16xf32>
      %add3A_539 = arith.constant 0 : i32
      %add3A_540 = arith.addi %mul3A_520, %add3A_539 : i32
      %get3A_541 = arith.index_cast %add3A_540 : i32 to index
      %get3A_542 = arith.constant 32 : index
      %get3A_543 = tpu.vector_load %arg9[%get3A_541, %get3A_542] {strides = array<i32>} : memref<128x128xf32, #tpu.memory_space<vmem>>, vector<16xf32>,
      %mul3A_544 = arith.constant 8.000000e+00 : f32
      %mul3A_545 = vector.broadcast %mul3A_544 : f32 to vector<16xf32>
      %mul3A_546 = arith.mulf %get3A_543, %mul3A_545 : vector<16xf32>
      %add3A_547 = arith.addf %mul3A_546, %get3A_303 : vector<16xf32>
      %add3A_548 = arith.constant 0 : i32
      %add3A_549 = arith.addi %mul3A_520, %add3A_548 : i32
      %get3A_550 = arith.index_cast %add3A_549 : i32 to index
      %get3A_551 = arith.constant 48 : index
      %get3A_552 = tpu.vector_load %arg9[%get3A_550, %get3A_551] {strides = array<i32>} : memref<128x128xf32, #tpu.memory_space<vmem>>, vector<16xf32>,
      %mul3A_553 = arith.constant 8.000000e+00 : f32
      %mul3A_554 = vector.broadcast %mul3A_553 : f32 to vector<16xf32>
      %mul3A_555 = arith.mulf %get3A_552, %mul3A_554 : vector<16xf32>
      %add3A_556 = arith.addf %mul3A_555, %get3A_307 : vector<16xf32>
      %add3A_557 = arith.constant 1 : i32
      %add3A_558 = arith.addi %mul3A_520, %add3A_557 : i32
      %get3A_559 = arith.index_cast %add3A_558 : i32 to index
      %get3A_560 = arith.constant 0 : index
      %get3A_561 = tpu.vector_load %arg9[%get3A_559, %get3A_560] {strides = array<i32>} : memref<128x128xf32, #tpu.memory_space<vmem>>, vector<16xf32>,
      %mul3A_562 = arith.constant 8.000000e+00 : f32
      %mul3A_563 = vector.broadcast %mul3A_562 : f32 to vector<16xf32>
      %mul3A_564 = arith.mulf %get3A_561, %mul3A_563 : vector<16xf32>
      %add3A_565 = arith.addf %mul3A_564, %get3A_295 : vector<16xf32>
      %add3A_566 = arith.constant 1 : i32
      %add3A_567 = arith.addi %mul3A_520, %add3A_566 : i32
      %get3A_568 = arith.index_cast %add3A_567 : i32 to index
      %get3A_569 = arith.constant 16 : index
      %get3A_570 = tpu.vector_load %arg9[%get3A_568, %get3A_569] {strides = array<i32>} : memref<128x128xf32, #tpu.memory_space<vmem>>, vector<16xf32>,
      %mul3A_571 = arith.constant 8.000000e+00 : f32
      %mul3A_572 = vector.broadcast %mul3A_571 : f32 to vector<16xf32>
      %mul3A_573 = arith.mulf %get3A_570, %mul3A_572 : vector<16xf32>
      %add3A_574 = arith.addf %mul3A_573, %get3A_299 : vector<16xf32>
      %add3A_575 = arith.constant 1 : i32
      %add3A_576 = arith.addi %mul3A_520, %add3A_575 : i32
      %get3A_577 = arith.index_cast %add3A_576 : i32 to index
      %get3A_578 = arith.constant 32 : index
      %get3A_579 = tpu.vector_load %arg9[%get3A_577, %get3A_578] {strides = array<i32>} : memref<128x128xf32, #tpu.memory_space<vmem>>, vector<16xf32>,
      %mul3A_580 = arith.constant 8.000000e+00 : f32
      %mul3A_581 = vector.broadcast %mul3A_580 : f32 to vector<16xf32>
      %mul3A_582 = arith.mulf %get3A_579, %mul3A_581 : vector<16xf32>
      %add3A_583 = arith.addf %mul3A_582, %get3A_303 : vector<16xf32>
      %add3A_584 = arith.constant 1 : i32
      %add3A_585 = arith.addi %mul3A_520, %add3A_584 : i32
      %get3A_586 = arith.index_cast %add3A_585 : i32 to index
      %get3A_587 = arith.constant 48 : index
      %get3A_588 = tpu.vector_load %arg9[%get3A_586, %get3A_587] {strides = array<i32>} : memref<128x128xf32, #tpu.memory_space<vmem>>, vector<16xf32>,
      %mul3A_589 = arith.constant 8.000000e+00 : f32
      %mul3A_590 = vector.broadcast %mul3A_589 : f32 to vector<16xf32>
      %mul3A_591 = arith.mulf %get3A_588, %mul3A_590 : vector<16xf32>
      %add3A_592 = arith.addf %mul3A_591, %get3A_307 : vector<16xf32>
      %add3A_593 = arith.constant 2 : i32
      %add3A_594 = arith.addi %mul3A_520, %add3A_593 : i32
      %get3A_595 = arith.index_cast %add3A_594 : i32 to index
      %get3A_596 = arith.constant 0 : index
      %get3A_597 = tpu.vector_load %arg9[%get3A_595, %get3A_596] {strides = array<i32>} : memref<128x128xf32, #tpu.memory_space<vmem>>, vector<16xf32>,
      %mul3A_598 = arith.constant 8.000000e+00 : f32
      %mul3A_599 = vector.broadcast %mul3A_598 : f32 to vector<16xf32>
      %mul3A_600 = arith.mulf %get3A_597, %mul3A_599 : vector<16xf32>
      %add3A_601 = arith.addf %mul3A_600, %get3A_295 : vector<16xf32>
      %add3A_602 = arith.constant 2 : i32
      %add3A_603 = arith.addi %mul3A_520, %add3A_602 : i32
      %get3A_604 = arith.index_cast %add3A_603 : i32 to index
      %get3A_605 = arith.constant 16 : index
      %get3A_606 = tpu.vector_load %arg9[%get3A_604, %get3A_605] {strides = array<i32>} : memref<128x128xf32, #tpu.memory_space<vmem>>, vector<16xf32>,
      %mul3A_607 = arith.constant 8.000000e+00 : f32
      %mul3A_608 = vector.broadcast %mul3A_607 : f32 to vector<16xf32>
      %mul3A_609 = arith.mulf %get3A_606, %mul3A_608 : vector<16xf32>
      %add3A_610 = arith.addf %mul3A_609, %get3A_299 : vector<16xf32>
      %add3A_611 = arith.constant 2 : i32
      %add3A_612 = arith.addi %mul3A_520, %add3A_611 : i32
      %get3A_613 = arith.index_cast %add3A_612 : i32 to index
      %get3A_614 = arith.constant 32 : index
      %get3A_615 = tpu.vector_load %arg9[%get3A_613, %get3A_614] {strides = array<i32>} : memref<128x128xf32, #tpu.memory_space<vmem>>, vector<16xf32>,
      %mul3A_616 = arith.constant 8.000000e+00 : f32
      %mul3A_617 = vector.broadcast %mul3A_616 : f32 to vector<16xf32>
      %mul3A_618 = arith.mulf %get3A_615, %mul3A_617 : vector<16xf32>
      %add3A_619 = arith.addf %mul3A_618, %get3A_303 : vector<16xf32>
      %add3A_620 = arith.constant 2 : i32
      %add3A_621 = arith.addi %mul3A_520, %add3A_620 : i32
      %get3A_622 = arith.index_cast %add3A_621 : i32 to index
      %get3A_623 = arith.constant 48 : index
      %get3A_624 = tpu.vector_load %arg9[%get3A_622, %get3A_623] {strides = array<i32>} : memref<128x128xf32, #tpu.memory_space<vmem>>, vector<16xf32>,
      %mul3A_625 = arith.constant 8.000000e+00 : f32
      %mul3A_626 = vector.broadcast %mul3A_625 : f32 to vector<16xf32>
      %mul3A_627 = arith.mulf %get3A_624, %mul3A_626 : vector<16xf32>
      %add3A_628 = arith.addf %mul3A_627, %get3A_307 : vector<16xf32>
      %add3A_629 = arith.constant 3 : i32
      %add3A_630 = arith.addi %mul3A_520, %add3A_629 : i32
      %get3A_631 = arith.index_cast %add3A_630 : i32 to index
      %get3A_632 = arith.constant 0 : index
      %get3A_633 = tpu.vector_load %arg9[%get3A_631, %get3A_632] {strides = array<i32>} : memref<128x128xf32, #tpu.memory_space<vmem>>, vector<16xf32>,
      %mul3A_634 = arith.constant 8.000000e+00 : f32
      %mul3A_635 = vector.broadcast %mul3A_634 : f32 to vector<16xf32>
      %mul3A_636 = arith.mulf %get3A_633, %mul3A_635 : vector<16xf32>
      %add3A_637 = arith.addf %mul3A_636, %get3A_295 : vector<16xf32>
      %add3A_638 = arith.constant 3 : i32
      %add3A_639 = arith.addi %mul3A_520, %add3A_638 : i32
      %get3A_640 = arith.index_cast %add3A_639 : i32 to index
      %get3A_641 = arith.constant 16 : index
      %get3A_642 = tpu.vector_load %arg9[%get3A_640, %get3A_641] {strides = array<i32>} : memref<128x128xf32, #tpu.memory_space<vmem>>, vector<16xf32>,
      %mul3A_643 = arith.constant 8.000000e+00 : f32
      %mul3A_644 = vector.broadcast %mul3A_643 : f32 to vector<16xf32>
      %mul3A_645 = arith.mulf %get3A_642, %mul3A_644 : vector<16xf32>
      %add3A_646 = arith.addf %mul3A_645, %get3A_299 : vector<16xf32>
      %add3A_647 = arith.constant 3 : i32
      %add3A_648 = arith.addi %mul3A_520, %add3A_647 : i32
      %get3A_649 = arith.index_cast %add3A_648 : i32 to index
      %get3A_650 = arith.constant 32 : index
      %get3A_651 = tpu.vector_load %arg9[%get3A_649, %get3A_650] {strides = array<i32>} : memref<128x128xf32, #tpu.memory_space<vmem>>, vector<16xf32>,
      %mul3A_652 = arith.constant 8.000000e+00 : f32
      %mul3A_653 = vector.broadcast %mul3A_652 : f32 to vector<16xf32>
      %mul3A_654 = arith.mulf %get3A_651, %mul3A_653 : vector<16xf32>
      %add3A_655 = arith.addf %mul3A_654, %get3A_303 : vector<16xf32>
      %add3A_656 = arith.constant 3 : i32
      %add3A_657 = arith.addi %mul3A_520, %add3A_656 : i32
      %get3A_658 = arith.index_cast %add3A_657 : i32 to index
      %get3A_659 = arith.constant 48 : index
      %get3A_660 = tpu.vector_load %arg9[%get3A_658, %get3A_659] {strides = array<i32>} : memref<128x128xf32, #tpu.memory_space<vmem>>, vector<16xf32>,
      %mul3A_661 = arith.constant 8.000000e+00 : f32
      %mul3A_662 = vector.broadcast %mul3A_661 : f32 to vector<16xf32>
      %mul3A_663 = arith.mulf %get3A_660, %mul3A_662 : vector<16xf32>
      %add3A_664 = arith.addf %mul3A_663, %get3A_307 : vector<16xf32>
      %add3A_665 = arith.constant 4 : i32
      %add3A_666 = arith.addi %mul3A_520, %add3A_665 : i32
      %get3A_667 = arith.index_cast %add3A_666 : i32 to index
      %get3A_668 = arith.constant 0 : index
      %get3A_669 = tpu.vector_load %arg9[%get3A_667, %get3A_668] {strides = array<i32>} : memref<128x128xf32, #tpu.memory_space<vmem>>, vector<16xf32>,
      %mul3A_670 = arith.constant 8.000000e+00 : f32
      %mul3A_671 = vector.broadcast %mul3A_670 : f32 to vector<16xf32>
      %mul3A_672 = arith.mulf %get3A_669, %mul3A_671 : vector<16xf32>
      %add3A_673 = arith.addf %mul3A_672, %get3A_295 : vector<16xf32>
      %add3A_674 = arith.constant 4 : i32
      %add3A_675 = arith.addi %mul3A_520, %add3A_674 : i32
      %get3A_676 = arith.index_cast %add3A_675 : i32 to index
      %get3A_677 = arith.constant 16 : index
      %get3A_678 = tpu.vector_load %arg9[%get3A_676, %get3A_677] {strides = array<i32>} : memref<128x128xf32, #tpu.memory_space<vmem>>, vector<16xf32>,
      %mul3A_679 = arith.constant 8.000000e+00 : f32
      %mul3A_680 = vector.broadcast %mul3A_679 : f32 to vector<16xf32>
      %mul3A_681 = arith.mulf %get3A_678, %mul3A_680 : vector<16xf32>
      %add3A_682 = arith.addf %mul3A_681, %get3A_299 : vector<16xf32>
      %add3A_683 = arith.constant 4 : i32
      %add3A_684 = arith.addi %mul3A_520, %add3A_683 : i32
      %get3A_685 = arith.index_cast %add3A_684 : i32 to index
      %get3A_686 = arith.constant 32 : index
      %get3A_687 = tpu.vector_load %arg9[%get3A_685, %get3A_686] {strides = array<i32>} : memref<128x128xf32, #tpu.memory_space<vmem>>, vector<16xf32>,
      %mul3A_688 = arith.constant 8.000000e+00 : f32
      %mul3A_689 = vector.broadcast %mul3A_688 : f32 to vector<16xf32>
      %mul3A_690 = arith.mulf %get3A_687, %mul3A_689 : vector<16xf32>
      %add3A_691 = arith.addf %mul3A_690, %get3A_303 : vector<16xf32>
      %add3A_692 = arith.constant 4 : i32
      %add3A_693 = arith.addi %mul3A_520, %add3A_692 : i32
      %get3A_694 = arith.index_cast %add3A_693 : i32 to index
      %get3A_695 = arith.constant 48 : index
      %get3A_696 = tpu.vector_load %arg9[%get3A_694, %get3A_695] {strides = array<i32>} : memref<128x128xf32, #tpu.memory_space<vmem>>, vector<16xf32>,
      %mul3A_697 = arith.constant 8.000000e+00 : f32
      %mul3A_698 = vector.broadcast %mul3A_697 : f32 to vector<16xf32>
      %mul3A_699 = arith.mulf %get3A_696, %mul3A_698 : vector<16xf32>
      %add3A_700 = arith.addf %mul3A_699, %get3A_307 : vector<16xf32>
      %add3A_701 = arith.constant 5 : i32
      %add3A_702 = arith.addi %mul3A_520, %add3A_701 : i32
      %get3A_703 = arith.index_cast %add3A_702 : i32 to index
      %get3A_704 = arith.constant 0 : index
      %get3A_705 = tpu.vector_load %arg9[%get3A_703, %get3A_704] {strides = array<i32>} : memref<128x128xf32, #tpu.memory_space<vmem>>, vector<16xf32>,
      %mul3A_706 = arith.constant 8.000000e+00 : f32
      %mul3A_707 = vector.broadcast %mul3A_706 : f32 to vector<16xf32>
      %mul3A_708 = arith.mulf %get3A_705, %mul3A_707 : vector<16xf32>
      %add3A_709 = arith.addf %mul3A_708, %get3A_295 : vector<16xf32>
      %add3A_710 = arith.constant 5 : i32
      %add3A_711 = arith.addi %mul3A_520, %add3A_710 : i32
      %get3A_712 = arith.index_cast %add3A_711 : i32 to index
      %get3A_713 = arith.constant 16 : index
      %get3A_714 = tpu.vector_load %arg9[%get3A_712, %get3A_713] {strides = array<i32>} : memref<128x128xf32, #tpu.memory_space<vmem>>, vector<16xf32>,
      %mul3A_715 = arith.constant 8.000000e+00 : f32
      %mul3A_716 = vector.broadcast %mul3A_715 : f32 to vector<16xf32>
      %mul3A_717 = arith.mulf %get3A_714, %mul3A_716 : vector<16xf32>
      %add3A_718 = arith.addf %mul3A_717, %get3A_299 : vector<16xf32>
      %add3A_719 = arith.constant 5 : i32
      %add3A_720 = arith.addi %mul3A_520, %add3A_719 : i32
      %get3A_721 = arith.index_cast %add3A_720 : i32 to index
      %get3A_722 = arith.constant 32 : index
      %get3A_723 = tpu.vector_load %arg9[%get3A_721, %get3A_722] {strides = array<i32>} : memref<128x128xf32, #tpu.memory_space<vmem>>, vector<16xf32>,
      %mul3A_724 = arith.constant 8.000000e+00 : f32
      %mul3A_725 = vector.broadcast %mul3A_724 : f32 to vector<16xf32>
      %mul3A_726 = arith.mulf %get3A_723, %mul3A_725 : vector<16xf32>
      %add3A_727 = arith.addf %mul3A_726, %get3A_303 : vector<16xf32>
      %add3A_728 = arith.constant 5 : i32
      %add3A_729 = arith.addi %mul3A_520, %add3A_728 : i32
      %get3A_730 = arith.index_cast %add3A_729 : i32 to index
      %get3A_731 = arith.constant 48 : index
      %get3A_732 = tpu.vector_load %arg9[%get3A_730, %get3A_731] {strides = array<i32>} : memref<128x128xf32, #tpu.memory_space<vmem>>, vector<16xf32>,
      %mul3A_733 = arith.constant 8.000000e+00 : f32
      %mul3A_734 = vector.broadcast %mul3A_733 : f32 to vector<16xf32>
      %mul3A_735 = arith.mulf %get3A_732, %mul3A_734 : vector<16xf32>
      %add3A_736 = arith.addf %mul3A_735, %get3A_307 : vector<16xf32>
      %add3A_737 = arith.constant 6 : i32
      %add3A_738 = arith.addi %mul3A_520, %add3A_737 : i32
      %get3A_739 = arith.index_cast %add3A_738 : i32 to index
      %get3A_740 = arith.constant 0 : index
      %get3A_741 = tpu.vector_load %arg9[%get3A_739, %get3A_740] {strides = array<i32>} : memref<128x128xf32, #tpu.memory_space<vmem>>, vector<16xf32>,
      %mul3A_742 = arith.constant 8.000000e+00 : f32
      %mul3A_743 = vector.broadcast %mul3A_742 : f32 to vector<16xf32>
      %mul3A_744 = arith.mulf %get3A_741, %mul3A_743 : vector<16xf32>
      %add3A_745 = arith.addf %mul3A_744, %get3A_295 : vector<16xf32>
      %add3A_746 = arith.constant 6 : i32
      %add3A_747 = arith.addi %mul3A_520, %add3A_746 : i32
      %get3A_748 = arith.index_cast %add3A_747 : i32 to index
      %get3A_749 = arith.constant 16 : index
      %get3A_750 = tpu.vector_load %arg9[%get3A_748, %get3A_749] {strides = array<i32>} : memref<128x128xf32, #tpu.memory_space<vmem>>, vector<16xf32>,
      %mul3A_751 = arith.constant 8.000000e+00 : f32
      %mul3A_752 = vector.broadcast %mul3A_751 : f32 to vector<16xf32>
      %mul3A_753 = arith.mulf %get3A_750, %mul3A_752 : vector<16xf32>
      %add3A_754 = arith.addf %mul3A_753, %get3A_299 : vector<16xf32>
      %add3A_755 = arith.constant 6 : i32
      %add3A_756 = arith.addi %mul3A_520, %add3A_755 : i32
      %get3A_757 = arith.index_cast %add3A_756 : i32 to index
      %get3A_758 = arith.constant 32 : index
      %get3A_759 = tpu.vector_load %arg9[%get3A_757, %get3A_758] {strides = array<i32>} : memref<128x128xf32, #tpu.memory_space<vmem>>, vector<16xf32>,
      %mul3A_760 = arith.constant 8.000000e+00 : f32
      %mul3A_761 = vector.broadcast %mul3A_760 : f32 to vector<16xf32>
      %mul3A_762 = arith.mulf %get3A_759, %mul3A_761 : vector<16xf32>
      %add3A_763 = arith.addf %mul3A_762, %get3A_303 : vector<16xf32>
      %add3A_764 = arith.constant 6 : i32
      %add3A_765 = arith.addi %mul3A_520, %add3A_764 : i32
      %get3A_766 = arith.index_cast %add3A_765 : i32 to index
      %get3A_767 = arith.constant 48 : index
      %get3A_768 = tpu.vector_load %arg9[%get3A_766, %get3A_767] {strides = array<i32>} : memref<128x128xf32, #tpu.memory_space<vmem>>, vector<16xf32>,
      %mul3A_769 = arith.constant 8.000000e+00 : f32
      %mul3A_770 = vector.broadcast %mul3A_769 : f32 to vector<16xf32>
      %mul3A_771 = arith.mulf %get3A_768, %mul3A_770 : vector<16xf32>
      %add3A_772 = arith.addf %mul3A_771, %get3A_307 : vector<16xf32>
      %add3A_773 = arith.constant 7 : i32
      %add3A_774 = arith.addi %mul3A_520, %add3A_773 : i32
      %get3A_775 = arith.index_cast %add3A_774 : i32 to index
      %get3A_776 = arith.constant 0 : index
      %get3A_777 = tpu.vector_load %arg9[%get3A_775, %get3A_776] {strides = array<i32>} : memref<128x128xf32, #tpu.memory_space<vmem>>, vector<16xf32>,
      %mul3A_778 = arith.constant 8.000000e+00 : f32
      %mul3A_779 = vector.broadcast %mul3A_778 : f32 to vector<16xf32>
      %mul3A_780 = arith.mulf %get3A_777, %mul3A_779 : vector<16xf32>
      %add3A_781 = arith.addf %mul3A_780, %get3A_295 : vector<16xf32>
      %add3A_782 = arith.constant 7 : i32
      %add3A_783 = arith.addi %mul3A_520, %add3A_782 : i32
      %get3A_784 = arith.index_cast %add3A_783 : i32 to index
      %get3A_785 = arith.constant 16 : index
      %get3A_786 = tpu.vector_load %arg9[%get3A_784, %get3A_785] {strides = array<i32>} : memref<128x128xf32, #tpu.memory_space<vmem>>, vector<16xf32>,
      %mul3A_787 = arith.constant 8.000000e+00 : f32
      %mul3A_788 = vector.broadcast %mul3A_787 : f32 to vector<16xf32>
      %mul3A_789 = arith.mulf %get3A_786, %mul3A_788 : vector<16xf32>
      %add3A_790 = arith.addf %mul3A_789, %get3A_299 : vector<16xf32>
      %add3A_791 = arith.constant 7 : i32
      %add3A_792 = arith.addi %mul3A_520, %add3A_791 : i32
      %get3A_793 = arith.index_cast %add3A_792 : i32 to index
      %get3A_794 = arith.constant 32 : index
      %get3A_795 = tpu.vector_load %arg9[%get3A_793, %get3A_794] {strides = array<i32>} : memref<128x128xf32, #tpu.memory_space<vmem>>, vector<16xf32>,
      %mul3A_796 = arith.constant 8.000000e+00 : f32
      %mul3A_797 = vector.broadcast %mul3A_796 : f32 to vector<16xf32>
      %mul3A_798 = arith.mulf %get3A_795, %mul3A_797 : vector<16xf32>
      %add3A_799 = arith.addf %mul3A_798, %get3A_303 : vector<16xf32>
      %add3A_800 = arith.constant 7 : i32
      %add3A_801 = arith.addi %mul3A_520, %add3A_800 : i32
      %get3A_802 = arith.index_cast %add3A_801 : i32 to index
      %get3A_803 = arith.constant 48 : index
      %get3A_804 = tpu.vector_load %arg9[%get3A_802, %get3A_803] {strides = array<i32>} : memref<128x128xf32, #tpu.memory_space<vmem>>, vector<16xf32>,
      %mul3A_805 = arith.constant 8.000000e+00 : f32
      %mul3A_806 = vector.broadcast %mul3A_805 : f32 to vector<16xf32>
      %mul3A_807 = arith.mulf %get3A_804, %mul3A_806 : vector<16xf32>
      %add3A_808 = arith.addf %mul3A_807, %get3A_307 : vector<16xf32>
      %add3A_809 = arith.constant 0 : i32
      %add3A_810 = arith.addi %mul3A_520, %add3A_809 : i32
      %broadcast_in_dim3A = vector.broadcast %add3A_810 : i32 to vector<16xi32>
      tpu.vector_store_idx %arg11[%select_n3A, %select_n3A_153, %broadcast_in_dim3A], %add3A_529 : memref<8x8x129xf32, #tpu.memory_space<vmem>>[vector<16xi32>, vector<16xi32>, vector<16xi32>], vector<16xf32>,
      tpu.vector_store_idx %arg11[%select_n3A_71, %select_n3A_175, %broadcast_in_dim3A], %add3A_538 : memref<8x8x129xf32, #tpu.memory_space<vmem>>[vector<16xi32>, vector<16xi32>, vector<16xi32>], vector<16xf32>,
      tpu.vector_store_idx %arg11[%select_n3A_102, %select_n3A_197, %broadcast_in_dim3A], %add3A_547 : memref<8x8x129xf32, #tpu.memory_space<vmem>>[vector<16xi32>, vector<16xi32>, vector<16xi32>], vector<16xf32>,
      tpu.vector_store_idx %arg11[%select_n3A_133, %select_n3A_219, %broadcast_in_dim3A], %add3A_556 : memref<8x8x129xf32, #tpu.memory_space<vmem>>[vector<16xi32>, vector<16xi32>, vector<16xi32>], vector<16xf32>,
      %add3A_811 = arith.constant 1 : i32
      %add3A_812 = arith.addi %mul3A_520, %add3A_811 : i32
      %broadcast_in_dim3A_813 = vector.broadcast %add3A_812 : i32 to vector<16xi32>
      tpu.vector_store_idx %arg11[%select_n3A, %select_n3A_153, %broadcast_in_dim3A_813], %add3A_565 : memref<8x8x129xf32, #tpu.memory_space<vmem>>[vector<16xi32>, vector<16xi32>, vector<16xi32>], vector<16xf32>,
      tpu.vector_store_idx %arg11[%select_n3A_71, %select_n3A_175, %broadcast_in_dim3A_813], %add3A_574 : memref<8x8x129xf32, #tpu.memory_space<vmem>>[vector<16xi32>, vector<16xi32>, vector<16xi32>], vector<16xf32>,
      tpu.vector_store_idx %arg11[%select_n3A_102, %select_n3A_197, %broadcast_in_dim3A_813], %add3A_583 : memref<8x8x129xf32, #tpu.memory_space<vmem>>[vector<16xi32>, vector<16xi32>, vector<16xi32>], vector<16xf32>,
      tpu.vector_store_idx %arg11[%select_n3A_133, %select_n3A_219, %broadcast_in_dim3A_813], %add3A_592 : memref<8x8x129xf32, #tpu.memory_space<vmem>>[vector<16xi32>, vector<16xi32>, vector<16xi32>], vector<16xf32>,
      %add3A_814 = arith.constant 2 : i32
      %add3A_815 = arith.addi %mul3A_520, %add3A_814 : i32
      %broadcast_in_dim3A_816 = vector.broadcast %add3A_815 : i32 to vector<16xi32>
      tpu.vector_store_idx %arg11[%select_n3A, %select_n3A_153, %broadcast_in_dim3A_816], %add3A_601 : memref<8x8x129xf32, #tpu.memory_space<vmem>>[vector<16xi32>, vector<16xi32>, vector<16xi32>], vector<16xf32>,
      tpu.vector_store_idx %arg11[%select_n3A_71, %select_n3A_175, %broadcast_in_dim3A_816], %add3A_610 : memref<8x8x129xf32, #tpu.memory_space<vmem>>[vector<16xi32>, vector<16xi32>, vector<16xi32>], vector<16xf32>,
      tpu.vector_store_idx %arg11[%select_n3A_102, %select_n3A_197, %broadcast_in_dim3A_816], %add3A_619 : memref<8x8x129xf32, #tpu.memory_space<vmem>>[vector<16xi32>, vector<16xi32>, vector<16xi32>], vector<16xf32>,
      tpu.vector_store_idx %arg11[%select_n3A_133, %select_n3A_219, %broadcast_in_dim3A_816], %add3A_628 : memref<8x8x129xf32, #tpu.memory_space<vmem>>[vector<16xi32>, vector<16xi32>, vector<16xi32>], vector<16xf32>,
      %add3A_817 = arith.constant 3 : i32
      %add3A_818 = arith.addi %mul3A_520, %add3A_817 : i32
      %broadcast_in_dim3A_819 = vector.broadcast %add3A_818 : i32 to vector<16xi32>
      tpu.vector_store_idx %arg11[%select_n3A, %select_n3A_153, %broadcast_in_dim3A_819], %add3A_637 : memref<8x8x129xf32, #tpu.memory_space<vmem>>[vector<16xi32>, vector<16xi32>, vector<16xi32>], vector<16xf32>,
      tpu.vector_store_idx %arg11[%select_n3A_71, %select_n3A_175, %broadcast_in_dim3A_819], %add3A_646 : memref<8x8x129xf32, #tpu.memory_space<vmem>>[vector<16xi32>, vector<16xi32>, vector<16xi32>], vector<16xf32>,
      tpu.vector_store_idx %arg11[%select_n3A_102, %select_n3A_197, %broadcast_in_dim3A_819], %add3A_655 : memref<8x8x129xf32, #tpu.memory_space<vmem>>[vector<16xi32>, vector<16xi32>, vector<16xi32>], vector<16xf32>,
      tpu.vector_store_idx %arg11[%select_n3A_133, %select_n3A_219, %broadcast_in_dim3A_819], %add3A_664 : memref<8x8x129xf32, #tpu.memory_space<vmem>>[vector<16xi32>, vector<16xi32>, vector<16xi32>], vector<16xf32>,
      %add3A_820 = arith.constant 4 : i32
      %add3A_821 = arith.addi %mul3A_520, %add3A_820 : i32
      %broadcast_in_dim3A_822 = vector.broadcast %add3A_821 : i32 to vector<16xi32>
      tpu.vector_store_idx %arg11[%select_n3A, %select_n3A_153, %broadcast_in_dim3A_822], %add3A_673 : memref<8x8x129xf32, #tpu.memory_space<vmem>>[vector<16xi32>, vector<16xi32>, vector<16xi32>], vector<16xf32>,
      tpu.vector_store_idx %arg11[%select_n3A_71, %select_n3A_175, %broadcast_in_dim3A_822], %add3A_682 : memref<8x8x129xf32, #tpu.memory_space<vmem>>[vector<16xi32>, vector<16xi32>, vector<16xi32>], vector<16xf32>,
      tpu.vector_store_idx %arg11[%select_n3A_102, %select_n3A_197, %broadcast_in_dim3A_822], %add3A_691 : memref<8x8x129xf32, #tpu.memory_space<vmem>>[vector<16xi32>, vector<16xi32>, vector<16xi32>], vector<16xf32>,
      tpu.vector_store_idx %arg11[%select_n3A_133, %select_n3A_219, %broadcast_in_dim3A_822], %add3A_700 : memref<8x8x129xf32, #tpu.memory_space<vmem>>[vector<16xi32>, vector<16xi32>, vector<16xi32>], vector<16xf32>,
      %add3A_823 = arith.constant 5 : i32
      %add3A_824 = arith.addi %mul3A_520, %add3A_823 : i32
      %broadcast_in_dim3A_825 = vector.broadcast %add3A_824 : i32 to vector<16xi32>
      tpu.vector_store_idx %arg11[%select_n3A, %select_n3A_153, %broadcast_in_dim3A_825], %add3A_709 : memref<8x8x129xf32, #tpu.memory_space<vmem>>[vector<16xi32>, vector<16xi32>, vector<16xi32>], vector<16xf32>,
      tpu.vector_store_idx %arg11[%select_n3A_71, %select_n3A_175, %broadcast_in_dim3A_825], %add3A_718 : memref<8x8x129xf32, #tpu.memory_space<vmem>>[vector<16xi32>, vector<16xi32>, vector<16xi32>], vector<16xf32>,
      tpu.vector_store_idx %arg11[%select_n3A_102, %select_n3A_197, %broadcast_in_dim3A_825], %add3A_727 : memref<8x8x129xf32, #tpu.memory_space<vmem>>[vector<16xi32>, vector<16xi32>, vector<16xi32>], vector<16xf32>,
      tpu.vector_store_idx %arg11[%select_n3A_133, %select_n3A_219, %broadcast_in_dim3A_825], %add3A_736 : memref<8x8x129xf32, #tpu.memory_space<vmem>>[vector<16xi32>, vector<16xi32>, vector<16xi32>], vector<16xf32>,
      %add3A_826 = arith.constant 6 : i32
      %add3A_827 = arith.addi %mul3A_520, %add3A_826 : i32
      %broadcast_in_dim3A_828 = vector.broadcast %add3A_827 : i32 to vector<16xi32>
      tpu.vector_store_idx %arg11[%select_n3A, %select_n3A_153, %broadcast_in_dim3A_828], %add3A_745 : memref<8x8x129xf32, #tpu.memory_space<vmem>>[vector<16xi32>, vector<16xi32>, vector<16xi32>], vector<16xf32>,
      tpu.vector_store_idx %arg11[%select_n3A_71, %select_n3A_175, %broadcast_in_dim3A_828], %add3A_754 : memref<8x8x129xf32, #tpu.memory_space<vmem>>[vector<16xi32>, vector<16xi32>, vector<16xi32>], vector<16xf32>,
      tpu.vector_store_idx %arg11[%select_n3A_102, %select_n3A_197, %broadcast_in_dim3A_828], %add3A_763 : memref<8x8x129xf32, #tpu.memory_space<vmem>>[vector<16xi32>, vector<16xi32>, vector<16xi32>], vector<16xf32>,
      tpu.vector_store_idx %arg11[%select_n3A_133, %select_n3A_219, %broadcast_in_dim3A_828], %add3A_772 : memref<8x8x129xf32, #tpu.memory_space<vmem>>[vector<16xi32>, vector<16xi32>, vector<16xi32>], vector<16xf32>,
      %add3A_829 = arith.constant 7 : i32
      %add3A_830 = arith.addi %mul3A_520, %add3A_829 : i32
      %broadcast_in_dim3A_831 = vector.broadcast %add3A_830 : i32 to vector<16xi32>
      tpu.vector_store_idx %arg11[%select_n3A, %select_n3A_153, %broadcast_in_dim3A_831], %add3A_781 : memref<8x8x129xf32, #tpu.memory_space<vmem>>[vector<16xi32>, vector<16xi32>, vector<16xi32>], vector<16xf32>,
      tpu.vector_store_idx %arg11[%select_n3A_71, %select_n3A_175, %broadcast_in_dim3A_831], %add3A_790 : memref<8x8x129xf32, #tpu.memory_space<vmem>>[vector<16xi32>, vector<16xi32>, vector<16xi32>], vector<16xf32>,
      tpu.vector_store_idx %arg11[%select_n3A_102, %select_n3A_197, %broadcast_in_dim3A_831], %add3A_799 : memref<8x8x129xf32, #tpu.memory_space<vmem>>[vector<16xi32>, vector<16xi32>, vector<16xi32>], vector<16xf32>,
      tpu.vector_store_idx %arg11[%select_n3A_133, %select_n3A_219, %broadcast_in_dim3A_831], %add3A_808 : memref<8x8x129xf32, #tpu.memory_space<vmem>>[vector<16xi32>, vector<16xi32>, vector<16xi32>], vector<16xf32>,
    }
    %scan3A_313 = arith.constant 16 : i32
    %dma_start3A_314 = arith.constant 3 : i32
    %dma_start3A_315 = arith.constant 0 : i32
    %dma_start3A_316 = tpu.memref_slice %arg6[%dma_start3A_314, %dma_start3A_315] : memref<200x128xi32, #tpu.memory_space<vmem>> -> memref<1x128xi32, #tpu.memory_space<vmem>>
    %dma_start3A_317 = tpu.memref_squeeze %dma_start3A_316 : memref<1x128xi32, #tpu.memory_space<vmem>> -> memref<128xi32, #tpu.memory_space<vmem>>
    %dma_start3A_318 = arith.constant 0 : i32
    %dma_start3A_319 = arith.constant 0 : i32
    %dma_start3A_320 = tpu.memref_slice %arg3[%dma_start3A_318, %dma_start3A_319] : memref<1000000x128xf32, #tpu.memory_space<hbm>> -> memref<1000000x128xf32, #tpu.memory_space<hbm>>
    tpu.enqueue_indirect_dma source(%dma_start3A_320 : memref<1000000x128xf32, #tpu.memory_space<hbm>>) target(%arg9 : memref<128x128xf32, #tpu.memory_space<vmem>>) offsets(%dma_start3A_317 : memref<128xi32, #tpu.memory_space<vmem>>) semaphore(%arg13 : memref<!tpu.dma_semaphore, #tpu.memory_space<semaphore_mem>>)
    %dma_start3A_321 = arith.constant 1 : i32
    %dma_start3A_322 = arith.constant 0 : i32
    %dma_start3A_323 = arith.constant 0 : i32
    %dma_start3A_324 = arith.constant 0 : i32
    %dma_start3A_325 = tpu.memref_slice %arg11[%dma_start3A_322, %dma_start3A_323, %dma_start3A_324] : memref<8x8x129xf32, #tpu.memory_space<vmem>> -> memref<8x8x128xf32, #tpu.memory_space<vmem>>
    %dma_start3A_326 = arith.constant 0 : i32
    %dma_start3A_327 = arith.constant 0 : i32
    %dma_start3A_328 = arith.constant 0 : i32
    %dma_start3A_329 = tpu.memref_slice %arg5[%dma_start3A_321, %dma_start3A_326, %add3A, %dma_start3A_327, %dma_start3A_328] : memref<200x8x32x8x128xf32, #tpu.memory_space<hbm>> -> memref<1x8x1x8x128xf32, #tpu.memory_space<hbm>>
    %dma_start3A_330 = tpu.memref_squeeze %dma_start3A_329 : memref<1x8x1x8x128xf32, #tpu.memory_space<hbm>> -> memref<8x8x128xf32, #tpu.memory_space<hbm>>
    %dma_start3A_331 = arith.constant 0 : i32
    %dma_start3A_332 = arith.constant 0 : i32
    %dma_start3A_333 = arith.constant 0 : i32
    %dma_start3A_334 = tpu.memref_slice %arg5[%dma_start3A_321, %dma_start3A_331, %add3A, %dma_start3A_332, %dma_start3A_333] : memref<200x8x32x8x128xf32, #tpu.memory_space<hbm>> -> memref<1x8x1x8x128xf32, #tpu.memory_space<hbm>>
    %dma_start3A_335 = tpu.memref_squeeze %dma_start3A_334 : memref<1x8x1x8x128xf32, #tpu.memory_space<hbm>> -> memref<8x8x128xf32, #tpu.memory_space<hbm>>
    %dma_start3A_336 = arith.constant 0 : i32
    %dma_start3A_337 = arith.constant 0 : i32
    %dma_start3A_338 = arith.constant 0 : i32
    %dma_start3A_339 = tpu.memref_slice %arg11[%dma_start3A_336, %dma_start3A_337, %dma_start3A_338] : memref<8x8x129xf32, #tpu.memory_space<vmem>> -> memref<8x8x128xf32, #tpu.memory_space<vmem>>
    tpu.enqueue_dma source(%dma_start3A_339 : memref<8x8x128xf32, #tpu.memory_space<vmem>>) target(%dma_start3A_335 : memref<8x8x128xf32, #tpu.memory_space<hbm>>) target_semaphore(%arg15 : memref<!tpu.dma_semaphore, #tpu.memory_space<semaphore_mem>>)
    %scan3A_340 = arith.constant 0 : i32
    %scan3A_341 = arith.constant 1 : i32
    %scan3A_342 = arith.constant 98 : i32
    %scan3A_343 = arith.addi %scan3A_341, %scan3A_342 : i32
    %scan3A_344 = arith.constant 1 : i32
    scf.for %scan3A_518 = %scan3A_341 to %scan3A_343 step %scan3A_344  : i32 {
      %mul3A_519 = arith.constant 2 : i32
      %mul3A_520 = arith.muli %mul3A_519, %scan3A_518 : i32
      %add3A_521 = arith.constant 0 : i32
      %add3A_522 = arith.addi %mul3A_520, %add3A_521 : i32
      %sub3A_523 = arith.constant 2 : i32
      %sub3A_524 = arith.subi %add3A_522, %sub3A_523 : i32
      %dma_wait3A_525 = arith.constant 0 : i32
      %dma_wait3A_526 = arith.constant 0 : i32
      %dma_wait3A_527 = arith.constant 0 : i32
      %dma_wait3A_528 = tpu.memref_slice %arg10[%dma_wait3A_525, %dma_wait3A_526, %dma_wait3A_527] : memref<8x8x129xf32, #tpu.memory_space<vmem>> -> memref<8x8x128xf32, #tpu.memory_space<vmem>>
      %dma_wait3A_529 = arith.constant 0 : i32
      %dma_wait3A_530 = arith.constant 0 : i32
      %dma_wait3A_531 = arith.constant 0 : i32
      %dma_wait3A_532 = tpu.memref_slice %arg5[%sub3A_524, %dma_wait3A_529, %add3A, %dma_wait3A_530, %dma_wait3A_531] : memref<200x8x32x8x128xf32, #tpu.memory_space<hbm>> -> memref<1x8x1x8x128xf32, #tpu.memory_space<hbm>>
      %dma_wait3A_533 = tpu.memref_squeeze %dma_wait3A_532 : memref<1x8x1x8x128xf32, #tpu.memory_space<hbm>> -> memref<8x8x128xf32, #tpu.memory_space<hbm>>
      %dma_wait3A_534 = arith.constant 0 : i32
      %dma_wait3A_535 = arith.constant 0 : i32
      %dma_wait3A_536 = arith.constant 0 : i32
      %dma_wait3A_537 = tpu.memref_slice %arg5[%sub3A_524, %dma_wait3A_534, %add3A, %dma_wait3A_535, %dma_wait3A_536] : memref<200x8x32x8x128xf32, #tpu.memory_space<hbm>> -> memref<1x8x1x8x128xf32, #tpu.memory_space<hbm>>
      %dma_wait3A_538 = tpu.memref_squeeze %dma_wait3A_537 : memref<1x8x1x8x128xf32, #tpu.memory_space<hbm>> -> memref<8x8x128xf32, #tpu.memory_space<hbm>>
      %dma_wait3A_539 = arith.constant 0 : i32
      %dma_wait3A_540 = arith.constant 0 : i32
      %dma_wait3A_541 = arith.constant 0 : i32
      %dma_wait3A_542 = tpu.memref_slice %arg10[%dma_wait3A_539, %dma_wait3A_540, %dma_wait3A_541] : memref<8x8x129xf32, #tpu.memory_space<vmem>> -> memref<8x8x128xf32, #tpu.memory_space<vmem>>
      tpu.wait_dma2 semaphore(%arg14 : memref<!tpu.dma_semaphore, #tpu.memory_space<semaphore_mem>>) src(%dma_wait3A_542 : memref<8x8x128xf32, #tpu.memory_space<vmem>>) dst(%dma_wait3A_538 : memref<8x8x128xf32, #tpu.memory_space<hbm>>)
      %dma_wait3A_543 = arith.constant 0 : i32
      %dma_wait3A_544 = tpu.memref_slice %arg6[%add3A_522, %dma_wait3A_543] : memref<200x128xi32, #tpu.memory_space<vmem>> -> memref<1x128xi32, #tpu.memory_space<vmem>>
      %dma_wait3A_545 = tpu.memref_squeeze %dma_wait3A_544 : memref<1x128xi32, #tpu.memory_space<vmem>> -> memref<128xi32, #tpu.memory_space<vmem>>
      %dma_wait3A_546 = arith.constant 0 : i32
      %dma_wait3A_547 = arith.constant 0 : i32
      %dma_wait3A_548 = tpu.memref_slice %arg3[%dma_wait3A_546, %dma_wait3A_547] : memref<1000000x128xf32, #tpu.memory_space<hbm>> -> memref<1000000x128xf32, #tpu.memory_space<hbm>>
      tpu.wait_indirect_dma semaphore(%arg12 : memref<!tpu.dma_semaphore, #tpu.memory_space<semaphore_mem>>) src(%dma_wait3A_548 : memref<1000000x128xf32, #tpu.memory_space<hbm>>) dst(%arg8 : memref<128x128xf32, #tpu.memory_space<vmem>>)
      %get3A_549 = arith.index_cast %add3A_522 : i32 to index
      %get3A_550 = arith.constant 0 : index
      %get3A_551 = tpu.vector_load %arg7[%get3A_549, %get3A_550] {strides = array<i32>} : memref<200x64xf32, #tpu.memory_space<vmem>>, vector<16xf32>,
      %get3A_552 = arith.index_cast %add3A_522 : i32 to index
      %get3A_553 = arith.constant 16 : index
      %get3A_554 = tpu.vector_load %arg7[%get3A_552, %get3A_553] {strides = array<i32>} : memref<200x64xf32, #tpu.memory_space<vmem>>, vector<16xf32>,
      %get3A_555 = arith.index_cast %add3A_522 : i32 to index
      %get3A_556 = arith.constant 32 : index
      %get3A_557 = tpu.vector_load %arg7[%get3A_555, %get3A_556] {strides = array<i32>} : memref<200x64xf32, #tpu.memory_space<vmem>>, vector<16xf32>,
      %get3A_558 = arith.index_cast %add3A_522 : i32 to index
      %get3A_559 = arith.constant 48 : index
      %get3A_560 = tpu.vector_load %arg7[%get3A_558, %get3A_559] {strides = array<i32>} : memref<200x64xf32, #tpu.memory_space<vmem>>, vector<16xf32>,
      %scan3A_561 = arith.constant 0 : i32
      %scan3A_562 = arith.constant 0 : i32
      %scan3A_563 = arith.constant 16 : i32
      %scan3A_564 = arith.addi %scan3A_562, %scan3A_563 : i32
      %scan3A_565 = arith.constant 1 : i32
      scf.for %scan3A_665 = %scan3A_562 to %scan3A_564 step %scan3A_565  : i32 {
        %mul3A_666 = arith.constant 8 : i32
        %mul3A_667 = arith.muli %scan3A_665, %mul3A_666 : i32
        %add3A_668 = arith.constant 0 : i32
        %add3A_669 = arith.addi %mul3A_667, %add3A_668 : i32
        %get3A_670 = arith.index_cast %add3A_669 : i32 to index
        %get3A_671 = arith.constant 0 : index
        %get3A_672 = tpu.vector_load %arg8[%get3A_670, %get3A_671] {strides = array<i32>} : memref<128x128xf32, #tpu.memory_space<vmem>>, vector<16xf32>,
        %mul3A_673 = arith.constant 8.000000e+00 : f32
        %mul3A_674 = vector.broadcast %mul3A_673 : f32 to vector<16xf32>
        %mul3A_675 = arith.mulf %get3A_672, %mul3A_674 : vector<16xf32>
        %add3A_676 = arith.addf %mul3A_675, %get3A_551 : vector<16xf32>
        %add3A_677 = arith.constant 0 : i32
        %add3A_678 = arith.addi %mul3A_667, %add3A_677 : i32
        %get3A_679 = arith.index_cast %add3A_678 : i32 to index
        %get3A_680 = arith.constant 16 : index
        %get3A_681 = tpu.vector_load %arg8[%get3A_679, %get3A_680] {strides = array<i32>} : memref<128x128xf32, #tpu.memory_space<vmem>>, vector<16xf32>,
        %mul3A_682 = arith.constant 8.000000e+00 : f32
        %mul3A_683 = vector.broadcast %mul3A_682 : f32 to vector<16xf32>
        %mul3A_684 = arith.mulf %get3A_681, %mul3A_683 : vector<16xf32>
        %add3A_685 = arith.addf %mul3A_684, %get3A_554 : vector<16xf32>
        %add3A_686 = arith.constant 0 : i32
        %add3A_687 = arith.addi %mul3A_667, %add3A_686 : i32
        %get3A_688 = arith.index_cast %add3A_687 : i32 to index
        %get3A_689 = arith.constant 32 : index
        %get3A_690 = tpu.vector_load %arg8[%get3A_688, %get3A_689] {strides = array<i32>} : memref<128x128xf32, #tpu.memory_space<vmem>>, vector<16xf32>,
        %mul3A_691 = arith.constant 8.000000e+00 : f32
        %mul3A_692 = vector.broadcast %mul3A_691 : f32 to vector<16xf32>
        %mul3A_693 = arith.mulf %get3A_690, %mul3A_692 : vector<16xf32>
        %add3A_694 = arith.addf %mul3A_693, %get3A_557 : vector<16xf32>
        %add3A_695 = arith.constant 0 : i32
        %add3A_696 = arith.addi %mul3A_667, %add3A_695 : i32
        %get3A_697 = arith.index_cast %add3A_696 : i32 to index
        %get3A_698 = arith.constant 48 : index
        %get3A_699 = tpu.vector_load %arg8[%get3A_697, %get3A_698] {strides = array<i32>} : memref<128x128xf32, #tpu.memory_space<vmem>>, vector<16xf32>,
        %mul3A_700 = arith.constant 8.000000e+00 : f32
        %mul3A_701 = vector.broadcast %mul3A_700 : f32 to vector<16xf32>
        %mul3A_702 = arith.mulf %get3A_699, %mul3A_701 : vector<16xf32>
        %add3A_703 = arith.addf %mul3A_702, %get3A_560 : vector<16xf32>
        %add3A_704 = arith.constant 1 : i32
        %add3A_705 = arith.addi %mul3A_667, %add3A_704 : i32
        %get3A_706 = arith.index_cast %add3A_705 : i32 to index
        %get3A_707 = arith.constant 0 : index
        %get3A_708 = tpu.vector_load %arg8[%get3A_706, %get3A_707] {strides = array<i32>} : memref<128x128xf32, #tpu.memory_space<vmem>>, vector<16xf32>,
        %mul3A_709 = arith.constant 8.000000e+00 : f32
        %mul3A_710 = vector.broadcast %mul3A_709 : f32 to vector<16xf32>
        %mul3A_711 = arith.mulf %get3A_708, %mul3A_710 : vector<16xf32>
        %add3A_712 = arith.addf %mul3A_711, %get3A_551 : vector<16xf32>
        %add3A_713 = arith.constant 1 : i32
        %add3A_714 = arith.addi %mul3A_667, %add3A_713 : i32
        %get3A_715 = arith.index_cast %add3A_714 : i32 to index
        %get3A_716 = arith.constant 16 : index
        %get3A_717 = tpu.vector_load %arg8[%get3A_715, %get3A_716] {strides = array<i32>} : memref<128x128xf32, #tpu.memory_space<vmem>>, vector<16xf32>,
        %mul3A_718 = arith.constant 8.000000e+00 : f32
        %mul3A_719 = vector.broadcast %mul3A_718 : f32 to vector<16xf32>
        %mul3A_720 = arith.mulf %get3A_717, %mul3A_719 : vector<16xf32>
        %add3A_721 = arith.addf %mul3A_720, %get3A_554 : vector<16xf32>
        %add3A_722 = arith.constant 1 : i32
        %add3A_723 = arith.addi %mul3A_667, %add3A_722 : i32
        %get3A_724 = arith.index_cast %add3A_723 : i32 to index
        %get3A_725 = arith.constant 32 : index
        %get3A_726 = tpu.vector_load %arg8[%get3A_724, %get3A_725] {strides = array<i32>} : memref<128x128xf32, #tpu.memory_space<vmem>>, vector<16xf32>,
        %mul3A_727 = arith.constant 8.000000e+00 : f32
        %mul3A_728 = vector.broadcast %mul3A_727 : f32 to vector<16xf32>
        %mul3A_729 = arith.mulf %get3A_726, %mul3A_728 : vector<16xf32>
        %add3A_730 = arith.addf %mul3A_729, %get3A_557 : vector<16xf32>
        %add3A_731 = arith.constant 1 : i32
        %add3A_732 = arith.addi %mul3A_667, %add3A_731 : i32
        %get3A_733 = arith.index_cast %add3A_732 : i32 to index
        %get3A_734 = arith.constant 48 : index
        %get3A_735 = tpu.vector_load %arg8[%get3A_733, %get3A_734] {strides = array<i32>} : memref<128x128xf32, #tpu.memory_space<vmem>>, vector<16xf32>,
        %mul3A_736 = arith.constant 8.000000e+00 : f32
        %mul3A_737 = vector.broadcast %mul3A_736 : f32 to vector<16xf32>
        %mul3A_738 = arith.mulf %get3A_735, %mul3A_737 : vector<16xf32>
        %add3A_739 = arith.addf %mul3A_738, %get3A_560 : vector<16xf32>
        %add3A_740 = arith.constant 2 : i32
        %add3A_741 = arith.addi %mul3A_667, %add3A_740 : i32
        %get3A_742 = arith.index_cast %add3A_741 : i32 to index
        %get3A_743 = arith.constant 0 : index
        %get3A_744 = tpu.vector_load %arg8[%get3A_742, %get3A_743] {strides = array<i32>} : memref<128x128xf32, #tpu.memory_space<vmem>>, vector<16xf32>,
        %mul3A_745 = arith.constant 8.000000e+00 : f32
        %mul3A_746 = vector.broadcast %mul3A_745 : f32 to vector<16xf32>
        %mul3A_747 = arith.mulf %get3A_744, %mul3A_746 : vector<16xf32>
        %add3A_748 = arith.addf %mul3A_747, %get3A_551 : vector<16xf32>
        %add3A_749 = arith.constant 2 : i32
        %add3A_750 = arith.addi %mul3A_667, %add3A_749 : i32
        %get3A_751 = arith.index_cast %add3A_750 : i32 to index
        %get3A_752 = arith.constant 16 : index
        %get3A_753 = tpu.vector_load %arg8[%get3A_751, %get3A_752] {strides = array<i32>} : memref<128x128xf32, #tpu.memory_space<vmem>>, vector<16xf32>,
        %mul3A_754 = arith.constant 8.000000e+00 : f32
        %mul3A_755 = vector.broadcast %mul3A_754 : f32 to vector<16xf32>
        %mul3A_756 = arith.mulf %get3A_753, %mul3A_755 : vector<16xf32>
        %add3A_757 = arith.addf %mul3A_756, %get3A_554 : vector<16xf32>
        %add3A_758 = arith.constant 2 : i32
        %add3A_759 = arith.addi %mul3A_667, %add3A_758 : i32
        %get3A_760 = arith.index_cast %add3A_759 : i32 to index
        %get3A_761 = arith.constant 32 : index
        %get3A_762 = tpu.vector_load %arg8[%get3A_760, %get3A_761] {strides = array<i32>} : memref<128x128xf32, #tpu.memory_space<vmem>>, vector<16xf32>,
        %mul3A_763 = arith.constant 8.000000e+00 : f32
        %mul3A_764 = vector.broadcast %mul3A_763 : f32 to vector<16xf32>
        %mul3A_765 = arith.mulf %get3A_762, %mul3A_764 : vector<16xf32>
        %add3A_766 = arith.addf %mul3A_765, %get3A_557 : vector<16xf32>
        %add3A_767 = arith.constant 2 : i32
        %add3A_768 = arith.addi %mul3A_667, %add3A_767 : i32
        %get3A_769 = arith.index_cast %add3A_768 : i32 to index
        %get3A_770 = arith.constant 48 : index
        %get3A_771 = tpu.vector_load %arg8[%get3A_769, %get3A_770] {strides = array<i32>} : memref<128x128xf32, #tpu.memory_space<vmem>>, vector<16xf32>,
        %mul3A_772 = arith.constant 8.000000e+00 : f32
        %mul3A_773 = vector.broadcast %mul3A_772 : f32 to vector<16xf32>
        %mul3A_774 = arith.mulf %get3A_771, %mul3A_773 : vector<16xf32>
        %add3A_775 = arith.addf %mul3A_774, %get3A_560 : vector<16xf32>
        %add3A_776 = arith.constant 3 : i32
        %add3A_777 = arith.addi %mul3A_667, %add3A_776 : i32
        %get3A_778 = arith.index_cast %add3A_777 : i32 to index
        %get3A_779 = arith.constant 0 : index
        %get3A_780 = tpu.vector_load %arg8[%get3A_778, %get3A_779] {strides = array<i32>} : memref<128x128xf32, #tpu.memory_space<vmem>>, vector<16xf32>,
        %mul3A_781 = arith.constant 8.000000e+00 : f32
        %mul3A_782 = vector.broadcast %mul3A_781 : f32 to vector<16xf32>
        %mul3A_783 = arith.mulf %get3A_780, %mul3A_782 : vector<16xf32>
        %add3A_784 = arith.addf %mul3A_783, %get3A_551 : vector<16xf32>
        %add3A_785 = arith.constant 3 : i32
        %add3A_786 = arith.addi %mul3A_667, %add3A_785 : i32
        %get3A_787 = arith.index_cast %add3A_786 : i32 to index
        %get3A_788 = arith.constant 16 : index
        %get3A_789 = tpu.vector_load %arg8[%get3A_787, %get3A_788] {strides = array<i32>} : memref<128x128xf32, #tpu.memory_space<vmem>>, vector<16xf32>,
        %mul3A_790 = arith.constant 8.000000e+00 : f32
        %mul3A_791 = vector.broadcast %mul3A_790 : f32 to vector<16xf32>
        %mul3A_792 = arith.mulf %get3A_789, %mul3A_791 : vector<16xf32>
        %add3A_793 = arith.addf %mul3A_792, %get3A_554 : vector<16xf32>
        %add3A_794 = arith.constant 3 : i32
        %add3A_795 = arith.addi %mul3A_667, %add3A_794 : i32
        %get3A_796 = arith.index_cast %add3A_795 : i32 to index
        %get3A_797 = arith.constant 32 : index
        %get3A_798 = tpu.vector_load %arg8[%get3A_796, %get3A_797] {strides = array<i32>} : memref<128x128xf32, #tpu.memory_space<vmem>>, vector<16xf32>,
        %mul3A_799 = arith.constant 8.000000e+00 : f32
        %mul3A_800 = vector.broadcast %mul3A_799 : f32 to vector<16xf32>
        %mul3A_801 = arith.mulf %get3A_798, %mul3A_800 : vector<16xf32>
        %add3A_802 = arith.addf %mul3A_801, %get3A_557 : vector<16xf32>
        %add3A_803 = arith.constant 3 : i32
        %add3A_804 = arith.addi %mul3A_667, %add3A_803 : i32
        %get3A_805 = arith.index_cast %add3A_804 : i32 to index
        %get3A_806 = arith.constant 48 : index
        %get3A_807 = tpu.vector_load %arg8[%get3A_805, %get3A_806] {strides = array<i32>} : memref<128x128xf32, #tpu.memory_space<vmem>>, vector<16xf32>,
        %mul3A_808 = arith.constant 8.000000e+00 : f32
        %mul3A_809 = vector.broadcast %mul3A_808 : f32 to vector<16xf32>
        %mul3A_810 = arith.mulf %get3A_807, %mul3A_809 : vector<16xf32>
        %add3A_811 = arith.addf %mul3A_810, %get3A_560 : vector<16xf32>
        %add3A_812 = arith.constant 4 : i32
        %add3A_813 = arith.addi %mul3A_667, %add3A_812 : i32
        %get3A_814 = arith.index_cast %add3A_813 : i32 to index
        %get3A_815 = arith.constant 0 : index
        %get3A_816 = tpu.vector_load %arg8[%get3A_814, %get3A_815] {strides = array<i32>} : memref<128x128xf32, #tpu.memory_space<vmem>>, vector<16xf32>,
        %mul3A_817 = arith.constant 8.000000e+00 : f32
        %mul3A_818 = vector.broadcast %mul3A_817 : f32 to vector<16xf32>
        %mul3A_819 = arith.mulf %get3A_816, %mul3A_818 : vector<16xf32>
        %add3A_820 = arith.addf %mul3A_819, %get3A_551 : vector<16xf32>
        %add3A_821 = arith.constant 4 : i32
        %add3A_822 = arith.addi %mul3A_667, %add3A_821 : i32
        %get3A_823 = arith.index_cast %add3A_822 : i32 to index
        %get3A_824 = arith.constant 16 : index
        %get3A_825 = tpu.vector_load %arg8[%get3A_823, %get3A_824] {strides = array<i32>} : memref<128x128xf32, #tpu.memory_space<vmem>>, vector<16xf32>,
        %mul3A_826 = arith.constant 8.000000e+00 : f32
        %mul3A_827 = vector.broadcast %mul3A_826 : f32 to vector<16xf32>
        %mul3A_828 = arith.mulf %get3A_825, %mul3A_827 : vector<16xf32>
        %add3A_829 = arith.addf %mul3A_828, %get3A_554 : vector<16xf32>
        %add3A_830 = arith.constant 4 : i32
        %add3A_831 = arith.addi %mul3A_667, %add3A_830 : i32
        %get3A_832 = arith.index_cast %add3A_831 : i32 to index
        %get3A_833 = arith.constant 32 : index
        %get3A_834 = tpu.vector_load %arg8[%get3A_832, %get3A_833] {strides = array<i32>} : memref<128x128xf32, #tpu.memory_space<vmem>>, vector<16xf32>,
        %mul3A_835 = arith.constant 8.000000e+00 : f32
        %mul3A_836 = vector.broadcast %mul3A_835 : f32 to vector<16xf32>
        %mul3A_837 = arith.mulf %get3A_834, %mul3A_836 : vector<16xf32>
        %add3A_838 = arith.addf %mul3A_837, %get3A_557 : vector<16xf32>
        %add3A_839 = arith.constant 4 : i32
        %add3A_840 = arith.addi %mul3A_667, %add3A_839 : i32
        %get3A_841 = arith.index_cast %add3A_840 : i32 to index
        %get3A_842 = arith.constant 48 : index
        %get3A_843 = tpu.vector_load %arg8[%get3A_841, %get3A_842] {strides = array<i32>} : memref<128x128xf32, #tpu.memory_space<vmem>>, vector<16xf32>,
        %mul3A_844 = arith.constant 8.000000e+00 : f32
        %mul3A_845 = vector.broadcast %mul3A_844 : f32 to vector<16xf32>
        %mul3A_846 = arith.mulf %get3A_843, %mul3A_845 : vector<16xf32>
        %add3A_847 = arith.addf %mul3A_846, %get3A_560 : vector<16xf32>
        %add3A_848 = arith.constant 5 : i32
        %add3A_849 = arith.addi %mul3A_667, %add3A_848 : i32
        %get3A_850 = arith.index_cast %add3A_849 : i32 to index
        %get3A_851 = arith.constant 0 : index
        %get3A_852 = tpu.vector_load %arg8[%get3A_850, %get3A_851] {strides = array<i32>} : memref<128x128xf32, #tpu.memory_space<vmem>>, vector<16xf32>,
        %mul3A_853 = arith.constant 8.000000e+00 : f32
        %mul3A_854 = vector.broadcast %mul3A_853 : f32 to vector<16xf32>
        %mul3A_855 = arith.mulf %get3A_852, %mul3A_854 : vector<16xf32>
        %add3A_856 = arith.addf %mul3A_855, %get3A_551 : vector<16xf32>
        %add3A_857 = arith.constant 5 : i32
        %add3A_858 = arith.addi %mul3A_667, %add3A_857 : i32
        %get3A_859 = arith.index_cast %add3A_858 : i32 to index
        %get3A_860 = arith.constant 16 : index
        %get3A_861 = tpu.vector_load %arg8[%get3A_859, %get3A_860] {strides = array<i32>} : memref<128x128xf32, #tpu.memory_space<vmem>>, vector<16xf32>,
        %mul3A_862 = arith.constant 8.000000e+00 : f32
        %mul3A_863 = vector.broadcast %mul3A_862 : f32 to vector<16xf32>
        %mul3A_864 = arith.mulf %get3A_861, %mul3A_863 : vector<16xf32>
        %add3A_865 = arith.addf %mul3A_864, %get3A_554 : vector<16xf32>
        %add3A_866 = arith.constant 5 : i32
        %add3A_867 = arith.addi %mul3A_667, %add3A_866 : i32
        %get3A_868 = arith.index_cast %add3A_867 : i32 to index
        %get3A_869 = arith.constant 32 : index
        %get3A_870 = tpu.vector_load %arg8[%get3A_868, %get3A_869] {strides = array<i32>} : memref<128x128xf32, #tpu.memory_space<vmem>>, vector<16xf32>,
        %mul3A_871 = arith.constant 8.000000e+00 : f32
        %mul3A_872 = vector.broadcast %mul3A_871 : f32 to vector<16xf32>
        %mul3A_873 = arith.mulf %get3A_870, %mul3A_872 : vector<16xf32>
        %add3A_874 = arith.addf %mul3A_873, %get3A_557 : vector<16xf32>
        %add3A_875 = arith.constant 5 : i32
        %add3A_876 = arith.addi %mul3A_667, %add3A_875 : i32
        %get3A_877 = arith.index_cast %add3A_876 : i32 to index
        %get3A_878 = arith.constant 48 : index
        %get3A_879 = tpu.vector_load %arg8[%get3A_877, %get3A_878] {strides = array<i32>} : memref<128x128xf32, #tpu.memory_space<vmem>>, vector<16xf32>,
        %mul3A_880 = arith.constant 8.000000e+00 : f32
        %mul3A_881 = vector.broadcast %mul3A_880 : f32 to vector<16xf32>
        %mul3A_882 = arith.mulf %get3A_879, %mul3A_881 : vector<16xf32>
        %add3A_883 = arith.addf %mul3A_882, %get3A_560 : vector<16xf32>
        %add3A_884 = arith.constant 6 : i32
        %add3A_885 = arith.addi %mul3A_667, %add3A_884 : i32
        %get3A_886 = arith.index_cast %add3A_885 : i32 to index
        %get3A_887 = arith.constant 0 : index
        %get3A_888 = tpu.vector_load %arg8[%get3A_886, %get3A_887] {strides = array<i32>} : memref<128x128xf32, #tpu.memory_space<vmem>>, vector<16xf32>,
        %mul3A_889 = arith.constant 8.000000e+00 : f32
        %mul3A_890 = vector.broadcast %mul3A_889 : f32 to vector<16xf32>
        %mul3A_891 = arith.mulf %get3A_888, %mul3A_890 : vector<16xf32>
        %add3A_892 = arith.addf %mul3A_891, %get3A_551 : vector<16xf32>
        %add3A_893 = arith.constant 6 : i32
        %add3A_894 = arith.addi %mul3A_667, %add3A_893 : i32
        %get3A_895 = arith.index_cast %add3A_894 : i32 to index
        %get3A_896 = arith.constant 16 : index
        %get3A_897 = tpu.vector_load %arg8[%get3A_895, %get3A_896] {strides = array<i32>} : memref<128x128xf32, #tpu.memory_space<vmem>>, vector<16xf32>,
        %mul3A_898 = arith.constant 8.000000e+00 : f32
        %mul3A_899 = vector.broadcast %mul3A_898 : f32 to vector<16xf32>
        %mul3A_900 = arith.mulf %get3A_897, %mul3A_899 : vector<16xf32>
        %add3A_901 = arith.addf %mul3A_900, %get3A_554 : vector<16xf32>
        %add3A_902 = arith.constant 6 : i32
        %add3A_903 = arith.addi %mul3A_667, %add3A_902 : i32
        %get3A_904 = arith.index_cast %add3A_903 : i32 to index
        %get3A_905 = arith.constant 32 : index
        %get3A_906 = tpu.vector_load %arg8[%get3A_904, %get3A_905] {strides = array<i32>} : memref<128x128xf32, #tpu.memory_space<vmem>>, vector<16xf32>,
        %mul3A_907 = arith.constant 8.000000e+00 : f32
        %mul3A_908 = vector.broadcast %mul3A_907 : f32 to vector<16xf32>
        %mul3A_909 = arith.mulf %get3A_906, %mul3A_908 : vector<16xf32>
        %add3A_910 = arith.addf %mul3A_909, %get3A_557 : vector<16xf32>
        %add3A_911 = arith.constant 6 : i32
        %add3A_912 = arith.addi %mul3A_667, %add3A_911 : i32
        %get3A_913 = arith.index_cast %add3A_912 : i32 to index
        %get3A_914 = arith.constant 48 : index
        %get3A_915 = tpu.vector_load %arg8[%get3A_913, %get3A_914] {strides = array<i32>} : memref<128x128xf32, #tpu.memory_space<vmem>>, vector<16xf32>,
        %mul3A_916 = arith.constant 8.000000e+00 : f32
        %mul3A_917 = vector.broadcast %mul3A_916 : f32 to vector<16xf32>
        %mul3A_918 = arith.mulf %get3A_915, %mul3A_917 : vector<16xf32>
        %add3A_919 = arith.addf %mul3A_918, %get3A_560 : vector<16xf32>
        %add3A_920 = arith.constant 7 : i32
        %add3A_921 = arith.addi %mul3A_667, %add3A_920 : i32
        %get3A_922 = arith.index_cast %add3A_921 : i32 to index
        %get3A_923 = arith.constant 0 : index
        %get3A_924 = tpu.vector_load %arg8[%get3A_922, %get3A_923] {strides = array<i32>} : memref<128x128xf32, #tpu.memory_space<vmem>>, vector<16xf32>,
        %mul3A_925 = arith.constant 8.000000e+00 : f32
        %mul3A_926 = vector.broadcast %mul3A_925 : f32 to vector<16xf32>
        %mul3A_927 = arith.mulf %get3A_924, %mul3A_926 : vector<16xf32>
        %add3A_928 = arith.addf %mul3A_927, %get3A_551 : vector<16xf32>
        %add3A_929 = arith.constant 7 : i32
        %add3A_930 = arith.addi %mul3A_667, %add3A_929 : i32
        %get3A_931 = arith.index_cast %add3A_930 : i32 to index
        %get3A_932 = arith.constant 16 : index
        %get3A_933 = tpu.vector_load %arg8[%get3A_931, %get3A_932] {strides = array<i32>} : memref<128x128xf32, #tpu.memory_space<vmem>>, vector<16xf32>,
        %mul3A_934 = arith.constant 8.000000e+00 : f32
        %mul3A_935 = vector.broadcast %mul3A_934 : f32 to vector<16xf32>
        %mul3A_936 = arith.mulf %get3A_933, %mul3A_935 : vector<16xf32>
        %add3A_937 = arith.addf %mul3A_936, %get3A_554 : vector<16xf32>
        %add3A_938 = arith.constant 7 : i32
        %add3A_939 = arith.addi %mul3A_667, %add3A_938 : i32
        %get3A_940 = arith.index_cast %add3A_939 : i32 to index
        %get3A_941 = arith.constant 32 : index
        %get3A_942 = tpu.vector_load %arg8[%get3A_940, %get3A_941] {strides = array<i32>} : memref<128x128xf32, #tpu.memory_space<vmem>>, vector<16xf32>,
        %mul3A_943 = arith.constant 8.000000e+00 : f32
        %mul3A_944 = vector.broadcast %mul3A_943 : f32 to vector<16xf32>
        %mul3A_945 = arith.mulf %get3A_942, %mul3A_944 : vector<16xf32>
        %add3A_946 = arith.addf %mul3A_945, %get3A_557 : vector<16xf32>
        %add3A_947 = arith.constant 7 : i32
        %add3A_948 = arith.addi %mul3A_667, %add3A_947 : i32
        %get3A_949 = arith.index_cast %add3A_948 : i32 to index
        %get3A_950 = arith.constant 48 : index
        %get3A_951 = tpu.vector_load %arg8[%get3A_949, %get3A_950] {strides = array<i32>} : memref<128x128xf32, #tpu.memory_space<vmem>>, vector<16xf32>,
        %mul3A_952 = arith.constant 8.000000e+00 : f32
        %mul3A_953 = vector.broadcast %mul3A_952 : f32 to vector<16xf32>
        %mul3A_954 = arith.mulf %get3A_951, %mul3A_953 : vector<16xf32>
        %add3A_955 = arith.addf %mul3A_954, %get3A_560 : vector<16xf32>
        %add3A_956 = arith.constant 0 : i32
        %add3A_957 = arith.addi %mul3A_667, %add3A_956 : i32
        %broadcast_in_dim3A = vector.broadcast %add3A_957 : i32 to vector<16xi32>
        tpu.vector_store_idx %arg10[%select_n3A, %select_n3A_153, %broadcast_in_dim3A], %add3A_676 : memref<8x8x129xf32, #tpu.memory_space<vmem>>[vector<16xi32>, vector<16xi32>, vector<16xi32>], vector<16xf32>,
        tpu.vector_store_idx %arg10[%select_n3A_71, %select_n3A_175, %broadcast_in_dim3A], %add3A_685 : memref<8x8x129xf32, #tpu.memory_space<vmem>>[vector<16xi32>, vector<16xi32>, vector<16xi32>], vector<16xf32>,
        tpu.vector_store_idx %arg10[%select_n3A_102, %select_n3A_197, %broadcast_in_dim3A], %add3A_694 : memref<8x8x129xf32, #tpu.memory_space<vmem>>[vector<16xi32>, vector<16xi32>, vector<16xi32>], vector<16xf32>,
        tpu.vector_store_idx %arg10[%select_n3A_133, %select_n3A_219, %broadcast_in_dim3A], %add3A_703 : memref<8x8x129xf32, #tpu.memory_space<vmem>>[vector<16xi32>, vector<16xi32>, vector<16xi32>], vector<16xf32>,
        %add3A_958 = arith.constant 1 : i32
        %add3A_959 = arith.addi %mul3A_667, %add3A_958 : i32
        %broadcast_in_dim3A_960 = vector.broadcast %add3A_959 : i32 to vector<16xi32>
        tpu.vector_store_idx %arg10[%select_n3A, %select_n3A_153, %broadcast_in_dim3A_960], %add3A_712 : memref<8x8x129xf32, #tpu.memory_space<vmem>>[vector<16xi32>, vector<16xi32>, vector<16xi32>], vector<16xf32>,
        tpu.vector_store_idx %arg10[%select_n3A_71, %select_n3A_175, %broadcast_in_dim3A_960], %add3A_721 : memref<8x8x129xf32, #tpu.memory_space<vmem>>[vector<16xi32>, vector<16xi32>, vector<16xi32>], vector<16xf32>,
        tpu.vector_store_idx %arg10[%select_n3A_102, %select_n3A_197, %broadcast_in_dim3A_960], %add3A_730 : memref<8x8x129xf32, #tpu.memory_space<vmem>>[vector<16xi32>, vector<16xi32>, vector<16xi32>], vector<16xf32>,
        tpu.vector_store_idx %arg10[%select_n3A_133, %select_n3A_219, %broadcast_in_dim3A_960], %add3A_739 : memref<8x8x129xf32, #tpu.memory_space<vmem>>[vector<16xi32>, vector<16xi32>, vector<16xi32>], vector<16xf32>,
        %add3A_961 = arith.constant 2 : i32
        %add3A_962 = arith.addi %mul3A_667, %add3A_961 : i32
        %broadcast_in_dim3A_963 = vector.broadcast %add3A_962 : i32 to vector<16xi32>
        tpu.vector_store_idx %arg10[%select_n3A, %select_n3A_153, %broadcast_in_dim3A_963], %add3A_748 : memref<8x8x129xf32, #tpu.memory_space<vmem>>[vector<16xi32>, vector<16xi32>, vector<16xi32>], vector<16xf32>,
        tpu.vector_store_idx %arg10[%select_n3A_71, %select_n3A_175, %broadcast_in_dim3A_963], %add3A_757 : memref<8x8x129xf32, #tpu.memory_space<vmem>>[vector<16xi32>, vector<16xi32>, vector<16xi32>], vector<16xf32>,
        tpu.vector_store_idx %arg10[%select_n3A_102, %select_n3A_197, %broadcast_in_dim3A_963], %add3A_766 : memref<8x8x129xf32, #tpu.memory_space<vmem>>[vector<16xi32>, vector<16xi32>, vector<16xi32>], vector<16xf32>,
        tpu.vector_store_idx %arg10[%select_n3A_133, %select_n3A_219, %broadcast_in_dim3A_963], %add3A_775 : memref<8x8x129xf32, #tpu.memory_space<vmem>>[vector<16xi32>, vector<16xi32>, vector<16xi32>], vector<16xf32>,
        %add3A_964 = arith.constant 3 : i32
        %add3A_965 = arith.addi %mul3A_667, %add3A_964 : i32
        %broadcast_in_dim3A_966 = vector.broadcast %add3A_965 : i32 to vector<16xi32>
        tpu.vector_store_idx %arg10[%select_n3A, %select_n3A_153, %broadcast_in_dim3A_966], %add3A_784 : memref<8x8x129xf32, #tpu.memory_space<vmem>>[vector<16xi32>, vector<16xi32>, vector<16xi32>], vector<16xf32>,
        tpu.vector_store_idx %arg10[%select_n3A_71, %select_n3A_175, %broadcast_in_dim3A_966], %add3A_793 : memref<8x8x129xf32, #tpu.memory_space<vmem>>[vector<16xi32>, vector<16xi32>, vector<16xi32>], vector<16xf32>,
        tpu.vector_store_idx %arg10[%select_n3A_102, %select_n3A_197, %broadcast_in_dim3A_966], %add3A_802 : memref<8x8x129xf32, #tpu.memory_space<vmem>>[vector<16xi32>, vector<16xi32>, vector<16xi32>], vector<16xf32>,
        tpu.vector_store_idx %arg10[%select_n3A_133, %select_n3A_219, %broadcast_in_dim3A_966], %add3A_811 : memref<8x8x129xf32, #tpu.memory_space<vmem>>[vector<16xi32>, vector<16xi32>, vector<16xi32>], vector<16xf32>,
        %add3A_967 = arith.constant 4 : i32
        %add3A_968 = arith.addi %mul3A_667, %add3A_967 : i32
        %broadcast_in_dim3A_969 = vector.broadcast %add3A_968 : i32 to vector<16xi32>
        tpu.vector_store_idx %arg10[%select_n3A, %select_n3A_153, %broadcast_in_dim3A_969], %add3A_820 : memref<8x8x129xf32, #tpu.memory_space<vmem>>[vector<16xi32>, vector<16xi32>, vector<16xi32>], vector<16xf32>,
        tpu.vector_store_idx %arg10[%select_n3A_71, %select_n3A_175, %broadcast_in_dim3A_969], %add3A_829 : memref<8x8x129xf32, #tpu.memory_space<vmem>>[vector<16xi32>, vector<16xi32>, vector<16xi32>], vector<16xf32>,
        tpu.vector_store_idx %arg10[%select_n3A_102, %select_n3A_197, %broadcast_in_dim3A_969], %add3A_838 : memref<8x8x129xf32, #tpu.memory_space<vmem>>[vector<16xi32>, vector<16xi32>, vector<16xi32>], vector<16xf32>,
        tpu.vector_store_idx %arg10[%select_n3A_133, %select_n3A_219, %broadcast_in_dim3A_969], %add3A_847 : memref<8x8x129xf32, #tpu.memory_space<vmem>>[vector<16xi32>, vector<16xi32>, vector<16xi32>], vector<16xf32>,
        %add3A_970 = arith.constant 5 : i32
        %add3A_971 = arith.addi %mul3A_667, %add3A_970 : i32
        %broadcast_in_dim3A_972 = vector.broadcast %add3A_971 : i32 to vector<16xi32>
        tpu.vector_store_idx %arg10[%select_n3A, %select_n3A_153, %broadcast_in_dim3A_972], %add3A_856 : memref<8x8x129xf32, #tpu.memory_space<vmem>>[vector<16xi32>, vector<16xi32>, vector<16xi32>], vector<16xf32>,
        tpu.vector_store_idx %arg10[%select_n3A_71, %select_n3A_175, %broadcast_in_dim3A_972], %add3A_865 : memref<8x8x129xf32, #tpu.memory_space<vmem>>[vector<16xi32>, vector<16xi32>, vector<16xi32>], vector<16xf32>,
        tpu.vector_store_idx %arg10[%select_n3A_102, %select_n3A_197, %broadcast_in_dim3A_972], %add3A_874 : memref<8x8x129xf32, #tpu.memory_space<vmem>>[vector<16xi32>, vector<16xi32>, vector<16xi32>], vector<16xf32>,
        tpu.vector_store_idx %arg10[%select_n3A_133, %select_n3A_219, %broadcast_in_dim3A_972], %add3A_883 : memref<8x8x129xf32, #tpu.memory_space<vmem>>[vector<16xi32>, vector<16xi32>, vector<16xi32>], vector<16xf32>,
        %add3A_973 = arith.constant 6 : i32
        %add3A_974 = arith.addi %mul3A_667, %add3A_973 : i32
        %broadcast_in_dim3A_975 = vector.broadcast %add3A_974 : i32 to vector<16xi32>
        tpu.vector_store_idx %arg10[%select_n3A, %select_n3A_153, %broadcast_in_dim3A_975], %add3A_892 : memref<8x8x129xf32, #tpu.memory_space<vmem>>[vector<16xi32>, vector<16xi32>, vector<16xi32>], vector<16xf32>,
        tpu.vector_store_idx %arg10[%select_n3A_71, %select_n3A_175, %broadcast_in_dim3A_975], %add3A_901 : memref<8x8x129xf32, #tpu.memory_space<vmem>>[vector<16xi32>, vector<16xi32>, vector<16xi32>], vector<16xf32>,
        tpu.vector_store_idx %arg10[%select_n3A_102, %select_n3A_197, %broadcast_in_dim3A_975], %add3A_910 : memref<8x8x129xf32, #tpu.memory_space<vmem>>[vector<16xi32>, vector<16xi32>, vector<16xi32>], vector<16xf32>,
        tpu.vector_store_idx %arg10[%select_n3A_133, %select_n3A_219, %broadcast_in_dim3A_975], %add3A_919 : memref<8x8x129xf32, #tpu.memory_space<vmem>>[vector<16xi32>, vector<16xi32>, vector<16xi32>], vector<16xf32>,
        %add3A_976 = arith.constant 7 : i32
        %add3A_977 = arith.addi %mul3A_667, %add3A_976 : i32
        %broadcast_in_dim3A_978 = vector.broadcast %add3A_977 : i32 to vector<16xi32>
        tpu.vector_store_idx %arg10[%select_n3A, %select_n3A_153, %broadcast_in_dim3A_978], %add3A_928 : memref<8x8x129xf32, #tpu.memory_space<vmem>>[vector<16xi32>, vector<16xi32>, vector<16xi32>], vector<16xf32>,
        tpu.vector_store_idx %arg10[%select_n3A_71, %select_n3A_175, %broadcast_in_dim3A_978], %add3A_937 : memref<8x8x129xf32, #tpu.memory_space<vmem>>[vector<16xi32>, vector<16xi32>, vector<16xi32>], vector<16xf32>,
        tpu.vector_store_idx %arg10[%select_n3A_102, %select_n3A_197, %broadcast_in_dim3A_978], %add3A_946 : memref<8x8x129xf32, #tpu.memory_space<vmem>>[vector<16xi32>, vector<16xi32>, vector<16xi32>], vector<16xf32>,
        tpu.vector_store_idx %arg10[%select_n3A_133, %select_n3A_219, %broadcast_in_dim3A_978], %add3A_955 : memref<8x8x129xf32, #tpu.memory_space<vmem>>[vector<16xi32>, vector<16xi32>, vector<16xi32>], vector<16xf32>,
      }
      %scan3A_566 = arith.constant 16 : i32
      %add3A_567 = arith.constant 2 : i32
      %add3A_568 = arith.addi %add3A_522, %add3A_567 : i32
      %dma_start3A_569 = arith.constant 0 : i32
      %dma_start3A_570 = tpu.memref_slice %arg6[%add3A_568, %dma_start3A_569] : memref<200x128xi32, #tpu.memory_space<vmem>> -> memref<1x128xi32, #tpu.memory_space<vmem>>
      %dma_start3A_571 = tpu.memref_squeeze %dma_start3A_570 : memref<1x128xi32, #tpu.memory_space<vmem>> -> memref<128xi32, #tpu.memory_space<vmem>>
      %dma_start3A_572 = arith.constant 0 : i32
      %dma_start3A_573 = arith.constant 0 : i32
      %dma_start3A_574 = tpu.memref_slice %arg3[%dma_start3A_572, %dma_start3A_573] : memref<1000000x128xf32, #tpu.memory_space<hbm>> -> memref<1000000x128xf32, #tpu.memory_space<hbm>>
      tpu.enqueue_indirect_dma source(%dma_start3A_574 : memref<1000000x128xf32, #tpu.memory_space<hbm>>) target(%arg8 : memref<128x128xf32, #tpu.memory_space<vmem>>) offsets(%dma_start3A_571 : memref<128xi32, #tpu.memory_space<vmem>>) semaphore(%arg12 : memref<!tpu.dma_semaphore, #tpu.memory_space<semaphore_mem>>)
      %dma_start3A_575 = arith.constant 0 : i32
      %dma_start3A_576 = arith.constant 0 : i32
      %dma_start3A_577 = arith.constant 0 : i32
      %dma_start3A_578 = tpu.memref_slice %arg10[%dma_start3A_575, %dma_start3A_576, %dma_start3A_577] : memref<8x8x129xf32, #tpu.memory_space<vmem>> -> memref<8x8x128xf32, #tpu.memory_space<vmem>>
      %dma_start3A_579 = arith.constant 0 : i32
      %dma_start3A_580 = arith.constant 0 : i32
      %dma_start3A_581 = arith.constant 0 : i32
      %dma_start3A_582 = tpu.memref_slice %arg5[%add3A_522, %dma_start3A_579, %add3A, %dma_start3A_580, %dma_start3A_581] : memref<200x8x32x8x128xf32, #tpu.memory_space<hbm>> -> memref<1x8x1x8x128xf32, #tpu.memory_space<hbm>>
      %dma_start3A_583 = tpu.memref_squeeze %dma_start3A_582 : memref<1x8x1x8x128xf32, #tpu.memory_space<hbm>> -> memref<8x8x128xf32, #tpu.memory_space<hbm>>
      %dma_start3A_584 = arith.constant 0 : i32
      %dma_start3A_585 = arith.constant 0 : i32
      %dma_start3A_586 = arith.constant 0 : i32
      %dma_start3A_587 = tpu.memref_slice %arg5[%add3A_522, %dma_start3A_584, %add3A, %dma_start3A_585, %dma_start3A_586] : memref<200x8x32x8x128xf32, #tpu.memory_space<hbm>> -> memref<1x8x1x8x128xf32, #tpu.memory_space<hbm>>
      %dma_start3A_588 = tpu.memref_squeeze %dma_start3A_587 : memref<1x8x1x8x128xf32, #tpu.memory_space<hbm>> -> memref<8x8x128xf32, #tpu.memory_space<hbm>>
      %dma_start3A_589 = arith.constant 0 : i32
      %dma_start3A_590 = arith.constant 0 : i32
      %dma_start3A_591 = arith.constant 0 : i32
      %dma_start3A_592 = tpu.memref_slice %arg10[%dma_start3A_589, %dma_start3A_590, %dma_start3A_591] : memref<8x8x129xf32, #tpu.memory_space<vmem>> -> memref<8x8x128xf32, #tpu.memory_space<vmem>>
      tpu.enqueue_dma source(%dma_start3A_592 : memref<8x8x128xf32, #tpu.memory_space<vmem>>) target(%dma_start3A_588 : memref<8x8x128xf32, #tpu.memory_space<hbm>>) target_semaphore(%arg14 : memref<!tpu.dma_semaphore, #tpu.memory_space<semaphore_mem>>)
      %add3A_593 = arith.constant 1 : i32
      %add3A_594 = arith.addi %mul3A_520, %add3A_593 : i32
      %sub3A_595 = arith.constant 2 : i32
      %sub3A_596 = arith.subi %add3A_594, %sub3A_595 : i32
      %dma_wait3A_597 = arith.constant 0 : i32
      %dma_wait3A_598 = arith.constant 0 : i32
      %dma_wait3A_599 = arith.constant 0 : i32
      %dma_wait3A_600 = tpu.memref_slice %arg11[%dma_wait3A_597, %dma_wait3A_598, %dma_wait3A_599] : memref<8x8x129xf32, #tpu.memory_space<vmem>> -> memref<8x8x128xf32, #tpu.memory_space<vmem>>
      %dma_wait3A_601 = arith.constant 0 : i32
      %dma_wait3A_602 = arith.constant 0 : i32
      %dma_wait3A_603 = arith.constant 0 : i32
      %dma_wait3A_604 = tpu.memref_slice %arg5[%sub3A_596, %dma_wait3A_601, %add3A, %dma_wait3A_602, %dma_wait3A_603] : memref<200x8x32x8x128xf32, #tpu.memory_space<hbm>> -> memref<1x8x1x8x128xf32, #tpu.memory_space<hbm>>
      %dma_wait3A_605 = tpu.memref_squeeze %dma_wait3A_604 : memref<1x8x1x8x128xf32, #tpu.memory_space<hbm>> -> memref<8x8x128xf32, #tpu.memory_space<hbm>>
      %dma_wait3A_606 = arith.constant 0 : i32
      %dma_wait3A_607 = arith.constant 0 : i32
      %dma_wait3A_608 = arith.constant 0 : i32
      %dma_wait3A_609 = tpu.memref_slice %arg5[%sub3A_596, %dma_wait3A_606, %add3A, %dma_wait3A_607, %dma_wait3A_608] : memref<200x8x32x8x128xf32, #tpu.memory_space<hbm>> -> memref<1x8x1x8x128xf32, #tpu.memory_space<hbm>>
      %dma_wait3A_610 = tpu.memref_squeeze %dma_wait3A_609 : memref<1x8x1x8x128xf32, #tpu.memory_space<hbm>> -> memref<8x8x128xf32, #tpu.memory_space<hbm>>
      %dma_wait3A_611 = arith.constant 0 : i32
      %dma_wait3A_612 = arith.constant 0 : i32
      %dma_wait3A_613 = arith.constant 0 : i32
      %dma_wait3A_614 = tpu.memref_slice %arg11[%dma_wait3A_611, %dma_wait3A_612, %dma_wait3A_613] : memref<8x8x129xf32, #tpu.memory_space<vmem>> -> memref<8x8x128xf32, #tpu.memory_space<vmem>>
      tpu.wait_dma2 semaphore(%arg15 : memref<!tpu.dma_semaphore, #tpu.memory_space<semaphore_mem>>) src(%dma_wait3A_614 : memref<8x8x128xf32, #tpu.memory_space<vmem>>) dst(%dma_wait3A_610 : memref<8x8x128xf32, #tpu.memory_space<hbm>>)
      %dma_wait3A_615 = arith.constant 0 : i32
      %dma_wait3A_616 = tpu.memref_slice %arg6[%add3A_594, %dma_wait3A_615] : memref<200x128xi32, #tpu.memory_space<vmem>> -> memref<1x128xi32, #tpu.memory_space<vmem>>
      %dma_wait3A_617 = tpu.memref_squeeze %dma_wait3A_616 : memref<1x128xi32, #tpu.memory_space<vmem>> -> memref<128xi32, #tpu.memory_space<vmem>>
      %dma_wait3A_618 = arith.constant 0 : i32
      %dma_wait3A_619 = arith.constant 0 : i32
      %dma_wait3A_620 = tpu.memref_slice %arg3[%dma_wait3A_618, %dma_wait3A_619] : memref<1000000x128xf32, #tpu.memory_space<hbm>> -> memref<1000000x128xf32, #tpu.memory_space<hbm>>
      tpu.wait_indirect_dma semaphore(%arg13 : memref<!tpu.dma_semaphore, #tpu.memory_space<semaphore_mem>>) src(%dma_wait3A_620 : memref<1000000x128xf32, #tpu.memory_space<hbm>>) dst(%arg9 : memref<128x128xf32, #tpu.memory_space<vmem>>)
      %get3A_621 = arith.index_cast %add3A_594 : i32 to index
      %get3A_622 = arith.constant 0 : index
      %get3A_623 = tpu.vector_load %arg7[%get3A_621, %get3A_622] {strides = array<i32>} : memref<200x64xf32, #tpu.memory_space<vmem>>, vector<16xf32>,
      %get3A_624 = arith.index_cast %add3A_594 : i32 to index
      %get3A_625 = arith.constant 16 : index
      %get3A_626 = tpu.vector_load %arg7[%get3A_624, %get3A_625] {strides = array<i32>} : memref<200x64xf32, #tpu.memory_space<vmem>>, vector<16xf32>,
      %get3A_627 = arith.index_cast %add3A_594 : i32 to index
      %get3A_628 = arith.constant 32 : index
      %get3A_629 = tpu.vector_load %arg7[%get3A_627, %get3A_628] {strides = array<i32>} : memref<200x64xf32, #tpu.memory_space<vmem>>, vector<16xf32>,
      %get3A_630 = arith.index_cast %add3A_594 : i32 to index
      %get3A_631 = arith.constant 48 : index
      %get3A_632 = tpu.vector_load %arg7[%get3A_630, %get3A_631] {strides = array<i32>} : memref<200x64xf32, #tpu.memory_space<vmem>>, vector<16xf32>,
      %scan3A_633 = arith.constant 0 : i32
      %scan3A_634 = arith.constant 0 : i32
      %scan3A_635 = arith.constant 16 : i32
      %scan3A_636 = arith.addi %scan3A_634, %scan3A_635 : i32
      %scan3A_637 = arith.constant 1 : i32
      scf.for %scan3A_665 = %scan3A_634 to %scan3A_636 step %scan3A_637  : i32 {
        %mul3A_666 = arith.constant 8 : i32
        %mul3A_667 = arith.muli %scan3A_665, %mul3A_666 : i32
        %add3A_668 = arith.constant 0 : i32
        %add3A_669 = arith.addi %mul3A_667, %add3A_668 : i32
        %get3A_670 = arith.index_cast %add3A_669 : i32 to index
        %get3A_671 = arith.constant 0 : index
        %get3A_672 = tpu.vector_load %arg9[%get3A_670, %get3A_671] {strides = array<i32>} : memref<128x128xf32, #tpu.memory_space<vmem>>, vector<16xf32>,
        %mul3A_673 = arith.constant 8.000000e+00 : f32
        %mul3A_674 = vector.broadcast %mul3A_673 : f32 to vector<16xf32>
        %mul3A_675 = arith.mulf %get3A_672, %mul3A_674 : vector<16xf32>
        %add3A_676 = arith.addf %mul3A_675, %get3A_623 : vector<16xf32>
        %add3A_677 = arith.constant 0 : i32
        %add3A_678 = arith.addi %mul3A_667, %add3A_677 : i32
        %get3A_679 = arith.index_cast %add3A_678 : i32 to index
        %get3A_680 = arith.constant 16 : index
        %get3A_681 = tpu.vector_load %arg9[%get3A_679, %get3A_680] {strides = array<i32>} : memref<128x128xf32, #tpu.memory_space<vmem>>, vector<16xf32>,
        %mul3A_682 = arith.constant 8.000000e+00 : f32
        %mul3A_683 = vector.broadcast %mul3A_682 : f32 to vector<16xf32>
        %mul3A_684 = arith.mulf %get3A_681, %mul3A_683 : vector<16xf32>
        %add3A_685 = arith.addf %mul3A_684, %get3A_626 : vector<16xf32>
        %add3A_686 = arith.constant 0 : i32
        %add3A_687 = arith.addi %mul3A_667, %add3A_686 : i32
        %get3A_688 = arith.index_cast %add3A_687 : i32 to index
        %get3A_689 = arith.constant 32 : index
        %get3A_690 = tpu.vector_load %arg9[%get3A_688, %get3A_689] {strides = array<i32>} : memref<128x128xf32, #tpu.memory_space<vmem>>, vector<16xf32>,
        %mul3A_691 = arith.constant 8.000000e+00 : f32
        %mul3A_692 = vector.broadcast %mul3A_691 : f32 to vector<16xf32>
        %mul3A_693 = arith.mulf %get3A_690, %mul3A_692 : vector<16xf32>
        %add3A_694 = arith.addf %mul3A_693, %get3A_629 : vector<16xf32>
        %add3A_695 = arith.constant 0 : i32
        %add3A_696 = arith.addi %mul3A_667, %add3A_695 : i32
        %get3A_697 = arith.index_cast %add3A_696 : i32 to index
        %get3A_698 = arith.constant 48 : index
        %get3A_699 = tpu.vector_load %arg9[%get3A_697, %get3A_698] {strides = array<i32>} : memref<128x128xf32, #tpu.memory_space<vmem>>, vector<16xf32>,
        %mul3A_700 = arith.constant 8.000000e+00 : f32
        %mul3A_701 = vector.broadcast %mul3A_700 : f32 to vector<16xf32>
        %mul3A_702 = arith.mulf %get3A_699, %mul3A_701 : vector<16xf32>
        %add3A_703 = arith.addf %mul3A_702, %get3A_632 : vector<16xf32>
        %add3A_704 = arith.constant 1 : i32
        %add3A_705 = arith.addi %mul3A_667, %add3A_704 : i32
        %get3A_706 = arith.index_cast %add3A_705 : i32 to index
        %get3A_707 = arith.constant 0 : index
        %get3A_708 = tpu.vector_load %arg9[%get3A_706, %get3A_707] {strides = array<i32>} : memref<128x128xf32, #tpu.memory_space<vmem>>, vector<16xf32>,
        %mul3A_709 = arith.constant 8.000000e+00 : f32
        %mul3A_710 = vector.broadcast %mul3A_709 : f32 to vector<16xf32>
        %mul3A_711 = arith.mulf %get3A_708, %mul3A_710 : vector<16xf32>
        %add3A_712 = arith.addf %mul3A_711, %get3A_623 : vector<16xf32>
        %add3A_713 = arith.constant 1 : i32
        %add3A_714 = arith.addi %mul3A_667, %add3A_713 : i32
        %get3A_715 = arith.index_cast %add3A_714 : i32 to index
        %get3A_716 = arith.constant 16 : index
        %get3A_717 = tpu.vector_load %arg9[%get3A_715, %get3A_716] {strides = array<i32>} : memref<128x128xf32, #tpu.memory_space<vmem>>, vector<16xf32>,
        %mul3A_718 = arith.constant 8.000000e+00 : f32
        %mul3A_719 = vector.broadcast %mul3A_718 : f32 to vector<16xf32>
        %mul3A_720 = arith.mulf %get3A_717, %mul3A_719 : vector<16xf32>
        %add3A_721 = arith.addf %mul3A_720, %get3A_626 : vector<16xf32>
        %add3A_722 = arith.constant 1 : i32
        %add3A_723 = arith.addi %mul3A_667, %add3A_722 : i32
        %get3A_724 = arith.index_cast %add3A_723 : i32 to index
        %get3A_725 = arith.constant 32 : index
        %get3A_726 = tpu.vector_load %arg9[%get3A_724, %get3A_725] {strides = array<i32>} : memref<128x128xf32, #tpu.memory_space<vmem>>, vector<16xf32>,
        %mul3A_727 = arith.constant 8.000000e+00 : f32
        %mul3A_728 = vector.broadcast %mul3A_727 : f32 to vector<16xf32>
        %mul3A_729 = arith.mulf %get3A_726, %mul3A_728 : vector<16xf32>
        %add3A_730 = arith.addf %mul3A_729, %get3A_629 : vector<16xf32>
        %add3A_731 = arith.constant 1 : i32
        %add3A_732 = arith.addi %mul3A_667, %add3A_731 : i32
        %get3A_733 = arith.index_cast %add3A_732 : i32 to index
        %get3A_734 = arith.constant 48 : index
        %get3A_735 = tpu.vector_load %arg9[%get3A_733, %get3A_734] {strides = array<i32>} : memref<128x128xf32, #tpu.memory_space<vmem>>, vector<16xf32>,
        %mul3A_736 = arith.constant 8.000000e+00 : f32
        %mul3A_737 = vector.broadcast %mul3A_736 : f32 to vector<16xf32>
        %mul3A_738 = arith.mulf %get3A_735, %mul3A_737 : vector<16xf32>
        %add3A_739 = arith.addf %mul3A_738, %get3A_632 : vector<16xf32>
        %add3A_740 = arith.constant 2 : i32
        %add3A_741 = arith.addi %mul3A_667, %add3A_740 : i32
        %get3A_742 = arith.index_cast %add3A_741 : i32 to index
        %get3A_743 = arith.constant 0 : index
        %get3A_744 = tpu.vector_load %arg9[%get3A_742, %get3A_743] {strides = array<i32>} : memref<128x128xf32, #tpu.memory_space<vmem>>, vector<16xf32>,
        %mul3A_745 = arith.constant 8.000000e+00 : f32
        %mul3A_746 = vector.broadcast %mul3A_745 : f32 to vector<16xf32>
        %mul3A_747 = arith.mulf %get3A_744, %mul3A_746 : vector<16xf32>
        %add3A_748 = arith.addf %mul3A_747, %get3A_623 : vector<16xf32>
        %add3A_749 = arith.constant 2 : i32
        %add3A_750 = arith.addi %mul3A_667, %add3A_749 : i32
        %get3A_751 = arith.index_cast %add3A_750 : i32 to index
        %get3A_752 = arith.constant 16 : index
        %get3A_753 = tpu.vector_load %arg9[%get3A_751, %get3A_752] {strides = array<i32>} : memref<128x128xf32, #tpu.memory_space<vmem>>, vector<16xf32>,
        %mul3A_754 = arith.constant 8.000000e+00 : f32
        %mul3A_755 = vector.broadcast %mul3A_754 : f32 to vector<16xf32>
        %mul3A_756 = arith.mulf %get3A_753, %mul3A_755 : vector<16xf32>
        %add3A_757 = arith.addf %mul3A_756, %get3A_626 : vector<16xf32>
        %add3A_758 = arith.constant 2 : i32
        %add3A_759 = arith.addi %mul3A_667, %add3A_758 : i32
        %get3A_760 = arith.index_cast %add3A_759 : i32 to index
        %get3A_761 = arith.constant 32 : index
        %get3A_762 = tpu.vector_load %arg9[%get3A_760, %get3A_761] {strides = array<i32>} : memref<128x128xf32, #tpu.memory_space<vmem>>, vector<16xf32>,
        %mul3A_763 = arith.constant 8.000000e+00 : f32
        %mul3A_764 = vector.broadcast %mul3A_763 : f32 to vector<16xf32>
        %mul3A_765 = arith.mulf %get3A_762, %mul3A_764 : vector<16xf32>
        %add3A_766 = arith.addf %mul3A_765, %get3A_629 : vector<16xf32>
        %add3A_767 = arith.constant 2 : i32
        %add3A_768 = arith.addi %mul3A_667, %add3A_767 : i32
        %get3A_769 = arith.index_cast %add3A_768 : i32 to index
        %get3A_770 = arith.constant 48 : index
        %get3A_771 = tpu.vector_load %arg9[%get3A_769, %get3A_770] {strides = array<i32>} : memref<128x128xf32, #tpu.memory_space<vmem>>, vector<16xf32>,
        %mul3A_772 = arith.constant 8.000000e+00 : f32
        %mul3A_773 = vector.broadcast %mul3A_772 : f32 to vector<16xf32>
        %mul3A_774 = arith.mulf %get3A_771, %mul3A_773 : vector<16xf32>
        %add3A_775 = arith.addf %mul3A_774, %get3A_632 : vector<16xf32>
        %add3A_776 = arith.constant 3 : i32
        %add3A_777 = arith.addi %mul3A_667, %add3A_776 : i32
        %get3A_778 = arith.index_cast %add3A_777 : i32 to index
        %get3A_779 = arith.constant 0 : index
        %get3A_780 = tpu.vector_load %arg9[%get3A_778, %get3A_779] {strides = array<i32>} : memref<128x128xf32, #tpu.memory_space<vmem>>, vector<16xf32>,
        %mul3A_781 = arith.constant 8.000000e+00 : f32
        %mul3A_782 = vector.broadcast %mul3A_781 : f32 to vector<16xf32>
        %mul3A_783 = arith.mulf %get3A_780, %mul3A_782 : vector<16xf32>
        %add3A_784 = arith.addf %mul3A_783, %get3A_623 : vector<16xf32>
        %add3A_785 = arith.constant 3 : i32
        %add3A_786 = arith.addi %mul3A_667, %add3A_785 : i32
        %get3A_787 = arith.index_cast %add3A_786 : i32 to index
        %get3A_788 = arith.constant 16 : index
        %get3A_789 = tpu.vector_load %arg9[%get3A_787, %get3A_788] {strides = array<i32>} : memref<128x128xf32, #tpu.memory_space<vmem>>, vector<16xf32>,
        %mul3A_790 = arith.constant 8.000000e+00 : f32
        %mul3A_791 = vector.broadcast %mul3A_790 : f32 to vector<16xf32>
        %mul3A_792 = arith.mulf %get3A_789, %mul3A_791 : vector<16xf32>
        %add3A_793 = arith.addf %mul3A_792, %get3A_626 : vector<16xf32>
        %add3A_794 = arith.constant 3 : i32
        %add3A_795 = arith.addi %mul3A_667, %add3A_794 : i32
        %get3A_796 = arith.index_cast %add3A_795 : i32 to index
        %get3A_797 = arith.constant 32 : index
        %get3A_798 = tpu.vector_load %arg9[%get3A_796, %get3A_797] {strides = array<i32>} : memref<128x128xf32, #tpu.memory_space<vmem>>, vector<16xf32>,
        %mul3A_799 = arith.constant 8.000000e+00 : f32
        %mul3A_800 = vector.broadcast %mul3A_799 : f32 to vector<16xf32>
        %mul3A_801 = arith.mulf %get3A_798, %mul3A_800 : vector<16xf32>
        %add3A_802 = arith.addf %mul3A_801, %get3A_629 : vector<16xf32>
        %add3A_803 = arith.constant 3 : i32
        %add3A_804 = arith.addi %mul3A_667, %add3A_803 : i32
        %get3A_805 = arith.index_cast %add3A_804 : i32 to index
        %get3A_806 = arith.constant 48 : index
        %get3A_807 = tpu.vector_load %arg9[%get3A_805, %get3A_806] {strides = array<i32>} : memref<128x128xf32, #tpu.memory_space<vmem>>, vector<16xf32>,
        %mul3A_808 = arith.constant 8.000000e+00 : f32
        %mul3A_809 = vector.broadcast %mul3A_808 : f32 to vector<16xf32>
        %mul3A_810 = arith.mulf %get3A_807, %mul3A_809 : vector<16xf32>
        %add3A_811 = arith.addf %mul3A_810, %get3A_632 : vector<16xf32>
        %add3A_812 = arith.constant 4 : i32
        %add3A_813 = arith.addi %mul3A_667, %add3A_812 : i32
        %get3A_814 = arith.index_cast %add3A_813 : i32 to index
        %get3A_815 = arith.constant 0 : index
        %get3A_816 = tpu.vector_load %arg9[%get3A_814, %get3A_815] {strides = array<i32>} : memref<128x128xf32, #tpu.memory_space<vmem>>, vector<16xf32>,
        %mul3A_817 = arith.constant 8.000000e+00 : f32
        %mul3A_818 = vector.broadcast %mul3A_817 : f32 to vector<16xf32>
        %mul3A_819 = arith.mulf %get3A_816, %mul3A_818 : vector<16xf32>
        %add3A_820 = arith.addf %mul3A_819, %get3A_623 : vector<16xf32>
        %add3A_821 = arith.constant 4 : i32
        %add3A_822 = arith.addi %mul3A_667, %add3A_821 : i32
        %get3A_823 = arith.index_cast %add3A_822 : i32 to index
        %get3A_824 = arith.constant 16 : index
        %get3A_825 = tpu.vector_load %arg9[%get3A_823, %get3A_824] {strides = array<i32>} : memref<128x128xf32, #tpu.memory_space<vmem>>, vector<16xf32>,
        %mul3A_826 = arith.constant 8.000000e+00 : f32
        %mul3A_827 = vector.broadcast %mul3A_826 : f32 to vector<16xf32>
        %mul3A_828 = arith.mulf %get3A_825, %mul3A_827 : vector<16xf32>
        %add3A_829 = arith.addf %mul3A_828, %get3A_626 : vector<16xf32>
        %add3A_830 = arith.constant 4 : i32
        %add3A_831 = arith.addi %mul3A_667, %add3A_830 : i32
        %get3A_832 = arith.index_cast %add3A_831 : i32 to index
        %get3A_833 = arith.constant 32 : index
        %get3A_834 = tpu.vector_load %arg9[%get3A_832, %get3A_833] {strides = array<i32>} : memref<128x128xf32, #tpu.memory_space<vmem>>, vector<16xf32>,
        %mul3A_835 = arith.constant 8.000000e+00 : f32
        %mul3A_836 = vector.broadcast %mul3A_835 : f32 to vector<16xf32>
        %mul3A_837 = arith.mulf %get3A_834, %mul3A_836 : vector<16xf32>
        %add3A_838 = arith.addf %mul3A_837, %get3A_629 : vector<16xf32>
        %add3A_839 = arith.constant 4 : i32
        %add3A_840 = arith.addi %mul3A_667, %add3A_839 : i32
        %get3A_841 = arith.index_cast %add3A_840 : i32 to index
        %get3A_842 = arith.constant 48 : index
        %get3A_843 = tpu.vector_load %arg9[%get3A_841, %get3A_842] {strides = array<i32>} : memref<128x128xf32, #tpu.memory_space<vmem>>, vector<16xf32>,
        %mul3A_844 = arith.constant 8.000000e+00 : f32
        %mul3A_845 = vector.broadcast %mul3A_844 : f32 to vector<16xf32>
        %mul3A_846 = arith.mulf %get3A_843, %mul3A_845 : vector<16xf32>
        %add3A_847 = arith.addf %mul3A_846, %get3A_632 : vector<16xf32>
        %add3A_848 = arith.constant 5 : i32
        %add3A_849 = arith.addi %mul3A_667, %add3A_848 : i32
        %get3A_850 = arith.index_cast %add3A_849 : i32 to index
        %get3A_851 = arith.constant 0 : index
        %get3A_852 = tpu.vector_load %arg9[%get3A_850, %get3A_851] {strides = array<i32>} : memref<128x128xf32, #tpu.memory_space<vmem>>, vector<16xf32>,
        %mul3A_853 = arith.constant 8.000000e+00 : f32
        %mul3A_854 = vector.broadcast %mul3A_853 : f32 to vector<16xf32>
        %mul3A_855 = arith.mulf %get3A_852, %mul3A_854 : vector<16xf32>
        %add3A_856 = arith.addf %mul3A_855, %get3A_623 : vector<16xf32>
        %add3A_857 = arith.constant 5 : i32
        %add3A_858 = arith.addi %mul3A_667, %add3A_857 : i32
        %get3A_859 = arith.index_cast %add3A_858 : i32 to index
        %get3A_860 = arith.constant 16 : index
        %get3A_861 = tpu.vector_load %arg9[%get3A_859, %get3A_860] {strides = array<i32>} : memref<128x128xf32, #tpu.memory_space<vmem>>, vector<16xf32>,
        %mul3A_862 = arith.constant 8.000000e+00 : f32
        %mul3A_863 = vector.broadcast %mul3A_862 : f32 to vector<16xf32>
        %mul3A_864 = arith.mulf %get3A_861, %mul3A_863 : vector<16xf32>
        %add3A_865 = arith.addf %mul3A_864, %get3A_626 : vector<16xf32>
        %add3A_866 = arith.constant 5 : i32
        %add3A_867 = arith.addi %mul3A_667, %add3A_866 : i32
        %get3A_868 = arith.index_cast %add3A_867 : i32 to index
        %get3A_869 = arith.constant 32 : index
        %get3A_870 = tpu.vector_load %arg9[%get3A_868, %get3A_869] {strides = array<i32>} : memref<128x128xf32, #tpu.memory_space<vmem>>, vector<16xf32>,
        %mul3A_871 = arith.constant 8.000000e+00 : f32
        %mul3A_872 = vector.broadcast %mul3A_871 : f32 to vector<16xf32>
        %mul3A_873 = arith.mulf %get3A_870, %mul3A_872 : vector<16xf32>
        %add3A_874 = arith.addf %mul3A_873, %get3A_629 : vector<16xf32>
        %add3A_875 = arith.constant 5 : i32
        %add3A_876 = arith.addi %mul3A_667, %add3A_875 : i32
        %get3A_877 = arith.index_cast %add3A_876 : i32 to index
        %get3A_878 = arith.constant 48 : index
        %get3A_879 = tpu.vector_load %arg9[%get3A_877, %get3A_878] {strides = array<i32>} : memref<128x128xf32, #tpu.memory_space<vmem>>, vector<16xf32>,
        %mul3A_880 = arith.constant 8.000000e+00 : f32
        %mul3A_881 = vector.broadcast %mul3A_880 : f32 to vector<16xf32>
        %mul3A_882 = arith.mulf %get3A_879, %mul3A_881 : vector<16xf32>
        %add3A_883 = arith.addf %mul3A_882, %get3A_632 : vector<16xf32>
        %add3A_884 = arith.constant 6 : i32
        %add3A_885 = arith.addi %mul3A_667, %add3A_884 : i32
        %get3A_886 = arith.index_cast %add3A_885 : i32 to index
        %get3A_887 = arith.constant 0 : index
        %get3A_888 = tpu.vector_load %arg9[%get3A_886, %get3A_887] {strides = array<i32>} : memref<128x128xf32, #tpu.memory_space<vmem>>, vector<16xf32>,
        %mul3A_889 = arith.constant 8.000000e+00 : f32
        %mul3A_890 = vector.broadcast %mul3A_889 : f32 to vector<16xf32>
        %mul3A_891 = arith.mulf %get3A_888, %mul3A_890 : vector<16xf32>
        %add3A_892 = arith.addf %mul3A_891, %get3A_623 : vector<16xf32>
        %add3A_893 = arith.constant 6 : i32
        %add3A_894 = arith.addi %mul3A_667, %add3A_893 : i32
        %get3A_895 = arith.index_cast %add3A_894 : i32 to index
        %get3A_896 = arith.constant 16 : index
        %get3A_897 = tpu.vector_load %arg9[%get3A_895, %get3A_896] {strides = array<i32>} : memref<128x128xf32, #tpu.memory_space<vmem>>, vector<16xf32>,
        %mul3A_898 = arith.constant 8.000000e+00 : f32
        %mul3A_899 = vector.broadcast %mul3A_898 : f32 to vector<16xf32>
        %mul3A_900 = arith.mulf %get3A_897, %mul3A_899 : vector<16xf32>
        %add3A_901 = arith.addf %mul3A_900, %get3A_626 : vector<16xf32>
        %add3A_902 = arith.constant 6 : i32
        %add3A_903 = arith.addi %mul3A_667, %add3A_902 : i32
        %get3A_904 = arith.index_cast %add3A_903 : i32 to index
        %get3A_905 = arith.constant 32 : index
        %get3A_906 = tpu.vector_load %arg9[%get3A_904, %get3A_905] {strides = array<i32>} : memref<128x128xf32, #tpu.memory_space<vmem>>, vector<16xf32>,
        %mul3A_907 = arith.constant 8.000000e+00 : f32
        %mul3A_908 = vector.broadcast %mul3A_907 : f32 to vector<16xf32>
        %mul3A_909 = arith.mulf %get3A_906, %mul3A_908 : vector<16xf32>
        %add3A_910 = arith.addf %mul3A_909, %get3A_629 : vector<16xf32>
        %add3A_911 = arith.constant 6 : i32
        %add3A_912 = arith.addi %mul3A_667, %add3A_911 : i32
        %get3A_913 = arith.index_cast %add3A_912 : i32 to index
        %get3A_914 = arith.constant 48 : index
        %get3A_915 = tpu.vector_load %arg9[%get3A_913, %get3A_914] {strides = array<i32>} : memref<128x128xf32, #tpu.memory_space<vmem>>, vector<16xf32>,
        %mul3A_916 = arith.constant 8.000000e+00 : f32
        %mul3A_917 = vector.broadcast %mul3A_916 : f32 to vector<16xf32>
        %mul3A_918 = arith.mulf %get3A_915, %mul3A_917 : vector<16xf32>
        %add3A_919 = arith.addf %mul3A_918, %get3A_632 : vector<16xf32>
        %add3A_920 = arith.constant 7 : i32
        %add3A_921 = arith.addi %mul3A_667, %add3A_920 : i32
        %get3A_922 = arith.index_cast %add3A_921 : i32 to index
        %get3A_923 = arith.constant 0 : index
        %get3A_924 = tpu.vector_load %arg9[%get3A_922, %get3A_923] {strides = array<i32>} : memref<128x128xf32, #tpu.memory_space<vmem>>, vector<16xf32>,
        %mul3A_925 = arith.constant 8.000000e+00 : f32
        %mul3A_926 = vector.broadcast %mul3A_925 : f32 to vector<16xf32>
        %mul3A_927 = arith.mulf %get3A_924, %mul3A_926 : vector<16xf32>
        %add3A_928 = arith.addf %mul3A_927, %get3A_623 : vector<16xf32>
        %add3A_929 = arith.constant 7 : i32
        %add3A_930 = arith.addi %mul3A_667, %add3A_929 : i32
        %get3A_931 = arith.index_cast %add3A_930 : i32 to index
        %get3A_932 = arith.constant 16 : index
        %get3A_933 = tpu.vector_load %arg9[%get3A_931, %get3A_932] {strides = array<i32>} : memref<128x128xf32, #tpu.memory_space<vmem>>, vector<16xf32>,
        %mul3A_934 = arith.constant 8.000000e+00 : f32
        %mul3A_935 = vector.broadcast %mul3A_934 : f32 to vector<16xf32>
        %mul3A_936 = arith.mulf %get3A_933, %mul3A_935 : vector<16xf32>
        %add3A_937 = arith.addf %mul3A_936, %get3A_626 : vector<16xf32>
        %add3A_938 = arith.constant 7 : i32
        %add3A_939 = arith.addi %mul3A_667, %add3A_938 : i32
        %get3A_940 = arith.index_cast %add3A_939 : i32 to index
        %get3A_941 = arith.constant 32 : index
        %get3A_942 = tpu.vector_load %arg9[%get3A_940, %get3A_941] {strides = array<i32>} : memref<128x128xf32, #tpu.memory_space<vmem>>, vector<16xf32>,
        %mul3A_943 = arith.constant 8.000000e+00 : f32
        %mul3A_944 = vector.broadcast %mul3A_943 : f32 to vector<16xf32>
        %mul3A_945 = arith.mulf %get3A_942, %mul3A_944 : vector<16xf32>
        %add3A_946 = arith.addf %mul3A_945, %get3A_629 : vector<16xf32>
        %add3A_947 = arith.constant 7 : i32
        %add3A_948 = arith.addi %mul3A_667, %add3A_947 : i32
        %get3A_949 = arith.index_cast %add3A_948 : i32 to index
        %get3A_950 = arith.constant 48 : index
        %get3A_951 = tpu.vector_load %arg9[%get3A_949, %get3A_950] {strides = array<i32>} : memref<128x128xf32, #tpu.memory_space<vmem>>, vector<16xf32>,
        %mul3A_952 = arith.constant 8.000000e+00 : f32
        %mul3A_953 = vector.broadcast %mul3A_952 : f32 to vector<16xf32>
        %mul3A_954 = arith.mulf %get3A_951, %mul3A_953 : vector<16xf32>
        %add3A_955 = arith.addf %mul3A_954, %get3A_632 : vector<16xf32>
        %add3A_956 = arith.constant 0 : i32
        %add3A_957 = arith.addi %mul3A_667, %add3A_956 : i32
        %broadcast_in_dim3A = vector.broadcast %add3A_957 : i32 to vector<16xi32>
        tpu.vector_store_idx %arg11[%select_n3A, %select_n3A_153, %broadcast_in_dim3A], %add3A_676 : memref<8x8x129xf32, #tpu.memory_space<vmem>>[vector<16xi32>, vector<16xi32>, vector<16xi32>], vector<16xf32>,
        tpu.vector_store_idx %arg11[%select_n3A_71, %select_n3A_175, %broadcast_in_dim3A], %add3A_685 : memref<8x8x129xf32, #tpu.memory_space<vmem>>[vector<16xi32>, vector<16xi32>, vector<16xi32>], vector<16xf32>,
        tpu.vector_store_idx %arg11[%select_n3A_102, %select_n3A_197, %broadcast_in_dim3A], %add3A_694 : memref<8x8x129xf32, #tpu.memory_space<vmem>>[vector<16xi32>, vector<16xi32>, vector<16xi32>], vector<16xf32>,
        tpu.vector_store_idx %arg11[%select_n3A_133, %select_n3A_219, %broadcast_in_dim3A], %add3A_703 : memref<8x8x129xf32, #tpu.memory_space<vmem>>[vector<16xi32>, vector<16xi32>, vector<16xi32>], vector<16xf32>,
        %add3A_958 = arith.constant 1 : i32
        %add3A_959 = arith.addi %mul3A_667, %add3A_958 : i32
        %broadcast_in_dim3A_960 = vector.broadcast %add3A_959 : i32 to vector<16xi32>
        tpu.vector_store_idx %arg11[%select_n3A, %select_n3A_153, %broadcast_in_dim3A_960], %add3A_712 : memref<8x8x129xf32, #tpu.memory_space<vmem>>[vector<16xi32>, vector<16xi32>, vector<16xi32>], vector<16xf32>,
        tpu.vector_store_idx %arg11[%select_n3A_71, %select_n3A_175, %broadcast_in_dim3A_960], %add3A_721 : memref<8x8x129xf32, #tpu.memory_space<vmem>>[vector<16xi32>, vector<16xi32>, vector<16xi32>], vector<16xf32>,
        tpu.vector_store_idx %arg11[%select_n3A_102, %select_n3A_197, %broadcast_in_dim3A_960], %add3A_730 : memref<8x8x129xf32, #tpu.memory_space<vmem>>[vector<16xi32>, vector<16xi32>, vector<16xi32>], vector<16xf32>,
        tpu.vector_store_idx %arg11[%select_n3A_133, %select_n3A_219, %broadcast_in_dim3A_960], %add3A_739 : memref<8x8x129xf32, #tpu.memory_space<vmem>>[vector<16xi32>, vector<16xi32>, vector<16xi32>], vector<16xf32>,
        %add3A_961 = arith.constant 2 : i32
        %add3A_962 = arith.addi %mul3A_667, %add3A_961 : i32
        %broadcast_in_dim3A_963 = vector.broadcast %add3A_962 : i32 to vector<16xi32>
        tpu.vector_store_idx %arg11[%select_n3A, %select_n3A_153, %broadcast_in_dim3A_963], %add3A_748 : memref<8x8x129xf32, #tpu.memory_space<vmem>>[vector<16xi32>, vector<16xi32>, vector<16xi32>], vector<16xf32>,
        tpu.vector_store_idx %arg11[%select_n3A_71, %select_n3A_175, %broadcast_in_dim3A_963], %add3A_757 : memref<8x8x129xf32, #tpu.memory_space<vmem>>[vector<16xi32>, vector<16xi32>, vector<16xi32>], vector<16xf32>,
        tpu.vector_store_idx %arg11[%select_n3A_102, %select_n3A_197, %broadcast_in_dim3A_963], %add3A_766 : memref<8x8x129xf32, #tpu.memory_space<vmem>>[vector<16xi32>, vector<16xi32>, vector<16xi32>], vector<16xf32>,
        tpu.vector_store_idx %arg11[%select_n3A_133, %select_n3A_219, %broadcast_in_dim3A_963], %add3A_775 : memref<8x8x129xf32, #tpu.memory_space<vmem>>[vector<16xi32>, vector<16xi32>, vector<16xi32>], vector<16xf32>,
        %add3A_964 = arith.constant 3 : i32
        %add3A_965 = arith.addi %mul3A_667, %add3A_964 : i32
        %broadcast_in_dim3A_966 = vector.broadcast %add3A_965 : i32 to vector<16xi32>
        tpu.vector_store_idx %arg11[%select_n3A, %select_n3A_153, %broadcast_in_dim3A_966], %add3A_784 : memref<8x8x129xf32, #tpu.memory_space<vmem>>[vector<16xi32>, vector<16xi32>, vector<16xi32>], vector<16xf32>,
        tpu.vector_store_idx %arg11[%select_n3A_71, %select_n3A_175, %broadcast_in_dim3A_966], %add3A_793 : memref<8x8x129xf32, #tpu.memory_space<vmem>>[vector<16xi32>, vector<16xi32>, vector<16xi32>], vector<16xf32>,
        tpu.vector_store_idx %arg11[%select_n3A_102, %select_n3A_197, %broadcast_in_dim3A_966], %add3A_802 : memref<8x8x129xf32, #tpu.memory_space<vmem>>[vector<16xi32>, vector<16xi32>, vector<16xi32>], vector<16xf32>,
        tpu.vector_store_idx %arg11[%select_n3A_133, %select_n3A_219, %broadcast_in_dim3A_966], %add3A_811 : memref<8x8x129xf32, #tpu.memory_space<vmem>>[vector<16xi32>, vector<16xi32>, vector<16xi32>], vector<16xf32>,
        %add3A_967 = arith.constant 4 : i32
        %add3A_968 = arith.addi %mul3A_667, %add3A_967 : i32
        %broadcast_in_dim3A_969 = vector.broadcast %add3A_968 : i32 to vector<16xi32>
        tpu.vector_store_idx %arg11[%select_n3A, %select_n3A_153, %broadcast_in_dim3A_969], %add3A_820 : memref<8x8x129xf32, #tpu.memory_space<vmem>>[vector<16xi32>, vector<16xi32>, vector<16xi32>], vector<16xf32>,
        tpu.vector_store_idx %arg11[%select_n3A_71, %select_n3A_175, %broadcast_in_dim3A_969], %add3A_829 : memref<8x8x129xf32, #tpu.memory_space<vmem>>[vector<16xi32>, vector<16xi32>, vector<16xi32>], vector<16xf32>,
        tpu.vector_store_idx %arg11[%select_n3A_102, %select_n3A_197, %broadcast_in_dim3A_969], %add3A_838 : memref<8x8x129xf32, #tpu.memory_space<vmem>>[vector<16xi32>, vector<16xi32>, vector<16xi32>], vector<16xf32>,
        tpu.vector_store_idx %arg11[%select_n3A_133, %select_n3A_219, %broadcast_in_dim3A_969], %add3A_847 : memref<8x8x129xf32, #tpu.memory_space<vmem>>[vector<16xi32>, vector<16xi32>, vector<16xi32>], vector<16xf32>,
        %add3A_970 = arith.constant 5 : i32
        %add3A_971 = arith.addi %mul3A_667, %add3A_970 : i32
        %broadcast_in_dim3A_972 = vector.broadcast %add3A_971 : i32 to vector<16xi32>
        tpu.vector_store_idx %arg11[%select_n3A, %select_n3A_153, %broadcast_in_dim3A_972], %add3A_856 : memref<8x8x129xf32, #tpu.memory_space<vmem>>[vector<16xi32>, vector<16xi32>, vector<16xi32>], vector<16xf32>,
        tpu.vector_store_idx %arg11[%select_n3A_71, %select_n3A_175, %broadcast_in_dim3A_972], %add3A_865 : memref<8x8x129xf32, #tpu.memory_space<vmem>>[vector<16xi32>, vector<16xi32>, vector<16xi32>], vector<16xf32>,
        tpu.vector_store_idx %arg11[%select_n3A_102, %select_n3A_197, %broadcast_in_dim3A_972], %add3A_874 : memref<8x8x129xf32, #tpu.memory_space<vmem>>[vector<16xi32>, vector<16xi32>, vector<16xi32>], vector<16xf32>,
        tpu.vector_store_idx %arg11[%select_n3A_133, %select_n3A_219, %broadcast_in_dim3A_972], %add3A_883 : memref<8x8x129xf32, #tpu.memory_space<vmem>>[vector<16xi32>, vector<16xi32>, vector<16xi32>], vector<16xf32>,
        %add3A_973 = arith.constant 6 : i32
        %add3A_974 = arith.addi %mul3A_667, %add3A_973 : i32
        %broadcast_in_dim3A_975 = vector.broadcast %add3A_974 : i32 to vector<16xi32>
        tpu.vector_store_idx %arg11[%select_n3A, %select_n3A_153, %broadcast_in_dim3A_975], %add3A_892 : memref<8x8x129xf32, #tpu.memory_space<vmem>>[vector<16xi32>, vector<16xi32>, vector<16xi32>], vector<16xf32>,
        tpu.vector_store_idx %arg11[%select_n3A_71, %select_n3A_175, %broadcast_in_dim3A_975], %add3A_901 : memref<8x8x129xf32, #tpu.memory_space<vmem>>[vector<16xi32>, vector<16xi32>, vector<16xi32>], vector<16xf32>,
        tpu.vector_store_idx %arg11[%select_n3A_102, %select_n3A_197, %broadcast_in_dim3A_975], %add3A_910 : memref<8x8x129xf32, #tpu.memory_space<vmem>>[vector<16xi32>, vector<16xi32>, vector<16xi32>], vector<16xf32>,
        tpu.vector_store_idx %arg11[%select_n3A_133, %select_n3A_219, %broadcast_in_dim3A_975], %add3A_919 : memref<8x8x129xf32, #tpu.memory_space<vmem>>[vector<16xi32>, vector<16xi32>, vector<16xi32>], vector<16xf32>,
        %add3A_976 = arith.constant 7 : i32
        %add3A_977 = arith.addi %mul3A_667, %add3A_976 : i32
        %broadcast_in_dim3A_978 = vector.broadcast %add3A_977 : i32 to vector<16xi32>
        tpu.vector_store_idx %arg11[%select_n3A, %select_n3A_153, %broadcast_in_dim3A_978], %add3A_928 : memref<8x8x129xf32, #tpu.memory_space<vmem>>[vector<16xi32>, vector<16xi32>, vector<16xi32>], vector<16xf32>,
        tpu.vector_store_idx %arg11[%select_n3A_71, %select_n3A_175, %broadcast_in_dim3A_978], %add3A_937 : memref<8x8x129xf32, #tpu.memory_space<vmem>>[vector<16xi32>, vector<16xi32>, vector<16xi32>], vector<16xf32>,
        tpu.vector_store_idx %arg11[%select_n3A_102, %select_n3A_197, %broadcast_in_dim3A_978], %add3A_946 : memref<8x8x129xf32, #tpu.memory_space<vmem>>[vector<16xi32>, vector<16xi32>, vector<16xi32>], vector<16xf32>,
        tpu.vector_store_idx %arg11[%select_n3A_133, %select_n3A_219, %broadcast_in_dim3A_978], %add3A_955 : memref<8x8x129xf32, #tpu.memory_space<vmem>>[vector<16xi32>, vector<16xi32>, vector<16xi32>], vector<16xf32>,
      }
      %scan3A_638 = arith.constant 16 : i32
      %add3A_639 = arith.constant 2 : i32
      %add3A_640 = arith.addi %add3A_594, %add3A_639 : i32
      %dma_start3A_641 = arith.constant 0 : i32
      %dma_start3A_642 = tpu.memref_slice %arg6[%add3A_640, %dma_start3A_641] : memref<200x128xi32, #tpu.memory_space<vmem>> -> memref<1x128xi32, #tpu.memory_space<vmem>>
      %dma_start3A_643 = tpu.memref_squeeze %dma_start3A_642 : memref<1x128xi32, #tpu.memory_space<vmem>> -> memref<128xi32, #tpu.memory_space<vmem>>
      %dma_start3A_644 = arith.constant 0 : i32
      %dma_start3A_645 = arith.constant 0 : i32
      %dma_start3A_646 = tpu.memref_slice %arg3[%dma_start3A_644, %dma_start3A_645] : memref<1000000x128xf32, #tpu.memory_space<hbm>> -> memref<1000000x128xf32, #tpu.memory_space<hbm>>
      tpu.enqueue_indirect_dma source(%dma_start3A_646 : memref<1000000x128xf32, #tpu.memory_space<hbm>>) target(%arg9 : memref<128x128xf32, #tpu.memory_space<vmem>>) offsets(%dma_start3A_643 : memref<128xi32, #tpu.memory_space<vmem>>) semaphore(%arg13 : memref<!tpu.dma_semaphore, #tpu.memory_space<semaphore_mem>>)
      %dma_start3A_647 = arith.constant 0 : i32
      %dma_start3A_648 = arith.constant 0 : i32
      %dma_start3A_649 = arith.constant 0 : i32
      %dma_start3A_650 = tpu.memref_slice %arg11[%dma_start3A_647, %dma_start3A_648, %dma_start3A_649] : memref<8x8x129xf32, #tpu.memory_space<vmem>> -> memref<8x8x128xf32, #tpu.memory_space<vmem>>
      %dma_start3A_651 = arith.constant 0 : i32
      %dma_start3A_652 = arith.constant 0 : i32
      %dma_start3A_653 = arith.constant 0 : i32
      %dma_start3A_654 = tpu.memref_slice %arg5[%add3A_594, %dma_start3A_651, %add3A, %dma_start3A_652, %dma_start3A_653] : memref<200x8x32x8x128xf32, #tpu.memory_space<hbm>> -> memref<1x8x1x8x128xf32, #tpu.memory_space<hbm>>
      %dma_start3A_655 = tpu.memref_squeeze %dma_start3A_654 : memref<1x8x1x8x128xf32, #tpu.memory_space<hbm>> -> memref<8x8x128xf32, #tpu.memory_space<hbm>>
      %dma_start3A_656 = arith.constant 0 : i32
      %dma_start3A_657 = arith.constant 0 : i32
      %dma_start3A_658 = arith.constant 0 : i32
      %dma_start3A_659 = tpu.memref_slice %arg5[%add3A_594, %dma_start3A_656, %add3A, %dma_start3A_657, %dma_start3A_658] : memref<200x8x32x8x128xf32, #tpu.memory_space<hbm>> -> memref<1x8x1x8x128xf32, #tpu.memory_space<hbm>>
      %dma_start3A_660 = tpu.memref_squeeze %dma_start3A_659 : memref<1x8x1x8x128xf32, #tpu.memory_space<hbm>> -> memref<8x8x128xf32, #tpu.memory_space<hbm>>
      %dma_start3A_661 = arith.constant 0 : i32
      %dma_start3A_662 = arith.constant 0 : i32
      %dma_start3A_663 = arith.constant 0 : i32
      %dma_start3A_664 = tpu.memref_slice %arg11[%dma_start3A_661, %dma_start3A_662, %dma_start3A_663] : memref<8x8x129xf32, #tpu.memory_space<vmem>> -> memref<8x8x128xf32, #tpu.memory_space<vmem>>
      tpu.enqueue_dma source(%dma_start3A_664 : memref<8x8x128xf32, #tpu.memory_space<vmem>>) target(%dma_start3A_660 : memref<8x8x128xf32, #tpu.memory_space<hbm>>) target_semaphore(%arg15 : memref<!tpu.dma_semaphore, #tpu.memory_space<semaphore_mem>>)
    }
    %scan3A_345 = arith.constant 98 : i32
    %dma_wait3A_346 = arith.constant 196 : i32
    %dma_wait3A_347 = arith.constant 0 : i32
    %dma_wait3A_348 = arith.constant 0 : i32
    %dma_wait3A_349 = arith.constant 0 : i32
    %dma_wait3A_350 = tpu.memref_slice %arg10[%dma_wait3A_347, %dma_wait3A_348, %dma_wait3A_349] : memref<8x8x129xf32, #tpu.memory_space<vmem>> -> memref<8x8x128xf32, #tpu.memory_space<vmem>>
    %dma_wait3A_351 = arith.constant 0 : i32
    %dma_wait3A_352 = arith.constant 0 : i32
    %dma_wait3A_353 = arith.constant 0 : i32
    %dma_wait3A_354 = tpu.memref_slice %arg5[%dma_wait3A_346, %dma_wait3A_351, %add3A, %dma_wait3A_352, %dma_wait3A_353] : memref<200x8x32x8x128xf32, #tpu.memory_space<hbm>> -> memref<1x8x1x8x128xf32, #tpu.memory_space<hbm>>
    %dma_wait3A_355 = tpu.memref_squeeze %dma_wait3A_354 : memref<1x8x1x8x128xf32, #tpu.memory_space<hbm>> -> memref<8x8x128xf32, #tpu.memory_space<hbm>>
    %dma_wait3A_356 = arith.constant 0 : i32
    %dma_wait3A_357 = arith.constant 0 : i32
    %dma_wait3A_358 = arith.constant 0 : i32
    %dma_wait3A_359 = tpu.memref_slice %arg5[%dma_wait3A_346, %dma_wait3A_356, %add3A, %dma_wait3A_357, %dma_wait3A_358] : memref<200x8x32x8x128xf32, #tpu.memory_space<hbm>> -> memref<1x8x1x8x128xf32, #tpu.memory_space<hbm>>
    %dma_wait3A_360 = tpu.memref_squeeze %dma_wait3A_359 : memref<1x8x1x8x128xf32, #tpu.memory_space<hbm>> -> memref<8x8x128xf32, #tpu.memory_space<hbm>>
    %dma_wait3A_361 = arith.constant 0 : i32
    %dma_wait3A_362 = arith.constant 0 : i32
    %dma_wait3A_363 = arith.constant 0 : i32
    %dma_wait3A_364 = tpu.memref_slice %arg10[%dma_wait3A_361, %dma_wait3A_362, %dma_wait3A_363] : memref<8x8x129xf32, #tpu.memory_space<vmem>> -> memref<8x8x128xf32, #tpu.memory_space<vmem>>
    tpu.wait_dma2 semaphore(%arg14 : memref<!tpu.dma_semaphore, #tpu.memory_space<semaphore_mem>>) src(%dma_wait3A_364 : memref<8x8x128xf32, #tpu.memory_space<vmem>>) dst(%dma_wait3A_360 : memref<8x8x128xf32, #tpu.memory_space<hbm>>)
    %dma_wait3A_365 = arith.constant 198 : i32
    %dma_wait3A_366 = arith.constant 0 : i32
    %dma_wait3A_367 = tpu.memref_slice %arg6[%dma_wait3A_365, %dma_wait3A_366] : memref<200x128xi32, #tpu.memory_space<vmem>> -> memref<1x128xi32, #tpu.memory_space<vmem>>
    %dma_wait3A_368 = tpu.memref_squeeze %dma_wait3A_367 : memref<1x128xi32, #tpu.memory_space<vmem>> -> memref<128xi32, #tpu.memory_space<vmem>>
    %dma_wait3A_369 = arith.constant 0 : i32
    %dma_wait3A_370 = arith.constant 0 : i32
    %dma_wait3A_371 = tpu.memref_slice %arg3[%dma_wait3A_369, %dma_wait3A_370] : memref<1000000x128xf32, #tpu.memory_space<hbm>> -> memref<1000000x128xf32, #tpu.memory_space<hbm>>
    tpu.wait_indirect_dma semaphore(%arg12 : memref<!tpu.dma_semaphore, #tpu.memory_space<semaphore_mem>>) src(%dma_wait3A_371 : memref<1000000x128xf32, #tpu.memory_space<hbm>>) dst(%arg8 : memref<128x128xf32, #tpu.memory_space<vmem>>)
    %get3A_372 = arith.constant 198 : i32
    %get3A_373 = arith.index_cast %get3A_372 : i32 to index
    %get3A_374 = arith.constant 0 : index
    %get3A_375 = tpu.vector_load %arg7[%get3A_373, %get3A_374] {strides = array<i32>} : memref<200x64xf32, #tpu.memory_space<vmem>>, vector<16xf32>,
    %get3A_376 = arith.constant 198 : i32
    %get3A_377 = arith.index_cast %get3A_376 : i32 to index
    %get3A_378 = arith.constant 16 : index
    %get3A_379 = tpu.vector_load %arg7[%get3A_377, %get3A_378] {strides = array<i32>} : memref<200x64xf32, #tpu.memory_space<vmem>>, vector<16xf32>,
    %get3A_380 = arith.constant 198 : i32
    %get3A_381 = arith.index_cast %get3A_380 : i32 to index
    %get3A_382 = arith.constant 32 : index
    %get3A_383 = tpu.vector_load %arg7[%get3A_381, %get3A_382] {strides = array<i32>} : memref<200x64xf32, #tpu.memory_space<vmem>>, vector<16xf32>,
    %get3A_384 = arith.constant 198 : i32
    %get3A_385 = arith.index_cast %get3A_384 : i32 to index
    %get3A_386 = arith.constant 48 : index
    %get3A_387 = tpu.vector_load %arg7[%get3A_385, %get3A_386] {strides = array<i32>} : memref<200x64xf32, #tpu.memory_space<vmem>>, vector<16xf32>,
    %scan3A_388 = arith.constant 0 : i32
    %scan3A_389 = arith.constant 0 : i32
    %scan3A_390 = arith.constant 16 : i32
    %scan3A_391 = arith.addi %scan3A_389, %scan3A_390 : i32
    %scan3A_392 = arith.constant 1 : i32
    scf.for %scan3A_518 = %scan3A_389 to %scan3A_391 step %scan3A_392  : i32 {
      %mul3A_519 = arith.constant 8 : i32
      %mul3A_520 = arith.muli %scan3A_518, %mul3A_519 : i32
      %add3A_521 = arith.constant 0 : i32
      %add3A_522 = arith.addi %mul3A_520, %add3A_521 : i32
      %get3A_523 = arith.index_cast %add3A_522 : i32 to index
      %get3A_524 = arith.constant 0 : index
      %get3A_525 = tpu.vector_load %arg8[%get3A_523, %get3A_524] {strides = array<i32>} : memref<128x128xf32, #tpu.memory_space<vmem>>, vector<16xf32>,
      %mul3A_526 = arith.constant 8.000000e+00 : f32
      %mul3A_527 = vector.broadcast %mul3A_526 : f32 to vector<16xf32>
      %mul3A_528 = arith.mulf %get3A_525, %mul3A_527 : vector<16xf32>
      %add3A_529 = arith.addf %mul3A_528, %get3A_375 : vector<16xf32>
      %add3A_530 = arith.constant 0 : i32
      %add3A_531 = arith.addi %mul3A_520, %add3A_530 : i32
      %get3A_532 = arith.index_cast %add3A_531 : i32 to index
      %get3A_533 = arith.constant 16 : index
      %get3A_534 = tpu.vector_load %arg8[%get3A_532, %get3A_533] {strides = array<i32>} : memref<128x128xf32, #tpu.memory_space<vmem>>, vector<16xf32>,
      %mul3A_535 = arith.constant 8.000000e+00 : f32
      %mul3A_536 = vector.broadcast %mul3A_535 : f32 to vector<16xf32>
      %mul3A_537 = arith.mulf %get3A_534, %mul3A_536 : vector<16xf32>
      %add3A_538 = arith.addf %mul3A_537, %get3A_379 : vector<16xf32>
      %add3A_539 = arith.constant 0 : i32
      %add3A_540 = arith.addi %mul3A_520, %add3A_539 : i32
      %get3A_541 = arith.index_cast %add3A_540 : i32 to index
      %get3A_542 = arith.constant 32 : index
      %get3A_543 = tpu.vector_load %arg8[%get3A_541, %get3A_542] {strides = array<i32>} : memref<128x128xf32, #tpu.memory_space<vmem>>, vector<16xf32>,
      %mul3A_544 = arith.constant 8.000000e+00 : f32
      %mul3A_545 = vector.broadcast %mul3A_544 : f32 to vector<16xf32>
      %mul3A_546 = arith.mulf %get3A_543, %mul3A_545 : vector<16xf32>
      %add3A_547 = arith.addf %mul3A_546, %get3A_383 : vector<16xf32>
      %add3A_548 = arith.constant 0 : i32
      %add3A_549 = arith.addi %mul3A_520, %add3A_548 : i32
      %get3A_550 = arith.index_cast %add3A_549 : i32 to index
      %get3A_551 = arith.constant 48 : index
      %get3A_552 = tpu.vector_load %arg8[%get3A_550, %get3A_551] {strides = array<i32>} : memref<128x128xf32, #tpu.memory_space<vmem>>, vector<16xf32>,
      %mul3A_553 = arith.constant 8.000000e+00 : f32
      %mul3A_554 = vector.broadcast %mul3A_553 : f32 to vector<16xf32>
      %mul3A_555 = arith.mulf %get3A_552, %mul3A_554 : vector<16xf32>
      %add3A_556 = arith.addf %mul3A_555, %get3A_387 : vector<16xf32>
      %add3A_557 = arith.constant 1 : i32
      %add3A_558 = arith.addi %mul3A_520, %add3A_557 : i32
      %get3A_559 = arith.index_cast %add3A_558 : i32 to index
      %get3A_560 = arith.constant 0 : index
      %get3A_561 = tpu.vector_load %arg8[%get3A_559, %get3A_560] {strides = array<i32>} : memref<128x128xf32, #tpu.memory_space<vmem>>, vector<16xf32>,
      %mul3A_562 = arith.constant 8.000000e+00 : f32
      %mul3A_563 = vector.broadcast %mul3A_562 : f32 to vector<16xf32>
      %mul3A_564 = arith.mulf %get3A_561, %mul3A_563 : vector<16xf32>
      %add3A_565 = arith.addf %mul3A_564, %get3A_375 : vector<16xf32>
      %add3A_566 = arith.constant 1 : i32
      %add3A_567 = arith.addi %mul3A_520, %add3A_566 : i32
      %get3A_568 = arith.index_cast %add3A_567 : i32 to index
      %get3A_569 = arith.constant 16 : index
      %get3A_570 = tpu.vector_load %arg8[%get3A_568, %get3A_569] {strides = array<i32>} : memref<128x128xf32, #tpu.memory_space<vmem>>, vector<16xf32>,
      %mul3A_571 = arith.constant 8.000000e+00 : f32
      %mul3A_572 = vector.broadcast %mul3A_571 : f32 to vector<16xf32>
      %mul3A_573 = arith.mulf %get3A_570, %mul3A_572 : vector<16xf32>
      %add3A_574 = arith.addf %mul3A_573, %get3A_379 : vector<16xf32>
      %add3A_575 = arith.constant 1 : i32
      %add3A_576 = arith.addi %mul3A_520, %add3A_575 : i32
      %get3A_577 = arith.index_cast %add3A_576 : i32 to index
      %get3A_578 = arith.constant 32 : index
      %get3A_579 = tpu.vector_load %arg8[%get3A_577, %get3A_578] {strides = array<i32>} : memref<128x128xf32, #tpu.memory_space<vmem>>, vector<16xf32>,
      %mul3A_580 = arith.constant 8.000000e+00 : f32
      %mul3A_581 = vector.broadcast %mul3A_580 : f32 to vector<16xf32>
      %mul3A_582 = arith.mulf %get3A_579, %mul3A_581 : vector<16xf32>
      %add3A_583 = arith.addf %mul3A_582, %get3A_383 : vector<16xf32>
      %add3A_584 = arith.constant 1 : i32
      %add3A_585 = arith.addi %mul3A_520, %add3A_584 : i32
      %get3A_586 = arith.index_cast %add3A_585 : i32 to index
      %get3A_587 = arith.constant 48 : index
      %get3A_588 = tpu.vector_load %arg8[%get3A_586, %get3A_587] {strides = array<i32>} : memref<128x128xf32, #tpu.memory_space<vmem>>, vector<16xf32>,
      %mul3A_589 = arith.constant 8.000000e+00 : f32
      %mul3A_590 = vector.broadcast %mul3A_589 : f32 to vector<16xf32>
      %mul3A_591 = arith.mulf %get3A_588, %mul3A_590 : vector<16xf32>
      %add3A_592 = arith.addf %mul3A_591, %get3A_387 : vector<16xf32>
      %add3A_593 = arith.constant 2 : i32
      %add3A_594 = arith.addi %mul3A_520, %add3A_593 : i32
      %get3A_595 = arith.index_cast %add3A_594 : i32 to index
      %get3A_596 = arith.constant 0 : index
      %get3A_597 = tpu.vector_load %arg8[%get3A_595, %get3A_596] {strides = array<i32>} : memref<128x128xf32, #tpu.memory_space<vmem>>, vector<16xf32>,
      %mul3A_598 = arith.constant 8.000000e+00 : f32
      %mul3A_599 = vector.broadcast %mul3A_598 : f32 to vector<16xf32>
      %mul3A_600 = arith.mulf %get3A_597, %mul3A_599 : vector<16xf32>
      %add3A_601 = arith.addf %mul3A_600, %get3A_375 : vector<16xf32>
      %add3A_602 = arith.constant 2 : i32
      %add3A_603 = arith.addi %mul3A_520, %add3A_602 : i32
      %get3A_604 = arith.index_cast %add3A_603 : i32 to index
      %get3A_605 = arith.constant 16 : index
      %get3A_606 = tpu.vector_load %arg8[%get3A_604, %get3A_605] {strides = array<i32>} : memref<128x128xf32, #tpu.memory_space<vmem>>, vector<16xf32>,
      %mul3A_607 = arith.constant 8.000000e+00 : f32
      %mul3A_608 = vector.broadcast %mul3A_607 : f32 to vector<16xf32>
      %mul3A_609 = arith.mulf %get3A_606, %mul3A_608 : vector<16xf32>
      %add3A_610 = arith.addf %mul3A_609, %get3A_379 : vector<16xf32>
      %add3A_611 = arith.constant 2 : i32
      %add3A_612 = arith.addi %mul3A_520, %add3A_611 : i32
      %get3A_613 = arith.index_cast %add3A_612 : i32 to index
      %get3A_614 = arith.constant 32 : index
      %get3A_615 = tpu.vector_load %arg8[%get3A_613, %get3A_614] {strides = array<i32>} : memref<128x128xf32, #tpu.memory_space<vmem>>, vector<16xf32>,
      %mul3A_616 = arith.constant 8.000000e+00 : f32
      %mul3A_617 = vector.broadcast %mul3A_616 : f32 to vector<16xf32>
      %mul3A_618 = arith.mulf %get3A_615, %mul3A_617 : vector<16xf32>
      %add3A_619 = arith.addf %mul3A_618, %get3A_383 : vector<16xf32>
      %add3A_620 = arith.constant 2 : i32
      %add3A_621 = arith.addi %mul3A_520, %add3A_620 : i32
      %get3A_622 = arith.index_cast %add3A_621 : i32 to index
      %get3A_623 = arith.constant 48 : index
      %get3A_624 = tpu.vector_load %arg8[%get3A_622, %get3A_623] {strides = array<i32>} : memref<128x128xf32, #tpu.memory_space<vmem>>, vector<16xf32>,
      %mul3A_625 = arith.constant 8.000000e+00 : f32
      %mul3A_626 = vector.broadcast %mul3A_625 : f32 to vector<16xf32>
      %mul3A_627 = arith.mulf %get3A_624, %mul3A_626 : vector<16xf32>
      %add3A_628 = arith.addf %mul3A_627, %get3A_387 : vector<16xf32>
      %add3A_629 = arith.constant 3 : i32
      %add3A_630 = arith.addi %mul3A_520, %add3A_629 : i32
      %get3A_631 = arith.index_cast %add3A_630 : i32 to index
      %get3A_632 = arith.constant 0 : index
      %get3A_633 = tpu.vector_load %arg8[%get3A_631, %get3A_632] {strides = array<i32>} : memref<128x128xf32, #tpu.memory_space<vmem>>, vector<16xf32>,
      %mul3A_634 = arith.constant 8.000000e+00 : f32
      %mul3A_635 = vector.broadcast %mul3A_634 : f32 to vector<16xf32>
      %mul3A_636 = arith.mulf %get3A_633, %mul3A_635 : vector<16xf32>
      %add3A_637 = arith.addf %mul3A_636, %get3A_375 : vector<16xf32>
      %add3A_638 = arith.constant 3 : i32
      %add3A_639 = arith.addi %mul3A_520, %add3A_638 : i32
      %get3A_640 = arith.index_cast %add3A_639 : i32 to index
      %get3A_641 = arith.constant 16 : index
      %get3A_642 = tpu.vector_load %arg8[%get3A_640, %get3A_641] {strides = array<i32>} : memref<128x128xf32, #tpu.memory_space<vmem>>, vector<16xf32>,
      %mul3A_643 = arith.constant 8.000000e+00 : f32
      %mul3A_644 = vector.broadcast %mul3A_643 : f32 to vector<16xf32>
      %mul3A_645 = arith.mulf %get3A_642, %mul3A_644 : vector<16xf32>
      %add3A_646 = arith.addf %mul3A_645, %get3A_379 : vector<16xf32>
      %add3A_647 = arith.constant 3 : i32
      %add3A_648 = arith.addi %mul3A_520, %add3A_647 : i32
      %get3A_649 = arith.index_cast %add3A_648 : i32 to index
      %get3A_650 = arith.constant 32 : index
      %get3A_651 = tpu.vector_load %arg8[%get3A_649, %get3A_650] {strides = array<i32>} : memref<128x128xf32, #tpu.memory_space<vmem>>, vector<16xf32>,
      %mul3A_652 = arith.constant 8.000000e+00 : f32
      %mul3A_653 = vector.broadcast %mul3A_652 : f32 to vector<16xf32>
      %mul3A_654 = arith.mulf %get3A_651, %mul3A_653 : vector<16xf32>
      %add3A_655 = arith.addf %mul3A_654, %get3A_383 : vector<16xf32>
      %add3A_656 = arith.constant 3 : i32
      %add3A_657 = arith.addi %mul3A_520, %add3A_656 : i32
      %get3A_658 = arith.index_cast %add3A_657 : i32 to index
      %get3A_659 = arith.constant 48 : index
      %get3A_660 = tpu.vector_load %arg8[%get3A_658, %get3A_659] {strides = array<i32>} : memref<128x128xf32, #tpu.memory_space<vmem>>, vector<16xf32>,
      %mul3A_661 = arith.constant 8.000000e+00 : f32
      %mul3A_662 = vector.broadcast %mul3A_661 : f32 to vector<16xf32>
      %mul3A_663 = arith.mulf %get3A_660, %mul3A_662 : vector<16xf32>
      %add3A_664 = arith.addf %mul3A_663, %get3A_387 : vector<16xf32>
      %add3A_665 = arith.constant 4 : i32
      %add3A_666 = arith.addi %mul3A_520, %add3A_665 : i32
      %get3A_667 = arith.index_cast %add3A_666 : i32 to index
      %get3A_668 = arith.constant 0 : index
      %get3A_669 = tpu.vector_load %arg8[%get3A_667, %get3A_668] {strides = array<i32>} : memref<128x128xf32, #tpu.memory_space<vmem>>, vector<16xf32>,
      %mul3A_670 = arith.constant 8.000000e+00 : f32
      %mul3A_671 = vector.broadcast %mul3A_670 : f32 to vector<16xf32>
      %mul3A_672 = arith.mulf %get3A_669, %mul3A_671 : vector<16xf32>
      %add3A_673 = arith.addf %mul3A_672, %get3A_375 : vector<16xf32>
      %add3A_674 = arith.constant 4 : i32
      %add3A_675 = arith.addi %mul3A_520, %add3A_674 : i32
      %get3A_676 = arith.index_cast %add3A_675 : i32 to index
      %get3A_677 = arith.constant 16 : index
      %get3A_678 = tpu.vector_load %arg8[%get3A_676, %get3A_677] {strides = array<i32>} : memref<128x128xf32, #tpu.memory_space<vmem>>, vector<16xf32>,
      %mul3A_679 = arith.constant 8.000000e+00 : f32
      %mul3A_680 = vector.broadcast %mul3A_679 : f32 to vector<16xf32>
      %mul3A_681 = arith.mulf %get3A_678, %mul3A_680 : vector<16xf32>
      %add3A_682 = arith.addf %mul3A_681, %get3A_379 : vector<16xf32>
      %add3A_683 = arith.constant 4 : i32
      %add3A_684 = arith.addi %mul3A_520, %add3A_683 : i32
      %get3A_685 = arith.index_cast %add3A_684 : i32 to index
      %get3A_686 = arith.constant 32 : index
      %get3A_687 = tpu.vector_load %arg8[%get3A_685, %get3A_686] {strides = array<i32>} : memref<128x128xf32, #tpu.memory_space<vmem>>, vector<16xf32>,
      %mul3A_688 = arith.constant 8.000000e+00 : f32
      %mul3A_689 = vector.broadcast %mul3A_688 : f32 to vector<16xf32>
      %mul3A_690 = arith.mulf %get3A_687, %mul3A_689 : vector<16xf32>
      %add3A_691 = arith.addf %mul3A_690, %get3A_383 : vector<16xf32>
      %add3A_692 = arith.constant 4 : i32
      %add3A_693 = arith.addi %mul3A_520, %add3A_692 : i32
      %get3A_694 = arith.index_cast %add3A_693 : i32 to index
      %get3A_695 = arith.constant 48 : index
      %get3A_696 = tpu.vector_load %arg8[%get3A_694, %get3A_695] {strides = array<i32>} : memref<128x128xf32, #tpu.memory_space<vmem>>, vector<16xf32>,
      %mul3A_697 = arith.constant 8.000000e+00 : f32
      %mul3A_698 = vector.broadcast %mul3A_697 : f32 to vector<16xf32>
      %mul3A_699 = arith.mulf %get3A_696, %mul3A_698 : vector<16xf32>
      %add3A_700 = arith.addf %mul3A_699, %get3A_387 : vector<16xf32>
      %add3A_701 = arith.constant 5 : i32
      %add3A_702 = arith.addi %mul3A_520, %add3A_701 : i32
      %get3A_703 = arith.index_cast %add3A_702 : i32 to index
      %get3A_704 = arith.constant 0 : index
      %get3A_705 = tpu.vector_load %arg8[%get3A_703, %get3A_704] {strides = array<i32>} : memref<128x128xf32, #tpu.memory_space<vmem>>, vector<16xf32>,
      %mul3A_706 = arith.constant 8.000000e+00 : f32
      %mul3A_707 = vector.broadcast %mul3A_706 : f32 to vector<16xf32>
      %mul3A_708 = arith.mulf %get3A_705, %mul3A_707 : vector<16xf32>
      %add3A_709 = arith.addf %mul3A_708, %get3A_375 : vector<16xf32>
      %add3A_710 = arith.constant 5 : i32
      %add3A_711 = arith.addi %mul3A_520, %add3A_710 : i32
      %get3A_712 = arith.index_cast %add3A_711 : i32 to index
      %get3A_713 = arith.constant 16 : index
      %get3A_714 = tpu.vector_load %arg8[%get3A_712, %get3A_713] {strides = array<i32>} : memref<128x128xf32, #tpu.memory_space<vmem>>, vector<16xf32>,
      %mul3A_715 = arith.constant 8.000000e+00 : f32
      %mul3A_716 = vector.broadcast %mul3A_715 : f32 to vector<16xf32>
      %mul3A_717 = arith.mulf %get3A_714, %mul3A_716 : vector<16xf32>
      %add3A_718 = arith.addf %mul3A_717, %get3A_379 : vector<16xf32>
      %add3A_719 = arith.constant 5 : i32
      %add3A_720 = arith.addi %mul3A_520, %add3A_719 : i32
      %get3A_721 = arith.index_cast %add3A_720 : i32 to index
      %get3A_722 = arith.constant 32 : index
      %get3A_723 = tpu.vector_load %arg8[%get3A_721, %get3A_722] {strides = array<i32>} : memref<128x128xf32, #tpu.memory_space<vmem>>, vector<16xf32>,
      %mul3A_724 = arith.constant 8.000000e+00 : f32
      %mul3A_725 = vector.broadcast %mul3A_724 : f32 to vector<16xf32>
      %mul3A_726 = arith.mulf %get3A_723, %mul3A_725 : vector<16xf32>
      %add3A_727 = arith.addf %mul3A_726, %get3A_383 : vector<16xf32>
      %add3A_728 = arith.constant 5 : i32
      %add3A_729 = arith.addi %mul3A_520, %add3A_728 : i32
      %get3A_730 = arith.index_cast %add3A_729 : i32 to index
      %get3A_731 = arith.constant 48 : index
      %get3A_732 = tpu.vector_load %arg8[%get3A_730, %get3A_731] {strides = array<i32>} : memref<128x128xf32, #tpu.memory_space<vmem>>, vector<16xf32>,
      %mul3A_733 = arith.constant 8.000000e+00 : f32
      %mul3A_734 = vector.broadcast %mul3A_733 : f32 to vector<16xf32>
      %mul3A_735 = arith.mulf %get3A_732, %mul3A_734 : vector<16xf32>
      %add3A_736 = arith.addf %mul3A_735, %get3A_387 : vector<16xf32>
      %add3A_737 = arith.constant 6 : i32
      %add3A_738 = arith.addi %mul3A_520, %add3A_737 : i32
      %get3A_739 = arith.index_cast %add3A_738 : i32 to index
      %get3A_740 = arith.constant 0 : index
      %get3A_741 = tpu.vector_load %arg8[%get3A_739, %get3A_740] {strides = array<i32>} : memref<128x128xf32, #tpu.memory_space<vmem>>, vector<16xf32>,
      %mul3A_742 = arith.constant 8.000000e+00 : f32
      %mul3A_743 = vector.broadcast %mul3A_742 : f32 to vector<16xf32>
      %mul3A_744 = arith.mulf %get3A_741, %mul3A_743 : vector<16xf32>
      %add3A_745 = arith.addf %mul3A_744, %get3A_375 : vector<16xf32>
      %add3A_746 = arith.constant 6 : i32
      %add3A_747 = arith.addi %mul3A_520, %add3A_746 : i32
      %get3A_748 = arith.index_cast %add3A_747 : i32 to index
      %get3A_749 = arith.constant 16 : index
      %get3A_750 = tpu.vector_load %arg8[%get3A_748, %get3A_749] {strides = array<i32>} : memref<128x128xf32, #tpu.memory_space<vmem>>, vector<16xf32>,
      %mul3A_751 = arith.constant 8.000000e+00 : f32
      %mul3A_752 = vector.broadcast %mul3A_751 : f32 to vector<16xf32>
      %mul3A_753 = arith.mulf %get3A_750, %mul3A_752 : vector<16xf32>
      %add3A_754 = arith.addf %mul3A_753, %get3A_379 : vector<16xf32>
      %add3A_755 = arith.constant 6 : i32
      %add3A_756 = arith.addi %mul3A_520, %add3A_755 : i32
      %get3A_757 = arith.index_cast %add3A_756 : i32 to index
      %get3A_758 = arith.constant 32 : index
      %get3A_759 = tpu.vector_load %arg8[%get3A_757, %get3A_758] {strides = array<i32>} : memref<128x128xf32, #tpu.memory_space<vmem>>, vector<16xf32>,
      %mul3A_760 = arith.constant 8.000000e+00 : f32
      %mul3A_761 = vector.broadcast %mul3A_760 : f32 to vector<16xf32>
      %mul3A_762 = arith.mulf %get3A_759, %mul3A_761 : vector<16xf32>
      %add3A_763 = arith.addf %mul3A_762, %get3A_383 : vector<16xf32>
      %add3A_764 = arith.constant 6 : i32
      %add3A_765 = arith.addi %mul3A_520, %add3A_764 : i32
      %get3A_766 = arith.index_cast %add3A_765 : i32 to index
      %get3A_767 = arith.constant 48 : index
      %get3A_768 = tpu.vector_load %arg8[%get3A_766, %get3A_767] {strides = array<i32>} : memref<128x128xf32, #tpu.memory_space<vmem>>, vector<16xf32>,
      %mul3A_769 = arith.constant 8.000000e+00 : f32
      %mul3A_770 = vector.broadcast %mul3A_769 : f32 to vector<16xf32>
      %mul3A_771 = arith.mulf %get3A_768, %mul3A_770 : vector<16xf32>
      %add3A_772 = arith.addf %mul3A_771, %get3A_387 : vector<16xf32>
      %add3A_773 = arith.constant 7 : i32
      %add3A_774 = arith.addi %mul3A_520, %add3A_773 : i32
      %get3A_775 = arith.index_cast %add3A_774 : i32 to index
      %get3A_776 = arith.constant 0 : index
      %get3A_777 = tpu.vector_load %arg8[%get3A_775, %get3A_776] {strides = array<i32>} : memref<128x128xf32, #tpu.memory_space<vmem>>, vector<16xf32>,
      %mul3A_778 = arith.constant 8.000000e+00 : f32
      %mul3A_779 = vector.broadcast %mul3A_778 : f32 to vector<16xf32>
      %mul3A_780 = arith.mulf %get3A_777, %mul3A_779 : vector<16xf32>
      %add3A_781 = arith.addf %mul3A_780, %get3A_375 : vector<16xf32>
      %add3A_782 = arith.constant 7 : i32
      %add3A_783 = arith.addi %mul3A_520, %add3A_782 : i32
      %get3A_784 = arith.index_cast %add3A_783 : i32 to index
      %get3A_785 = arith.constant 16 : index
      %get3A_786 = tpu.vector_load %arg8[%get3A_784, %get3A_785] {strides = array<i32>} : memref<128x128xf32, #tpu.memory_space<vmem>>, vector<16xf32>,
      %mul3A_787 = arith.constant 8.000000e+00 : f32
      %mul3A_788 = vector.broadcast %mul3A_787 : f32 to vector<16xf32>
      %mul3A_789 = arith.mulf %get3A_786, %mul3A_788 : vector<16xf32>
      %add3A_790 = arith.addf %mul3A_789, %get3A_379 : vector<16xf32>
      %add3A_791 = arith.constant 7 : i32
      %add3A_792 = arith.addi %mul3A_520, %add3A_791 : i32
      %get3A_793 = arith.index_cast %add3A_792 : i32 to index
      %get3A_794 = arith.constant 32 : index
      %get3A_795 = tpu.vector_load %arg8[%get3A_793, %get3A_794] {strides = array<i32>} : memref<128x128xf32, #tpu.memory_space<vmem>>, vector<16xf32>,
      %mul3A_796 = arith.constant 8.000000e+00 : f32
      %mul3A_797 = vector.broadcast %mul3A_796 : f32 to vector<16xf32>
      %mul3A_798 = arith.mulf %get3A_795, %mul3A_797 : vector<16xf32>
      %add3A_799 = arith.addf %mul3A_798, %get3A_383 : vector<16xf32>
      %add3A_800 = arith.constant 7 : i32
      %add3A_801 = arith.addi %mul3A_520, %add3A_800 : i32
      %get3A_802 = arith.index_cast %add3A_801 : i32 to index
      %get3A_803 = arith.constant 48 : index
      %get3A_804 = tpu.vector_load %arg8[%get3A_802, %get3A_803] {strides = array<i32>} : memref<128x128xf32, #tpu.memory_space<vmem>>, vector<16xf32>,
      %mul3A_805 = arith.constant 8.000000e+00 : f32
      %mul3A_806 = vector.broadcast %mul3A_805 : f32 to vector<16xf32>
      %mul3A_807 = arith.mulf %get3A_804, %mul3A_806 : vector<16xf32>
      %add3A_808 = arith.addf %mul3A_807, %get3A_387 : vector<16xf32>
      %add3A_809 = arith.constant 0 : i32
      %add3A_810 = arith.addi %mul3A_520, %add3A_809 : i32
      %broadcast_in_dim3A = vector.broadcast %add3A_810 : i32 to vector<16xi32>
      tpu.vector_store_idx %arg10[%select_n3A, %select_n3A_153, %broadcast_in_dim3A], %add3A_529 : memref<8x8x129xf32, #tpu.memory_space<vmem>>[vector<16xi32>, vector<16xi32>, vector<16xi32>], vector<16xf32>,
      tpu.vector_store_idx %arg10[%select_n3A_71, %select_n3A_175, %broadcast_in_dim3A], %add3A_538 : memref<8x8x129xf32, #tpu.memory_space<vmem>>[vector<16xi32>, vector<16xi32>, vector<16xi32>], vector<16xf32>,
      tpu.vector_store_idx %arg10[%select_n3A_102, %select_n3A_197, %broadcast_in_dim3A], %add3A_547 : memref<8x8x129xf32, #tpu.memory_space<vmem>>[vector<16xi32>, vector<16xi32>, vector<16xi32>], vector<16xf32>,
      tpu.vector_store_idx %arg10[%select_n3A_133, %select_n3A_219, %broadcast_in_dim3A], %add3A_556 : memref<8x8x129xf32, #tpu.memory_space<vmem>>[vector<16xi32>, vector<16xi32>, vector<16xi32>], vector<16xf32>,
      %add3A_811 = arith.constant 1 : i32
      %add3A_812 = arith.addi %mul3A_520, %add3A_811 : i32
      %broadcast_in_dim3A_813 = vector.broadcast %add3A_812 : i32 to vector<16xi32>
      tpu.vector_store_idx %arg10[%select_n3A, %select_n3A_153, %broadcast_in_dim3A_813], %add3A_565 : memref<8x8x129xf32, #tpu.memory_space<vmem>>[vector<16xi32>, vector<16xi32>, vector<16xi32>], vector<16xf32>,
      tpu.vector_store_idx %arg10[%select_n3A_71, %select_n3A_175, %broadcast_in_dim3A_813], %add3A_574 : memref<8x8x129xf32, #tpu.memory_space<vmem>>[vector<16xi32>, vector<16xi32>, vector<16xi32>], vector<16xf32>,
      tpu.vector_store_idx %arg10[%select_n3A_102, %select_n3A_197, %broadcast_in_dim3A_813], %add3A_583 : memref<8x8x129xf32, #tpu.memory_space<vmem>>[vector<16xi32>, vector<16xi32>, vector<16xi32>], vector<16xf32>,
      tpu.vector_store_idx %arg10[%select_n3A_133, %select_n3A_219, %broadcast_in_dim3A_813], %add3A_592 : memref<8x8x129xf32, #tpu.memory_space<vmem>>[vector<16xi32>, vector<16xi32>, vector<16xi32>], vector<16xf32>,
      %add3A_814 = arith.constant 2 : i32
      %add3A_815 = arith.addi %mul3A_520, %add3A_814 : i32
      %broadcast_in_dim3A_816 = vector.broadcast %add3A_815 : i32 to vector<16xi32>
      tpu.vector_store_idx %arg10[%select_n3A, %select_n3A_153, %broadcast_in_dim3A_816], %add3A_601 : memref<8x8x129xf32, #tpu.memory_space<vmem>>[vector<16xi32>, vector<16xi32>, vector<16xi32>], vector<16xf32>,
      tpu.vector_store_idx %arg10[%select_n3A_71, %select_n3A_175, %broadcast_in_dim3A_816], %add3A_610 : memref<8x8x129xf32, #tpu.memory_space<vmem>>[vector<16xi32>, vector<16xi32>, vector<16xi32>], vector<16xf32>,
      tpu.vector_store_idx %arg10[%select_n3A_102, %select_n3A_197, %broadcast_in_dim3A_816], %add3A_619 : memref<8x8x129xf32, #tpu.memory_space<vmem>>[vector<16xi32>, vector<16xi32>, vector<16xi32>], vector<16xf32>,
      tpu.vector_store_idx %arg10[%select_n3A_133, %select_n3A_219, %broadcast_in_dim3A_816], %add3A_628 : memref<8x8x129xf32, #tpu.memory_space<vmem>>[vector<16xi32>, vector<16xi32>, vector<16xi32>], vector<16xf32>,
      %add3A_817 = arith.constant 3 : i32
      %add3A_818 = arith.addi %mul3A_520, %add3A_817 : i32
      %broadcast_in_dim3A_819 = vector.broadcast %add3A_818 : i32 to vector<16xi32>
      tpu.vector_store_idx %arg10[%select_n3A, %select_n3A_153, %broadcast_in_dim3A_819], %add3A_637 : memref<8x8x129xf32, #tpu.memory_space<vmem>>[vector<16xi32>, vector<16xi32>, vector<16xi32>], vector<16xf32>,
      tpu.vector_store_idx %arg10[%select_n3A_71, %select_n3A_175, %broadcast_in_dim3A_819], %add3A_646 : memref<8x8x129xf32, #tpu.memory_space<vmem>>[vector<16xi32>, vector<16xi32>, vector<16xi32>], vector<16xf32>,
      tpu.vector_store_idx %arg10[%select_n3A_102, %select_n3A_197, %broadcast_in_dim3A_819], %add3A_655 : memref<8x8x129xf32, #tpu.memory_space<vmem>>[vector<16xi32>, vector<16xi32>, vector<16xi32>], vector<16xf32>,
      tpu.vector_store_idx %arg10[%select_n3A_133, %select_n3A_219, %broadcast_in_dim3A_819], %add3A_664 : memref<8x8x129xf32, #tpu.memory_space<vmem>>[vector<16xi32>, vector<16xi32>, vector<16xi32>], vector<16xf32>,
      %add3A_820 = arith.constant 4 : i32
      %add3A_821 = arith.addi %mul3A_520, %add3A_820 : i32
      %broadcast_in_dim3A_822 = vector.broadcast %add3A_821 : i32 to vector<16xi32>
      tpu.vector_store_idx %arg10[%select_n3A, %select_n3A_153, %broadcast_in_dim3A_822], %add3A_673 : memref<8x8x129xf32, #tpu.memory_space<vmem>>[vector<16xi32>, vector<16xi32>, vector<16xi32>], vector<16xf32>,
      tpu.vector_store_idx %arg10[%select_n3A_71, %select_n3A_175, %broadcast_in_dim3A_822], %add3A_682 : memref<8x8x129xf32, #tpu.memory_space<vmem>>[vector<16xi32>, vector<16xi32>, vector<16xi32>], vector<16xf32>,
      tpu.vector_store_idx %arg10[%select_n3A_102, %select_n3A_197, %broadcast_in_dim3A_822], %add3A_691 : memref<8x8x129xf32, #tpu.memory_space<vmem>>[vector<16xi32>, vector<16xi32>, vector<16xi32>], vector<16xf32>,
      tpu.vector_store_idx %arg10[%select_n3A_133, %select_n3A_219, %broadcast_in_dim3A_822], %add3A_700 : memref<8x8x129xf32, #tpu.memory_space<vmem>>[vector<16xi32>, vector<16xi32>, vector<16xi32>], vector<16xf32>,
      %add3A_823 = arith.constant 5 : i32
      %add3A_824 = arith.addi %mul3A_520, %add3A_823 : i32
      %broadcast_in_dim3A_825 = vector.broadcast %add3A_824 : i32 to vector<16xi32>
      tpu.vector_store_idx %arg10[%select_n3A, %select_n3A_153, %broadcast_in_dim3A_825], %add3A_709 : memref<8x8x129xf32, #tpu.memory_space<vmem>>[vector<16xi32>, vector<16xi32>, vector<16xi32>], vector<16xf32>,
      tpu.vector_store_idx %arg10[%select_n3A_71, %select_n3A_175, %broadcast_in_dim3A_825], %add3A_718 : memref<8x8x129xf32, #tpu.memory_space<vmem>>[vector<16xi32>, vector<16xi32>, vector<16xi32>], vector<16xf32>,
      tpu.vector_store_idx %arg10[%select_n3A_102, %select_n3A_197, %broadcast_in_dim3A_825], %add3A_727 : memref<8x8x129xf32, #tpu.memory_space<vmem>>[vector<16xi32>, vector<16xi32>, vector<16xi32>], vector<16xf32>,
      tpu.vector_store_idx %arg10[%select_n3A_133, %select_n3A_219, %broadcast_in_dim3A_825], %add3A_736 : memref<8x8x129xf32, #tpu.memory_space<vmem>>[vector<16xi32>, vector<16xi32>, vector<16xi32>], vector<16xf32>,
      %add3A_826 = arith.constant 6 : i32
      %add3A_827 = arith.addi %mul3A_520, %add3A_826 : i32
      %broadcast_in_dim3A_828 = vector.broadcast %add3A_827 : i32 to vector<16xi32>
      tpu.vector_store_idx %arg10[%select_n3A, %select_n3A_153, %broadcast_in_dim3A_828], %add3A_745 : memref<8x8x129xf32, #tpu.memory_space<vmem>>[vector<16xi32>, vector<16xi32>, vector<16xi32>], vector<16xf32>,
      tpu.vector_store_idx %arg10[%select_n3A_71, %select_n3A_175, %broadcast_in_dim3A_828], %add3A_754 : memref<8x8x129xf32, #tpu.memory_space<vmem>>[vector<16xi32>, vector<16xi32>, vector<16xi32>], vector<16xf32>,
      tpu.vector_store_idx %arg10[%select_n3A_102, %select_n3A_197, %broadcast_in_dim3A_828], %add3A_763 : memref<8x8x129xf32, #tpu.memory_space<vmem>>[vector<16xi32>, vector<16xi32>, vector<16xi32>], vector<16xf32>,
      tpu.vector_store_idx %arg10[%select_n3A_133, %select_n3A_219, %broadcast_in_dim3A_828], %add3A_772 : memref<8x8x129xf32, #tpu.memory_space<vmem>>[vector<16xi32>, vector<16xi32>, vector<16xi32>], vector<16xf32>,
      %add3A_829 = arith.constant 7 : i32
      %add3A_830 = arith.addi %mul3A_520, %add3A_829 : i32
      %broadcast_in_dim3A_831 = vector.broadcast %add3A_830 : i32 to vector<16xi32>
      tpu.vector_store_idx %arg10[%select_n3A, %select_n3A_153, %broadcast_in_dim3A_831], %add3A_781 : memref<8x8x129xf32, #tpu.memory_space<vmem>>[vector<16xi32>, vector<16xi32>, vector<16xi32>], vector<16xf32>,
      tpu.vector_store_idx %arg10[%select_n3A_71, %select_n3A_175, %broadcast_in_dim3A_831], %add3A_790 : memref<8x8x129xf32, #tpu.memory_space<vmem>>[vector<16xi32>, vector<16xi32>, vector<16xi32>], vector<16xf32>,
      tpu.vector_store_idx %arg10[%select_n3A_102, %select_n3A_197, %broadcast_in_dim3A_831], %add3A_799 : memref<8x8x129xf32, #tpu.memory_space<vmem>>[vector<16xi32>, vector<16xi32>, vector<16xi32>], vector<16xf32>,
      tpu.vector_store_idx %arg10[%select_n3A_133, %select_n3A_219, %broadcast_in_dim3A_831], %add3A_808 : memref<8x8x129xf32, #tpu.memory_space<vmem>>[vector<16xi32>, vector<16xi32>, vector<16xi32>], vector<16xf32>,
    }
    %scan3A_393 = arith.constant 16 : i32
    %dma_start3A_394 = arith.constant 198 : i32
    %dma_start3A_395 = arith.constant 0 : i32
    %dma_start3A_396 = arith.constant 0 : i32
    %dma_start3A_397 = arith.constant 0 : i32
    %dma_start3A_398 = tpu.memref_slice %arg10[%dma_start3A_395, %dma_start3A_396, %dma_start3A_397] : memref<8x8x129xf32, #tpu.memory_space<vmem>> -> memref<8x8x128xf32, #tpu.memory_space<vmem>>
    %dma_start3A_399 = arith.constant 0 : i32
    %dma_start3A_400 = arith.constant 0 : i32
    %dma_start3A_401 = arith.constant 0 : i32
    %dma_start3A_402 = tpu.memref_slice %arg5[%dma_start3A_394, %dma_start3A_399, %add3A, %dma_start3A_400, %dma_start3A_401] : memref<200x8x32x8x128xf32, #tpu.memory_space<hbm>> -> memref<1x8x1x8x128xf32, #tpu.memory_space<hbm>>
    %dma_start3A_403 = tpu.memref_squeeze %dma_start3A_402 : memref<1x8x1x8x128xf32, #tpu.memory_space<hbm>> -> memref<8x8x128xf32, #tpu.memory_space<hbm>>
    %dma_start3A_404 = arith.constant 0 : i32
    %dma_start3A_405 = arith.constant 0 : i32
    %dma_start3A_406 = arith.constant 0 : i32
    %dma_start3A_407 = tpu.memref_slice %arg5[%dma_start3A_394, %dma_start3A_404, %add3A, %dma_start3A_405, %dma_start3A_406] : memref<200x8x32x8x128xf32, #tpu.memory_space<hbm>> -> memref<1x8x1x8x128xf32, #tpu.memory_space<hbm>>
    %dma_start3A_408 = tpu.memref_squeeze %dma_start3A_407 : memref<1x8x1x8x128xf32, #tpu.memory_space<hbm>> -> memref<8x8x128xf32, #tpu.memory_space<hbm>>
    %dma_start3A_409 = arith.constant 0 : i32
    %dma_start3A_410 = arith.constant 0 : i32
    %dma_start3A_411 = arith.constant 0 : i32
    %dma_start3A_412 = tpu.memref_slice %arg10[%dma_start3A_409, %dma_start3A_410, %dma_start3A_411] : memref<8x8x129xf32, #tpu.memory_space<vmem>> -> memref<8x8x128xf32, #tpu.memory_space<vmem>>
    tpu.enqueue_dma source(%dma_start3A_412 : memref<8x8x128xf32, #tpu.memory_space<vmem>>) target(%dma_start3A_408 : memref<8x8x128xf32, #tpu.memory_space<hbm>>) target_semaphore(%arg14 : memref<!tpu.dma_semaphore, #tpu.memory_space<semaphore_mem>>)
    %dma_wait3A_413 = arith.constant 197 : i32
    %dma_wait3A_414 = arith.constant 0 : i32
    %dma_wait3A_415 = arith.constant 0 : i32
    %dma_wait3A_416 = arith.constant 0 : i32
    %dma_wait3A_417 = tpu.memref_slice %arg11[%dma_wait3A_414, %dma_wait3A_415, %dma_wait3A_416] : memref<8x8x129xf32, #tpu.memory_space<vmem>> -> memref<8x8x128xf32, #tpu.memory_space<vmem>>
    %dma_wait3A_418 = arith.constant 0 : i32
    %dma_wait3A_419 = arith.constant 0 : i32
    %dma_wait3A_420 = arith.constant 0 : i32
    %dma_wait3A_421 = tpu.memref_slice %arg5[%dma_wait3A_413, %dma_wait3A_418, %add3A, %dma_wait3A_419, %dma_wait3A_420] : memref<200x8x32x8x128xf32, #tpu.memory_space<hbm>> -> memref<1x8x1x8x128xf32, #tpu.memory_space<hbm>>
    %dma_wait3A_422 = tpu.memref_squeeze %dma_wait3A_421 : memref<1x8x1x8x128xf32, #tpu.memory_space<hbm>> -> memref<8x8x128xf32, #tpu.memory_space<hbm>>
    %dma_wait3A_423 = arith.constant 0 : i32
    %dma_wait3A_424 = arith.constant 0 : i32
    %dma_wait3A_425 = arith.constant 0 : i32
    %dma_wait3A_426 = tpu.memref_slice %arg5[%dma_wait3A_413, %dma_wait3A_423, %add3A, %dma_wait3A_424, %dma_wait3A_425] : memref<200x8x32x8x128xf32, #tpu.memory_space<hbm>> -> memref<1x8x1x8x128xf32, #tpu.memory_space<hbm>>
    %dma_wait3A_427 = tpu.memref_squeeze %dma_wait3A_426 : memref<1x8x1x8x128xf32, #tpu.memory_space<hbm>> -> memref<8x8x128xf32, #tpu.memory_space<hbm>>
    %dma_wait3A_428 = arith.constant 0 : i32
    %dma_wait3A_429 = arith.constant 0 : i32
    %dma_wait3A_430 = arith.constant 0 : i32
    %dma_wait3A_431 = tpu.memref_slice %arg11[%dma_wait3A_428, %dma_wait3A_429, %dma_wait3A_430] : memref<8x8x129xf32, #tpu.memory_space<vmem>> -> memref<8x8x128xf32, #tpu.memory_space<vmem>>
    tpu.wait_dma2 semaphore(%arg15 : memref<!tpu.dma_semaphore, #tpu.memory_space<semaphore_mem>>) src(%dma_wait3A_431 : memref<8x8x128xf32, #tpu.memory_space<vmem>>) dst(%dma_wait3A_427 : memref<8x8x128xf32, #tpu.memory_space<hbm>>)
    %dma_wait3A_432 = arith.constant 199 : i32
    %dma_wait3A_433 = arith.constant 0 : i32
    %dma_wait3A_434 = tpu.memref_slice %arg6[%dma_wait3A_432, %dma_wait3A_433] : memref<200x128xi32, #tpu.memory_space<vmem>> -> memref<1x128xi32, #tpu.memory_space<vmem>>
    %dma_wait3A_435 = tpu.memref_squeeze %dma_wait3A_434 : memref<1x128xi32, #tpu.memory_space<vmem>> -> memref<128xi32, #tpu.memory_space<vmem>>
    %dma_wait3A_436 = arith.constant 0 : i32
    %dma_wait3A_437 = arith.constant 0 : i32
    %dma_wait3A_438 = tpu.memref_slice %arg3[%dma_wait3A_436, %dma_wait3A_437] : memref<1000000x128xf32, #tpu.memory_space<hbm>> -> memref<1000000x128xf32, #tpu.memory_space<hbm>>
    tpu.wait_indirect_dma semaphore(%arg13 : memref<!tpu.dma_semaphore, #tpu.memory_space<semaphore_mem>>) src(%dma_wait3A_438 : memref<1000000x128xf32, #tpu.memory_space<hbm>>) dst(%arg9 : memref<128x128xf32, #tpu.memory_space<vmem>>)
    %get3A_439 = arith.constant 199 : i32
    %get3A_440 = arith.index_cast %get3A_439 : i32 to index
    %get3A_441 = arith.constant 0 : index
    %get3A_442 = tpu.vector_load %arg7[%get3A_440, %get3A_441] {strides = array<i32>} : memref<200x64xf32, #tpu.memory_space<vmem>>, vector<16xf32>,
    %get3A_443 = arith.constant 199 : i32
    %get3A_444 = arith.index_cast %get3A_443 : i32 to index
    %get3A_445 = arith.constant 16 : index
    %get3A_446 = tpu.vector_load %arg7[%get3A_444, %get3A_445] {strides = array<i32>} : memref<200x64xf32, #tpu.memory_space<vmem>>, vector<16xf32>,
    %get3A_447 = arith.constant 199 : i32
    %get3A_448 = arith.index_cast %get3A_447 : i32 to index
    %get3A_449 = arith.constant 32 : index
    %get3A_450 = tpu.vector_load %arg7[%get3A_448, %get3A_449] {strides = array<i32>} : memref<200x64xf32, #tpu.memory_space<vmem>>, vector<16xf32>,
    %get3A_451 = arith.constant 199 : i32
    %get3A_452 = arith.index_cast %get3A_451 : i32 to index
    %get3A_453 = arith.constant 48 : index
    %get3A_454 = tpu.vector_load %arg7[%get3A_452, %get3A_453] {strides = array<i32>} : memref<200x64xf32, #tpu.memory_space<vmem>>, vector<16xf32>,
    %scan3A_455 = arith.constant 0 : i32
    %scan3A_456 = arith.constant 0 : i32
    %scan3A_457 = arith.constant 16 : i32
    %scan3A_458 = arith.addi %scan3A_456, %scan3A_457 : i32
    %scan3A_459 = arith.constant 1 : i32
    scf.for %scan3A_518 = %scan3A_456 to %scan3A_458 step %scan3A_459  : i32 {
      %mul3A_519 = arith.constant 8 : i32
      %mul3A_520 = arith.muli %scan3A_518, %mul3A_519 : i32
      %add3A_521 = arith.constant 0 : i32
      %add3A_522 = arith.addi %mul3A_520, %add3A_521 : i32
      %get3A_523 = arith.index_cast %add3A_522 : i32 to index
      %get3A_524 = arith.constant 0 : index
      %get3A_525 = tpu.vector_load %arg9[%get3A_523, %get3A_524] {strides = array<i32>} : memref<128x128xf32, #tpu.memory_space<vmem>>, vector<16xf32>,
      %mul3A_526 = arith.constant 8.000000e+00 : f32
      %mul3A_527 = vector.broadcast %mul3A_526 : f32 to vector<16xf32>
      %mul3A_528 = arith.mulf %get3A_525, %mul3A_527 : vector<16xf32>
      %add3A_529 = arith.addf %mul3A_528, %get3A_442 : vector<16xf32>
      %add3A_530 = arith.constant 0 : i32
      %add3A_531 = arith.addi %mul3A_520, %add3A_530 : i32
      %get3A_532 = arith.index_cast %add3A_531 : i32 to index
      %get3A_533 = arith.constant 16 : index
      %get3A_534 = tpu.vector_load %arg9[%get3A_532, %get3A_533] {strides = array<i32>} : memref<128x128xf32, #tpu.memory_space<vmem>>, vector<16xf32>,
      %mul3A_535 = arith.constant 8.000000e+00 : f32
      %mul3A_536 = vector.broadcast %mul3A_535 : f32 to vector<16xf32>
      %mul3A_537 = arith.mulf %get3A_534, %mul3A_536 : vector<16xf32>
      %add3A_538 = arith.addf %mul3A_537, %get3A_446 : vector<16xf32>
      %add3A_539 = arith.constant 0 : i32
      %add3A_540 = arith.addi %mul3A_520, %add3A_539 : i32
      %get3A_541 = arith.index_cast %add3A_540 : i32 to index
      %get3A_542 = arith.constant 32 : index
      %get3A_543 = tpu.vector_load %arg9[%get3A_541, %get3A_542] {strides = array<i32>} : memref<128x128xf32, #tpu.memory_space<vmem>>, vector<16xf32>,
      %mul3A_544 = arith.constant 8.000000e+00 : f32
      %mul3A_545 = vector.broadcast %mul3A_544 : f32 to vector<16xf32>
      %mul3A_546 = arith.mulf %get3A_543, %mul3A_545 : vector<16xf32>
      %add3A_547 = arith.addf %mul3A_546, %get3A_450 : vector<16xf32>
      %add3A_548 = arith.constant 0 : i32
      %add3A_549 = arith.addi %mul3A_520, %add3A_548 : i32
      %get3A_550 = arith.index_cast %add3A_549 : i32 to index
      %get3A_551 = arith.constant 48 : index
      %get3A_552 = tpu.vector_load %arg9[%get3A_550, %get3A_551] {strides = array<i32>} : memref<128x128xf32, #tpu.memory_space<vmem>>, vector<16xf32>,
      %mul3A_553 = arith.constant 8.000000e+00 : f32
      %mul3A_554 = vector.broadcast %mul3A_553 : f32 to vector<16xf32>
      %mul3A_555 = arith.mulf %get3A_552, %mul3A_554 : vector<16xf32>
      %add3A_556 = arith.addf %mul3A_555, %get3A_454 : vector<16xf32>
      %add3A_557 = arith.constant 1 : i32
      %add3A_558 = arith.addi %mul3A_520, %add3A_557 : i32
      %get3A_559 = arith.index_cast %add3A_558 : i32 to index
      %get3A_560 = arith.constant 0 : index
      %get3A_561 = tpu.vector_load %arg9[%get3A_559, %get3A_560] {strides = array<i32>} : memref<128x128xf32, #tpu.memory_space<vmem>>, vector<16xf32>,
      %mul3A_562 = arith.constant 8.000000e+00 : f32
      %mul3A_563 = vector.broadcast %mul3A_562 : f32 to vector<16xf32>
      %mul3A_564 = arith.mulf %get3A_561, %mul3A_563 : vector<16xf32>
      %add3A_565 = arith.addf %mul3A_564, %get3A_442 : vector<16xf32>
      %add3A_566 = arith.constant 1 : i32
      %add3A_567 = arith.addi %mul3A_520, %add3A_566 : i32
      %get3A_568 = arith.index_cast %add3A_567 : i32 to index
      %get3A_569 = arith.constant 16 : index
      %get3A_570 = tpu.vector_load %arg9[%get3A_568, %get3A_569] {strides = array<i32>} : memref<128x128xf32, #tpu.memory_space<vmem>>, vector<16xf32>,
      %mul3A_571 = arith.constant 8.000000e+00 : f32
      %mul3A_572 = vector.broadcast %mul3A_571 : f32 to vector<16xf32>
      %mul3A_573 = arith.mulf %get3A_570, %mul3A_572 : vector<16xf32>
      %add3A_574 = arith.addf %mul3A_573, %get3A_446 : vector<16xf32>
      %add3A_575 = arith.constant 1 : i32
      %add3A_576 = arith.addi %mul3A_520, %add3A_575 : i32
      %get3A_577 = arith.index_cast %add3A_576 : i32 to index
      %get3A_578 = arith.constant 32 : index
      %get3A_579 = tpu.vector_load %arg9[%get3A_577, %get3A_578] {strides = array<i32>} : memref<128x128xf32, #tpu.memory_space<vmem>>, vector<16xf32>,
      %mul3A_580 = arith.constant 8.000000e+00 : f32
      %mul3A_581 = vector.broadcast %mul3A_580 : f32 to vector<16xf32>
      %mul3A_582 = arith.mulf %get3A_579, %mul3A_581 : vector<16xf32>
      %add3A_583 = arith.addf %mul3A_582, %get3A_450 : vector<16xf32>
      %add3A_584 = arith.constant 1 : i32
      %add3A_585 = arith.addi %mul3A_520, %add3A_584 : i32
      %get3A_586 = arith.index_cast %add3A_585 : i32 to index
      %get3A_587 = arith.constant 48 : index
      %get3A_588 = tpu.vector_load %arg9[%get3A_586, %get3A_587] {strides = array<i32>} : memref<128x128xf32, #tpu.memory_space<vmem>>, vector<16xf32>,
      %mul3A_589 = arith.constant 8.000000e+00 : f32
      %mul3A_590 = vector.broadcast %mul3A_589 : f32 to vector<16xf32>
      %mul3A_591 = arith.mulf %get3A_588, %mul3A_590 : vector<16xf32>
      %add3A_592 = arith.addf %mul3A_591, %get3A_454 : vector<16xf32>
      %add3A_593 = arith.constant 2 : i32
      %add3A_594 = arith.addi %mul3A_520, %add3A_593 : i32
      %get3A_595 = arith.index_cast %add3A_594 : i32 to index
      %get3A_596 = arith.constant 0 : index
      %get3A_597 = tpu.vector_load %arg9[%get3A_595, %get3A_596] {strides = array<i32>} : memref<128x128xf32, #tpu.memory_space<vmem>>, vector<16xf32>,
      %mul3A_598 = arith.constant 8.000000e+00 : f32
      %mul3A_599 = vector.broadcast %mul3A_598 : f32 to vector<16xf32>
      %mul3A_600 = arith.mulf %get3A_597, %mul3A_599 : vector<16xf32>
      %add3A_601 = arith.addf %mul3A_600, %get3A_442 : vector<16xf32>
      %add3A_602 = arith.constant 2 : i32
      %add3A_603 = arith.addi %mul3A_520, %add3A_602 : i32
      %get3A_604 = arith.index_cast %add3A_603 : i32 to index
      %get3A_605 = arith.constant 16 : index
      %get3A_606 = tpu.vector_load %arg9[%get3A_604, %get3A_605] {strides = array<i32>} : memref<128x128xf32, #tpu.memory_space<vmem>>, vector<16xf32>,
      %mul3A_607 = arith.constant 8.000000e+00 : f32
      %mul3A_608 = vector.broadcast %mul3A_607 : f32 to vector<16xf32>
      %mul3A_609 = arith.mulf %get3A_606, %mul3A_608 : vector<16xf32>
      %add3A_610 = arith.addf %mul3A_609, %get3A_446 : vector<16xf32>
      %add3A_611 = arith.constant 2 : i32
      %add3A_612 = arith.addi %mul3A_520, %add3A_611 : i32
      %get3A_613 = arith.index_cast %add3A_612 : i32 to index
      %get3A_614 = arith.constant 32 : index
      %get3A_615 = tpu.vector_load %arg9[%get3A_613, %get3A_614] {strides = array<i32>} : memref<128x128xf32, #tpu.memory_space<vmem>>, vector<16xf32>,
      %mul3A_616 = arith.constant 8.000000e+00 : f32
      %mul3A_617 = vector.broadcast %mul3A_616 : f32 to vector<16xf32>
      %mul3A_618 = arith.mulf %get3A_615, %mul3A_617 : vector<16xf32>
      %add3A_619 = arith.addf %mul3A_618, %get3A_450 : vector<16xf32>
      %add3A_620 = arith.constant 2 : i32
      %add3A_621 = arith.addi %mul3A_520, %add3A_620 : i32
      %get3A_622 = arith.index_cast %add3A_621 : i32 to index
      %get3A_623 = arith.constant 48 : index
      %get3A_624 = tpu.vector_load %arg9[%get3A_622, %get3A_623] {strides = array<i32>} : memref<128x128xf32, #tpu.memory_space<vmem>>, vector<16xf32>,
      %mul3A_625 = arith.constant 8.000000e+00 : f32
      %mul3A_626 = vector.broadcast %mul3A_625 : f32 to vector<16xf32>
      %mul3A_627 = arith.mulf %get3A_624, %mul3A_626 : vector<16xf32>
      %add3A_628 = arith.addf %mul3A_627, %get3A_454 : vector<16xf32>
      %add3A_629 = arith.constant 3 : i32
      %add3A_630 = arith.addi %mul3A_520, %add3A_629 : i32
      %get3A_631 = arith.index_cast %add3A_630 : i32 to index
      %get3A_632 = arith.constant 0 : index
      %get3A_633 = tpu.vector_load %arg9[%get3A_631, %get3A_632] {strides = array<i32>} : memref<128x128xf32, #tpu.memory_space<vmem>>, vector<16xf32>,
      %mul3A_634 = arith.constant 8.000000e+00 : f32
      %mul3A_635 = vector.broadcast %mul3A_634 : f32 to vector<16xf32>
      %mul3A_636 = arith.mulf %get3A_633, %mul3A_635 : vector<16xf32>
      %add3A_637 = arith.addf %mul3A_636, %get3A_442 : vector<16xf32>
      %add3A_638 = arith.constant 3 : i32
      %add3A_639 = arith.addi %mul3A_520, %add3A_638 : i32
      %get3A_640 = arith.index_cast %add3A_639 : i32 to index
      %get3A_641 = arith.constant 16 : index
      %get3A_642 = tpu.vector_load %arg9[%get3A_640, %get3A_641] {strides = array<i32>} : memref<128x128xf32, #tpu.memory_space<vmem>>, vector<16xf32>,
      %mul3A_643 = arith.constant 8.000000e+00 : f32
      %mul3A_644 = vector.broadcast %mul3A_643 : f32 to vector<16xf32>
      %mul3A_645 = arith.mulf %get3A_642, %mul3A_644 : vector<16xf32>
      %add3A_646 = arith.addf %mul3A_645, %get3A_446 : vector<16xf32>
      %add3A_647 = arith.constant 3 : i32
      %add3A_648 = arith.addi %mul3A_520, %add3A_647 : i32
      %get3A_649 = arith.index_cast %add3A_648 : i32 to index
      %get3A_650 = arith.constant 32 : index
      %get3A_651 = tpu.vector_load %arg9[%get3A_649, %get3A_650] {strides = array<i32>} : memref<128x128xf32, #tpu.memory_space<vmem>>, vector<16xf32>,
      %mul3A_652 = arith.constant 8.000000e+00 : f32
      %mul3A_653 = vector.broadcast %mul3A_652 : f32 to vector<16xf32>
      %mul3A_654 = arith.mulf %get3A_651, %mul3A_653 : vector<16xf32>
      %add3A_655 = arith.addf %mul3A_654, %get3A_450 : vector<16xf32>
      %add3A_656 = arith.constant 3 : i32
      %add3A_657 = arith.addi %mul3A_520, %add3A_656 : i32
      %get3A_658 = arith.index_cast %add3A_657 : i32 to index
      %get3A_659 = arith.constant 48 : index
      %get3A_660 = tpu.vector_load %arg9[%get3A_658, %get3A_659] {strides = array<i32>} : memref<128x128xf32, #tpu.memory_space<vmem>>, vector<16xf32>,
      %mul3A_661 = arith.constant 8.000000e+00 : f32
      %mul3A_662 = vector.broadcast %mul3A_661 : f32 to vector<16xf32>
      %mul3A_663 = arith.mulf %get3A_660, %mul3A_662 : vector<16xf32>
      %add3A_664 = arith.addf %mul3A_663, %get3A_454 : vector<16xf32>
      %add3A_665 = arith.constant 4 : i32
      %add3A_666 = arith.addi %mul3A_520, %add3A_665 : i32
      %get3A_667 = arith.index_cast %add3A_666 : i32 to index
      %get3A_668 = arith.constant 0 : index
      %get3A_669 = tpu.vector_load %arg9[%get3A_667, %get3A_668] {strides = array<i32>} : memref<128x128xf32, #tpu.memory_space<vmem>>, vector<16xf32>,
      %mul3A_670 = arith.constant 8.000000e+00 : f32
      %mul3A_671 = vector.broadcast %mul3A_670 : f32 to vector<16xf32>
      %mul3A_672 = arith.mulf %get3A_669, %mul3A_671 : vector<16xf32>
      %add3A_673 = arith.addf %mul3A_672, %get3A_442 : vector<16xf32>
      %add3A_674 = arith.constant 4 : i32
      %add3A_675 = arith.addi %mul3A_520, %add3A_674 : i32
      %get3A_676 = arith.index_cast %add3A_675 : i32 to index
      %get3A_677 = arith.constant 16 : index
      %get3A_678 = tpu.vector_load %arg9[%get3A_676, %get3A_677] {strides = array<i32>} : memref<128x128xf32, #tpu.memory_space<vmem>>, vector<16xf32>,
      %mul3A_679 = arith.constant 8.000000e+00 : f32
      %mul3A_680 = vector.broadcast %mul3A_679 : f32 to vector<16xf32>
      %mul3A_681 = arith.mulf %get3A_678, %mul3A_680 : vector<16xf32>
      %add3A_682 = arith.addf %mul3A_681, %get3A_446 : vector<16xf32>
      %add3A_683 = arith.constant 4 : i32
      %add3A_684 = arith.addi %mul3A_520, %add3A_683 : i32
      %get3A_685 = arith.index_cast %add3A_684 : i32 to index
      %get3A_686 = arith.constant 32 : index
      %get3A_687 = tpu.vector_load %arg9[%get3A_685, %get3A_686] {strides = array<i32>} : memref<128x128xf32, #tpu.memory_space<vmem>>, vector<16xf32>,
      %mul3A_688 = arith.constant 8.000000e+00 : f32
      %mul3A_689 = vector.broadcast %mul3A_688 : f32 to vector<16xf32>
      %mul3A_690 = arith.mulf %get3A_687, %mul3A_689 : vector<16xf32>
      %add3A_691 = arith.addf %mul3A_690, %get3A_450 : vector<16xf32>
      %add3A_692 = arith.constant 4 : i32
      %add3A_693 = arith.addi %mul3A_520, %add3A_692 : i32
      %get3A_694 = arith.index_cast %add3A_693 : i32 to index
      %get3A_695 = arith.constant 48 : index
      %get3A_696 = tpu.vector_load %arg9[%get3A_694, %get3A_695] {strides = array<i32>} : memref<128x128xf32, #tpu.memory_space<vmem>>, vector<16xf32>,
      %mul3A_697 = arith.constant 8.000000e+00 : f32
      %mul3A_698 = vector.broadcast %mul3A_697 : f32 to vector<16xf32>
      %mul3A_699 = arith.mulf %get3A_696, %mul3A_698 : vector<16xf32>
      %add3A_700 = arith.addf %mul3A_699, %get3A_454 : vector<16xf32>
      %add3A_701 = arith.constant 5 : i32
      %add3A_702 = arith.addi %mul3A_520, %add3A_701 : i32
      %get3A_703 = arith.index_cast %add3A_702 : i32 to index
      %get3A_704 = arith.constant 0 : index
      %get3A_705 = tpu.vector_load %arg9[%get3A_703, %get3A_704] {strides = array<i32>} : memref<128x128xf32, #tpu.memory_space<vmem>>, vector<16xf32>,
      %mul3A_706 = arith.constant 8.000000e+00 : f32
      %mul3A_707 = vector.broadcast %mul3A_706 : f32 to vector<16xf32>
      %mul3A_708 = arith.mulf %get3A_705, %mul3A_707 : vector<16xf32>
      %add3A_709 = arith.addf %mul3A_708, %get3A_442 : vector<16xf32>
      %add3A_710 = arith.constant 5 : i32
      %add3A_711 = arith.addi %mul3A_520, %add3A_710 : i32
      %get3A_712 = arith.index_cast %add3A_711 : i32 to index
      %get3A_713 = arith.constant 16 : index
      %get3A_714 = tpu.vector_load %arg9[%get3A_712, %get3A_713] {strides = array<i32>} : memref<128x128xf32, #tpu.memory_space<vmem>>, vector<16xf32>,
      %mul3A_715 = arith.constant 8.000000e+00 : f32
      %mul3A_716 = vector.broadcast %mul3A_715 : f32 to vector<16xf32>
      %mul3A_717 = arith.mulf %get3A_714, %mul3A_716 : vector<16xf32>
      %add3A_718 = arith.addf %mul3A_717, %get3A_446 : vector<16xf32>
      %add3A_719 = arith.constant 5 : i32
      %add3A_720 = arith.addi %mul3A_520, %add3A_719 : i32
      %get3A_721 = arith.index_cast %add3A_720 : i32 to index
      %get3A_722 = arith.constant 32 : index
      %get3A_723 = tpu.vector_load %arg9[%get3A_721, %get3A_722] {strides = array<i32>} : memref<128x128xf32, #tpu.memory_space<vmem>>, vector<16xf32>,
      %mul3A_724 = arith.constant 8.000000e+00 : f32
      %mul3A_725 = vector.broadcast %mul3A_724 : f32 to vector<16xf32>
      %mul3A_726 = arith.mulf %get3A_723, %mul3A_725 : vector<16xf32>
      %add3A_727 = arith.addf %mul3A_726, %get3A_450 : vector<16xf32>
      %add3A_728 = arith.constant 5 : i32
      %add3A_729 = arith.addi %mul3A_520, %add3A_728 : i32
      %get3A_730 = arith.index_cast %add3A_729 : i32 to index
      %get3A_731 = arith.constant 48 : index
      %get3A_732 = tpu.vector_load %arg9[%get3A_730, %get3A_731] {strides = array<i32>} : memref<128x128xf32, #tpu.memory_space<vmem>>, vector<16xf32>,
      %mul3A_733 = arith.constant 8.000000e+00 : f32
      %mul3A_734 = vector.broadcast %mul3A_733 : f32 to vector<16xf32>
      %mul3A_735 = arith.mulf %get3A_732, %mul3A_734 : vector<16xf32>
      %add3A_736 = arith.addf %mul3A_735, %get3A_454 : vector<16xf32>
      %add3A_737 = arith.constant 6 : i32
      %add3A_738 = arith.addi %mul3A_520, %add3A_737 : i32
      %get3A_739 = arith.index_cast %add3A_738 : i32 to index
      %get3A_740 = arith.constant 0 : index
      %get3A_741 = tpu.vector_load %arg9[%get3A_739, %get3A_740] {strides = array<i32>} : memref<128x128xf32, #tpu.memory_space<vmem>>, vector<16xf32>,
      %mul3A_742 = arith.constant 8.000000e+00 : f32
      %mul3A_743 = vector.broadcast %mul3A_742 : f32 to vector<16xf32>
      %mul3A_744 = arith.mulf %get3A_741, %mul3A_743 : vector<16xf32>
      %add3A_745 = arith.addf %mul3A_744, %get3A_442 : vector<16xf32>
      %add3A_746 = arith.constant 6 : i32
      %add3A_747 = arith.addi %mul3A_520, %add3A_746 : i32
      %get3A_748 = arith.index_cast %add3A_747 : i32 to index
      %get3A_749 = arith.constant 16 : index
      %get3A_750 = tpu.vector_load %arg9[%get3A_748, %get3A_749] {strides = array<i32>} : memref<128x128xf32, #tpu.memory_space<vmem>>, vector<16xf32>,
      %mul3A_751 = arith.constant 8.000000e+00 : f32
      %mul3A_752 = vector.broadcast %mul3A_751 : f32 to vector<16xf32>
      %mul3A_753 = arith.mulf %get3A_750, %mul3A_752 : vector<16xf32>
      %add3A_754 = arith.addf %mul3A_753, %get3A_446 : vector<16xf32>
      %add3A_755 = arith.constant 6 : i32
      %add3A_756 = arith.addi %mul3A_520, %add3A_755 : i32
      %get3A_757 = arith.index_cast %add3A_756 : i32 to index
      %get3A_758 = arith.constant 32 : index
      %get3A_759 = tpu.vector_load %arg9[%get3A_757, %get3A_758] {strides = array<i32>} : memref<128x128xf32, #tpu.memory_space<vmem>>, vector<16xf32>,
      %mul3A_760 = arith.constant 8.000000e+00 : f32
      %mul3A_761 = vector.broadcast %mul3A_760 : f32 to vector<16xf32>
      %mul3A_762 = arith.mulf %get3A_759, %mul3A_761 : vector<16xf32>
      %add3A_763 = arith.addf %mul3A_762, %get3A_450 : vector<16xf32>
      %add3A_764 = arith.constant 6 : i32
      %add3A_765 = arith.addi %mul3A_520, %add3A_764 : i32
      %get3A_766 = arith.index_cast %add3A_765 : i32 to index
      %get3A_767 = arith.constant 48 : index
      %get3A_768 = tpu.vector_load %arg9[%get3A_766, %get3A_767] {strides = array<i32>} : memref<128x128xf32, #tpu.memory_space<vmem>>, vector<16xf32>,
      %mul3A_769 = arith.constant 8.000000e+00 : f32
      %mul3A_770 = vector.broadcast %mul3A_769 : f32 to vector<16xf32>
      %mul3A_771 = arith.mulf %get3A_768, %mul3A_770 : vector<16xf32>
      %add3A_772 = arith.addf %mul3A_771, %get3A_454 : vector<16xf32>
      %add3A_773 = arith.constant 7 : i32
      %add3A_774 = arith.addi %mul3A_520, %add3A_773 : i32
      %get3A_775 = arith.index_cast %add3A_774 : i32 to index
      %get3A_776 = arith.constant 0 : index
      %get3A_777 = tpu.vector_load %arg9[%get3A_775, %get3A_776] {strides = array<i32>} : memref<128x128xf32, #tpu.memory_space<vmem>>, vector<16xf32>,
      %mul3A_778 = arith.constant 8.000000e+00 : f32
      %mul3A_779 = vector.broadcast %mul3A_778 : f32 to vector<16xf32>
      %mul3A_780 = arith.mulf %get3A_777, %mul3A_779 : vector<16xf32>
      %add3A_781 = arith.addf %mul3A_780, %get3A_442 : vector<16xf32>
      %add3A_782 = arith.constant 7 : i32
      %add3A_783 = arith.addi %mul3A_520, %add3A_782 : i32
      %get3A_784 = arith.index_cast %add3A_783 : i32 to index
      %get3A_785 = arith.constant 16 : index
      %get3A_786 = tpu.vector_load %arg9[%get3A_784, %get3A_785] {strides = array<i32>} : memref<128x128xf32, #tpu.memory_space<vmem>>, vector<16xf32>,
      %mul3A_787 = arith.constant 8.000000e+00 : f32
      %mul3A_788 = vector.broadcast %mul3A_787 : f32 to vector<16xf32>
      %mul3A_789 = arith.mulf %get3A_786, %mul3A_788 : vector<16xf32>
      %add3A_790 = arith.addf %mul3A_789, %get3A_446 : vector<16xf32>
      %add3A_791 = arith.constant 7 : i32
      %add3A_792 = arith.addi %mul3A_520, %add3A_791 : i32
      %get3A_793 = arith.index_cast %add3A_792 : i32 to index
      %get3A_794 = arith.constant 32 : index
      %get3A_795 = tpu.vector_load %arg9[%get3A_793, %get3A_794] {strides = array<i32>} : memref<128x128xf32, #tpu.memory_space<vmem>>, vector<16xf32>,
      %mul3A_796 = arith.constant 8.000000e+00 : f32
      %mul3A_797 = vector.broadcast %mul3A_796 : f32 to vector<16xf32>
      %mul3A_798 = arith.mulf %get3A_795, %mul3A_797 : vector<16xf32>
      %add3A_799 = arith.addf %mul3A_798, %get3A_450 : vector<16xf32>
      %add3A_800 = arith.constant 7 : i32
      %add3A_801 = arith.addi %mul3A_520, %add3A_800 : i32
      %get3A_802 = arith.index_cast %add3A_801 : i32 to index
      %get3A_803 = arith.constant 48 : index
      %get3A_804 = tpu.vector_load %arg9[%get3A_802, %get3A_803] {strides = array<i32>} : memref<128x128xf32, #tpu.memory_space<vmem>>, vector<16xf32>,
      %mul3A_805 = arith.constant 8.000000e+00 : f32
      %mul3A_806 = vector.broadcast %mul3A_805 : f32 to vector<16xf32>
      %mul3A_807 = arith.mulf %get3A_804, %mul3A_806 : vector<16xf32>
      %add3A_808 = arith.addf %mul3A_807, %get3A_454 : vector<16xf32>
      %add3A_809 = arith.constant 0 : i32
      %add3A_810 = arith.addi %mul3A_520, %add3A_809 : i32
      %broadcast_in_dim3A = vector.broadcast %add3A_810 : i32 to vector<16xi32>
      tpu.vector_store_idx %arg11[%select_n3A, %select_n3A_153, %broadcast_in_dim3A], %add3A_529 : memref<8x8x129xf32, #tpu.memory_space<vmem>>[vector<16xi32>, vector<16xi32>, vector<16xi32>], vector<16xf32>,
      tpu.vector_store_idx %arg11[%select_n3A_71, %select_n3A_175, %broadcast_in_dim3A], %add3A_538 : memref<8x8x129xf32, #tpu.memory_space<vmem>>[vector<16xi32>, vector<16xi32>, vector<16xi32>], vector<16xf32>,
      tpu.vector_store_idx %arg11[%select_n3A_102, %select_n3A_197, %broadcast_in_dim3A], %add3A_547 : memref<8x8x129xf32, #tpu.memory_space<vmem>>[vector<16xi32>, vector<16xi32>, vector<16xi32>], vector<16xf32>,
      tpu.vector_store_idx %arg11[%select_n3A_133, %select_n3A_219, %broadcast_in_dim3A], %add3A_556 : memref<8x8x129xf32, #tpu.memory_space<vmem>>[vector<16xi32>, vector<16xi32>, vector<16xi32>], vector<16xf32>,
      %add3A_811 = arith.constant 1 : i32
      %add3A_812 = arith.addi %mul3A_520, %add3A_811 : i32
      %broadcast_in_dim3A_813 = vector.broadcast %add3A_812 : i32 to vector<16xi32>
      tpu.vector_store_idx %arg11[%select_n3A, %select_n3A_153, %broadcast_in_dim3A_813], %add3A_565 : memref<8x8x129xf32, #tpu.memory_space<vmem>>[vector<16xi32>, vector<16xi32>, vector<16xi32>], vector<16xf32>,
      tpu.vector_store_idx %arg11[%select_n3A_71, %select_n3A_175, %broadcast_in_dim3A_813], %add3A_574 : memref<8x8x129xf32, #tpu.memory_space<vmem>>[vector<16xi32>, vector<16xi32>, vector<16xi32>], vector<16xf32>,
      tpu.vector_store_idx %arg11[%select_n3A_102, %select_n3A_197, %broadcast_in_dim3A_813], %add3A_583 : memref<8x8x129xf32, #tpu.memory_space<vmem>>[vector<16xi32>, vector<16xi32>, vector<16xi32>], vector<16xf32>,
      tpu.vector_store_idx %arg11[%select_n3A_133, %select_n3A_219, %broadcast_in_dim3A_813], %add3A_592 : memref<8x8x129xf32, #tpu.memory_space<vmem>>[vector<16xi32>, vector<16xi32>, vector<16xi32>], vector<16xf32>,
      %add3A_814 = arith.constant 2 : i32
      %add3A_815 = arith.addi %mul3A_520, %add3A_814 : i32
      %broadcast_in_dim3A_816 = vector.broadcast %add3A_815 : i32 to vector<16xi32>
      tpu.vector_store_idx %arg11[%select_n3A, %select_n3A_153, %broadcast_in_dim3A_816], %add3A_601 : memref<8x8x129xf32, #tpu.memory_space<vmem>>[vector<16xi32>, vector<16xi32>, vector<16xi32>], vector<16xf32>,
      tpu.vector_store_idx %arg11[%select_n3A_71, %select_n3A_175, %broadcast_in_dim3A_816], %add3A_610 : memref<8x8x129xf32, #tpu.memory_space<vmem>>[vector<16xi32>, vector<16xi32>, vector<16xi32>], vector<16xf32>,
      tpu.vector_store_idx %arg11[%select_n3A_102, %select_n3A_197, %broadcast_in_dim3A_816], %add3A_619 : memref<8x8x129xf32, #tpu.memory_space<vmem>>[vector<16xi32>, vector<16xi32>, vector<16xi32>], vector<16xf32>,
      tpu.vector_store_idx %arg11[%select_n3A_133, %select_n3A_219, %broadcast_in_dim3A_816], %add3A_628 : memref<8x8x129xf32, #tpu.memory_space<vmem>>[vector<16xi32>, vector<16xi32>, vector<16xi32>], vector<16xf32>,
      %add3A_817 = arith.constant 3 : i32
      %add3A_818 = arith.addi %mul3A_520, %add3A_817 : i32
      %broadcast_in_dim3A_819 = vector.broadcast %add3A_818 : i32 to vector<16xi32>
      tpu.vector_store_idx %arg11[%select_n3A, %select_n3A_153, %broadcast_in_dim3A_819], %add3A_637 : memref<8x8x129xf32, #tpu.memory_space<vmem>>[vector<16xi32>, vector<16xi32>, vector<16xi32>], vector<16xf32>,
      tpu.vector_store_idx %arg11[%select_n3A_71, %select_n3A_175, %broadcast_in_dim3A_819], %add3A_646 : memref<8x8x129xf32, #tpu.memory_space<vmem>>[vector<16xi32>, vector<16xi32>, vector<16xi32>], vector<16xf32>,
      tpu.vector_store_idx %arg11[%select_n3A_102, %select_n3A_197, %broadcast_in_dim3A_819], %add3A_655 : memref<8x8x129xf32, #tpu.memory_space<vmem>>[vector<16xi32>, vector<16xi32>, vector<16xi32>], vector<16xf32>,
      tpu.vector_store_idx %arg11[%select_n3A_133, %select_n3A_219, %broadcast_in_dim3A_819], %add3A_664 : memref<8x8x129xf32, #tpu.memory_space<vmem>>[vector<16xi32>, vector<16xi32>, vector<16xi32>], vector<16xf32>,
      %add3A_820 = arith.constant 4 : i32
      %add3A_821 = arith.addi %mul3A_520, %add3A_820 : i32
      %broadcast_in_dim3A_822 = vector.broadcast %add3A_821 : i32 to vector<16xi32>
      tpu.vector_store_idx %arg11[%select_n3A, %select_n3A_153, %broadcast_in_dim3A_822], %add3A_673 : memref<8x8x129xf32, #tpu.memory_space<vmem>>[vector<16xi32>, vector<16xi32>, vector<16xi32>], vector<16xf32>,
      tpu.vector_store_idx %arg11[%select_n3A_71, %select_n3A_175, %broadcast_in_dim3A_822], %add3A_682 : memref<8x8x129xf32, #tpu.memory_space<vmem>>[vector<16xi32>, vector<16xi32>, vector<16xi32>], vector<16xf32>,
      tpu.vector_store_idx %arg11[%select_n3A_102, %select_n3A_197, %broadcast_in_dim3A_822], %add3A_691 : memref<8x8x129xf32, #tpu.memory_space<vmem>>[vector<16xi32>, vector<16xi32>, vector<16xi32>], vector<16xf32>,
      tpu.vector_store_idx %arg11[%select_n3A_133, %select_n3A_219, %broadcast_in_dim3A_822], %add3A_700 : memref<8x8x129xf32, #tpu.memory_space<vmem>>[vector<16xi32>, vector<16xi32>, vector<16xi32>], vector<16xf32>,
      %add3A_823 = arith.constant 5 : i32
      %add3A_824 = arith.addi %mul3A_520, %add3A_823 : i32
      %broadcast_in_dim3A_825 = vector.broadcast %add3A_824 : i32 to vector<16xi32>
      tpu.vector_store_idx %arg11[%select_n3A, %select_n3A_153, %broadcast_in_dim3A_825], %add3A_709 : memref<8x8x129xf32, #tpu.memory_space<vmem>>[vector<16xi32>, vector<16xi32>, vector<16xi32>], vector<16xf32>,
      tpu.vector_store_idx %arg11[%select_n3A_71, %select_n3A_175, %broadcast_in_dim3A_825], %add3A_718 : memref<8x8x129xf32, #tpu.memory_space<vmem>>[vector<16xi32>, vector<16xi32>, vector<16xi32>], vector<16xf32>,
      tpu.vector_store_idx %arg11[%select_n3A_102, %select_n3A_197, %broadcast_in_dim3A_825], %add3A_727 : memref<8x8x129xf32, #tpu.memory_space<vmem>>[vector<16xi32>, vector<16xi32>, vector<16xi32>], vector<16xf32>,
      tpu.vector_store_idx %arg11[%select_n3A_133, %select_n3A_219, %broadcast_in_dim3A_825], %add3A_736 : memref<8x8x129xf32, #tpu.memory_space<vmem>>[vector<16xi32>, vector<16xi32>, vector<16xi32>], vector<16xf32>,
      %add3A_826 = arith.constant 6 : i32
      %add3A_827 = arith.addi %mul3A_520, %add3A_826 : i32
      %broadcast_in_dim3A_828 = vector.broadcast %add3A_827 : i32 to vector<16xi32>
      tpu.vector_store_idx %arg11[%select_n3A, %select_n3A_153, %broadcast_in_dim3A_828], %add3A_745 : memref<8x8x129xf32, #tpu.memory_space<vmem>>[vector<16xi32>, vector<16xi32>, vector<16xi32>], vector<16xf32>,
      tpu.vector_store_idx %arg11[%select_n3A_71, %select_n3A_175, %broadcast_in_dim3A_828], %add3A_754 : memref<8x8x129xf32, #tpu.memory_space<vmem>>[vector<16xi32>, vector<16xi32>, vector<16xi32>], vector<16xf32>,
      tpu.vector_store_idx %arg11[%select_n3A_102, %select_n3A_197, %broadcast_in_dim3A_828], %add3A_763 : memref<8x8x129xf32, #tpu.memory_space<vmem>>[vector<16xi32>, vector<16xi32>, vector<16xi32>], vector<16xf32>,
      tpu.vector_store_idx %arg11[%select_n3A_133, %select_n3A_219, %broadcast_in_dim3A_828], %add3A_772 : memref<8x8x129xf32, #tpu.memory_space<vmem>>[vector<16xi32>, vector<16xi32>, vector<16xi32>], vector<16xf32>,
      %add3A_829 = arith.constant 7 : i32
      %add3A_830 = arith.addi %mul3A_520, %add3A_829 : i32
      %broadcast_in_dim3A_831 = vector.broadcast %add3A_830 : i32 to vector<16xi32>
      tpu.vector_store_idx %arg11[%select_n3A, %select_n3A_153, %broadcast_in_dim3A_831], %add3A_781 : memref<8x8x129xf32, #tpu.memory_space<vmem>>[vector<16xi32>, vector<16xi32>, vector<16xi32>], vector<16xf32>,
      tpu.vector_store_idx %arg11[%select_n3A_71, %select_n3A_175, %broadcast_in_dim3A_831], %add3A_790 : memref<8x8x129xf32, #tpu.memory_space<vmem>>[vector<16xi32>, vector<16xi32>, vector<16xi32>], vector<16xf32>,
      tpu.vector_store_idx %arg11[%select_n3A_102, %select_n3A_197, %broadcast_in_dim3A_831], %add3A_799 : memref<8x8x129xf32, #tpu.memory_space<vmem>>[vector<16xi32>, vector<16xi32>, vector<16xi32>], vector<16xf32>,
      tpu.vector_store_idx %arg11[%select_n3A_133, %select_n3A_219, %broadcast_in_dim3A_831], %add3A_808 : memref<8x8x129xf32, #tpu.memory_space<vmem>>[vector<16xi32>, vector<16xi32>, vector<16xi32>], vector<16xf32>,
    }
    %scan3A_460 = arith.constant 16 : i32
    %dma_start3A_461 = arith.constant 199 : i32
    %dma_start3A_462 = arith.constant 0 : i32
    %dma_start3A_463 = arith.constant 0 : i32
    %dma_start3A_464 = arith.constant 0 : i32
    %dma_start3A_465 = tpu.memref_slice %arg11[%dma_start3A_462, %dma_start3A_463, %dma_start3A_464] : memref<8x8x129xf32, #tpu.memory_space<vmem>> -> memref<8x8x128xf32, #tpu.memory_space<vmem>>
    %dma_start3A_466 = arith.constant 0 : i32
    %dma_start3A_467 = arith.constant 0 : i32
    %dma_start3A_468 = arith.constant 0 : i32
    %dma_start3A_469 = tpu.memref_slice %arg5[%dma_start3A_461, %dma_start3A_466, %add3A, %dma_start3A_467, %dma_start3A_468] : memref<200x8x32x8x128xf32, #tpu.memory_space<hbm>> -> memref<1x8x1x8x128xf32, #tpu.memory_space<hbm>>
    %dma_start3A_470 = tpu.memref_squeeze %dma_start3A_469 : memref<1x8x1x8x128xf32, #tpu.memory_space<hbm>> -> memref<8x8x128xf32, #tpu.memory_space<hbm>>
    %dma_start3A_471 = arith.constant 0 : i32
    %dma_start3A_472 = arith.constant 0 : i32
    %dma_start3A_473 = arith.constant 0 : i32
    %dma_start3A_474 = tpu.memref_slice %arg5[%dma_start3A_461, %dma_start3A_471, %add3A, %dma_start3A_472, %dma_start3A_473] : memref<200x8x32x8x128xf32, #tpu.memory_space<hbm>> -> memref<1x8x1x8x128xf32, #tpu.memory_space<hbm>>
    %dma_start3A_475 = tpu.memref_squeeze %dma_start3A_474 : memref<1x8x1x8x128xf32, #tpu.memory_space<hbm>> -> memref<8x8x128xf32, #tpu.memory_space<hbm>>
    %dma_start3A_476 = arith.constant 0 : i32
    %dma_start3A_477 = arith.constant 0 : i32
    %dma_start3A_478 = arith.constant 0 : i32
    %dma_start3A_479 = tpu.memref_slice %arg11[%dma_start3A_476, %dma_start3A_477, %dma_start3A_478] : memref<8x8x129xf32, #tpu.memory_space<vmem>> -> memref<8x8x128xf32, #tpu.memory_space<vmem>>
    tpu.enqueue_dma source(%dma_start3A_479 : memref<8x8x128xf32, #tpu.memory_space<vmem>>) target(%dma_start3A_475 : memref<8x8x128xf32, #tpu.memory_space<hbm>>) target_semaphore(%arg15 : memref<!tpu.dma_semaphore, #tpu.memory_space<semaphore_mem>>)
    %dma_wait3A_480 = arith.constant 198 : i32
    %dma_wait3A_481 = arith.constant 0 : i32
    %dma_wait3A_482 = arith.constant 0 : i32
    %dma_wait3A_483 = arith.constant 0 : i32
    %dma_wait3A_484 = tpu.memref_slice %arg10[%dma_wait3A_481, %dma_wait3A_482, %dma_wait3A_483] : memref<8x8x129xf32, #tpu.memory_space<vmem>> -> memref<8x8x128xf32, #tpu.memory_space<vmem>>
    %dma_wait3A_485 = arith.constant 0 : i32
    %dma_wait3A_486 = arith.constant 0 : i32
    %dma_wait3A_487 = arith.constant 0 : i32
    %dma_wait3A_488 = tpu.memref_slice %arg5[%dma_wait3A_480, %dma_wait3A_485, %add3A, %dma_wait3A_486, %dma_wait3A_487] : memref<200x8x32x8x128xf32, #tpu.memory_space<hbm>> -> memref<1x8x1x8x128xf32, #tpu.memory_space<hbm>>
    %dma_wait3A_489 = tpu.memref_squeeze %dma_wait3A_488 : memref<1x8x1x8x128xf32, #tpu.memory_space<hbm>> -> memref<8x8x128xf32, #tpu.memory_space<hbm>>
    %dma_wait3A_490 = arith.constant 0 : i32
    %dma_wait3A_491 = arith.constant 0 : i32
    %dma_wait3A_492 = arith.constant 0 : i32
    %dma_wait3A_493 = tpu.memref_slice %arg5[%dma_wait3A_480, %dma_wait3A_490, %add3A, %dma_wait3A_491, %dma_wait3A_492] : memref<200x8x32x8x128xf32, #tpu.memory_space<hbm>> -> memref<1x8x1x8x128xf32, #tpu.memory_space<hbm>>
    %dma_wait3A_494 = tpu.memref_squeeze %dma_wait3A_493 : memref<1x8x1x8x128xf32, #tpu.memory_space<hbm>> -> memref<8x8x128xf32, #tpu.memory_space<hbm>>
    %dma_wait3A_495 = arith.constant 0 : i32
    %dma_wait3A_496 = arith.constant 0 : i32
    %dma_wait3A_497 = arith.constant 0 : i32
    %dma_wait3A_498 = tpu.memref_slice %arg10[%dma_wait3A_495, %dma_wait3A_496, %dma_wait3A_497] : memref<8x8x129xf32, #tpu.memory_space<vmem>> -> memref<8x8x128xf32, #tpu.memory_space<vmem>>
    tpu.wait_dma2 semaphore(%arg14 : memref<!tpu.dma_semaphore, #tpu.memory_space<semaphore_mem>>) src(%dma_wait3A_498 : memref<8x8x128xf32, #tpu.memory_space<vmem>>) dst(%dma_wait3A_494 : memref<8x8x128xf32, #tpu.memory_space<hbm>>)
    %dma_wait3A_499 = arith.constant 199 : i32
    %dma_wait3A_500 = arith.constant 0 : i32
    %dma_wait3A_501 = arith.constant 0 : i32
    %dma_wait3A_502 = arith.constant 0 : i32
    %dma_wait3A_503 = tpu.memref_slice %arg11[%dma_wait3A_500, %dma_wait3A_501, %dma_wait3A_502] : memref<8x8x129xf32, #tpu.memory_space<vmem>> -> memref<8x8x128xf32, #tpu.memory_space<vmem>>
    %dma_wait3A_504 = arith.constant 0 : i32
    %dma_wait3A_505 = arith.constant 0 : i32
    %dma_wait3A_506 = arith.constant 0 : i32
    %dma_wait3A_507 = tpu.memref_slice %arg5[%dma_wait3A_499, %dma_wait3A_504, %add3A, %dma_wait3A_505, %dma_wait3A_506] : memref<200x8x32x8x128xf32, #tpu.memory_space<hbm>> -> memref<1x8x1x8x128xf32, #tpu.memory_space<hbm>>
    %dma_wait3A_508 = tpu.memref_squeeze %dma_wait3A_507 : memref<1x8x1x8x128xf32, #tpu.memory_space<hbm>> -> memref<8x8x128xf32, #tpu.memory_space<hbm>>
    %dma_wait3A_509 = arith.constant 0 : i32
    %dma_wait3A_510 = arith.constant 0 : i32
    %dma_wait3A_511 = arith.constant 0 : i32
    %dma_wait3A_512 = tpu.memref_slice %arg5[%dma_wait3A_499, %dma_wait3A_509, %add3A, %dma_wait3A_510, %dma_wait3A_511] : memref<200x8x32x8x128xf32, #tpu.memory_space<hbm>> -> memref<1x8x1x8x128xf32, #tpu.memory_space<hbm>>
    %dma_wait3A_513 = tpu.memref_squeeze %dma_wait3A_512 : memref<1x8x1x8x128xf32, #tpu.memory_space<hbm>> -> memref<8x8x128xf32, #tpu.memory_space<hbm>>
    %dma_wait3A_514 = arith.constant 0 : i32
    %dma_wait3A_515 = arith.constant 0 : i32
    %dma_wait3A_516 = arith.constant 0 : i32
    %dma_wait3A_517 = tpu.memref_slice %arg11[%dma_wait3A_514, %dma_wait3A_515, %dma_wait3A_516] : memref<8x8x129xf32, #tpu.memory_space<vmem>> -> memref<8x8x128xf32, #tpu.memory_space<vmem>>
    tpu.wait_dma2 semaphore(%arg15 : memref<!tpu.dma_semaphore, #tpu.memory_space<semaphore_mem>>) src(%dma_wait3A_517 : memref<8x8x128xf32, #tpu.memory_space<vmem>>) dst(%dma_wait3A_513 : memref<8x8x128xf32, #tpu.memory_space<hbm>>)
    return
  }
}

</mosaic_0001>

<sc_bundles>
// kernel: kernel.3.cloned.1.call-start
scs
__scs_entry_jumppad:
0x0: {  	(pc) =	sbr.rel $0x88, $3  }
0x1: {  	(tag) =	ssettag $0x0;
	lr =	simm.s32 $0x1  }
0x2: {  	[smem:$0x3F9F] =	sst lr;
	_ =	strace $0xD0000000  }
0x3: {  	_ = 	snop  }
0x4: {  	_ = 	snop  }
0x5: {  	_ = 	snop  }
0x6: {  	_ = 	snop  }
0x7: {  	_ = 	snop  }
__scs_overlays_trampoline_lowered:
0x8: {  	[smem:$0x3FAE] =	sst s0  }
0x9: {  	[smem:$0x3FAF] =	sst s1  }
0xa: {  	[smem:$0x3FB0] =	sst s2  }
0xb: {  	[smem:$0x3FB1] =	sst s3  }
0xc: {  	[smem:$0x3FB2] =	sst s4  }
0xd: {  	[smem:$0x3FB3] =	sst s5  }
0xe: {  	[smem:$0x3FB4] =	sst s6  }
0xf: {  	[smem:$0x3FB5] =	sst s7  }
0x10: {  	[smem:$0x3FB6] =	sst s8  }
0x11: {  	[smem:$0x3FB7] =	sst s9;
	s0 =	simm.s32 @!p0 $0x0  }
0x12: {  	s1 =	sld [smem:$0x3F9D];
	s0 =	simm.s32 @p0 $0x1  }
0x13: {  	[smem:$0x3FB8] =	sst s0;
	s0 =	simm.s32 @!p1 $0x0  }
0x14: {  	s2 =	sld [smem:$0x3F9C];
	s0 =	simm.s32 @p1 $0x1  }
0x15: {  	[smem:$0x3FB9] =	sst s0;
	s0 =	simm.s32 @!p2 $0x0  }
0x16: {  	s3 =	sld [smem:$0x3FDB];
	s0 =	simm.s32 @p2 $0x1  }
0x17: {  	s4 =	simm.s32 $0x1BF5;
	[smem:$0x3FBB] =	sst s0  }
0x18: {  	s0 =	sld [smem:$0x3F9E];
	_ =	swait.ge [sflag:s4], $0x0  }
0x19: {  	s7 =	sld [smem:$0x3F9F]  }
0x1a: {  	s8 =	sadd.s32 $0xFFFFE003, lr  }
0x1b: {  	s9 =	sadd.s32 $0xFFFFFEF7, lr;
	s5 =	simm.s32 $0xFFFFFFFF;
	p2 =	slt.u32 s8, $0xFFFFF086  }
0x1c: {  	p1 =	slt.u32 s9, $0xF7A;
	s5 =	simm.s32 @!p2 $0x0  }
0x1d: {  	s5 =	simm.s32 @p1 $0x1;
	p0 =	seq.s32 s7, s2  }
0x1e: {  	s7 =	smul.u32 @!p0 $0xF7A, s2;
	p2 =	seq.s32 @!p0 s5, $0x0  }
0x1f: {  	s9 =	smul.u32 $0xF7A, s1;
	s8 =	simm.s32 @!p0 $0x1BF5;
	p2 =	por !p2, p0  }
0x20: {  	[sflag:s8] =	ssyncset.s32 @!p0 $0xFFFFF086;
	s6 =	sadd.s32 @!p0 s3, s7;
	s7 =	simm.s32 @!p0 $0x108  }
0x21: {  	s3 =	sadd.s32 s3, s9;
	s6 =	sadd.s32 @!p0 $0x88, s6;
	s7 =	simm.s32 @p2 $0x1082  }
0x22: {  	[simem:s7], [sflag:s8] =	dma.local @!p0 [hbm:s6], $0xF7A  }
0x23: {  	s9 =	sor.u32 $0xD0000000, s2;
	s6 =	simm.s32 $0x108;
	_ =	swait.ge @!p0 [sflag:s8], $0x0  }
0x24: {  	s3 =	sadd.s32 $0x88, s3;
	s6 =	simm.s32 @!p1 $0x1082;
	[sflag:s4] =	ssyncset.s32 $0xFFFFF086  }
0x25: {  	[simem:s6], [sflag:s4] =	dma.local [hbm:s3], $0xF7A  }
0x26: {  	[smem:$0x3F9F] =	sst s1;
	(tag) =	ssettag s2;
	_ =	strace s9  }
0x27: {  	s1 =	sld [smem:$0x3FAF]  }
0x28: {  	s2 =	sld [smem:$0x3FB0]  }
0x29: {  	s4 =	sld [smem:$0x3FB2]  }
0x2a: {  	p0 =	seq.s32 s5, $0x0;
	s5 =	sld [smem:$0x3FB3]  }
0x2b: {  	s6 =	sld [smem:$0x3FB4]  }
0x2c: {  	s7 =	sld [smem:$0x3FB5]  }
0x2d: {  	s3 =	simm.s32 $0x108;
	s8 =	sld [smem:$0x3FB6]  }
0x2e: {  	s3 =	simm.s32 @!p0 $0x1082;
	s9 =	sld [smem:$0x3FB7]  }
0x2f: {  	lr =	sadd.s32 s0, s3;
	s0 =	sld [smem:$0x3FAE]  }
0x30: {  	s3 =	sld [smem:$0x3FB1]  }
0x31: {  	[smem:$0x3FBA] =	sst s10  }
0x32: {  	s10 =	sld [smem:$0x3FB8];
	_ =	sdelay $0x3  }
0x33: {  	p0 =	seq.s32 s10, $0x1;
	s10 =	sld [smem:$0x3FBA];
	_ =	sdelay $0x3  }
0x34: {  	[smem:$0x3FBA] =	sst s10  }
0x35: {  	s10 =	sld [smem:$0x3FB9];
	_ =	sdelay $0x3  }
0x36: {  	p1 =	seq.s32 s10, $0x1;
	s10 =	sld [smem:$0x3FBA];
	_ =	sdelay $0x3  }
0x37: {  	[smem:$0x3FBA] =	sst s10  }
0x38: {  	s10 =	sld [smem:$0x3FBB]  }
0x39: {  	_ = 	snop;
	(pc) =	sbr.ind lr, $3  }
0x3a: {  	_ = 	snop  }
0x3b: {  	_ = 	snop  }
0x3c: {  	p2 =	seq.s32 s10, $0x1;
	s10 =	sld [smem:$0x3FBA]  }
0x3d: {  	_ =	shalt  }
0x3e: {  	_ =	shalt  }
0x3f: {  	_ =	shalt  }
0x40: {  	_ =	shalt  }
0x41: {  	_ =	shalt  }
0x42: {  	_ =	shalt  }
0x43: {  	_ =	shalt  }
0x44: {  	_ =	shalt  }
0x45: {  	_ =	shalt  }
0x46: {  	_ =	shalt  }
0x47: {  	_ =	shalt  }
0x48: {  	_ =	shalt  }
0x49: {  	_ =	shalt  }
0x4a: {  	_ =	shalt  }
0x4b: {  	_ =	shalt  }
0x4c: {  	_ =	shalt  }
0x4d: {  	_ =	shalt  }
0x4e: {  	_ =	shalt  }
0x4f: {  	_ =	shalt  }
0x50: {  	_ =	shalt  }
0x51: {  	_ =	shalt  }
0x52: {  	_ =	shalt  }
0x53: {  	_ =	shalt  }
0x54: {  	_ =	shalt  }
0x55: {  	_ =	shalt  }
0x56: {  	_ =	shalt  }
0x57: {  	_ =	shalt  }
0x58: {  	_ =	shalt  }
0x59: {  	_ =	shalt  }
0x5a: {  	_ =	shalt  }
0x5b: {  	_ =	shalt  }
0x5c: {  	_ =	shalt  }
0x5d: {  	_ =	shalt  }
0x5e: {  	_ =	shalt  }
0x5f: {  	_ =	shalt  }
0x60: {  	_ =	shalt  }
0x61: {  	_ =	shalt  }
0x62: {  	_ =	shalt  }
0x63: {  	_ =	shalt  }
0x64: {  	_ =	shalt  }
0x65: {  	_ =	shalt  }
0x66: {  	_ =	shalt  }
0x67: {  	_ =	shalt  }
0x68: {  	_ =	shalt  }
0x69: {  	_ =	shalt  }
0x6a: {  	_ =	shalt  }
0x6b: {  	_ =	shalt  }
0x6c: {  	_ =	shalt  }
0x6d: {  	_ =	shalt  }
0x6e: {  	_ =	shalt  }
0x6f: {  	_ =	shalt  }
0x70: {  	_ =	shalt  }
0x71: {  	_ =	shalt  }
0x72: {  	_ =	shalt  }
0x73: {  	_ =	shalt  }
0x74: {  	_ =	shalt  }
0x75: {  	_ =	shalt  }
0x76: {  	_ =	shalt  }
0x77: {  	_ =	shalt  }
0x78: {  	_ =	shalt  }
0x79: {  	_ =	shalt  }
0x7a: {  	_ =	shalt  }
0x7b: {  	_ =	shalt  }
0x7c: {  	_ =	shalt  }
0x7d: {  	_ =	shalt  }
0x7e: {  	_ =	shalt  }
0x7f: {  	_ =	shalt  }
0x80: {  	_ =	shalt  }
0x81: {  	_ =	shalt  }
0x82: {  	_ =	shalt  }
0x83: {  	_ =	shalt  }
0x84: {  	_ =	shalt  }
0x85: {  	_ =	shalt  }
0x86: {  	_ =	shalt  }
0x87: {  	_ =	shalt  }
.Lfunc_end0:
.L_simem_size_0:
called_computation_lowered:
.L_overlay_start_0:
0x88: {  	s2 =	sld [smem:$0x3FD9]  }
0x89: {  	s3 =	sld [smem:$0x3FFE];
	_ =	sdelay $0x1  }
0x8a: {  	s1 =	srdreg.scid  }
0x8b: {  	s0 =	sand.u32 $0x1, s1  }
0x8c: {  	s17 =	sshll.u32 s0, $0xA;
	s2 =	sadd.s32 s3, s2  }
0x8d: {  	s2 =	sadd.s32 s2, s17  }
0x8e: {  	[smem:$0x3FC6] =	sst s2  }
0x8f: {  	_ = 	snop  }
0x90: {  	s2 =	sld [smem:$0x3FD0];
	(tm) =	ssettm $0x1  }
0x91: {  	s18 =	sld [smem:$0x3FFB];
	_ =	sdelay $0x3  }
0x92: {  	_ =	strace s18  }
0x93: {  	s3 =	sld [smem:$0x3FFC];
	_ =	sdelay $0x3  }
0x94: {  	_ =	strace s3  }
0x95: {  	s3 =	sld [smem:$0x3FFD];
	_ =	sdelay $0x3  }
0x96: {  	_ =	strace s3  }
0x97: {  	_ =	strace $0x8FFFFFFF  }
0x98: {  	s19 =	sld [smem:$0x3FDB];
	_ =	sdelay $0x1  }
0x99: {  	s4 =	simm.s32 $_scs_section_size  }
0x9a: {  	s5 =	simm.s32 $_size__tile_overlayer_lowered;
	s6 =	simm.s32 $_tile_overlayer_lowered  }
0x9b: {  	s22 =	simm.s32 $0x1BFF;
	s21 =	sshll.u32 s6, $0x1;
	s3 =	sadd.s32 s4, s19  }
0x9c: {  	s7 =	simm.s32 $0x0;
	s20 =	sshll.u32 s5, $0x1;
	s5 =	sadd.s32 s21, s3  }
0x9d: {  	[timem:s7], [sflag:s22] =	dma.local [hbm:s5], s20  }
0x9e: {  	_ =	swait.ge [sflag:s22], s20  }
0x9f: {  	s4 =	ssub.s32 $0x0, s20;
	[sflag:s22] =	ssyncset.done $0x0  }
0xa0: {  	[sflag:s22] =	ssyncadd.s32 s4;
	_ =	sdelay $0x1  }
0xa1: {  	s23 =	simm.s32 $0x1B8B  }
0xa2: {  	_ =	swait.ge [sflag:s23], $0x1  }
0xa3: {  	[sflag:s23] =	ssyncset.done $0x0  }
0xa4: {  	s25 =	simm.s32 $0x1B8E;
	s24 =	sld [smem:$0x3FFE];
	[sflag:s23] =	ssyncadd.s32 $0xFFFFFFFF  }
0xa5: {  	s26 =	simm.s32 $execute0_lowered;
	[smem:$0x3FD2] =	sst s25  }
0xa6: {  	s5 =	sshll.u32 s26, $0x1;
	_ =	strace $0x80000046;
	[dreg:$0x1] =	wrdreg $0xFFFFFFFF  }
0xa7: {  	s28 =	simm.s32 $_size_execute0_lowered;
	s3 =	sadd.s32 s3, s5;
	[dreg:$0x0] =	wrdreg $0x0  }
0xa8: {  	s5 =	sshll.u32 s28, $0x1;
	[dreg:$0x2] =	wrdreg s3  }
0xa9: {  	[dreg:$0x3] =	wrdreg s5  }
0xaa: {  	[dreg:$0x4] =	wrdreg $0xC0  }
0xab: {  	_ =	task [dreg:s7], $0x5FFFF  }
0xac: {  	[dreg:$0x1] =	wrdreg $0xFFFFFFFF  }
0xad: {  	[dreg:$0x0] =	wrdreg $0x60  }
0xae: {  	[dreg:$0x2] =	wrdreg s24  }
0xaf: {  	[dreg:$0x3] =	wrdreg s2  }
0xb0: {  	[dreg:$0x4] =	wrdreg $0x9  }
0xb1: {  	_ =	task.clear_ibuf [dreg:s7], $0x5FFFF;
	_ =	strace $0x90000046  }
0xb2: {  	s29 =	simm.s32 $0x9;
	_ =	strace $0x80000048  }
0xb3: {  	_ =	swait.ge [sflag:s29], $0x1  }
0xb4: {  	[sflag:s29] =	ssyncadd.s32 $0xFFFFFFFF  }
0xb5: {  	_ =	strace $0x90000048  }
0xb6: {  	_ =	sfence  }
0xb7: {  	s30 =	sld [smem:$0x0];
	_ =	sdelay $0x2  }
0xb8: {  	s31 =	sshll.u32 s1, $0xD;
	s1 =	sshrl.u32 s1, $0x2  }
0xb9: {  	s3 =	sand.u32 $0x4000, s31;
	s1 =	sadd.s32 s1, s30  }
0xba: {  	s0 =	sor.u32 s3, s0;
	s1 =	sshll.u32 s1, $0x11  }
0xbb: {  	s0 =	sor.u32 s1, s0  }
0xbc: {  	s0 =	sadd.s32 $0x8F2B, s0  }
0xbd: {  	[sflag:s0] =	ssyncadd.remote.s32 $0x1  }
0xbe: {  	_ =	sfence.sel $0xFFFF  }
0xbf: {  	[dreg:$0x0] =	wrdreg $0xFFFFFFFF;
	(pc) =	sbr.abs _section_cstart, $3  }
0xc0: {  	[dreg:$0x1] =	wrdreg $0xFFFFFFFF  }
0xc1: {  	_ =	task.clear_ibuf [dreg:s7], $0x2FFFF;
	_ =	strace $0x9FFFFFFF  }
0xc2: {  	(tm) =	ssettm $0x7FFFFFFF  }
0xc3: {  	_ =	shalt  }
tec
execute0_lowered:
.L_overlay_start_1:
0x0: {  	(tag) =	ssettag $0x1  }
0x1: {  	s3 =	stileid.u32;
	v0 =	vlaneseq.u32  }
0x2: {  	s0 =	rddreg [dreg:$0x0];
	s4 =	sshll.u32 s3, $0x1;
	v17 =	vmul.u32 $0x88, v0;
	s3 =	simm.s32 $0x0  }
0x3: {  	[smem:$0x7FF] =	sst s3  }
0x4: {  	s2 =	rddreg [dreg:$0x1];
	v63 =	vadd.s32 $0x880, v17;
	_ =	strace $0x80000047;
	[tilespmem:$0x1FE80] =	vst v17  }
0x5: {  	v14 =	vadd.s32 $0x1100, v17;
	[tilespmem:$0x1FE00] =	vst v63  }
0x6: {  	v16 =	vadd.s32 $0x1980, v17;
	[tilespmem:$0x1FE10] =	vst v14  }
0x7: {  	v24 =	vor.u32 $0x1, v17;
	[tilespmem:$0x1FE20] =	vst v16  }
0x8: {  	v20 =	vadd.s32 $0x881, v17;
	[tilespmem:$0x1FE30] =	vst v24  }
0x9: {  	v25 =	vadd.s32 $0x1101, v17;
	[tilespmem:$0x1FE40] =	vst v20  }
0xa: {  	v32 =	vadd.s32 $0x1981, v17;
	[tilespmem:$0x1FE50] =	vst v25  }
0xb: {  	v26 =	vor.u32 $0x2, v17;
	[tilespmem:$0x1FE60] =	vst v32  }
0xc: {  	v27 =	vadd.s32 $0x882, v17;
	[tilespmem:$0x1FE70] =	vst v26  }
0xd: {  	v18 =	vadd.s32 $0x1102, v17;
	[tilespmem:$0x1FE90] =	vst v27  }
0xe: {  	v19 =	vadd.s32 $0x1982, v17;
	[tilespmem:$0x1FEA0] =	vst v18  }
0xf: {  	v15 =	vor.u32 $0x3, v17;
	[tilespmem:$0x1FEB0] =	vst v19  }
0x10: {  	v31 =	vadd.s32 $0x883, v17;
	[tilespmem:$0x1FEC0] =	vst v15  }
0x11: {  	v28 =	vadd.s32 $0x1103, v17;
	[tilespmem:$0x1FED0] =	vst v31  }
0x12: {  	v0 =	vadd.s32 $0x1983, v17;
	[tilespmem:$0x1FEE0] =	vst v28  }
0x13: {  	v3 =	vor.u32 $0x4, v17;
	[tilespmem:$0x1FEF0] =	vst v0  }
0x14: {  	v29 =	vadd.s32 $0x884, v17;
	[tilespmem:$0x1FF00] =	vst v3  }
0x15: {  	v13 =	vadd.s32 $0x1104, v17;
	[tilespmem:$0x1FF10] =	vst v29  }
0x16: {  	v5 =	vadd.s32 $0x1984, v17;
	[tilespmem:$0x1FF20] =	vst v13  }
0x17: {  	v6 =	vor.u32 $0x5, v17;
	[tilespmem:$0x1FF30] =	vst v5  }
0x18: {  	v21 =	vadd.s32 $0x885, v17;
	[tilespmem:$0x1FF40] =	vst v6  }
0x19: {  	v22 =	vadd.s32 $0x1105, v17;
	[tilespmem:$0x1FF50] =	vst v21  }
0x1a: {  	s1 =	srdreg.scid;
	s14 =	simm.s32 $0x5;
	s15 =	simm.s32 $0x80;
	v23 =	vadd.s32 $0x1985, v17;
	[tilespmem:$0x1FF60] =	vst v22  }
0x1b: {  	s17 =	simm.s32 $0x9600;
	s18 =	simm.s32 $0xD600;
	s19 =	simm.s32 $0x1;
	v34 =	vor.u32 $0x6, v17;
	[tilespmem:$0x1FF70] =	vst v23  }
0x1c: {  	s20 =	simm.s32 $0x11600;
	s22 =	simm.s32 $0x2;
	s23 =	simm.s32 $0x13800;
	v35 =	vadd.s32 $0x886, v17;
	[tilespmem:$0x1FF80] =	vst v34  }
0x1d: {  	s24 =	simm.s32 $0x180;
	s25 =	simm.s32 $0x3;
	s1 =	sand.u32 $0x1, s1;
	v36 =	vadd.s32 $0x1106, v17;
	[tilespmem:$0x1FF90] =	vst v35  }
0x1e: {  	s26 =	simm.s32 $0x4;
	s28 =	simm.s32 $0x0;
	s8 =	sor.u32 s1, s4;
	v37 =	vadd.s32 $0x1986, v17;
	[tilespmem:$0x1FFA0] =	vst v36  }
0x1f: {  	s5 =	sadd.s32 $0xF5BC00, s0;
	s1 =	ssub.s32 $0x2, s1;
	s4 =	sshll.u32 s8, $0x4;
	v2 =	vor.u32 $0x7, v17;
	[tilespmem:$0x1FFB0] =	vst v37  }
0x20: {  	s6 =	sshrl.u32 s1, $0x1;
	s9 =	sshll.u32 s8, $0x7;
	v4 =	vadd.s32 $0x887, v17;
	s7 =	sadd.s32 s4, s0;
	[tilespmem:$0x1FFC0] =	vst v2  }
0x21: {  	vm0 =	vcmask $0x300;
	v30 =	vadd.s32 $0x1107, v17;
	s4 =	sadd.s32 $0xF5C400, s0;
	s31 =	ssub.s32 s1, s6;
	s6 =	sadd.s32 s2, s9;
	[tilespmem:$0x1FFD0] =	vst v4  }
0x22: {  	v1 =	vimm.s32 $0x0;
	s8 =	sshll.u32 s8, $0xA;
	v11 =	vadd.s32 $0x1987, v17;
	[tilespmem:$0x1FFE0] =	vst v30;
	s7 =	sadd.s32 $0xF42C00, s7;
	s9 =	sadd.s32 $0x8000, s6  }
0x23: {  	v1 =	vsel vm0, $0x3, v1;
	[tilespmem:$0x1FFF0] =	vst v11;
	s10 =	sadd.s32 $0x630000, s6;
	s11 =	sadd.s32 $0x638000, s6;
	s12 =	smax.u32 s31, $0x1  }
.LBB2_1:
0x24: {  	s0 =	simm.s32 $0x6400  }
0x25: {  	[tilespmem:s0], [sflag:$0x5] =	stream.linear.gather [hbm4b:s5+s3], $0x3200, $0x38;
	[tilespmem:$0x15A00] =	vst v63  }
0x26: {  	_ =	swait.ge [sflag:s14], $0x3200  }
0x27: {  	[sflag:s14] =	ssyncset.done $0x0  }
0x28: {  	s30 =	simm.s32 $0x1000;
	[sflag:s14] =	ssyncadd.s32 $0xFFFFCE00  }
0x29: {  	[tilespmem:s3], [sflag:$0x5] =	stream.strided.gather [hbm4b:s7+s15], $0x6400, s30, s15, $0x38;
	[tilespmem:$0x15A00] =	vst v63  }
0x2a: {  	_ =	swait.ge [sflag:s14], $0x6400  }
0x2b: {  	[sflag:s14] =	ssyncset.done $0x0  }
0x2c: {  	[sflag:s14] =	ssyncadd.s32 $0xFFFF9C00  }
0x2d: {  	[tilespmem:s17], [sflag:$0x1] =	stream.indirect.gather [hbm4b:s4+s15], $0x80, s3, s15, $0xb8;
	[tilespmem:$0x15A00] =	vst v63  }
0x2e: {  	_ = 	snop  }
0x2f: {  	[tilespmem:s18], [sflag:$0x2] =	stream.indirect.gather [hbm4b:s4+s15], $0x80, s15, s15, $0xb8;
	[tilespmem:$0x15A00] =	vst v63  }
0x30: {  	_ =	swait.ge [sflag:s19], $0x4000  }
0x31: {  	[sflag:s19] =	ssyncset.done $0x0  }
0x32: {  	s29 =	simm.s32 $0x9800;
	s31 =	simm.s32 $0x0;
	[sflag:s19] =	ssyncadd.s32 $0xFFFFC000  }
0x33: {  	v49 =	vmov s31;
	v2 =	vld [tilespmem:s29+$0xFFFFFF80]  }
0x34: {  	v49 =	vshrl.u32 v49, $0x3  }
0x35: {  	v49 =	vshll.u32 v49, v1  }
0x36: {  	v49 =	vbroadcast v49, $0x0;
	v10 =	vld [tilespmem:$0x6400]  }
0x37: {  	v9 =	vld [tilespmem:$0x6410]  }
0x38: {  	v7 =	vld [tilespmem:$0x6420];
	[tilespmem:$0x1FC70] =	vst v2;
	v2 =	vadd.s32 v17, v49  }
0x39: {  	v8 =	vld [tilespmem:$0x6430];
	[tilespmem:$0x1FC80] =	vst v2;
	v2 =	vadd.s32 v63, v49  }
0x3a: {  	[tilespmem:$0x1FC90] =	vst v2;
	v2 =	vld [tilespmem:s29+$0xFFFFFFA0]  }
0x3b: {  	v12 =	vld [tilespmem:s29+$0x1B0]  }
0x3c: {  	v38 =	vld [tilespmem:s29+$0x1A0]  }
0x3d: {  	v39 =	vld [tilespmem:s29+$0x190]  }
0x3e: {  	v52 =	vld [tilespmem:s29+$0xFFFFFEB0]  }
0x3f: {  	v41 =	vld [tilespmem:s29+$0xFFFFFF00];
	[tilespmem:$0x1FCB0] =	vst v2;
	v2 =	vadd.s32 v14, v49  }
0x40: {  	s1 =	simm.s32 $0x1;
	[tilespmem:$0x1FCA0] =	vst v2;
	v2 =	vld [tilespmem:s29+$0xFFFFFFB0]  }
0x41: {  	v53 =	vmov s1;
	v42 =	vld [tilespmem:s29+$0xFFFFFEA0]  }
0x42: {  	v53 =	vshrl.u32 v53, $0x3;
	v43 =	vld [tilespmem:s29+$0xFFFFFE90]  }
0x43: {  	v53 =	vshll.u32 v53, v1;
	v44 =	vld [tilespmem:s29+$0xFFFFFE80]  }
0x44: {  	v53 =	vbroadcast v53, $0x0;
	v45 =	vld [tilespmem:s29+$0xFFFFFE30]  }
0x45: {  	v46 =	vld [tilespmem:s29+$0xFFFFFE20];
	[tilespmem:$0x1FCD0] =	vst v2;
	v2 =	vadd.s32 v16, v49  }
0x46: {  	s13 =	simm.s32 $0x2;
	v47 =	vld [tilespmem:s29+$0xFFFFFE10];
	[tilespmem:$0x1FCC0] =	vst v2;
	v2 =	vadd.s32 v24, v53  }
0x47: {  	v40 =	vmov s13;
	v48 =	vld [tilespmem:s29+$0xFFFFFE00];
	[tilespmem:$0x1FCE0] =	vst v2;
	v2 =	vadd.s32 v25, v53  }
0x48: {  	v40 =	vshrl.u32 v40, $0x3;
	[tilespmem:$0x1FCF0] =	vst v2;
	v2 =	vld [tilespmem:s29+$0x30]  }
0x49: {  	v40 =	vshll.u32 v40, v1;
	v51 =	vld [tilespmem:s29+$0xFFFFFF20]  }
0x4a: {  	v40 =	vbroadcast v40, $0x0;
	v33 =	vld [tilespmem:s29+$0xB0];
	v52 =	vmul.f32 $8.000000000e+00, v52  }
0x4b: {  	v60 =	vld [tilespmem:s29+$0xFFFFFF30]  }
0x4c: {  	s16 =	simm.s32 $0x3;
	v62 =	vadd.s32 v26, v40;
	v42 =	vmul.f32 $8.000000000e+00, v42;
	v56 =	vadd.f32 v52, v8;
	v52 =	vld [tilespmem:s29+$0x110]  }
0x4d: {  	v50 =	vld [tilespmem:s29+$0xFFFFFF10];
	v14 =	vadd.s32 v20, v53;
	[tilespmem:$0x1FD00] =	vst v2;
	v2 =	vadd.s32 v32, v53;
	v53 =	vmov s16  }
0x4e: {  	v4 =	vld [tilespmem:s29+$0xFFFFFF90];
	v54 =	vmul.f32 $8.000000000e+00, v41;
	v51 =	vmul.f32 $8.000000000e+00, v51;
	v41 =	vshrl.u32 v53, $0x3  }
0x4f: {  	v61 =	vld [tilespmem:s29+$0x0];
	[tilespmem:$0x1FD40] =	vst v33;
	v33 =	vadd.s32 v19, v40;
	v58 =	vadd.f32 v42, v7;
	v41 =	vshll.u32 v41, v1  }
0x50: {  	v59 =	vld [tilespmem:s29+$0x10];
	v42 =	vadd.s32 v27, v40;
	v49 =	vadd.s32 v18, v40;
	v40 =	vbroadcast v41, $0x0  }
0x51: {  	[tilespmem:$0x1FD70] =	vst v52;
	v52 =	vadd.f32 v51, v7;
	v51 =	vmul.f32 $8.000000000e+00, v60;
	v60 =	vld [tilespmem:$0x1FC80]  }
0x52: {  	[tilespmem:$0x1FD10] =	vst v2;
	v2 =	vld [tilespmem:s29+$0x80];
	v28 =	vadd.s32 v28, v40  }
0x53: {  	[tilespmem:$0x1FDC0] =	vst v28;
	v28 =	vld [tilespmem:$0x1FC90]  }
0x54: {  	v46 =	vmul.f32 $8.000000000e+00, v46;
	v53 =	vld [tilespmem:s29+$0x120]  }
0x55: {  	[tilespmem:$0x1FC60] =	vst v12;
	v44 =	vmul.f32 $8.000000000e+00, v44;
	v43 =	vmul.f32 $8.000000000e+00, v43;
	v12 =	vld [tilespmem:s29+$0x90]  }
0x56: {  	v48 =	vmul.f32 $8.000000000e+00, v48;
	v55 =	vadd.f32 v46, v7;
	v46 =	vld [tilespmem:s29+$0x20]  }
0x57: {  	v47 =	vmul.f32 $8.000000000e+00, v47;
	v57 =	vadd.f32 v44, v10;
	v44 =	vadd.f32 v43, v9;
	v43 =	vld [tilespmem:s29+$0x100];
	[tilespmem:$0x1FD60] =	vst v49  }
0x58: {  	v49 =	vld [tilespmem:s29+$0x130];
	v41 =	vadd.f32 v48, v10;
	[tilespmem:$0x1FD20] =	vst v2  }
0x59: {  	v47 =	vadd.f32 v47, v9;
	v2 =	vld [tilespmem:s29+$0xA0];
	[tilespmem:$0x1FDA0] =	vst v53  }
0x5a: {  	v53 =	vld [tilespmem:s29+$0x180];
	[tilespmem:v60+s20+$0x0] =	vst.idx.msk $0xffff, v41  }
0x5b: {  	[tilespmem:v28+s20+$0x0] =	vst.idx.msk $0xffff, v47;
	v28 =	vld [tilespmem:$0x1FCA0];
	_ =	sdelay $0x4  }
0x5c: {  	v50 =	vmul.f32 $8.000000000e+00, v50;
	_ =	sdelay $0x1  }
0x5d: {  	v48 =	vadd.f32 v50, v9;
	v50 =	vld [tilespmem:$0x1FC70]  }
0x5e: {  	[tilespmem:v28+s20+$0x0] =	vst.idx.msk $0xffff, v55;
	v28 =	vld [tilespmem:$0x1FCB0]  }
0x5f: {  	v55 =	vmul.f32 $8.000000000e+00, v59;
	v59 =	vadd.s32 v15, v40;
	v15 =	vld [tilespmem:$0x1FCD0];
	_ =	sdelay $0x3  }
0x60: {  	[tilespmem:$0x1FD30] =	vst v42;
	v42 =	vmul.f32 $8.000000000e+00, v50;
	v50 =	vmul.f32 $8.000000000e+00, v28;
	v28 =	vld [tilespmem:$0x1FCC0]  }
0x61: {  	[tilespmem:$0x1FDE0] =	vst v53;
	v53 =	vmul.f32 $8.000000000e+00, v15;
	v15 =	vld [tilespmem:$0x1FCE0];
	_ =	sdelay $0x2  }
0x62: {  	v45 =	vmul.f32 $8.000000000e+00, v45;
	_ =	sdelay $0x1  }
0x63: {  	v45 =	vadd.f32 v45, v8;
	_ =	sdelay $0x1  }
0x64: {  	[tilespmem:v28+s20+$0x0] =	vst.idx.msk $0xffff, v45  }
0x65: {  	[tilespmem:v15+s20+$0x0] =	vst.idx.msk $0xffff, v57;
	v57 =	vadd.s32 v0, v40;
	v0 =	vld [tilespmem:$0x1FCF0];
	_ =	sdelay $0x6  }
0x66: {  	s21 =	simm.s32 $0x4;
	[tilespmem:v14+s20+$0x0] =	vst.idx.msk $0xffff, v44  }
0x67: {  	v47 =	vmov s21;
	[tilespmem:v0+s20+$0x0] =	vst.idx.msk $0xffff, v58;
	v0 =	vld [tilespmem:$0x1FD00]  }
0x68: {  	v41 =	vshrl.u32 v47, $0x3  }
0x69: {  	v41 =	vshll.u32 v41, v1  }
0x6a: {  	v47 =	vbroadcast v41, $0x0;
	_ =	sdelay $0x1  }
0x6b: {  	v60 =	vadd.s32 v31, v40;
	v40 =	vadd.s32 v5, v47;
	v5 =	vmul.f32 $8.000000000e+00, v0;
	v0 =	vld [tilespmem:$0x1FD10];
	_ =	sdelay $0x7  }
0x6c: {  	[tilespmem:v0+s20+$0x0] =	vst.idx.msk $0xffff, v56;
	v0 =	vld [tilespmem:$0x1FD20];
	_ =	sdelay $0x4  }
0x6d: {  	v14 =	vmul.f32 $8.000000000e+00, v0;
	v0 =	vld [tilespmem:$0x1FD30];
	_ =	sdelay $0x4  }
0x6e: {  	v54 =	vadd.f32 v54, v10;
	_ =	sdelay $0x1  }
0x6f: {  	[tilespmem:v62+s20+$0x0] =	vst.idx.msk $0xffff, v54  }
0x70: {  	[tilespmem:v0+s20+$0x0] =	vst.idx.msk $0xffff, v48;
	v0 =	vld [tilespmem:$0x1FD40];
	_ =	sdelay $0x3  }
0x71: {  	[tilespmem:$0x1FD50] =	vst v43  }
0x72: {  	v44 =	vadd.f32 v5, v8;
	v5 =	vmul.f32 $8.000000000e+00, v0;
	v0 =	vld [tilespmem:$0x1FD50];
	_ =	sdelay $0x4  }
0x73: {  	v45 =	vadd.f32 v14, v10;
	v14 =	vmul.f32 $8.000000000e+00, v0;
	v0 =	vld [tilespmem:$0x1FD60];
	_ =	sdelay $0x7  }
0x74: {  	[tilespmem:v0+s20+$0x0] =	vst.idx.msk $0xffff, v52;
	v0 =	vld [tilespmem:$0x1FD70];
	_ =	sdelay $0x1  }
0x75: {  	v4 =	vmul.f32 $8.000000000e+00, v4  }
0x76: {  	s30 =	simm.s32 $0x5;
	v43 =	vmul.f32 $8.000000000e+00, v61;
	v61 =	vadd.f32 v51, v8  }
0x77: {  	v41 =	vadd.f32 v55, v9;
	v55 =	vadd.f32 v4, v9;
	v4 =	vmov s30  }
0x78: {  	v51 =	vadd.s32 v13, v47;
	v13 =	vshrl.u32 v4, $0x3;
	v4 =	vmul.f32 $8.000000000e+00, v0;
	v0 =	vld [tilespmem:$0x1FDA0];
	_ =	sdelay $0x1  }
0x79: {  	[tilespmem:$0x1FDD0] =	vst v49;
	v49 =	vadd.f32 v42, v10  }
0x7a: {  	v42 =	vadd.f32 v43, v10;
	v43 =	vadd.s32 v29, v47;
	v56 =	vshll.u32 v13, v1  }
0x7b: {  	v54 =	vadd.s32 v3, v47;
	v47 =	vadd.f32 v5, v8;
	v5 =	vbroadcast v56, $0x0  }
0x7c: {  	v56 =	vmul.f32 $8.000000000e+00, v12;
	v12 =	vmul.f32 $8.000000000e+00, v0;
	v0 =	vld [tilespmem:$0x1FDC0];
	_ =	sdelay $0x4  }
0x7d: {  	[tilespmem:v33+s20+$0x0] =	vst.idx.msk $0xffff, v61  }
0x7e: {  	v50 =	vadd.f32 v50, v7;
	[tilespmem:v59+s20+$0x0] =	vst.idx.msk $0xffff, v49  }
0x7f: {  	[tilespmem:v60+s20+$0x0] =	vst.idx.msk $0xffff, v55  }
0x80: {  	[tilespmem:v0+s20+$0x0] =	vst.idx.msk $0xffff, v50;
	v0 =	vld [tilespmem:$0x1FDD0];
	_ =	sdelay $0x3  }
0x81: {  	v46 =	vmul.f32 $8.000000000e+00, v46  }
0x82: {  	s31 =	simm.s32 $0x6;
	v52 =	vmul.f32 $8.000000000e+00, v0;
	v0 =	vld [tilespmem:$0x1FDE0]  }
0x83: {  	[tilespmem:$0x1FD80] =	vst v8;
	v46 =	vadd.f32 v46, v7;
	v53 =	vadd.f32 v53, v8;
	v13 =	vmov s31  }
0x84: {  	[tilespmem:$0x1FD90] =	vst v10;
	v33 =	vshrl.u32 v13, $0x3;
	v49 =	vadd.f32 v14, v10;
	v14 =	vmul.f32 $8.000000000e+00, v2  }
0x85: {  	[tilespmem:$0x1FDB0] =	vst v9;
	v58 =	vadd.s32 v21, v5;
	v59 =	vadd.s32 v23, v5;
	v61 =	vshll.u32 v33, v1  }
0x86: {  	[tilespmem:$0x1FDF0] =	vst v7;
	v55 =	vadd.s32 v6, v5;
	v60 =	vadd.f32 v14, v7;
	v48 =	vadd.f32 v4, v9  }
0x87: {  	s1 =	simm.s32 $0x7;
	s0 =	simm.s32 $0xF;
	v50 =	vadd.f32 v12, v7;
	[tilespmem:v57+s20+$0x0] =	vst.idx.msk $0xffff, v53;
	v57 =	vadd.s32 v22, v5;
	v53 =	vmul.f32 $8.000000000e+00, v0  }
.LBB2_2:
0x88: {  	[tilespmem:v54+s20+$0x0] =	vst.idx.msk $0xffff, v42;
	v14 =	vbroadcast v61, $0x0;
	v61 =	vmov s1;
	v0 =	vld [tilespmem:$0x1FFC0]  }
0x89: {  	[tilespmem:v43+s20+$0x0] =	vst.idx.msk $0xffff, v41;
	v43 =	vshrl.u32 v61, $0x3  }
0x8a: {  	v31 =	vld [tilespmem:$0x1FDB0];
	v43 =	vshll.u32 v43, v1  }
0x8b: {  	v43 =	vbroadcast v43, $0x0;
	_ =	sdelay $0x1  }
0x8c: {  	v6 =	vadd.s32 v0, v43;
	v0 =	vld [tilespmem:$0x1FFD0]  }
0x8d: {  	[tilespmem:v51+s20+$0x0] =	vst.idx.msk $0xffff, v46  }
0x8e: {  	[tilespmem:v40+s20+$0x0] =	vst.idx.msk $0xffff, v44;
	v62 =	vadd.s32 v34, v14;
	v33 =	vadd.f32 v56, v31  }
0x8f: {  	v28 =	vld [tilespmem:$0x1FD80];
	v4 =	vadd.s32 v35, v14;
	[tilespmem:v55+s20+$0x0] =	vst.idx.msk $0xffff, v45  }
0x90: {  	v13 =	vld [tilespmem:$0x1FD90];
	v42 =	vadd.s32 v36, v14;
	[tilespmem:v58+s20+$0x0] =	vst.idx.msk $0xffff, v33  }
0x91: {  	v56 =	vadd.s32 v37, v14;
	[tilespmem:v57+s20+$0x0] =	vst.idx.msk $0xffff, v60;
	v7 =	vadd.s32 v0, v43;
	v0 =	vld [tilespmem:$0x1FC60]  }
0x92: {  	v14 =	vld [tilespmem:$0x1FDF0];
	[tilespmem:v59+s20+$0x0] =	vst.idx.msk $0xffff, v47  }
0x93: {  	[tilespmem:v62+s20+$0x0] =	vst.idx.msk $0xffff, v49  }
0x94: {  	v39 =	vmul.f32 $8.000000000e+00, v39;
	v34 =	vadd.s32 v30, v43;
	v35 =	vadd.f32 v52, v28;
	[tilespmem:v4+s20+$0x0] =	vst.idx.msk $0xffff, v48  }
0x95: {  	s13 =	smov.u32 s0;
	v38 =	vmul.f32 $8.000000000e+00, v38;
	v5 =	vadd.f32 v53, v13;
	v36 =	vadd.s32 v11, v43;
	[tilespmem:v42+s20+$0x0] =	vst.idx.msk $0xffff, v50  }
0x96: {  	s1 =	smov.u32 s13;
	v39 =	vadd.f32 v39, v31;
	[tilespmem:v56+s20+$0x0] =	vst.idx.msk $0xffff, v35;
	v33 =	vmul.f32 $8.000000000e+00, v0  }
0x97: {  	s30 =	sadd.s32 $0xFFFFFFFA, s1;
	v38 =	vadd.f32 v38, v14;
	[tilespmem:v6+s20+$0x0] =	vst.idx.msk $0xffff, v5  }
0x98: {  	v9 =	vld [tilespmem:$0x1FEC0];
	s31 =	sadd.s32 $0xFFFFFFFB, s1;
	v4 =	vmov s30;
	[tilespmem:v7+s20+$0x0] =	vst.idx.msk $0xffff, v39;
	v37 =	vadd.f32 v33, v28  }
0x99: {  	v50 =	vshrl.u32 v4, $0x3;
	v4 =	vld [tilespmem:$0x1FEE0];
	v6 =	vmov s31;
	[tilespmem:v34+s20+$0x0] =	vst.idx.msk $0xffff, v38  }
0x9a: {  	s29 =	sadd.s32 $0x400, s29;
	[tilespmem:v36+s20+$0x0] =	vst.idx.msk $0xffff, v37;
	v37 =	vshrl.u32 v6, $0x3;
	v6 =	vld [tilespmem:$0x1FED0]  }
0x9b: {  	v0 =	vld [tilespmem:s29+$0x1B0]  }
0x9c: {  	v29 =	vld [tilespmem:s29+$0x1A0]  }
0x9d: {  	v15 =	vld [tilespmem:s29+$0x190]  }
0x9e: {  	v40 =	vld [tilespmem:s29+$0xFFFFFEB0]  }
0x9f: {  	v41 =	vld [tilespmem:s29+$0xFFFFFF00]  }
0xa0: {  	v42 =	vld [tilespmem:s29+$0xFFFFFEA0]  }
0xa1: {  	v38 =	vld [tilespmem:s29+$0xFFFFFE90]  }
0xa2: {  	v44 =	vld [tilespmem:s29+$0xFFFFFE80]  }
0xa3: {  	v46 =	vld [tilespmem:s29+$0xFFFFFE30]  }
0xa4: {  	v47 =	vld [tilespmem:s29+$0xFFFFFE20]  }
0xa5: {  	v48 =	vld [tilespmem:s29+$0xFFFFFE10]  }
0xa6: {  	v49 =	vld [tilespmem:s29+$0xFFFFFE00]  }
0xa7: {  	v51 =	vld [tilespmem:s29+$0xFFFFFF10]  }
0xa8: {  	v5 =	vld [tilespmem:s29+$0xFFFFFF20]  }
0xa9: {  	v55 =	vld [tilespmem:s29+$0xFFFFFF30]  }
0xaa: {  	v57 =	vld [tilespmem:s29+$0xFFFFFF80]  }
0xab: {  	s13 =	sadd.s32 $0xFFFFFFF9, s1;
	v58 =	vld [tilespmem:s29+$0xFFFFFF90]  }
0xac: {  	v62 =	vmov s13;
	v61 =	vld [tilespmem:s29+$0xFFFFFFA0]  }
0xad: {  	v45 =	vshrl.u32 v62, $0x3;
	[tilespmem:$0x1FC60] =	vst v0;
	v0 =	vld [tilespmem:$0x1FE10]  }
0xae: {  	v45 =	vshll.u32 v45, v1;
	v62 =	vld [tilespmem:s29+$0xFFFFFFB0]  }
0xaf: {  	v45 =	vbroadcast v45, $0x0;
	v50 =	vshll.u32 v50, v1;
	v34 =	vld [tilespmem:s29+$0x30]  }
0xb0: {  	v50 =	vbroadcast v50, $0x0;
	v52 =	vld [tilespmem:s29+$0x90]  }
0xb1: {  	v10 =	vadd.s32 v17, v45;
	v12 =	vadd.s32 v63, v45;
	v54 =	vadd.s32 v16, v45;
	v60 =	vld [tilespmem:s29+$0xA0]  }
0xb2: {  	v56 =	vadd.s32 v32, v50;
	v2 =	vld [tilespmem:s29+$0xB0];
	v41 =	vmul.f32 $8.000000000e+00, v41;
	v0 =	vadd.s32 v0, v45  }
0xb3: {  	v8 =	vld [tilespmem:s29+$0x130];
	v49 =	vmul.f32 $8.000000000e+00, v49;
	v42 =	vmul.f32 $8.000000000e+00, v42;
	[tilespmem:$0x1FC20] =	vst v0;
	v0 =	vadd.s32 v24, v50  }
0xb4: {  	s16 =	sadd.s32 $0xFFFFFFFC, s1;
	v43 =	vmul.f32 $8.000000000e+00, v38;
	v38 =	vld [tilespmem:s29+$0x0];
	v40 =	vmul.f32 $8.000000000e+00, v40;
	[tilespmem:$0x1FC30] =	vst v0;
	v0 =	vadd.s32 v20, v50  }
0xb5: {  	v39 =	vadd.f32 v42, v14;
	v42 =	vld [tilespmem:s29+$0x20];
	[tilespmem:$0x1FC40] =	vst v0;
	v0 =	vadd.s32 v25, v50;
	v50 =	vmov s16  }
0xb6: {  	v53 =	vmul.f32 $8.000000000e+00, v5;
	v7 =	vmul.f32 $8.000000000e+00, v51;
	v51 =	vld [tilespmem:s29+$0x80];
	v35 =	vshrl.u32 v50, $0x3  }
0xb7: {  	v5 =	vld [tilespmem:s29+$0x120];
	v33 =	vadd.f32 v40, v28;
	v63 =	vadd.f32 v41, v13;
	v35 =	vshll.u32 v35, v1  }
0xb8: {  	v41 =	vadd.f32 v49, v13;
	v49 =	vmul.f32 $8.000000000e+00, v55;
	v55 =	vld [tilespmem:s29+$0x100];
	v35 =	vbroadcast v35, $0x0  }
0xb9: {  	s21 =	sadd.s32 $0xFFFFFFFD, s1;
	v3 =	vadd.f32 v7, v31;
	v40 =	vmul.f32 $8.000000000e+00, v57;
	v57 =	vld [tilespmem:s29+$0x110];
	v45 =	vadd.f32 v43, v31  }
0xba: {  	v43 =	vld [tilespmem:s29+$0x10];
	v59 =	vadd.s32 v4, v35;
	v4 =	vmul.f32 $8.000000000e+00, v42;
	v42 =	vmov s21  }
0xbb: {  	v7 =	vadd.f32 v40, v13;
	v40 =	vshrl.u32 v42, $0x3;
	v42 =	vmul.f32 $8.000000000e+00, v61;
	v61 =	vld [tilespmem:s29+$0x180]  }
0xbc: {  	[tilespmem:v10+s20+$0x0] =	vst.idx.msk $0xffff, v41;
	v10 =	vld [tilespmem:$0x1FEF0];
	_ =	sdelay $0x3  }
0xbd: {  	v6 =	vadd.s32 v6, v35;
	v9 =	vadd.s32 v9, v35  }
0xbe: {  	v35 =	vadd.s32 v10, v35;
	v10 =	vadd.f32 v49, v28;
	v49 =	vmul.f32 $8.000000000e+00, v58;
	v58 =	vld [tilespmem:$0x1FC20];
	_ =	sdelay $0x2  }
0xbf: {  	v48 =	vmul.f32 $8.000000000e+00, v48  }
0xc0: {  	v47 =	vmul.f32 $8.000000000e+00, v47  }
0xc1: {  	v46 =	vmul.f32 $8.000000000e+00, v46;
	v48 =	vadd.f32 v48, v31  }
0xc2: {  	v47 =	vadd.f32 v47, v14  }
0xc3: {  	v46 =	vadd.f32 v46, v28;
	[tilespmem:v12+s20+$0x0] =	vst.idx.msk $0xffff, v48  }
0xc4: {  	[tilespmem:v58+s20+$0x0] =	vst.idx.msk $0xffff, v47  }
0xc5: {  	[tilespmem:v54+s20+$0x0] =	vst.idx.msk $0xffff, v46;
	v46 =	vld [tilespmem:$0x1FC30];
	_ =	sdelay $0x3  }
0xc6: {  	v44 =	vmul.f32 $8.000000000e+00, v44;
	_ =	sdelay $0x1  }
0xc7: {  	v44 =	vadd.f32 v44, v13  }
0xc8: {  	[tilespmem:$0x1FC50] =	vst v0  }
0xc9: {  	[tilespmem:v46+s20+$0x0] =	vst.idx.msk $0xffff, v44;
	v46 =	vadd.f32 v4, v14;
	v4 =	vmul.f32 $8.000000000e+00, v51;
	v51 =	vld [tilespmem:$0x1FC40]  }
0xca: {  	v54 =	vld [tilespmem:$0x1FC50];
	_ =	sdelay $0x1  }
0xcb: {  	v37 =	vshll.u32 v37, v1  }
0xcc: {  	v37 =	vbroadcast v37, $0x0;
	_ =	sdelay $0x1  }
0xcd: {  	v0 =	vadd.s32 v26, v37;
	_ =	sdelay $0x1  }
0xce: {  	[tilespmem:v51+s20+$0x0] =	vst.idx.msk $0xffff, v45  }
0xcf: {  	v41 =	vld [tilespmem:$0x1FF30];
	[tilespmem:v54+s20+$0x0] =	vst.idx.msk $0xffff, v39  }
0xd0: {  	v47 =	vld [tilespmem:$0x1FF10];
	[tilespmem:v56+s20+$0x0] =	vst.idx.msk $0xffff, v33  }
0xd1: {  	v36 =	vadd.s32 v27, v37;
	v62 =	vmul.f32 $8.000000000e+00, v62;
	[tilespmem:v0+s20+$0x0] =	vst.idx.msk $0xffff, v63;
	v0 =	vld [tilespmem:$0x1FF00]  }
0xd2: {  	v2 =	vmul.f32 $8.000000000e+00, v2;
	v53 =	vadd.f32 v53, v14;
	v40 =	vshll.u32 v40, v1  }
0xd3: {  	v50 =	vadd.s32 v18, v37;
	v43 =	vmul.f32 $8.000000000e+00, v43;
	v48 =	vbroadcast v40, $0x0  }
0xd4: {  	s30 =	sadd.s32 $0xFFFFFFFE, s1;
	v38 =	vmul.f32 $8.000000000e+00, v38;
	v37 =	vadd.s32 v19, v37;
	v12 =	vmovc v11;
	v11 =	vadd.f32 v42, v14;
	v39 =	vmovc v15;
	v15 =	vld [tilespmem:$0x1FF20]  }
0xd5: {  	v40 =	vadd.s32 v41, v48;
	v41 =	vadd.f32 v43, v31;
	v58 =	vmov s30  }
0xd6: {  	v43 =	vadd.s32 v47, v48;
	v47 =	vshrl.u32 v58, $0x3;
	v54 =	vadd.s32 v0, v48  }
0xd7: {  	v0 =	vshll.u32 v47, v1;
	v47 =	vadd.f32 v2, v28;
	v2 =	vmul.f32 $8.000000000e+00, v57  }
0xd8: {  	v60 =	vmul.f32 $8.000000000e+00, v60;
	v42 =	vadd.f32 v38, v13;
	v38 =	vadd.f32 v49, v31  }
0xd9: {  	v49 =	vmul.f32 $8.000000000e+00, v55;
	v51 =	vadd.s32 v15, v48;
	v48 =	vadd.f32 v2, v31;
	v2 =	vld [tilespmem:$0x1FF40]  }
0xda: {  	v34 =	vmul.f32 $8.000000000e+00, v34;
	v62 =	vadd.f32 v62, v28;
	[tilespmem:v36+s20+$0x0] =	vst.idx.msk $0xffff, v3  }
0xdb: {  	p0 =	sne.s32 s0, $0x7F;
	v60 =	vadd.f32 v60, v14;
	v49 =	vadd.f32 v49, v13;
	v3 =	vmul.f32 $8.000000000e+00, v5;
	[tilespmem:v50+s20+$0x0] =	vst.idx.msk $0xffff, v53  }
.Ltmp0:
0xdc: {  	v44 =	vadd.f32 v34, v28;
	v34 =	vld [tilespmem:$0x1FF80];
	v45 =	vadd.f32 v4, v13;
	[tilespmem:v37+s20+$0x0] =	vst.idx.msk $0xffff, v10;
	v0 =	vbroadcast v0, $0x0;
	(pc) =	sbr.rel @p0 .LBB2_2-.Ltmp0, $4  }
0xdd: {  	s31 =	sadd.s32 $0xFFFFFFFF, s1;
	v56 =	vmul.f32 $8.000000000e+00, v52;
	v52 =	vmul.f32 $8.000000000e+00, v8;
	v63 =	vld [tilespmem:$0x1FE00];
	v50 =	vadd.f32 v3, v14;
	[tilespmem:v9+s20+$0x0] =	vst.idx.msk $0xffff, v7  }
0xde: {  	v36 =	vld [tilespmem:$0x1FFA0];
	[tilespmem:v6+s20+$0x0] =	vst.idx.msk $0xffff, v38;
	v58 =	vadd.s32 v21, v0;
	v55 =	vadd.s32 v2, v0;
	v2 =	vmov s31  }
0xdf: {  	v37 =	vld [tilespmem:$0x1FFB0];
	[tilespmem:v59+s20+$0x0] =	vst.idx.msk $0xffff, v11;
	v57 =	vadd.s32 v22, v0;
	v59 =	vadd.s32 v23, v0;
	v0 =	vshrl.u32 v2, $0x3  }
0xe0: {  	s0 =	sadd.s32 $0x8, s0;
	v53 =	vmul.f32 $8.000000000e+00, v61;
	v38 =	vmovc v29;
	v11 =	vmov v12;
	[tilespmem:v35+s20+$0x0] =	vst.idx.msk $0xffff, v62;
	v35 =	vld [tilespmem:$0x1FF90];
	v61 =	vshll.u32 v0, v1  }
0xe1: {  	_ =	sdelay $0x1  }
0xe2: {  	v13 =	vld [tilespmem:$0x1FDB0];
	_ =	sdelay $0x1  }
0xe3: {  	[tilespmem:v54+s20+$0x0] =	vst.idx.msk $0xffff, v42  }
0xe4: {  	v0 =	vbroadcast v61, $0x0;
	[tilespmem:v43+s20+$0x0] =	vst.idx.msk $0xffff, v41  }
0xe5: {  	[tilespmem:v51+s20+$0x0] =	vst.idx.msk $0xffff, v46  }
0xe6: {  	v4 =	vadd.s32 v34, v0;
	[tilespmem:v40+s20+$0x0] =	vst.idx.msk $0xffff, v44;
	v3 =	vadd.f32 v56, v13  }
0xe7: {  	v15 =	vld [tilespmem:$0x1FD80];
	v5 =	vadd.s32 v35, v0;
	[tilespmem:v55+s20+$0x0] =	vst.idx.msk $0xffff, v45  }
0xe8: {  	[tilespmem:v58+s20+$0x0] =	vst.idx.msk $0xffff, v3;
	v3 =	vadd.s32 v36, v0  }
0xe9: {  	v2 =	vmov s1;
	v14 =	vld [tilespmem:$0x1FFC0];
	v0 =	vadd.s32 v37, v0;
	[tilespmem:v57+s20+$0x0] =	vst.idx.msk $0xffff, v60  }
0xea: {  	v29 =	vld [tilespmem:$0x1FFD0];
	v2 =	vshrl.u32 v2, $0x3;
	[tilespmem:v59+s20+$0x0] =	vst.idx.msk $0xffff, v47  }
0xeb: {  	v2 =	vshll.u32 v2, v1;
	[tilespmem:v4+s20+$0x0] =	vst.idx.msk $0xffff, v49  }
0xec: {  	v61 =	vld [tilespmem:$0x1FD90];
	v2 =	vbroadcast v2, $0x0;
	v9 =	vadd.f32 v52, v15;
	[tilespmem:v5+s20+$0x0] =	vst.idx.msk $0xffff, v48  }
0xed: {  	v62 =	vld [tilespmem:$0x1FC60];
	[tilespmem:v3+s20+$0x0] =	vst.idx.msk $0xffff, v50  }
0xee: {  	v6 =	vadd.s32 v14, v2;
	[tilespmem:v0+s20+$0x0] =	vst.idx.msk $0xffff, v9;
	v0 =	vld [tilespmem:$0x1FDF0]  }
0xef: {  	v7 =	vadd.s32 v29, v2  }
0xf0: {  	v8 =	vadd.s32 v30, v2;
	v60 =	vmul.f32 $8.000000000e+00, v39  }
0xf1: {  	v10 =	vmul.f32 $8.000000000e+00, v38;
	v2 =	vadd.s32 v11, v2;
	v5 =	vadd.f32 v53, v61  }
0xf2: {  	v4 =	vmul.f32 $8.000000000e+00, v62;
	v3 =	vadd.f32 v60, v13  }
0xf3: {  	[tilespmem:v6+s20+$0x0] =	vst.idx.msk $0xffff, v5;
	v0 =	vadd.f32 v10, v0  }
0xf4: {  	v4 =	vadd.f32 v4, v15;
	[tilespmem:v7+s20+$0x0] =	vst.idx.msk $0xffff, v3  }
0xf5: {  	[tilespmem:v8+s20+$0x0] =	vst.idx.msk $0xffff, v0  }
0xf6: {  	s0 =	simm.s32 $0x100;
	[tilespmem:v2+s20+$0x0] =	vst.idx.msk $0xffff, v4  }
0xf7: {  	[tilespmem:s17], [sflag:$0x1] =	stream.indirect.gather [hbm4b:s4+s15], $0x80, s0, s15, $0xb8;
	[tilespmem:$0x15A00] =	vst v63  }
0xf8: {  	s1 =	simm.s32 $0x11600  }
0xf9: {  	[hbm4b:s6+s3] =	stream.linear.scatter [tilespmem:s1], [sflag:$0x3], $0x80, $0x38;
	[tilespmem:$0x15A00] =	vst v63  }
0xfa: {  	s13 =	simm.s32 $0x11688;
	s16 =	sadd.s32 $0x10, s6  }
0xfb: {  	[hbm4b:s16+s3] =	stream.linear.scatter [tilespmem:s13], [sflag:$0x3], $0x80, $0x38;
	[tilespmem:$0x15A00] =	vst v63  }
0xfc: {  	s21 =	simm.s32 $0x11710;
	s31 =	sadd.s32 $0x20, s6;
	s29 =	simm.s32 $0x119B8  }
0xfd: {  	[hbm4b:s31+s3] =	stream.linear.scatter [tilespmem:s21], [sflag:$0x3], $0x80, $0x38;
	[tilespmem:$0x15A00] =	vst v63  }
0xfe: {  	s30 =	sadd.s32 $0x70, s6;
	s13 =	simm.s32 $0x11798;
	s16 =	sadd.s32 $0x30, s6  }
0xff: {  	[hbm4b:s16+s3] =	stream.linear.scatter [tilespmem:s13], [sflag:$0x3], $0x80, $0x38;
	[tilespmem:$0x15A00] =	vst v63  }
0x100: {  	s0 =	simm.s32 $0x440;
	s21 =	simm.s32 $0x11820;
	s31 =	sadd.s32 $0x40, s6  }
0x101: {  	[hbm4b:s31+s3] =	stream.linear.scatter [tilespmem:s21], [sflag:$0x3], $0x80, $0x38;
	[tilespmem:$0x15A00] =	vst v63  }
0x102: {  	s1 =	sadd.s32 $0x1000, s6;
	s13 =	simm.s32 $0x118A8;
	s16 =	sadd.s32 $0x50, s6  }
0x103: {  	[hbm4b:s16+s3] =	stream.linear.scatter [tilespmem:s13], [sflag:$0x3], $0x80, $0x38;
	[tilespmem:$0x15A00] =	vst v63  }
0x104: {  	v28 =	vld [tilespmem:$0x1FEE0];
	s21 =	simm.s32 $0x11930;
	s31 =	sadd.s32 $0x60, s6;
	s13 =	simm.s32 $0x2200  }
0x105: {  	v31 =	vld [tilespmem:$0x1FED0];
	v38 =	vmov v14;
	v39 =	vmov v29;
	[hbm4b:s31+s3] =	stream.linear.scatter [tilespmem:s21], [sflag:$0x3], $0x80, $0x38  }
.LBB2_4:
0x106: {  	[hbm4b:s30+s3] =	stream.linear.scatter [tilespmem:s29], [sflag:$0x3], $0x80, $0x38;
	[tilespmem:$0x15A00] =	vst v63  }
0x107: {  	s16 =	smov.u32 s0;
	s0 =	smov.u32 s13  }
0x108: {  	s31 =	sadd.s32 $0x1100, s13;
	s0 =	sshra.s32 s0, $0x2;
	s29 =	sadd.s32 $0x11600, s16  }
0x109: {  	[hbm4b:s1+s3] =	stream.linear.scatter [tilespmem:s29], [sflag:$0x3], $0x80, $0x38;
	[tilespmem:$0x15A00] =	vst v63  }
0x10a: {  	p0 =	sne.s32 s13, $0x7700;
	s13 =	sadd.s32 $0x11688, s16;
	s29 =	sadd.s32 $0x10, s1  }
0x10b: {  	[hbm4b:s29+s3] =	stream.linear.scatter [tilespmem:s13], [sflag:$0x3], $0x80, $0x38;
	[tilespmem:$0x15A00] =	vst v63  }
0x10c: {  	s13 =	sadd.s32 $0x11710, s16;
	s29 =	sadd.s32 $0x20, s1  }
0x10d: {  	[hbm4b:s29+s3] =	stream.linear.scatter [tilespmem:s13], [sflag:$0x3], $0x80, $0x38;
	[tilespmem:$0x15A00] =	vst v63  }
0x10e: {  	s13 =	sadd.s32 $0x11798, s16;
	s29 =	sadd.s32 $0x30, s1  }
0x10f: {  	[hbm4b:s29+s3] =	stream.linear.scatter [tilespmem:s13], [sflag:$0x3], $0x80, $0x38;
	[tilespmem:$0x15A00] =	vst v63  }
0x110: {  	s13 =	sadd.s32 $0x11820, s16;
	s29 =	sadd.s32 $0x40, s1  }
0x111: {  	[hbm4b:s29+s3] =	stream.linear.scatter [tilespmem:s13], [sflag:$0x3], $0x80, $0x38;
	[tilespmem:$0x15A00] =	vst v63  }
.Ltmp1:
0x112: {  	s13 =	sadd.s32 $0x118A8, s16;
	s29 =	sadd.s32 $0x50, s1;
	(pc) =	sbr.rel @p0 .LBB2_4-.Ltmp1, $4  }
0x113: {  	[hbm4b:s29+s3] =	stream.linear.scatter [tilespmem:s13], [sflag:$0x3], $0x80, $0x38;
	[tilespmem:$0x15A00] =	vst v63  }
0x114: {  	s30 =	sadd.s32 $0x70, s1;
	s13 =	sadd.s32 $0x11930, s16;
	s29 =	sadd.s32 $0x60, s1  }
0x115: {  	[hbm4b:s29+s3] =	stream.linear.scatter [tilespmem:s13], [sflag:$0x3], $0x80, $0x38;
	[tilespmem:$0x15A00] =	vst v63  }
0x116: {  	s1 =	sadd.s32 $0x1000, s1;
	s29 =	sadd.s32 $0x119B8, s16;
	s13 =	smov.u32 s31  }
0x117: {  	[hbm4b:s30+s3] =	stream.linear.scatter [tilespmem:s29], [sflag:$0x3], $0x80, $0x38;
	[tilespmem:$0x15A00] =	vst v63  }
0x118: {  	s13 =	sadd.s32 $0x11600, s0  }
0x119: {  	[hbm4b:s1+s3] =	stream.linear.scatter [tilespmem:s13], [sflag:$0x3], $0x80, $0x38;
	[tilespmem:$0x15A00] =	vst v63  }
0x11a: {  	s21 =	sadd.s32 $0x11688, s0;
	s16 =	sadd.s32 $0x10, s1  }
0x11b: {  	[hbm4b:s16+s3] =	stream.linear.scatter [tilespmem:s21], [sflag:$0x3], $0x80, $0x38;
	[tilespmem:$0x15A00] =	vst v63  }
0x11c: {  	s30 =	sadd.s32 $0x11710, s0;
	s31 =	sadd.s32 $0x20, s1  }
0x11d: {  	[hbm4b:s31+s3] =	stream.linear.scatter [tilespmem:s30], [sflag:$0x3], $0x80, $0x38;
	[tilespmem:$0x15A00] =	vst v63  }
0x11e: {  	s16 =	sadd.s32 $0x11798, s0;
	s21 =	sadd.s32 $0x30, s1  }
0x11f: {  	[hbm4b:s21+s3] =	stream.linear.scatter [tilespmem:s16], [sflag:$0x3], $0x80, $0x38;
	[tilespmem:$0x15A00] =	vst v63  }
0x120: {  	s30 =	sadd.s32 $0x11820, s0;
	s31 =	sadd.s32 $0x40, s1  }
0x121: {  	[hbm4b:s31+s3] =	stream.linear.scatter [tilespmem:s30], [sflag:$0x3], $0x80, $0x38;
	[tilespmem:$0x15A00] =	vst v63  }
0x122: {  	s16 =	sadd.s32 $0x118A8, s0;
	s21 =	sadd.s32 $0x50, s1  }
0x123: {  	[hbm4b:s21+s3] =	stream.linear.scatter [tilespmem:s16], [sflag:$0x3], $0x80, $0x38;
	[tilespmem:$0x15A00] =	vst v63  }
0x124: {  	s30 =	sadd.s32 $0x11930, s0;
	s31 =	sadd.s32 $0x60, s1  }
0x125: {  	[hbm4b:s31+s3] =	stream.linear.scatter [tilespmem:s30], [sflag:$0x3], $0x80, $0x38;
	[tilespmem:$0x15A00] =	vst v63  }
0x126: {  	s21 =	sadd.s32 $0x119B8, s0;
	s30 =	sadd.s32 $0x70, s1  }
0x127: {  	[hbm4b:s30+s3] =	stream.linear.scatter [tilespmem:s21], [sflag:$0x3], $0x80, $0x38;
	[tilespmem:$0x15A00] =	vst v63  }
0x128: {  	_ =	swait.ge [sflag:s22], $0x4000  }
0x129: {  	[sflag:s22] =	ssyncset.done $0x0  }
0x12a: {  	s29 =	simm.s32 $0xD800;
	[sflag:s22] =	ssyncadd.s32 $0xFFFFC000  }
0x12b: {  	v0 =	vld [tilespmem:s29+$0x1B0]  }
0x12c: {  	v5 =	vld [tilespmem:s29+$0xFFFFFE80]  }
0x12d: {  	v52 =	vld [tilespmem:$0x1FE10]  }
0x12e: {  	v29 =	vld [tilespmem:$0x6440]  }
0x12f: {  	v14 =	vld [tilespmem:$0x6450]  }
0x130: {  	v13 =	vld [tilespmem:$0x6460]  }
0x131: {  	[tilespmem:$0x1FAF0] =	vst v0;
	v0 =	vld [tilespmem:s29+$0x1A0];
	v5 =	vmul.f32 $8.000000000e+00, v5  }
0x132: {  	v11 =	vld [tilespmem:$0x6470]  }
0x133: {  	v46 =	vadd.f32 v5, v29;
	v5 =	vld [tilespmem:s29+$0x30]  }
0x134: {  	v2 =	vld [tilespmem:s29+$0xFFFFFF00]  }
0x135: {  	v3 =	vld [tilespmem:s29+$0xFFFFFEA0]  }
0x136: {  	[tilespmem:$0x1FB00] =	vst v0;
	v0 =	vld [tilespmem:s29+$0x190]  }
0x137: {  	v4 =	vld [tilespmem:s29+$0xFFFFFE90]  }
0x138: {  	[tilespmem:$0x1FB90] =	vst v5;
	v5 =	vld [tilespmem:s29+$0x90]  }
0x139: {  	v6 =	vld [tilespmem:s29+$0xFFFFFE30]  }
0x13a: {  	v7 =	vld [tilespmem:s29+$0xFFFFFE20]  }
0x13b: {  	v3 =	vmul.f32 $8.000000000e+00, v3;
	[tilespmem:$0x1FB10] =	vst v0;
	v0 =	vld [tilespmem:s29+$0xFFFFFEB0]  }
0x13c: {  	v15 =	vld [tilespmem:s29+$0xFFFFFF10]  }
0x13d: {  	s31 =	simm.s32 $0x0;
	[tilespmem:$0x1FBB0] =	vst v5;
	v5 =	vadd.f32 v3, v13;
	v3 =	vld [tilespmem:s29+$0xA0]  }
0x13e: {  	v10 =	vmov s31;
	v33 =	vld [tilespmem:s29+$0xFFFFFF90]  }
0x13f: {  	v10 =	vshrl.u32 v10, $0x3;
	v8 =	vld [tilespmem:s29+$0xFFFFFE10]  }
0x140: {  	v10 =	vshll.u32 v10, v1;
	v9 =	vld [tilespmem:s29+$0xFFFFFE00];
	v0 =	vmul.f32 $8.000000000e+00, v0  }
0x141: {  	v10 =	vbroadcast v10, $0x0;
	v40 =	vld [tilespmem:s29+$0xFFFFFF20]  }
0x142: {  	v41 =	vld [tilespmem:s29+$0xFFFFFF30];
	[tilespmem:$0x1FBE0] =	vst v3;
	v3 =	vadd.f32 v0, v11;
	v0 =	vmul.f32 $8.000000000e+00, v15  }
0x143: {  	v43 =	vld [tilespmem:s29+$0xFFFFFF80];
	[tilespmem:$0x1FB80] =	vst v33;
	v33 =	vadd.s32 v52, v10  }
0x144: {  	[tilespmem:$0x1FB30] =	vst v33;
	v33 =	vadd.f32 v0, v14;
	v0 =	vld [tilespmem:s29+$0x180]  }
0x145: {  	s1 =	simm.s32 $0x1;
	v51 =	vld [tilespmem:s29+$0xFFFFFFA0]  }
0x146: {  	v42 =	vmov s1;
	v53 =	vld [tilespmem:s29+$0xFFFFFFB0]  }
0x147: {  	v42 =	vshrl.u32 v42, $0x3;
	v50 =	vadd.s32 v63, v10;
	v60 =	vld [tilespmem:s29+$0x80]  }
0x148: {  	v42 =	vshll.u32 v42, v1;
	v61 =	vld [tilespmem:s29+$0xB0];
	[tilespmem:$0x1FB20] =	vst v50  }
0x149: {  	v42 =	vbroadcast v42, $0x0;
	[tilespmem:$0x1FC00] =	vst v0;
	v0 =	vld [tilespmem:$0x1FB20]  }
0x14a: {  	v59 =	vld [tilespmem:s29+$0x120]  }
0x14b: {  	v45 =	vadd.s32 v17, v10;
	v54 =	vadd.s32 v24, v42;
	v57 =	vld [tilespmem:s29+$0x130]  }
0x14c: {  	v55 =	vadd.s32 v20, v42;
	v50 =	vld [tilespmem:s29+$0x0];
	[tilespmem:$0x1FB60] =	vst v54;
	v9 =	vmul.f32 $8.000000000e+00, v9  }
0x14d: {  	s13 =	simm.s32 $0x2;
	[tilespmem:$0x1FB70] =	vst v55;
	v54 =	vld [tilespmem:s29+$0x20];
	v8 =	vmul.f32 $8.000000000e+00, v8  }
0x14e: {  	v56 =	vmov s13;
	v55 =	vld [tilespmem:s29+$0x110];
	[tilespmem:$0x1FB40] =	vst v51;
	v9 =	vadd.f32 v9, v29  }
0x14f: {  	v56 =	vshrl.u32 v56, $0x3;
	v58 =	vadd.s32 v32, v42;
	[tilespmem:$0x1FB50] =	vst v53;
	v53 =	vld [tilespmem:s29+$0x10];
	v8 =	vadd.f32 v8, v14  }
0x150: {  	v51 =	vadd.s32 v25, v42;
	v42 =	vshll.u32 v56, v1;
	v56 =	vld [tilespmem:s29+$0x100];
	[tilespmem:v45+s23+$0x0] =	vst.idx.msk $0xffff, v9  }
0x151: {  	[tilespmem:v0+s23+$0x0] =	vst.idx.msk $0xffff, v8;
	v0 =	vld [tilespmem:$0x1FB30];
	_ =	sdelay $0x3  }
0x152: {  	v44 =	vadd.s32 v16, v10;
	v7 =	vmul.f32 $8.000000000e+00, v7  }
0x153: {  	v6 =	vmul.f32 $8.000000000e+00, v6  }
0x154: {  	v7 =	vadd.f32 v7, v13  }
0x155: {  	v6 =	vadd.f32 v6, v11  }
0x156: {  	[tilespmem:v0+s23+$0x0] =	vst.idx.msk $0xffff, v7  }
0x157: {  	[tilespmem:v44+s23+$0x0] =	vst.idx.msk $0xffff, v6;
	v6 =	vld [tilespmem:$0x1FB50];
	_ =	sdelay $0x4  }
0x158: {  	v44 =	vmul.f32 $8.000000000e+00, v6;
	v6 =	vld [tilespmem:$0x1FB60];
	_ =	sdelay $0x6  }
0x159: {  	s16 =	simm.s32 $0x3  }
0x15a: {  	v62 =	vmov s16;
	v42 =	vbroadcast v42, $0x0;
	[tilespmem:v6+s23+$0x0] =	vst.idx.msk $0xffff, v46;
	v6 =	vld [tilespmem:$0x1FEF0]  }
0x15b: {  	v62 =	vshrl.u32 v62, $0x3  }
0x15c: {  	v62 =	vshll.u32 v62, v1;
	v63 =	vadd.s32 v26, v42;
	v49 =	vadd.s32 v27, v42  }
0x15d: {  	v47 =	vadd.s32 v18, v42;
	v48 =	vadd.s32 v19, v42;
	v42 =	vbroadcast v62, $0x0;
	_ =	sdelay $0x1  }
0x15e: {  	v15 =	vadd.s32 v6, v42;
	v6 =	vld [tilespmem:$0x1FB70];
	_ =	sdelay $0x1  }
0x15f: {  	v0 =	vld [tilespmem:$0x1FB40];
	_ =	sdelay $0x1  }
0x160: {  	v4 =	vmul.f32 $8.000000000e+00, v4  }
0x161: {  	s21 =	simm.s32 $0x4  }
0x162: {  	v4 =	vadd.f32 v4, v14;
	v8 =	vmov s21  }
0x163: {  	v7 =	vshrl.u32 v8, $0x3;
	v8 =	vmul.f32 $8.000000000e+00, v0;
	v0 =	vld [tilespmem:$0x1FEC0]  }
0x164: {  	[tilespmem:v6+s23+$0x0] =	vst.idx.msk $0xffff, v4;
	v4 =	vld [tilespmem:$0x1FB80];
	_ =	sdelay $0x1  }
0x165: {  	v2 =	vmul.f32 $8.000000000e+00, v2;
	v40 =	vmul.f32 $8.000000000e+00, v40  }
0x166: {  	v12 =	vmul.f32 $8.000000000e+00, v43  }
0x167: {  	v2 =	vadd.f32 v2, v29;
	v62 =	vadd.f32 v40, v13;
	v40 =	vmul.f32 $8.000000000e+00, v41;
	[tilespmem:v51+s23+$0x0] =	vst.idx.msk $0xffff, v5;
	v5 =	vld [tilespmem:$0x1FF30]  }
0x168: {  	v41 =	vmul.f32 $8.000000000e+00, v50;
	v0 =	vadd.s32 v0, v42;
	[tilespmem:v58+s23+$0x0] =	vst.idx.msk $0xffff, v3;
	v4 =	vmul.f32 $8.000000000e+00, v4  }
0x169: {  	v50 =	vadd.f32 v40, v11;
	v45 =	vmul.f32 $8.000000000e+00, v54;
	v7 =	vshll.u32 v7, v1;
	[tilespmem:v63+s23+$0x0] =	vst.idx.msk $0xffff, v2  }
0x16a: {  	v54 =	vbroadcast v7, $0x0;
	[tilespmem:v49+s23+$0x0] =	vst.idx.msk $0xffff, v33;
	v3 =	vadd.f32 v4, v14;
	v4 =	vmul.f32 $8.000000000e+00, v60  }
0x16b: {  	v10 =	vadd.f32 v12, v29;
	v46 =	vadd.f32 v45, v13;
	v2 =	vld [tilespmem:$0x1FF20];
	[tilespmem:v47+s23+$0x0] =	vst.idx.msk $0xffff, v62  }
0x16c: {  	v40 =	vadd.s32 v5, v54;
	v5 =	vld [tilespmem:$0x1FB90];
	[tilespmem:v48+s23+$0x0] =	vst.idx.msk $0xffff, v50;
	v45 =	vadd.f32 v4, v29;
	v4 =	vmul.f32 $8.000000000e+00, v61  }
0x16d: {  	v52 =	vadd.s32 v31, v42;
	v7 =	vld [tilespmem:$0x1FF10];
	[tilespmem:v0+s23+$0x0] =	vst.idx.msk $0xffff, v10;
	v0 =	vmul.f32 $8.000000000e+00, v59  }
0x16e: {  	[tilespmem:$0x1FBF0] =	vst v57;
	v47 =	vadd.f32 v4, v11;
	v4 =	vld [tilespmem:$0x1FBB0]  }
0x16f: {  	v50 =	vadd.f32 v0, v13;
	v0 =	vld [tilespmem:$0x1FBF0]  }
0x170: {  	s30 =	simm.s32 $0x5;
	v57 =	vadd.s32 v28, v42;
	v43 =	vmul.f32 $8.000000000e+00, v53;
	v42 =	vadd.f32 v41, v29  }
0x171: {  	v6 =	vld [tilespmem:$0x1FF00];
	v51 =	vadd.s32 v2, v54;
	v2 =	vmov s30;
	v5 =	vmul.f32 $8.000000000e+00, v5  }
0x172: {  	v41 =	vadd.f32 v43, v14;
	v43 =	vadd.s32 v7, v54;
	v2 =	vshrl.u32 v2, $0x3;
	[tilespmem:v52+s23+$0x0] =	vst.idx.msk $0xffff, v3;
	v3 =	vld [tilespmem:$0x1FF40]  }
0x173: {  	v7 =	vadd.f32 v5, v11;
	v5 =	vmul.f32 $8.000000000e+00, v56;
	v56 =	vmul.f32 $8.000000000e+00, v4;
	v4 =	vld [tilespmem:$0x1FBE0]  }
0x174: {  	v55 =	vmul.f32 $8.000000000e+00, v55;
	v2 =	vshll.u32 v2, v1;
	v52 =	vmul.f32 $8.000000000e+00, v0;
	v0 =	vld [tilespmem:$0x1FC00]  }
0x175: {  	[tilespmem:$0x1FBA0] =	vst v11;
	v8 =	vadd.f32 v8, v13;
	v2 =	vbroadcast v2, $0x0  }
0x176: {  	[tilespmem:$0x1FBC0] =	vst v29;
	v12 =	vadd.f32 v44, v11;
	v48 =	vadd.f32 v55, v14;
	v54 =	vadd.s32 v6, v54  }
0x177: {  	s31 =	simm.s32 $0x6;
	[tilespmem:v57+s23+$0x0] =	vst.idx.msk $0xffff, v8;
	v58 =	vadd.s32 v21, v2;
	v57 =	vadd.s32 v22, v2  }
0x178: {  	[tilespmem:$0x1FBD0] =	vst v14;
	v55 =	vadd.s32 v3, v2;
	v3 =	vmov s31;
	v4 =	vmul.f32 $8.000000000e+00, v4  }
0x179: {  	[tilespmem:v15+s23+$0x0] =	vst.idx.msk $0xffff, v12;
	v59 =	vadd.s32 v23, v2;
	v53 =	vmul.f32 $8.000000000e+00, v0;
	v0 =	vshrl.u32 v3, $0x3  }
0x17a: {  	s0 =	simm.s32 $0xF;
	s1 =	simm.s32 $0x7;
	[tilespmem:$0x1FC10] =	vst v13;
	v49 =	vadd.f32 v5, v29;
	v61 =	vshll.u32 v0, v1;
	v60 =	vadd.f32 v4, v13  }
.LBB2_6:
0x17b: {  	v12 =	vld [tilespmem:$0x1FBD0];
	_ =	sdelay $0x1  }
0x17c: {  	[tilespmem:v54+s23+$0x0] =	vst.idx.msk $0xffff, v42  }
0x17d: {  	v0 =	vbroadcast v61, $0x0;
	[tilespmem:v43+s23+$0x0] =	vst.idx.msk $0xffff, v41  }
0x17e: {  	[tilespmem:v51+s23+$0x0] =	vst.idx.msk $0xffff, v46  }
0x17f: {  	[tilespmem:v40+s23+$0x0] =	vst.idx.msk $0xffff, v7;
	v5 =	vadd.s32 v34, v0;
	v2 =	vadd.f32 v56, v12  }
0x180: {  	v6 =	vadd.s32 v35, v0;
	[tilespmem:v55+s23+$0x0] =	vst.idx.msk $0xffff, v45  }
0x181: {  	v3 =	vadd.s32 v37, v0;
	v0 =	vadd.s32 v36, v0;
	[tilespmem:v58+s23+$0x0] =	vst.idx.msk $0xffff, v2  }
0x182: {  	v44 =	vld [tilespmem:$0x1FBC0];
	[tilespmem:v57+s23+$0x0] =	vst.idx.msk $0xffff, v60  }
0x183: {  	v4 =	vmov s1;
	v8 =	vld [tilespmem:$0x1FB00];
	[tilespmem:v59+s23+$0x0] =	vst.idx.msk $0xffff, v47  }
0x184: {  	v4 =	vshrl.u32 v4, $0x3;
	v7 =	vld [tilespmem:$0x1FB10];
	[tilespmem:v5+s23+$0x0] =	vst.idx.msk $0xffff, v49  }
0x185: {  	v4 =	vshll.u32 v4, v1;
	v47 =	vld [tilespmem:$0x1FBA0];
	[tilespmem:v6+s23+$0x0] =	vst.idx.msk $0xffff, v48  }
0x186: {  	v2 =	vbroadcast v4, $0x0;
	[tilespmem:v0+s23+$0x0] =	vst.idx.msk $0xffff, v50;
	v0 =	vld [tilespmem:$0x1FFF0]  }
0x187: {  	v11 =	vld [tilespmem:$0x1FAF0]  }
0x188: {  	v31 =	vld [tilespmem:$0x1FC10];
	v9 =	vadd.s32 v38, v2  }
0x189: {  	v10 =	vadd.s32 v39, v2  }
0x18a: {  	v7 =	vmul.f32 $8.000000000e+00, v7;
	v5 =	vadd.s32 v30, v2;
	v33 =	vadd.f32 v52, v47  }
0x18b: {  	v8 =	vmul.f32 $8.000000000e+00, v8;
	v4 =	vadd.f32 v53, v44;
	v0 =	vadd.s32 v0, v2  }
0x18c: {  	v11 =	vmul.f32 $8.000000000e+00, v11;
	v7 =	vadd.f32 v7, v12;
	[tilespmem:v3+s23+$0x0] =	vst.idx.msk $0xffff, v33  }
0x18d: {  	v8 =	vadd.f32 v8, v31;
	[tilespmem:v9+s23+$0x0] =	vst.idx.msk $0xffff, v4  }
0x18e: {  	v13 =	vld [tilespmem:$0x1FE00];
	v6 =	vadd.f32 v11, v47;
	[tilespmem:v10+s23+$0x0] =	vst.idx.msk $0xffff, v7  }
0x18f: {  	v14 =	vld [tilespmem:$0x1FE10];
	[tilespmem:v5+s23+$0x0] =	vst.idx.msk $0xffff, v8  }
0x190: {  	s29 =	sadd.s32 $0x400, s29;
	v15 =	vld [tilespmem:$0x1FEC0];
	[tilespmem:v0+s23+$0x0] =	vst.idx.msk $0xffff, v6  }
0x191: {  	v0 =	vld [tilespmem:s29+$0x1B0]  }
0x192: {  	v2 =	vld [tilespmem:s29+$0xFFFFFF00]  }
0x193: {  	v3 =	vld [tilespmem:s29+$0xFFFFFEA0]  }
0x194: {  	v4 =	vld [tilespmem:s29+$0xFFFFFE90]  }
0x195: {  	v5 =	vld [tilespmem:s29+$0xFFFFFE80]  }
0x196: {  	v7 =	vld [tilespmem:s29+$0xFFFFFE30]  }
0x197: {  	v8 =	vld [tilespmem:s29+$0xFFFFFE20]  }
0x198: {  	[tilespmem:$0x1FAF0] =	vst v0;
	v0 =	vld [tilespmem:s29+$0x1A0]  }
0x199: {  	v9 =	vld [tilespmem:s29+$0xFFFFFE10]  }
0x19a: {  	v10 =	vld [tilespmem:s29+$0xFFFFFE00]  }
0x19b: {  	v40 =	vld [tilespmem:s29+$0xFFFFFF10]  }
0x19c: {  	v42 =	vld [tilespmem:s29+$0xFFFFFF20]  }
0x19d: {  	s13 =	smov.u32 s0;
	[tilespmem:$0x1FB00] =	vst v0;
	v0 =	vld [tilespmem:s29+$0x190]  }
0x19e: {  	s1 =	smov.u32 s13;
	v35 =	vld [tilespmem:s29+$0xFFFFFF30]  }
0x19f: {  	s13 =	sadd.s32 $0xFFFFFFF9, s1;
	s30 =	sadd.s32 $0xFFFFFFFA, s1;
	v46 =	vld [tilespmem:s29+$0xFFFFFF80]  }
0x1a0: {  	v34 =	vmov s30;
	v6 =	vmov s13;
	v28 =	vld [tilespmem:s29+$0xFFFFFF90]  }
0x1a1: {  	v11 =	vshrl.u32 v34, $0x3;
	v6 =	vshrl.u32 v6, $0x3;
	v50 =	vld [tilespmem:s29+$0xFFFFFFA0]  }
0x1a2: {  	v11 =	vshll.u32 v11, v1;
	v6 =	vshll.u32 v6, v1;
	[tilespmem:$0x1FB10] =	vst v0;
	v0 =	vld [tilespmem:s29+$0xFFFFFEB0]  }
0x1a3: {  	v11 =	vbroadcast v11, $0x0;
	v51 =	vld [tilespmem:s29+$0xFFFFFFB0];
	v6 =	vbroadcast v6, $0x0  }
0x1a4: {  	v54 =	vld [tilespmem:s29+$0x0]  }
0x1a5: {  	v48 =	vadd.s32 v24, v11;
	v55 =	vld [tilespmem:s29+$0x10];
	v43 =	vadd.s32 v17, v6;
	v13 =	vadd.s32 v13, v6  }
0x1a6: {  	v56 =	vld [tilespmem:s29+$0x20];
	v14 =	vadd.s32 v14, v6;
	v41 =	vadd.s32 v16, v6;
	v4 =	vmul.f32 $8.000000000e+00, v4  }
0x1a7: {  	v57 =	vld [tilespmem:s29+$0x30];
	v6 =	vadd.s32 v20, v11;
	v3 =	vmul.f32 $8.000000000e+00, v3;
	v0 =	vmul.f32 $8.000000000e+00, v0  }
0x1a8: {  	s16 =	sadd.s32 $0xFFFFFFFC, s1;
	v45 =	vadd.s32 v25, v11;
	v49 =	vadd.s32 v32, v11;
	v58 =	vld [tilespmem:s29+$0x80];
	[tilespmem:$0x1FAE0] =	vst v6;
	v6 =	vadd.f32 v4, v12  }
0x1a9: {  	v11 =	vmov s16;
	v4 =	vadd.f32 v3, v31;
	v3 =	vadd.f32 v0, v47;
	v0 =	vld [tilespmem:$0x1FEE0]  }
0x1aa: {  	v60 =	vld [tilespmem:s29+$0x90];
	v59 =	vshrl.u32 v11, $0x3  }
0x1ab: {  	v52 =	vld [tilespmem:s29+$0xA0];
	v59 =	vshll.u32 v59, v1  }
0x1ac: {  	v29 =	vmov v38;
	s31 =	sadd.s32 $0xFFFFFFFB, s1;
	v38 =	vld [tilespmem:s29+$0xB0];
	v59 =	vbroadcast v59, $0x0  }
0x1ad: {  	v63 =	vmov s31;
	v33 =	vld [tilespmem:s29+$0x100];
	v40 =	vmul.f32 $8.000000000e+00, v40  }
0x1ae: {  	v53 =	vshrl.u32 v63, $0x3;
	v10 =	vmul.f32 $8.000000000e+00, v10;
	v63 =	vadd.s32 v0, v59;
	v0 =	vld [tilespmem:$0x1FED0]  }
0x1af: {  	s21 =	sadd.s32 $0xFFFFFFFD, s1;
	v34 =	vadd.f32 v40, v12;
	v40 =	vmul.f32 $8.000000000e+00, v54;
	v54 =	vmul.f32 $8.000000000e+00, v55;
	v55 =	vld [tilespmem:$0x1FEF0]  }
0x1b0: {  	v36 =	vld [tilespmem:s29+$0x120];
	[tilespmem:$0x1FAD0] =	vst v14;
	v42 =	vmul.f32 $8.000000000e+00, v42;
	v14 =	vmul.f32 $8.000000000e+00, v46;
	v46 =	vmov s21  }
0x1b1: {  	[tilespmem:$0x1FAC0] =	vst v13;
	v13 =	vld [tilespmem:s29+$0x130];
	v46 =	vshrl.u32 v46, $0x3  }
0x1b2: {  	v10 =	vadd.f32 v10, v44;
	v30 =	vadd.f32 v42, v31;
	v42 =	vmul.f32 $8.000000000e+00, v35;
	v35 =	vld [tilespmem:s29+$0x110]  }
0x1b3: {  	v15 =	vadd.s32 v15, v59;
	v11 =	vadd.s32 v0, v59;
	v0 =	vadd.f32 v14, v44;
	v14 =	vld [tilespmem:s29+$0x180]  }
0x1b4: {  	[tilespmem:v43+s23+$0x0] =	vst.idx.msk $0xffff, v10;
	v10 =	vadd.s32 v55, v59;
	v59 =	vshll.u32 v46, v1;
	v46 =	vmul.f32 $8.000000000e+00, v28;
	v28 =	vld [tilespmem:$0x1FAC0];
	_ =	sdelay $0x3  }
0x1b5: {  	v53 =	vshll.u32 v53, v1;
	v9 =	vmul.f32 $8.000000000e+00, v9  }
0x1b6: {  	v53 =	vbroadcast v53, $0x0  }
0x1b7: {  	v9 =	vadd.f32 v9, v12  }
0x1b8: {  	v61 =	vadd.s32 v26, v53;
	v51 =	vmul.f32 $8.000000000e+00, v51  }
0x1b9: {  	v62 =	vadd.s32 v27, v53;
	[tilespmem:v28+s23+$0x0] =	vst.idx.msk $0xffff, v9;
	v28 =	vmovc v27;
	v27 =	vmov v26;
	v26 =	vmov v32  }
0x1ba: {  	v32 =	vmovc v25;
	v25 =	vmovc v20;
	v20 =	vmov v24;
	v24 =	vmov v16;
	v16 =	vadd.f32 v51, v47;
	v51 =	vld [tilespmem:$0x1FAD0];
	_ =	sdelay $0x3  }
0x1bb: {  	v8 =	vmul.f32 $8.000000000e+00, v8;
	_ =	sdelay $0x1  }
0x1bc: {  	v8 =	vadd.f32 v8, v31;
	_ =	sdelay $0x1  }
0x1bd: {  	[tilespmem:v51+s23+$0x0] =	vst.idx.msk $0xffff, v8;
	v8 =	vmul.f32 $8.000000000e+00, v58;
	v58 =	vld [tilespmem:$0x1FAE0];
	_ =	sdelay $0x1  }
0x1be: {  	v7 =	vmul.f32 $8.000000000e+00, v7  }
0x1bf: {  	v5 =	vmul.f32 $8.000000000e+00, v5  }
0x1c0: {  	v7 =	vadd.f32 v7, v47  }
0x1c1: {  	v5 =	vadd.f32 v5, v44  }
0x1c2: {  	[tilespmem:v41+s23+$0x0] =	vst.idx.msk $0xffff, v7  }
0x1c3: {  	v2 =	vmul.f32 $8.000000000e+00, v2;
	[tilespmem:v48+s23+$0x0] =	vst.idx.msk $0xffff, v5  }
0x1c4: {  	[tilespmem:v58+s23+$0x0] =	vst.idx.msk $0xffff, v6  }
0x1c5: {  	v2 =	vadd.f32 v2, v44;
	[tilespmem:v45+s23+$0x0] =	vst.idx.msk $0xffff, v4;
	v4 =	vld [tilespmem:$0x1FF20]  }
0x1c6: {  	v7 =	vld [tilespmem:$0x1FF30];
	[tilespmem:v49+s23+$0x0] =	vst.idx.msk $0xffff, v3  }
0x1c7: {  	v37 =	vadd.s32 v18, v53;
	v50 =	vmul.f32 $8.000000000e+00, v50;
	[tilespmem:v61+s23+$0x0] =	vst.idx.msk $0xffff, v2;
	v2 =	vld [tilespmem:$0x1FF00]  }
0x1c8: {  	v53 =	vadd.s32 v19, v53;
	v55 =	vadd.f32 v42, v47;
	v9 =	vbroadcast v59, $0x0;
	v5 =	vld [tilespmem:$0x1FF10]  }
0x1c9: {  	s30 =	sadd.s32 $0xFFFFFFFE, s1;
	v56 =	vmul.f32 $8.000000000e+00, v56;
	v42 =	vadd.f32 v40, v44;
	v59 =	vadd.f32 v50, v31  }
0x1ca: {  	v41 =	vadd.f32 v54, v12;
	v51 =	vadd.s32 v4, v9;
	v4 =	vmov s30  }
0x1cb: {  	v40 =	vadd.s32 v7, v9;
	v7 =	vmul.f32 $8.000000000e+00, v57;
	v3 =	vshrl.u32 v4, $0x3  }
0x1cc: {  	[tilespmem:v62+s23+$0x0] =	vst.idx.msk $0xffff, v34;
	v54 =	vadd.s32 v2, v9;
	v2 =	vshll.u32 v3, v1;
	v3 =	vmul.f32 $8.000000000e+00, v35  }
0x1cd: {  	v43 =	vadd.s32 v5, v9;
	v5 =	vadd.f32 v46, v12;
	v6 =	vmul.f32 $8.000000000e+00, v38;
	[tilespmem:v37+s23+$0x0] =	vst.idx.msk $0xffff, v30  }
0x1ce: {  	v46 =	vadd.f32 v56, v31;
	[tilespmem:v53+s23+$0x0] =	vst.idx.msk $0xffff, v55;
	v48 =	vadd.f32 v3, v12;
	v3 =	vld [tilespmem:$0x1FF40]  }
0x1cf: {  	v7 =	vadd.f32 v7, v47;
	v47 =	vadd.f32 v6, v47;
	v6 =	vmul.f32 $8.000000000e+00, v52;
	[tilespmem:v15+s23+$0x0] =	vst.idx.msk $0xffff, v0  }
0x1d0: {  	p0 =	sne.s32 s0, $0x7F;
	v56 =	vmul.f32 $8.000000000e+00, v60;
	v45 =	vadd.f32 v8, v44;
	v4 =	vmul.f32 $8.000000000e+00, v33;
	[tilespmem:v11+s23+$0x0] =	vst.idx.msk $0xffff, v5  }
.Ltmp2:
0x1d1: {  	v38 =	vmovc v29;
	v52 =	vmul.f32 $8.000000000e+00, v13;
	v34 =	vld [tilespmem:$0x1FF80];
	v60 =	vadd.f32 v6, v31;
	v2 =	vbroadcast v2, $0x0;
	[tilespmem:v63+s23+$0x0] =	vst.idx.msk $0xffff, v59;
	(pc) =	sbr.rel @p0 .LBB2_6-.Ltmp2, $4  }
0x1d2: {  	s31 =	sadd.s32 $0xFFFFFFFF, s1;
	v30 =	vld [tilespmem:$0x1FFE0];
	v53 =	vmul.f32 $8.000000000e+00, v14;
	v49 =	vadd.f32 v4, v44;
	v4 =	vmul.f32 $8.000000000e+00, v36;
	[tilespmem:v10+s23+$0x0] =	vst.idx.msk $0xffff, v16;
	v16 =	vmovc v24  }
0x1d3: {  	v37 =	vld [tilespmem:$0x1FFB0];
	v24 =	vmovc v20;
	v20 =	vmovc v25;
	v25 =	vmov v32;
	v55 =	vadd.s32 v3, v2;
	v3 =	vmov s31  }
0x1d4: {  	v35 =	vld [tilespmem:$0x1FF90];
	v32 =	vmovc v26;
	v26 =	vmovc v27;
	v50 =	vadd.f32 v4, v31;
	v58 =	vadd.s32 v21, v2;
	v0 =	vshrl.u32 v3, $0x3  }
0x1d5: {  	s0 =	sadd.s32 $0x8, s0;
	v36 =	vld [tilespmem:$0x1FFA0];
	v27 =	vmovc v28;
	v57 =	vadd.s32 v22, v2;
	v59 =	vadd.s32 v23, v2;
	v61 =	vshll.u32 v0, v1  }
0x1d6: {  	_ =	sdelay $0x3  }
0x1d7: {  	[tilespmem:v54+s23+$0x0] =	vst.idx.msk $0xffff, v42;
	v54 =	vld [tilespmem:$0x1FBD0];
	_ =	sdelay $0x2  }
0x1d8: {  	v0 =	vbroadcast v61, $0x0;
	[tilespmem:v43+s23+$0x0] =	vst.idx.msk $0xffff, v41  }
0x1d9: {  	[tilespmem:v51+s23+$0x0] =	vst.idx.msk $0xffff, v46  }
0x1da: {  	v4 =	vadd.s32 v34, v0;
	[tilespmem:v40+s23+$0x0] =	vst.idx.msk $0xffff, v7;
	v3 =	vadd.f32 v56, v54  }
0x1db: {  	v5 =	vadd.s32 v35, v0;
	[tilespmem:v55+s23+$0x0] =	vst.idx.msk $0xffff, v45  }
0x1dc: {  	v31 =	vld [tilespmem:$0x1FBA0];
	[tilespmem:v58+s23+$0x0] =	vst.idx.msk $0xffff, v3;
	v3 =	vadd.s32 v36, v0  }
0x1dd: {  	[tilespmem:v57+s23+$0x0] =	vst.idx.msk $0xffff, v60  }
0x1de: {  	v2 =	vmov s1;
	v61 =	vld [tilespmem:$0x1FB10];
	v0 =	vadd.s32 v37, v0;
	[tilespmem:v59+s23+$0x0] =	vst.idx.msk $0xffff, v47  }
0x1df: {  	v62 =	vld [tilespmem:$0x1FBC0];
	v2 =	vshrl.u32 v2, $0x3;
	[tilespmem:v4+s23+$0x0] =	vst.idx.msk $0xffff, v49  }
0x1e0: {  	v10 =	vld [tilespmem:$0x1FB00];
	v2 =	vshll.u32 v2, v1;
	[tilespmem:v5+s23+$0x0] =	vst.idx.msk $0xffff, v48  }
0x1e1: {  	v2 =	vbroadcast v2, $0x0;
	v9 =	vadd.f32 v52, v31;
	[tilespmem:v3+s23+$0x0] =	vst.idx.msk $0xffff, v50;
	v3 =	vld [tilespmem:$0x1FFF0]  }
0x1e2: {  	v63 =	vld [tilespmem:$0x1FAF0]  }
0x1e3: {  	v6 =	vadd.s32 v38, v2;
	[tilespmem:v0+s23+$0x0] =	vst.idx.msk $0xffff, v9;
	v0 =	vld [tilespmem:$0x1FC10]  }
0x1e4: {  	v60 =	vadd.s32 v39, v2  }
0x1e5: {  	v8 =	vadd.s32 v30, v2;
	v4 =	vmul.f32 $8.000000000e+00, v61  }
0x1e6: {  	v10 =	vmul.f32 $8.000000000e+00, v10;
	v5 =	vadd.f32 v53, v62;
	v2 =	vadd.s32 v3, v2  }
0x1e7: {  	v3 =	vadd.f32 v4, v54;
	v4 =	vmul.f32 $8.000000000e+00, v63  }
0x1e8: {  	[tilespmem:v6+s23+$0x0] =	vst.idx.msk $0xffff, v5;
	v0 =	vadd.f32 v10, v0  }
0x1e9: {  	v4 =	vadd.f32 v4, v31;
	[tilespmem:v60+s23+$0x0] =	vst.idx.msk $0xffff, v3  }
0x1ea: {  	[tilespmem:v8+s23+$0x0] =	vst.idx.msk $0xffff, v0  }
0x1eb: {  	[tilespmem:v2+s23+$0x0] =	vst.idx.msk $0xffff, v4  }
0x1ec: {  	[tilespmem:s18], [sflag:$0x2] =	stream.indirect.gather [hbm4b:s4+s15], $0x80, s24, s15, $0xb8;
	[tilespmem:$0x15A00] =	vst v63  }
0x1ed: {  	s0 =	simm.s32 $0x13800  }
0x1ee: {  	[hbm4b:s9+s3] =	stream.linear.scatter [tilespmem:s0], [sflag:$0x4], $0x80, $0x38;
	[tilespmem:$0x15A00] =	vst v63  }
0x1ef: {  	s1 =	simm.s32 $0x13888;
	s13 =	sadd.s32 $0x10, s9  }
0x1f0: {  	[hbm4b:s13+s3] =	stream.linear.scatter [tilespmem:s1], [sflag:$0x4], $0x80, $0x38;
	[tilespmem:$0x15A00] =	vst v63  }
0x1f1: {  	s16 =	simm.s32 $0x13910;
	s21 =	sadd.s32 $0x20, s9;
	s30 =	simm.s32 $0x13998  }
0x1f2: {  	[hbm4b:s21+s3] =	stream.linear.scatter [tilespmem:s16], [sflag:$0x4], $0x80, $0x38;
	[tilespmem:$0x15A00] =	vst v63  }
0x1f3: {  	s31 =	sadd.s32 $0x30, s9;
	s29 =	simm.s32 $0x13BB8;
	s0 =	simm.s32 $0x440  }
0x1f4: {  	[hbm4b:s31+s3] =	stream.linear.scatter [tilespmem:s30], [sflag:$0x4], $0x80, $0x38;
	[tilespmem:$0x15A00] =	vst v63  }
0x1f5: {  	s1 =	simm.s32 $0x13A20;
	s13 =	sadd.s32 $0x40, s9;
	s16 =	simm.s32 $0x13AA8  }
0x1f6: {  	[hbm4b:s13+s3] =	stream.linear.scatter [tilespmem:s1], [sflag:$0x4], $0x80, $0x38;
	[tilespmem:$0x15A00] =	vst v63  }
0x1f7: {  	s21 =	sadd.s32 $0x50, s9;
	s30 =	simm.s32 $0x13B30;
	s31 =	sadd.s32 $0x60, s9  }
0x1f8: {  	v11 =	vld [tilespmem:$0x1FEF0];
	[hbm4b:s21+s3] =	stream.linear.scatter [tilespmem:s16], [sflag:$0x4], $0x80, $0x38  }
0x1f9: {  	v28 =	vld [tilespmem:$0x1FEE0];
	s13 =	simm.s32 $0x2200;
	s1 =	sadd.s32 $0x1000, s9;
	s16 =	sadd.s32 $0x70, s9  }
0x1fa: {  	v33 =	vld [tilespmem:$0x1FED0];
	[hbm4b:s31+s3] =	stream.linear.scatter [tilespmem:s30], [sflag:$0x4], $0x80, $0x38  }
.LBB2_8:
0x1fb: {  	[hbm4b:s16+s3] =	stream.linear.scatter [tilespmem:s29], [sflag:$0x4], $0x80, $0x38;
	[tilespmem:$0x15A00] =	vst v63  }
0x1fc: {  	s16 =	smov.u32 s0;
	s0 =	smov.u32 s13  }
0x1fd: {  	s30 =	sadd.s32 $0x1100, s13;
	s0 =	sshra.s32 s0, $0x2;
	s29 =	sadd.s32 $0x13800, s16  }
0x1fe: {  	[hbm4b:s1+s3] =	stream.linear.scatter [tilespmem:s29], [sflag:$0x4], $0x80, $0x38;
	[tilespmem:$0x15A00] =	vst v63  }
0x1ff: {  	p0 =	sne.s32 s13, $0x7700;
	s13 =	sadd.s32 $0x13888, s16;
	s29 =	sadd.s32 $0x10, s1  }
0x200: {  	[hbm4b:s29+s3] =	stream.linear.scatter [tilespmem:s13], [sflag:$0x4], $0x80, $0x38;
	[tilespmem:$0x15A00] =	vst v63  }
0x201: {  	s13 =	sadd.s32 $0x13910, s16;
	s29 =	sadd.s32 $0x20, s1  }
0x202: {  	[hbm4b:s29+s3] =	stream.linear.scatter [tilespmem:s13], [sflag:$0x4], $0x80, $0x38;
	[tilespmem:$0x15A00] =	vst v63  }
0x203: {  	s13 =	sadd.s32 $0x13998, s16;
	s29 =	sadd.s32 $0x30, s1  }
0x204: {  	[hbm4b:s29+s3] =	stream.linear.scatter [tilespmem:s13], [sflag:$0x4], $0x80, $0x38;
	[tilespmem:$0x15A00] =	vst v63  }
0x205: {  	s13 =	sadd.s32 $0x13A20, s16;
	s29 =	sadd.s32 $0x40, s1  }
0x206: {  	[hbm4b:s29+s3] =	stream.linear.scatter [tilespmem:s13], [sflag:$0x4], $0x80, $0x38;
	[tilespmem:$0x15A00] =	vst v63  }
0x207: {  	s13 =	sadd.s32 $0x13AA8, s16;
	s29 =	sadd.s32 $0x50, s1  }
0x208: {  	[hbm4b:s29+s3] =	stream.linear.scatter [tilespmem:s13], [sflag:$0x4], $0x80, $0x38;
	[tilespmem:$0x15A00] =	vst v63  }
.Ltmp3:
0x209: {  	_ = 	snop;
	(pc) =	sbr.rel @p0 .LBB2_8-.Ltmp3, $4  }
0x20a: {  	s13 =	sadd.s32 $0x13B30, s16;
	s29 =	sadd.s32 $0x60, s1  }
0x20b: {  	[hbm4b:s29+s3] =	stream.linear.scatter [tilespmem:s13], [sflag:$0x4], $0x80, $0x38;
	[tilespmem:$0x15A00] =	vst v63  }
0x20c: {  	s29 =	sadd.s32 $0x13BB8, s16  }
0x20d: {  	s16 =	sadd.s32 $0x70, s1;
	s1 =	sadd.s32 $0x1000, s1;
	s13 =	smov.u32 s30  }
0x20e: {  	[hbm4b:s16+s3] =	stream.linear.scatter [tilespmem:s29], [sflag:$0x4], $0x80, $0x38;
	[tilespmem:$0x15A00] =	vst v63  }
0x20f: {  	s13 =	sadd.s32 $0x13800, s0  }
0x210: {  	[hbm4b:s1+s3] =	stream.linear.scatter [tilespmem:s13], [sflag:$0x4], $0x80, $0x38;
	[tilespmem:$0x15A00] =	vst v63  }
0x211: {  	s30 =	sadd.s32 $0x13888, s0;
	s31 =	sadd.s32 $0x10, s1  }
0x212: {  	[hbm4b:s31+s3] =	stream.linear.scatter [tilespmem:s30], [sflag:$0x4], $0x80, $0x38;
	[tilespmem:$0x15A00] =	vst v63  }
0x213: {  	s16 =	sadd.s32 $0x13910, s0;
	s21 =	sadd.s32 $0x20, s1  }
0x214: {  	[hbm4b:s21+s3] =	stream.linear.scatter [tilespmem:s16], [sflag:$0x4], $0x80, $0x38;
	[tilespmem:$0x15A00] =	vst v63  }
0x215: {  	s30 =	sadd.s32 $0x13998, s0;
	s31 =	sadd.s32 $0x30, s1  }
0x216: {  	[hbm4b:s31+s3] =	stream.linear.scatter [tilespmem:s30], [sflag:$0x4], $0x80, $0x38;
	[tilespmem:$0x15A00] =	vst v63  }
0x217: {  	s16 =	sadd.s32 $0x13A20, s0;
	s21 =	sadd.s32 $0x40, s1  }
0x218: {  	[hbm4b:s21+s3] =	stream.linear.scatter [tilespmem:s16], [sflag:$0x4], $0x80, $0x38;
	[tilespmem:$0x15A00] =	vst v63  }
0x219: {  	s30 =	sadd.s32 $0x13AA8, s0;
	s31 =	sadd.s32 $0x50, s1  }
0x21a: {  	[hbm4b:s31+s3] =	stream.linear.scatter [tilespmem:s30], [sflag:$0x4], $0x80, $0x38;
	[tilespmem:$0x15A00] =	vst v63  }
0x21b: {  	s16 =	sadd.s32 $0x13B30, s0;
	s21 =	sadd.s32 $0x60, s1  }
0x21c: {  	[hbm4b:s21+s3] =	stream.linear.scatter [tilespmem:s16], [sflag:$0x4], $0x80, $0x38;
	[tilespmem:$0x15A00] =	vst v63  }
0x21d: {  	s29 =	simm.s32 $0x1;
	v29 =	vld [tilespmem:$0x1FE00];
	s30 =	sadd.s32 $0x13BB8, s0;
	s31 =	sadd.s32 $0x70, s1  }
0x21e: {  	v31 =	vmov v33;
	v30 =	vmov v11;
	v62 =	vld [tilespmem:$0x1FE10];
	[hbm4b:s31+s3] =	stream.linear.scatter [tilespmem:s30], [sflag:$0x4], $0x80, $0x38  }
.LBB2_10:
0x21f: {  	_ =	swait.ge [sflag:s25], $0x2000  }
0x220: {  	[sflag:s25] =	ssyncset.done $0x0  }
0x221: {  	[sflag:s25] =	ssyncadd.s32 $0xFFFFE000  }
0x222: {  	_ =	swait.ge [sflag:s19], $0x4000  }
0x223: {  	s0 =	sshll.u32 s29, $0x7;
	[sflag:s19] =	ssyncset.done $0x0  }
0x224: {  	s0 =	sand.u32 $0x3FFFFF80, s0;
	[sflag:s19] =	ssyncadd.s32 $0xFFFFC000  }
0x225: {  	v36 =	vld [tilespmem:s0+$0x6400]  }
0x226: {  	v35 =	vld [tilespmem:s0+$0x6410]  }
0x227: {  	v34 =	vld [tilespmem:s0+$0x6420]  }
0x228: {  	s30 =	simm.s32 $0x9800;
	v33 =	vld [tilespmem:s0+$0x6430]  }
0x229: {  	v37 =	vld [tilespmem:s30+$0x1B0]  }
0x22a: {  	v38 =	vld [tilespmem:s30+$0x1A0]  }
0x22b: {  	v39 =	vld [tilespmem:s30+$0x190]  }
0x22c: {  	v0 =	vld [tilespmem:s30+$0xFFFFFEB0]  }
0x22d: {  	v2 =	vld [tilespmem:s30+$0xFFFFFF00]  }
0x22e: {  	v3 =	vld [tilespmem:s30+$0xFFFFFEA0]  }
0x22f: {  	v4 =	vld [tilespmem:s30+$0xFFFFFE90]  }
0x230: {  	v5 =	vld [tilespmem:s30+$0xFFFFFE80]  }
0x231: {  	v6 =	vld [tilespmem:s30+$0xFFFFFE30]  }
0x232: {  	v7 =	vld [tilespmem:s30+$0xFFFFFE20]  }
0x233: {  	v8 =	vld [tilespmem:s30+$0xFFFFFE10]  }
0x234: {  	v9 =	vld [tilespmem:s30+$0xFFFFFE00]  }
0x235: {  	v11 =	vld [tilespmem:s30+$0xFFFFFF10]  }
0x236: {  	v12 =	vld [tilespmem:s30+$0xFFFFFF20]  }
0x237: {  	v13 =	vld [tilespmem:s30+$0xFFFFFF30]  }
0x238: {  	v15 =	vld [tilespmem:s30+$0xFFFFFF80]  }
0x239: {  	v41 =	vld [tilespmem:s30+$0xFFFFFF90]  }
0x23a: {  	s31 =	simm.s32 $0x1;
	v55 =	vld [tilespmem:s30+$0xFFFFFFA0]  }
0x23b: {  	v14 =	vmov s31;
	v45 =	vld [tilespmem:s30+$0x0]  }
0x23c: {  	s21 =	simm.s32 $0x0;
	s1 =	simm.s32 $0x2;
	v14 =	vshrl.u32 v14, $0x3;
	v48 =	vld [tilespmem:s30+$0x10]  }
0x23d: {  	s13 =	simm.s32 $0x3;
	v10 =	vmov s21;
	v51 =	vmov s1;
	v14 =	vshll.u32 v14, v1;
	v49 =	vld [tilespmem:s30+$0x20]  }
0x23e: {  	v56 =	vmov s13;
	v10 =	vshrl.u32 v10, $0x3;
	v14 =	vbroadcast v14, $0x0;
	v52 =	vld [tilespmem:s30+$0x30]  }
0x23f: {  	v51 =	vshrl.u32 v51, $0x3;
	v56 =	vshrl.u32 v56, $0x3;
	v10 =	vshll.u32 v10, v1;
	v53 =	vld [tilespmem:s30+$0x80]  }
0x240: {  	v51 =	vshll.u32 v51, v1;
	v10 =	vbroadcast v10, $0x0;
	v44 =	vadd.s32 v25, v14;
	v25 =	vld [tilespmem:s30+$0x90]  }
0x241: {  	v56 =	vshll.u32 v56, v1;
	v51 =	vbroadcast v51, $0x0;
	v46 =	vadd.s32 v24, v14;
	v24 =	vld [tilespmem:s30+$0xA0]  }
0x242: {  	v40 =	vadd.s32 v17, v10;
	v47 =	vadd.s32 v62, v10;
	v42 =	vadd.s32 v16, v10;
	v54 =	vld [tilespmem:s30+$0xB0]  }
0x243: {  	v63 =	vadd.s32 v20, v14;
	[tilespmem:$0x1FAB0] =	vst v41;
	v41 =	vadd.s32 v29, v10;
	v8 =	vmul.f32 $8.000000000e+00, v8;
	v29 =	vld [tilespmem:s30+$0xFFFFFFB0]  }
0x244: {  	v58 =	vadd.s32 v26, v51;
	v60 =	vld [tilespmem:s30+$0x100];
	v5 =	vmul.f32 $8.000000000e+00, v5;
	v3 =	vmul.f32 $8.000000000e+00, v3  }
0x245: {  	v59 =	vadd.s32 v27, v51;
	v62 =	vld [tilespmem:s30+$0x110];
	v9 =	vmul.f32 $8.000000000e+00, v9;
	v0 =	vmul.f32 $8.000000000e+00, v0  }
0x246: {  	v50 =	vld [tilespmem:s30+$0x120];
	v7 =	vmul.f32 $8.000000000e+00, v7;
	v10 =	vadd.f32 v5, v36;
	v5 =	vadd.f32 v3, v34  }
0x247: {  	[tilespmem:$0x1FAA0] =	vst v63;
	v12 =	vmul.f32 $8.000000000e+00, v12;
	v3 =	vadd.f32 v0, v33;
	v9 =	vadd.f32 v9, v36;
	v0 =	vld [tilespmem:$0x1FEC0]  }
0x248: {  	v61 =	vadd.s32 v18, v51;
	v57 =	vld [tilespmem:s30+$0x180];
	v6 =	vmul.f32 $8.000000000e+00, v6;
	v8 =	vadd.f32 v8, v35;
	[tilespmem:$0x1FA90] =	vst v29  }
0x249: {  	v7 =	vadd.f32 v7, v34;
	v29 =	vadd.f32 v12, v34;
	v12 =	vld [tilespmem:s30+$0x130];
	[tilespmem:v40+s20+$0x0] =	vst.idx.msk $0xffff, v9  }
0x24a: {  	v63 =	vadd.s32 v19, v51;
	v51 =	vbroadcast v56, $0x0;
	v6 =	vadd.f32 v6, v33;
	[tilespmem:v41+s20+$0x0] =	vst.idx.msk $0xffff, v8  }
0x24b: {  	[tilespmem:v47+s20+$0x0] =	vst.idx.msk $0xffff, v7  }
0x24c: {  	[tilespmem:v42+s20+$0x0] =	vst.idx.msk $0xffff, v6;
	v6 =	vadd.s32 v0, v51;
	v0 =	vld [tilespmem:$0x1FA90];
	_ =	sdelay $0x4  }
0x24d: {  	v47 =	vmul.f32 $8.000000000e+00, v48;
	v48 =	vmul.f32 $8.000000000e+00, v0;
	v0 =	vld [tilespmem:$0x1FAA0]  }
0x24e: {  	s16 =	simm.s32 $0x4  }
0x24f: {  	v43 =	vadd.s32 v32, v14;
	v32 =	vmov s16  }
0x250: {  	v32 =	vshrl.u32 v32, $0x3  }
0x251: {  	v16 =	vadd.s32 v28, v51;
	v2 =	vmul.f32 $8.000000000e+00, v2;
	v4 =	vmul.f32 $8.000000000e+00, v4  }
0x252: {  	v14 =	vadd.s32 v31, v51;
	v11 =	vmul.f32 $8.000000000e+00, v11;
	v13 =	vmul.f32 $8.000000000e+00, v13  }
0x253: {  	v15 =	vmul.f32 $8.000000000e+00, v15;
	v49 =	vmul.f32 $8.000000000e+00, v49;
	v4 =	vadd.f32 v4, v35  }
0x254: {  	v52 =	vmul.f32 $8.000000000e+00, v52;
	v2 =	vadd.f32 v2, v36;
	v56 =	vadd.f32 v11, v35;
	[tilespmem:v46+s20+$0x0] =	vst.idx.msk $0xffff, v10  }
0x255: {  	v15 =	vadd.f32 v15, v36;
	v13 =	vadd.f32 v13, v33;
	v40 =	vmul.f32 $8.000000000e+00, v45;
	[tilespmem:v0+s20+$0x0] =	vst.idx.msk $0xffff, v4;
	v0 =	vld [tilespmem:$0x1FAB0]  }
0x256: {  	v45 =	vmul.f32 $8.000000000e+00, v55;
	v55 =	vmul.f32 $8.000000000e+00, v53;
	v7 =	vshll.u32 v32, v1;
	v32 =	vld [tilespmem:$0x1FF30]  }
0x257: {  	v11 =	vmul.f32 $8.000000000e+00, v62;
	v9 =	vmul.f32 $8.000000000e+00, v60;
	v10 =	vadd.s32 v30, v51;
	v30 =	vld [tilespmem:$0x1FF10];
	[tilespmem:v44+s20+$0x0] =	vst.idx.msk $0xffff, v5  }
0x258: {  	v53 =	vmul.f32 $8.000000000e+00, v57;
	v8 =	vadd.f32 v45, v34;
	v45 =	vadd.f32 v55, v36;
	[tilespmem:v43+s20+$0x0] =	vst.idx.msk $0xffff, v3  }
0x259: {  	v7 =	vbroadcast v7, $0x0;
	v42 =	vadd.f32 v40, v36;
	v41 =	vadd.f32 v47, v35;
	[tilespmem:v58+s20+$0x0] =	vst.idx.msk $0xffff, v2  }
0x25a: {  	v31 =	vld [tilespmem:$0x1FF20];
	v46 =	vadd.f32 v49, v34;
	v49 =	vadd.f32 v9, v36;
	[tilespmem:v59+s20+$0x0] =	vst.idx.msk $0xffff, v56;
	v51 =	vmul.f32 $8.000000000e+00, v0  }
0x25b: {  	s21 =	simm.s32 $0x5;
	v40 =	vadd.s32 v32, v7;
	v44 =	vadd.f32 v52, v33;
	v52 =	vmul.f32 $8.000000000e+00, v12;
	[tilespmem:v61+s20+$0x0] =	vst.idx.msk $0xffff, v29;
	v29 =	vld [tilespmem:$0x1FF00]  }
0x25c: {  	v43 =	vadd.s32 v30, v7;
	v2 =	vmov s21;
	[tilespmem:v63+s20+$0x0] =	vst.idx.msk $0xffff, v13;
	v3 =	vadd.f32 v51, v35  }
0x25d: {  	v59 =	vmul.f32 $8.000000000e+00, v54;
	v2 =	vshrl.u32 v2, $0x3;
	v0 =	vadd.f32 v48, v33;
	[tilespmem:v6+s20+$0x0] =	vst.idx.msk $0xffff, v15  }
0x25e: {  	v56 =	vmul.f32 $8.000000000e+00, v25;
	v2 =	vshll.u32 v2, v1;
	v48 =	vadd.f32 v11, v35;
	[tilespmem:v14+s20+$0x0] =	vst.idx.msk $0xffff, v3;
	v14 =	vld [tilespmem:$0x1FF40]  }
0x25f: {  	v47 =	vadd.f32 v59, v33;
	v2 =	vbroadcast v2, $0x0;
	v13 =	vmul.f32 $8.000000000e+00, v50  }
0x260: {  	s31 =	simm.s32 $0x6;
	v63 =	vmul.f32 $8.000000000e+00, v24;
	v51 =	vadd.s32 v31, v7;
	v54 =	vadd.s32 v29, v7  }
0x261: {  	v25 =	vmovc v21;
	v50 =	vadd.f32 v13, v34;
	v58 =	vadd.s32 v21, v2;
	v3 =	vmov s31;
	[tilespmem:v16+s20+$0x0] =	vst.idx.msk $0xffff, v8  }
0x262: {  	v57 =	vadd.s32 v22, v2;
	v60 =	vadd.f32 v63, v34;
	[tilespmem:v10+s20+$0x0] =	vst.idx.msk $0xffff, v0;
	v0 =	vshrl.u32 v3, $0x3  }
0x263: {  	s1 =	simm.s32 $0x7;
	s0 =	simm.s32 $0xF;
	v59 =	vadd.s32 v23, v2;
	v61 =	vshll.u32 v0, v1;
	v55 =	vadd.s32 v14, v2;
	v24 =	vmovc v14  }
.LBB2_11:
0x264: {  	v5 =	vld [tilespmem:$0x1FF80]  }
0x265: {  	[tilespmem:v54+s20+$0x0] =	vst.idx.msk $0xffff, v42;
	v6 =	vld [tilespmem:$0x1FF90]  }
0x266: {  	[tilespmem:v43+s20+$0x0] =	vst.idx.msk $0xffff, v41  }
0x267: {  	v0 =	vbroadcast v61, $0x0;
	[tilespmem:v51+s20+$0x0] =	vst.idx.msk $0xffff, v46  }
0x268: {  	v2 =	vadd.f32 v56, v35;
	[tilespmem:v40+s20+$0x0] =	vst.idx.msk $0xffff, v44  }
0x269: {  	v3 =	vld [tilespmem:$0x1FFB0];
	[tilespmem:v55+s20+$0x0] =	vst.idx.msk $0xffff, v45;
	v5 =	vadd.s32 v5, v0  }
0x26a: {  	v6 =	vadd.s32 v6, v0;
	[tilespmem:v58+s20+$0x0] =	vst.idx.msk $0xffff, v2;
	v2 =	vld [tilespmem:$0x1FFA0]  }
0x26b: {  	s13 =	smov.u32 s0  }
0x26c: {  	v4 =	vmov s1;
	s1 =	smov.u32 s13;
	[tilespmem:v57+s20+$0x0] =	vst.idx.msk $0xffff, v60  }
0x26d: {  	s13 =	sadd.s32 $0xFFFFFFF9, s1;
	[tilespmem:v59+s20+$0x0] =	vst.idx.msk $0xffff, v47  }
0x26e: {  	v60 =	vmov s13;
	[tilespmem:v5+s20+$0x0] =	vst.idx.msk $0xffff, v49  }
0x26f: {  	v3 =	vadd.s32 v3, v0;
	v0 =	vadd.s32 v2, v0;
	[tilespmem:v6+s20+$0x0] =	vst.idx.msk $0xffff, v48;
	v6 =	vshrl.u32 v60, $0x3  }
0x270: {  	v9 =	vld [tilespmem:$0x1FFC0];
	v6 =	vshll.u32 v6, v1  }
0x271: {  	v10 =	vld [tilespmem:$0x1FFD0];
	v6 =	vbroadcast v6, $0x0  }
0x272: {  	v4 =	vshrl.u32 v4, $0x3;
	v58 =	vld [tilespmem:$0x1FFE0]  }
0x273: {  	v4 =	vshll.u32 v4, v1;
	v13 =	vadd.s32 v17, v6;
	v17 =	vld [tilespmem:$0x1FE10]  }
0x274: {  	v2 =	vbroadcast v4, $0x0;
	[tilespmem:v0+s20+$0x0] =	vst.idx.msk $0xffff, v50;
	v0 =	vld [tilespmem:$0x1FFF0];
	_ =	sdelay $0x1  }
0x275: {  	v9 =	vadd.s32 v9, v2  }
0x276: {  	v56 =	vadd.f32 v53, v36;
	v7 =	vmul.f32 $8.000000000e+00, v39;
	v15 =	vld [tilespmem:$0x1FE00];
	v10 =	vadd.s32 v10, v2  }
0x277: {  	v12 =	vadd.f32 v52, v33;
	s21 =	sadd.s32 $0xFFFFFFFB, s1;
	v5 =	vadd.s32 v58, v2;
	v40 =	vadd.s32 v17, v6;
	v17 =	vld [tilespmem:$0x1FE20]  }
0x278: {  	v8 =	vmul.f32 $8.000000000e+00, v38;
	v62 =	vmov s21;
	v0 =	vadd.s32 v0, v2  }
0x279: {  	v11 =	vmul.f32 $8.000000000e+00, v37;
	v7 =	vadd.f32 v7, v35;
	v48 =	vshrl.u32 v62, $0x3;
	[tilespmem:v3+s20+$0x0] =	vst.idx.msk $0xffff, v12  }
0x27a: {  	v8 =	vadd.f32 v8, v34;
	v48 =	vshll.u32 v48, v1;
	[tilespmem:v9+s20+$0x0] =	vst.idx.msk $0xffff, v56  }
0x27b: {  	v23 =	vld [tilespmem:$0x1FEC0];
	v59 =	vadd.f32 v11, v33;
	v48 =	vbroadcast v48, $0x0;
	[tilespmem:v10+s20+$0x0] =	vst.idx.msk $0xffff, v7  }
0x27c: {  	v15 =	vadd.s32 v15, v6;
	[tilespmem:v5+s20+$0x0] =	vst.idx.msk $0xffff, v8;
	v6 =	vadd.s32 v17, v6;
	v17 =	vld [tilespmem:$0x1FE30]  }
0x27d: {  	s30 =	sadd.s32 $0x400, s30;
	[tilespmem:v0+s20+$0x0] =	vst.idx.msk $0xffff, v59;
	v59 =	vadd.s32 v18, v48;
	v18 =	vld [tilespmem:$0x1FED0]  }
0x27e: {  	v37 =	vld [tilespmem:s30+$0x1B0]  }
0x27f: {  	v38 =	vld [tilespmem:s30+$0x1A0]  }
0x280: {  	v39 =	vld [tilespmem:s30+$0x190]  }
0x281: {  	v0 =	vld [tilespmem:s30+$0xFFFFFEB0]  }
0x282: {  	v2 =	vld [tilespmem:s30+$0xFFFFFF00]  }
0x283: {  	v3 =	vld [tilespmem:s30+$0xFFFFFEA0]  }
0x284: {  	v4 =	vld [tilespmem:s30+$0xFFFFFE90]  }
0x285: {  	v5 =	vld [tilespmem:s30+$0xFFFFFE80]  }
0x286: {  	v7 =	vld [tilespmem:s30+$0xFFFFFE30]  }
0x287: {  	v8 =	vld [tilespmem:s30+$0xFFFFFE20]  }
0x288: {  	v9 =	vld [tilespmem:s30+$0xFFFFFE10]  }
0x289: {  	v10 =	vld [tilespmem:s30+$0xFFFFFE00]  }
0x28a: {  	v12 =	vld [tilespmem:s30+$0xFFFFFF10]  }
0x28b: {  	s16 =	sadd.s32 $0xFFFFFFFA, s1;
	v14 =	vld [tilespmem:s30+$0xFFFFFF20]  }
0x28c: {  	v61 =	vmov s16;
	v16 =	vld [tilespmem:s30+$0xFFFFFF30]  }
0x28d: {  	v11 =	vshrl.u32 v61, $0x3;
	v41 =	vld [tilespmem:s30+$0xFFFFFF80]  }
0x28e: {  	v11 =	vshll.u32 v11, v1;
	v42 =	vld [tilespmem:s30+$0xFFFFFF90]  }
0x28f: {  	v11 =	vbroadcast v11, $0x0;
	v45 =	vld [tilespmem:s30+$0xFFFFFFA0]  }
0x290: {  	v46 =	vld [tilespmem:s30+$0xFFFFFFB0]  }
0x291: {  	v43 =	vadd.s32 v17, v11;
	v17 =	vld [tilespmem:$0x1FE50]  }
0x292: {  	v49 =	vld [tilespmem:s30+$0x0]  }
0x293: {  	s31 =	sadd.s32 $0xFFFFFFFC, s1;
	v50 =	vld [tilespmem:s30+$0x10]  }
0x294: {  	v63 =	vmov s31;
	v51 =	vld [tilespmem:s30+$0x20]  }
0x295: {  	v54 =	vshrl.u32 v63, $0x3;
	v52 =	vld [tilespmem:s30+$0x30]  }
0x296: {  	v54 =	vshll.u32 v54, v1;
	v47 =	vadd.s32 v17, v11;
	v17 =	vld [tilespmem:$0x1FE60]  }
0x297: {  	s16 =	sadd.s32 $0xFFFFFFFD, s1;
	v44 =	vadd.s32 v20, v11;
	v57 =	vadd.s32 v27, v48;
	v61 =	vadd.s32 v19, v48;
	v53 =	vld [tilespmem:s30+$0x80]  }
0x298: {  	v19 =	vmov s16;
	v56 =	vadd.s32 v26, v48;
	v48 =	vbroadcast v54, $0x0;
	v55 =	vld [tilespmem:s30+$0x90]  }
0x299: {  	v19 =	vshrl.u32 v19, $0x3;
	v58 =	vld [tilespmem:s30+$0xA0];
	v2 =	vmul.f32 $8.000000000e+00, v2;
	v9 =	vmul.f32 $8.000000000e+00, v9  }
0x29a: {  	v60 =	vld [tilespmem:s30+$0xB0];
	v23 =	vadd.s32 v23, v48;
	v8 =	vmul.f32 $8.000000000e+00, v8;
	v10 =	vmul.f32 $8.000000000e+00, v10  }
0x29b: {  	v7 =	vmul.f32 $8.000000000e+00, v7;
	v5 =	vmul.f32 $8.000000000e+00, v5;
	v11 =	vadd.s32 v17, v11;
	v17 =	vld [tilespmem:$0x1FEE0]  }
0x29c: {  	v54 =	vld [tilespmem:s30+$0x100];
	v18 =	vadd.s32 v18, v48;
	v4 =	vmul.f32 $8.000000000e+00, v4;
	v3 =	vmul.f32 $8.000000000e+00, v3  }
0x29d: {  	v62 =	vld [tilespmem:s30+$0x110];
	v0 =	vmul.f32 $8.000000000e+00, v0;
	v14 =	vmul.f32 $8.000000000e+00, v14;
	v8 =	vadd.f32 v8, v34  }
0x29e: {  	v21 =	vld [tilespmem:s30+$0x130];
	v12 =	vmul.f32 $8.000000000e+00, v12;
	v5 =	vadd.f32 v5, v36;
	v10 =	vadd.f32 v10, v36  }
0x29f: {  	v22 =	vld [tilespmem:s30+$0x180];
	v16 =	vmul.f32 $8.000000000e+00, v16;
	v7 =	vadd.f32 v7, v33;
	v9 =	vadd.f32 v9, v35  }
0x2a0: {  	v41 =	vmul.f32 $8.000000000e+00, v41;
	v4 =	vadd.f32 v4, v35;
	v63 =	vadd.s32 v17, v48;
	v17 =	vld [tilespmem:s30+$0x120];
	[tilespmem:v13+s20+$0x0] =	vst.idx.msk $0xffff, v10  }
0x2a1: {  	v51 =	vmul.f32 $8.000000000e+00, v51;
	v3 =	vadd.f32 v3, v34;
	v0 =	vadd.f32 v0, v33;
	[tilespmem:v15+s20+$0x0] =	vst.idx.msk $0xffff, v9  }
0x2a2: {  	v46 =	vmul.f32 $8.000000000e+00, v46;
	v2 =	vadd.f32 v2, v36;
	v14 =	vadd.f32 v14, v34;
	[tilespmem:v40+s20+$0x0] =	vst.idx.msk $0xffff, v8  }
0x2a3: {  	v12 =	vadd.f32 v12, v35;
	v28 =	vadd.f32 v41, v36;
	v41 =	vmul.f32 $8.000000000e+00, v49;
	[tilespmem:v6+s20+$0x0] =	vst.idx.msk $0xffff, v7  }
0x2a4: {  	v49 =	vmul.f32 $8.000000000e+00, v50;
	v50 =	vshll.u32 v19, v1;
	v16 =	vadd.f32 v16, v33;
	v13 =	vld [tilespmem:$0x1FEF0];
	[tilespmem:v43+s20+$0x0] =	vst.idx.msk $0xffff, v5  }
0x2a5: {  	v19 =	vmul.f32 $8.000000000e+00, v42;
	v42 =	vadd.f32 v41, v36;
	v9 =	vbroadcast v50, $0x0;
	[tilespmem:v44+s20+$0x0] =	vst.idx.msk $0xffff, v4  }
0x2a6: {  	v45 =	vmul.f32 $8.000000000e+00, v45;
	v41 =	vadd.f32 v49, v35;
	v15 =	vadd.f32 v46, v33;
	[tilespmem:v47+s20+$0x0] =	vst.idx.msk $0xffff, v3  }
0x2a7: {  	v52 =	vmul.f32 $8.000000000e+00, v52;
	v46 =	vadd.f32 v51, v34;
	v40 =	vadd.s32 v32, v9;
	[tilespmem:v11+s20+$0x0] =	vst.idx.msk $0xffff, v0  }
0x2a8: {  	v60 =	vmul.f32 $8.000000000e+00, v60;
	v51 =	vadd.s32 v31, v9;
	v43 =	vadd.s32 v30, v9;
	[tilespmem:v56+s20+$0x0] =	vst.idx.msk $0xffff, v2  }
0x2a9: {  	v7 =	vmul.f32 $8.000000000e+00, v53;
	v5 =	vadd.f32 v19, v35;
	v10 =	vadd.s32 v13, v48;
	[tilespmem:v57+s20+$0x0] =	vst.idx.msk $0xffff, v12  }
0x2aa: {  	s21 =	sadd.s32 $0xFFFFFFFE, s1;
	v53 =	vmul.f32 $8.000000000e+00, v22;
	v13 =	vadd.f32 v45, v34;
	v44 =	vadd.f32 v52, v33;
	[tilespmem:v59+s20+$0x0] =	vst.idx.msk $0xffff, v14  }
0x2ab: {  	v22 =	vld [tilespmem:$0x1FF60];
	v45 =	vadd.f32 v7, v36;
	v3 =	vmov s21;
	v47 =	vadd.f32 v60, v33;
	[tilespmem:v61+s20+$0x0] =	vst.idx.msk $0xffff, v16  }
0x2ac: {  	v0 =	vshrl.u32 v3, $0x3;
	v3 =	vmul.f32 $8.000000000e+00, v54;
	v54 =	vadd.s32 v29, v9;
	[tilespmem:v23+s20+$0x0] =	vst.idx.msk $0xffff, v28;
	v23 =	vld [tilespmem:$0x1FF70]  }
0x2ad: {  	p0 =	sne.s32 s0, $0x7F;
	v0 =	vshll.u32 v0, v1;
	v2 =	vmul.f32 $8.000000000e+00, v62;
	v62 =	vmul.f32 $8.000000000e+00, v58  }
.Ltmp4:
0x2ae: {  	v56 =	vmul.f32 $8.000000000e+00, v55;
	v0 =	vbroadcast v0, $0x0;
	v49 =	vadd.f32 v3, v36;
	(pc) =	sbr.rel @p0 .LBB2_11-.Ltmp4, $4  }
0x2af: {  	s31 =	sadd.s32 $0xFFFFFFFF, s1;
	v3 =	vmul.f32 $8.000000000e+00, v17;
	v48 =	vadd.f32 v2, v35;
	v60 =	vadd.f32 v62, v34  }
0x2b0: {  	v19 =	vld [tilespmem:$0x1FEB0];
	v2 =	vmov s31;
	v55 =	vadd.s32 v24, v0;
	v58 =	vadd.s32 v25, v0;
	[tilespmem:v18+s20+$0x0] =	vst.idx.msk $0xffff, v5  }
0x2b1: {  	v17 =	vld [tilespmem:$0x1FE80];
	v57 =	vadd.s32 v22, v0;
	[tilespmem:v63+s20+$0x0] =	vst.idx.msk $0xffff, v13;
	v59 =	vadd.s32 v23, v0;
	v0 =	vshrl.u32 v2, $0x3  }
0x2b2: {  	s0 =	sadd.s32 $0x8, s0;
	v52 =	vmul.f32 $8.000000000e+00, v21;
	v50 =	vadd.f32 v3, v34;
	v18 =	vld [tilespmem:$0x1FEA0];
	[tilespmem:v10+s20+$0x0] =	vst.idx.msk $0xffff, v15;
	v61 =	vshll.u32 v0, v1  }
0x2b3: {  	_ =	sdelay $0x3  }
0x2b4: {  	[tilespmem:v54+s20+$0x0] =	vst.idx.msk $0xffff, v42  }
0x2b5: {  	[tilespmem:v43+s20+$0x0] =	vst.idx.msk $0xffff, v41  }
0x2b6: {  	[tilespmem:v51+s20+$0x0] =	vst.idx.msk $0xffff, v46  }
0x2b7: {  	v3 =	vadd.f32 v56, v35;
	v4 =	vld [tilespmem:$0x1FF80];
	[tilespmem:v40+s20+$0x0] =	vst.idx.msk $0xffff, v44  }
0x2b8: {  	v5 =	vld [tilespmem:$0x1FF90];
	[tilespmem:v55+s20+$0x0] =	vst.idx.msk $0xffff, v45  }
0x2b9: {  	[tilespmem:v58+s20+$0x0] =	vst.idx.msk $0xffff, v3;
	v3 =	vld [tilespmem:$0x1FFA0]  }
0x2ba: {  	v0 =	vbroadcast v61, $0x0;
	_ =	sdelay $0x1  }
0x2bb: {  	v4 =	vadd.s32 v4, v0  }
0x2bc: {  	v5 =	vadd.s32 v5, v0  }
0x2bd: {  	v3 =	vadd.s32 v3, v0  }
0x2be: {  	v6 =	vld [tilespmem:$0x1FFB0];
	[tilespmem:v57+s20+$0x0] =	vst.idx.msk $0xffff, v60  }
0x2bf: {  	v2 =	vmov s1;
	v60 =	vld [tilespmem:$0x1FFC0];
	[tilespmem:v59+s20+$0x0] =	vst.idx.msk $0xffff, v47  }
0x2c0: {  	v7 =	vld [tilespmem:$0x1FFD0];
	v2 =	vshrl.u32 v2, $0x3;
	[tilespmem:v4+s20+$0x0] =	vst.idx.msk $0xffff, v49  }
0x2c1: {  	v8 =	vld [tilespmem:$0x1FFE0];
	v2 =	vshll.u32 v2, v1;
	[tilespmem:v5+s20+$0x0] =	vst.idx.msk $0xffff, v48  }
0x2c2: {  	v2 =	vbroadcast v2, $0x0;
	[tilespmem:v3+s20+$0x0] =	vst.idx.msk $0xffff, v50;
	v3 =	vld [tilespmem:$0x1FFF0]  }
0x2c3: {  	v0 =	vadd.s32 v6, v0  }
0x2c4: {  	v6 =	vadd.s32 v60, v2  }
0x2c5: {  	v7 =	vadd.s32 v7, v2  }
0x2c6: {  	v61 =	vmul.f32 $8.000000000e+00, v39;
	v9 =	vadd.f32 v52, v33;
	v8 =	vadd.s32 v8, v2  }
0x2c7: {  	v62 =	vadd.f32 v53, v36;
	v10 =	vmul.f32 $8.000000000e+00, v38;
	v2 =	vadd.s32 v3, v2  }
0x2c8: {  	v63 =	vmul.f32 $8.000000000e+00, v37;
	[tilespmem:v0+s20+$0x0] =	vst.idx.msk $0xffff, v9;
	v3 =	vadd.f32 v61, v35  }
0x2c9: {  	v0 =	vadd.f32 v10, v34;
	[tilespmem:v6+s20+$0x0] =	vst.idx.msk $0xffff, v62  }
0x2ca: {  	s0 =	sshll.u32 s29, $0x8;
	v4 =	vadd.f32 v63, v33;
	[tilespmem:v7+s20+$0x0] =	vst.idx.msk $0xffff, v3  }
0x2cb: {  	s30 =	sand.u32 $0x3FFFFF00, s0;
	[tilespmem:v8+s20+$0x0] =	vst.idx.msk $0xffff, v0  }
0x2cc: {  	s13 =	sshll.u32 s29, $0x13;
	s0 =	sadd.s32 $0x100, s30;
	[tilespmem:v2+s20+$0x0] =	vst.idx.msk $0xffff, v4  }
0x2cd: {  	[tilespmem:s17], [sflag:$0x1] =	stream.indirect.gather [hbm4b:s4+s15], $0x80, s0, s15, $0xb8;
	[tilespmem:$0x15A00] =	vst v63  }
0x2ce: {  	s0 =	sor.u32 s8, s13  }
0x2cf: {  	s0 =	sshrl.u32 s0, $0x3  }
0x2d0: {  	s16 =	simm.s32 $0x11600;
	s1 =	sadd.s32 s2, s0  }
0x2d1: {  	[hbm4b:s1+s3] =	stream.linear.scatter [tilespmem:s16], [sflag:$0x3], $0x80, $0x38;
	[tilespmem:$0x15A00] =	vst v63  }
0x2d2: {  	s21 =	simm.s32 $0x11688;
	s13 =	sadd.s32 $0x10, s1  }
0x2d3: {  	[hbm4b:s13+s3] =	stream.linear.scatter [tilespmem:s21], [sflag:$0x3], $0x80, $0x38;
	[tilespmem:$0x15A00] =	vst v63  }
0x2d4: {  	s16 =	simm.s32 $0x11710;
	s21 =	sadd.s32 $0x20, s1  }
0x2d5: {  	[hbm4b:s21+s3] =	stream.linear.scatter [tilespmem:s16], [sflag:$0x3], $0x80, $0x38;
	[tilespmem:$0x15A00] =	vst v63  }
0x2d6: {  	s16 =	simm.s32 $0x11798;
	s21 =	sadd.s32 $0x30, s1  }
0x2d7: {  	[hbm4b:s21+s3] =	stream.linear.scatter [tilespmem:s16], [sflag:$0x3], $0x80, $0x38;
	[tilespmem:$0x15A00] =	vst v63  }
0x2d8: {  	s16 =	simm.s32 $0x11820;
	s21 =	sadd.s32 $0x40, s1  }
0x2d9: {  	[hbm4b:s21+s3] =	stream.linear.scatter [tilespmem:s16], [sflag:$0x3], $0x80, $0x38;
	[tilespmem:$0x15A00] =	vst v63  }
0x2da: {  	s31 =	simm.s32 $0x119B8;
	s16 =	simm.s32 $0x118A8;
	s21 =	sadd.s32 $0x50, s1  }
0x2db: {  	[hbm4b:s21+s3] =	stream.linear.scatter [tilespmem:s16], [sflag:$0x3], $0x80, $0x38;
	[tilespmem:$0x15A00] =	vst v63  }
0x2dc: {  	s0 =	simm.s32 $0x440;
	s16 =	simm.s32 $0x11930;
	s21 =	sadd.s32 $0x60, s1  }
0x2dd: {  	[hbm4b:s21+s3] =	stream.linear.scatter [tilespmem:s16], [sflag:$0x3], $0x80, $0x38;
	[tilespmem:$0x15A00] =	vst v63  }
0x2de: {  	s13 =	simm.s32 $0x2200;
	s16 =	sadd.s32 $0x70, s1;
	s1 =	sadd.s32 $0x1000, s1  }
.LBB2_13:
0x2df: {  	[hbm4b:s16+s3] =	stream.linear.scatter [tilespmem:s31], [sflag:$0x3], $0x80, $0x38;
	[tilespmem:$0x15A00] =	vst v63  }
0x2e0: {  	s16 =	smov.u32 s0;
	s0 =	smov.u32 s13  }
0x2e1: {  	s21 =	sadd.s32 $0x1100, s13;
	s0 =	sshra.s32 s0, $0x2;
	s31 =	sadd.s32 $0x11600, s16  }
0x2e2: {  	[hbm4b:s1+s3] =	stream.linear.scatter [tilespmem:s31], [sflag:$0x3], $0x80, $0x38;
	[tilespmem:$0x15A00] =	vst v63  }
0x2e3: {  	p0 =	sne.s32 s13, $0x7700;
	s13 =	sadd.s32 $0x11688, s16;
	s31 =	sadd.s32 $0x10, s1  }
0x2e4: {  	[hbm4b:s31+s3] =	stream.linear.scatter [tilespmem:s13], [sflag:$0x3], $0x80, $0x38;
	[tilespmem:$0x15A00] =	vst v63  }
0x2e5: {  	s13 =	sadd.s32 $0x11710, s16;
	s31 =	sadd.s32 $0x20, s1  }
0x2e6: {  	[hbm4b:s31+s3] =	stream.linear.scatter [tilespmem:s13], [sflag:$0x3], $0x80, $0x38;
	[tilespmem:$0x15A00] =	vst v63  }
0x2e7: {  	s13 =	sadd.s32 $0x11798, s16;
	s31 =	sadd.s32 $0x30, s1  }
0x2e8: {  	[hbm4b:s31+s3] =	stream.linear.scatter [tilespmem:s13], [sflag:$0x3], $0x80, $0x38;
	[tilespmem:$0x15A00] =	vst v63  }
0x2e9: {  	s13 =	sadd.s32 $0x11820, s16;
	s31 =	sadd.s32 $0x40, s1  }
0x2ea: {  	[hbm4b:s31+s3] =	stream.linear.scatter [tilespmem:s13], [sflag:$0x3], $0x80, $0x38;
	[tilespmem:$0x15A00] =	vst v63  }
0x2eb: {  	s13 =	sadd.s32 $0x118A8, s16;
	s31 =	sadd.s32 $0x50, s1  }
0x2ec: {  	[hbm4b:s31+s3] =	stream.linear.scatter [tilespmem:s13], [sflag:$0x3], $0x80, $0x38;
	[tilespmem:$0x15A00] =	vst v63  }
.Ltmp5:
0x2ed: {  	_ = 	snop;
	(pc) =	sbr.rel @p0 .LBB2_13-.Ltmp5, $4  }
0x2ee: {  	s13 =	sadd.s32 $0x11930, s16;
	s31 =	sadd.s32 $0x60, s1  }
0x2ef: {  	[hbm4b:s31+s3] =	stream.linear.scatter [tilespmem:s13], [sflag:$0x3], $0x80, $0x38;
	[tilespmem:$0x15A00] =	vst v63  }
0x2f0: {  	s31 =	sadd.s32 $0x119B8, s16  }
0x2f1: {  	s16 =	sadd.s32 $0x70, s1;
	s1 =	sadd.s32 $0x1000, s1;
	s13 =	smov.u32 s21  }
0x2f2: {  	[hbm4b:s16+s3] =	stream.linear.scatter [tilespmem:s31], [sflag:$0x3], $0x80, $0x38;
	[tilespmem:$0x15A00] =	vst v63  }
0x2f3: {  	s13 =	sadd.s32 $0x11600, s0  }
0x2f4: {  	[hbm4b:s1+s3] =	stream.linear.scatter [tilespmem:s13], [sflag:$0x3], $0x80, $0x38;
	[tilespmem:$0x15A00] =	vst v63  }
0x2f5: {  	s16 =	sadd.s32 $0x11688, s0;
	s21 =	sadd.s32 $0x10, s1  }
0x2f6: {  	[hbm4b:s21+s3] =	stream.linear.scatter [tilespmem:s16], [sflag:$0x3], $0x80, $0x38;
	[tilespmem:$0x15A00] =	vst v63  }
0x2f7: {  	s16 =	sadd.s32 $0x11710, s0;
	s21 =	sadd.s32 $0x20, s1  }
0x2f8: {  	[hbm4b:s21+s3] =	stream.linear.scatter [tilespmem:s16], [sflag:$0x3], $0x80, $0x38;
	[tilespmem:$0x15A00] =	vst v63  }
0x2f9: {  	s16 =	sadd.s32 $0x11798, s0;
	s21 =	sadd.s32 $0x30, s1  }
0x2fa: {  	[hbm4b:s21+s3] =	stream.linear.scatter [tilespmem:s16], [sflag:$0x3], $0x80, $0x38;
	[tilespmem:$0x15A00] =	vst v63  }
0x2fb: {  	s16 =	sadd.s32 $0x11820, s0;
	s21 =	sadd.s32 $0x40, s1  }
0x2fc: {  	[hbm4b:s21+s3] =	stream.linear.scatter [tilespmem:s16], [sflag:$0x3], $0x80, $0x38;
	[tilespmem:$0x15A00] =	vst v63  }
0x2fd: {  	s16 =	sadd.s32 $0x118A8, s0;
	s21 =	sadd.s32 $0x50, s1  }
0x2fe: {  	[hbm4b:s21+s3] =	stream.linear.scatter [tilespmem:s16], [sflag:$0x3], $0x80, $0x38;
	[tilespmem:$0x15A00] =	vst v63  }
0x2ff: {  	s16 =	sadd.s32 $0x11930, s0;
	s21 =	sadd.s32 $0x60, s1  }
0x300: {  	[hbm4b:s21+s3] =	stream.linear.scatter [tilespmem:s16], [sflag:$0x3], $0x80, $0x38;
	[tilespmem:$0x15A00] =	vst v63  }
0x301: {  	s13 =	sadd.s32 $0x70, s1;
	s21 =	sadd.s32 $0x119B8, s0  }
0x302: {  	[hbm4b:s13+s3] =	stream.linear.scatter [tilespmem:s21], [sflag:$0x3], $0x80, $0x38;
	[tilespmem:$0x15A00] =	vst v63  }
0x303: {  	_ =	swait.ge [sflag:s26], $0x2000  }
0x304: {  	[sflag:s26] =	ssyncset.done $0x0  }
0x305: {  	[sflag:s26] =	ssyncadd.s32 $0xFFFFE000  }
0x306: {  	_ =	swait.ge [sflag:s22], $0x4000  }
0x307: {  	v18 =	vld [tilespmem:$0x1FE00]  }
0x308: {  	v20 =	vld [tilespmem:$0x1FE10]  }
0x309: {  	s31 =	sshllo.u32 s29, $0x1;
	v22 =	vld [tilespmem:$0x1FE20]  }
0x30a: {  	s16 =	sshll.u32 s31, $0x6;
	[sflag:s22] =	ssyncset.done $0x0;
	v23 =	vld [tilespmem:$0x1FE30]  }
0x30b: {  	s0 =	sand.u32 $0x3FFFFFC0, s16;
	v24 =	vld [tilespmem:$0x1FE40];
	[sflag:s22] =	ssyncadd.s32 $0xFFFFC000  }
0x30c: {  	v36 =	vld [tilespmem:s0+$0x6400]  }
0x30d: {  	v35 =	vld [tilespmem:s0+$0x6410]  }
0x30e: {  	v34 =	vld [tilespmem:s0+$0x6420]  }
0x30f: {  	s1 =	simm.s32 $0xD800;
	v33 =	vld [tilespmem:s0+$0x6430]  }
0x310: {  	v37 =	vld [tilespmem:s1+$0x1B0]  }
0x311: {  	v38 =	vld [tilespmem:s1+$0x1A0]  }
0x312: {  	v39 =	vld [tilespmem:s1+$0x190]  }
0x313: {  	v0 =	vld [tilespmem:s1+$0xFFFFFEB0]  }
0x314: {  	v2 =	vld [tilespmem:s1+$0xFFFFFF00]  }
0x315: {  	v3 =	vld [tilespmem:s1+$0xFFFFFEA0]  }
0x316: {  	v4 =	vld [tilespmem:s1+$0xFFFFFE90]  }
0x317: {  	s13 =	simm.s32 $0x1;
	v5 =	vld [tilespmem:s1+$0xFFFFFE80]  }
0x318: {  	v14 =	vmov s13;
	v6 =	vld [tilespmem:s1+$0xFFFFFE30]  }
0x319: {  	v14 =	vshrl.u32 v14, $0x3;
	v7 =	vld [tilespmem:s1+$0xFFFFFE20]  }
0x31a: {  	v14 =	vshll.u32 v14, v1;
	v8 =	vld [tilespmem:s1+$0xFFFFFE10]  }
0x31b: {  	v14 =	vbroadcast v14, $0x0;
	v9 =	vld [tilespmem:s1+$0xFFFFFE00]  }
0x31c: {  	v11 =	vld [tilespmem:s1+$0xFFFFFF10]  }
0x31d: {  	v40 =	vadd.s32 v24, v14;
	v24 =	vld [tilespmem:$0x1FE50]  }
0x31e: {  	v12 =	vld [tilespmem:s1+$0xFFFFFF20]  }
0x31f: {  	v13 =	vld [tilespmem:s1+$0xFFFFFF30]  }
0x320: {  	v15 =	vld [tilespmem:s1+$0xFFFFFF80]  }
0x321: {  	v16 =	vld [tilespmem:s1+$0xFFFFFF90]  }
0x322: {  	v43 =	vadd.s32 v24, v14;
	v24 =	vld [tilespmem:$0x1FE60]  }
0x323: {  	v19 =	vld [tilespmem:s1+$0xFFFFFFA0]  }
0x324: {  	v21 =	vld [tilespmem:s1+$0xFFFFFFB0]  }
0x325: {  	v41 =	vld [tilespmem:s1+$0x10]  }
0x326: {  	s16 =	simm.s32 $0x2;
	v42 =	vld [tilespmem:s1+$0x20]  }
0x327: {  	v44 =	vmov s16;
	v23 =	vadd.s32 v23, v14;
	v14 =	vadd.s32 v24, v14;
	v24 =	vld [tilespmem:$0x1FE70]  }
0x328: {  	v44 =	vshrl.u32 v44, $0x3;
	v45 =	vld [tilespmem:s1+$0x30]  }
0x329: {  	s21 =	simm.s32 $0x0;
	v44 =	vshll.u32 v44, v1;
	v46 =	vld [tilespmem:s1+$0x80]  }
0x32a: {  	v10 =	vmov s21;
	v44 =	vbroadcast v44, $0x0;
	v48 =	vld [tilespmem:s1+$0x90]  }
0x32b: {  	v10 =	vshrl.u32 v10, $0x3;
	v50 =	vld [tilespmem:s1+$0xA0]  }
0x32c: {  	v10 =	vshll.u32 v10, v1;
	v51 =	vadd.s32 v24, v44;
	v24 =	vld [tilespmem:$0x1FE90]  }
0x32d: {  	v10 =	vbroadcast v10, $0x0;
	v47 =	vld [tilespmem:s1+$0xB0]  }
0x32e: {  	v53 =	vld [tilespmem:s1+$0x100]  }
0x32f: {  	v17 =	vadd.s32 v17, v10;
	v55 =	vld [tilespmem:s1+$0x110]  }
0x330: {  	v57 =	vld [tilespmem:s1+$0x120];
	v18 =	vadd.s32 v18, v10;
	v9 =	vmul.f32 $8.000000000e+00, v9  }
0x331: {  	v20 =	vadd.s32 v20, v10;
	v8 =	vmul.f32 $8.000000000e+00, v8;
	v52 =	vadd.s32 v24, v44;
	v24 =	vld [tilespmem:$0x1FEA0]  }
0x332: {  	v59 =	vld [tilespmem:s1+$0x130];
	v10 =	vadd.s32 v22, v10;
	v7 =	vmul.f32 $8.000000000e+00, v7;
	v9 =	vadd.f32 v9, v36  }
0x333: {  	v60 =	vld [tilespmem:s1+$0x180];
	v6 =	vmul.f32 $8.000000000e+00, v6;
	v8 =	vadd.f32 v8, v35  }
0x334: {  	v22 =	vld [tilespmem:s1+$0x0];
	v5 =	vmul.f32 $8.000000000e+00, v5;
	v7 =	vadd.f32 v7, v34;
	[tilespmem:v17+s23+$0x0] =	vst.idx.msk $0xffff, v9  }
0x335: {  	v4 =	vmul.f32 $8.000000000e+00, v4;
	v6 =	vadd.f32 v6, v33;
	[tilespmem:v18+s23+$0x0] =	vst.idx.msk $0xffff, v8  }
0x336: {  	s21 =	simm.s32 $0x3;
	v3 =	vmul.f32 $8.000000000e+00, v3;
	v5 =	vadd.f32 v5, v36;
	[tilespmem:v20+s23+$0x0] =	vst.idx.msk $0xffff, v7;
	v54 =	vadd.s32 v24, v44;
	v24 =	vld [tilespmem:$0x1FEB0]  }
0x337: {  	v49 =	vmov s21;
	v4 =	vadd.f32 v4, v35;
	[tilespmem:v10+s23+$0x0] =	vst.idx.msk $0xffff, v6  }
0x338: {  	v49 =	vshrl.u32 v49, $0x3;
	v32 =	vld [tilespmem:$0x1FEE0];
	v3 =	vadd.f32 v3, v34;
	[tilespmem:v23+s23+$0x0] =	vst.idx.msk $0xffff, v5  }
0x339: {  	s13 =	simm.s32 $0x4;
	v49 =	vshll.u32 v49, v1;
	v0 =	vmul.f32 $8.000000000e+00, v0;
	v20 =	vld [tilespmem:$0x1FEC0];
	[tilespmem:v40+s23+$0x0] =	vst.idx.msk $0xffff, v4  }
0x33a: {  	v2 =	vmul.f32 $8.000000000e+00, v2;
	v17 =	vmul.f32 $8.000000000e+00, v42;
	v42 =	vmov s13;
	[tilespmem:v43+s23+$0x0] =	vst.idx.msk $0xffff, v3;
	v3 =	vld [tilespmem:$0x1FF30]  }
0x33b: {  	v0 =	vadd.f32 v0, v33;
	v61 =	vshrl.u32 v42, $0x3;
	v56 =	vadd.s32 v24, v44;
	v24 =	vld [tilespmem:$0x1FED0]  }
0x33c: {  	v7 =	vshll.u32 v61, v1;
	v44 =	vbroadcast v49, $0x0;
	v49 =	vmul.f32 $8.000000000e+00, v22;
	v22 =	vld [tilespmem:$0x1FEF0]  }
0x33d: {  	v2 =	vadd.f32 v2, v36;
	v7 =	vbroadcast v7, $0x0  }
0x33e: {  	v12 =	vmul.f32 $8.000000000e+00, v12;
	v11 =	vmul.f32 $8.000000000e+00, v11;
	[tilespmem:v14+s23+$0x0] =	vst.idx.msk $0xffff, v0  }
0x33f: {  	v13 =	vmul.f32 $8.000000000e+00, v13;
	v40 =	vadd.s32 v3, v7;
	v3 =	vmul.f32 $8.000000000e+00, v45;
	[tilespmem:v51+s23+$0x0] =	vst.idx.msk $0xffff, v2  }
0x340: {  	v2 =	vld [tilespmem:$0x1FF20];
	v9 =	vadd.s32 v32, v44;
	v6 =	vadd.s32 v20, v44;
	v58 =	vadd.s32 v24, v44  }
0x341: {  	v5 =	vadd.s32 v22, v44;
	v44 =	vadd.f32 v3, v33;
	v3 =	vmul.f32 $8.000000000e+00, v47  }
0x342: {  	v15 =	vmul.f32 $8.000000000e+00, v15;
	v63 =	vmul.f32 $8.000000000e+00, v41  }
0x343: {  	v12 =	vadd.f32 v12, v34;
	v47 =	vadd.f32 v3, v33;
	v3 =	vmul.f32 $8.000000000e+00, v57  }
0x344: {  	s16 =	simm.s32 $0x5;
	v11 =	vadd.f32 v11, v35;
	v41 =	vadd.f32 v63, v35;
	v63 =	vmul.f32 $8.000000000e+00, v50  }
0x345: {  	v51 =	vadd.s32 v2, v7;
	v2 =	vmov s16;
	v50 =	vadd.f32 v3, v34;
	v3 =	vld [tilespmem:$0x1FF50]  }
0x346: {  	v13 =	vadd.f32 v13, v33;
	v23 =	vmul.f32 $8.000000000e+00, v16;
	[tilespmem:v52+s23+$0x0] =	vst.idx.msk $0xffff, v11;
	v2 =	vshrl.u32 v2, $0x3  }
0x347: {  	v15 =	vadd.f32 v15, v36;
	v2 =	vshll.u32 v2, v1;
	[tilespmem:v54+s23+$0x0] =	vst.idx.msk $0xffff, v12  }
0x348: {  	v27 =	vld [tilespmem:$0x1FF40];
	v0 =	vadd.f32 v23, v35;
	v2 =	vbroadcast v2, $0x0;
	[tilespmem:v56+s23+$0x0] =	vst.idx.msk $0xffff, v13  }
0x349: {  	v61 =	vld [tilespmem:$0x1FF00];
	[tilespmem:v6+s23+$0x0] =	vst.idx.msk $0xffff, v15  }
0x34a: {  	[tilespmem:v58+s23+$0x0] =	vst.idx.msk $0xffff, v0;
	v58 =	vadd.s32 v3, v2;
	v3 =	vld [tilespmem:$0x1FF60]  }
0x34b: {  	v30 =	vld [tilespmem:$0x1FF80];
	v62 =	vmul.f32 $8.000000000e+00, v19  }
0x34c: {  	v21 =	vmul.f32 $8.000000000e+00, v21;
	v32 =	vmul.f32 $8.000000000e+00, v46;
	v46 =	vld [tilespmem:$0x1FF10]  }
0x34d: {  	v29 =	vld [tilespmem:$0x1FF90]  }
0x34e: {  	v28 =	vld [tilespmem:$0x1FFA0];
	v8 =	vadd.f32 v62, v34;
	v62 =	vmul.f32 $8.000000000e+00, v55;
	v10 =	vadd.f32 v21, v33  }
0x34f: {  	v54 =	vadd.s32 v61, v7;
	v55 =	vadd.s32 v27, v2;
	v57 =	vadd.s32 v3, v2;
	v3 =	vld [tilespmem:$0x1FF70]  }
0x350: {  	v31 =	vld [tilespmem:$0x1FFB0];
	v42 =	vadd.f32 v49, v36;
	v49 =	vmul.f32 $8.000000000e+00, v53;
	v53 =	vmul.f32 $8.000000000e+00, v60  }
0x351: {  	s21 =	simm.s32 $0x6;
	v26 =	vld [tilespmem:$0x1FFC0];
	v60 =	vadd.f32 v63, v34;
	v45 =	vadd.f32 v32, v36;
	v43 =	vadd.s32 v46, v7  }
0x352: {  	v25 =	vld [tilespmem:$0x1FFE0];
	v49 =	vadd.f32 v49, v36;
	v56 =	vmul.f32 $8.000000000e+00, v48;
	v0 =	vmov s21  }
0x353: {  	v32 =	vld [tilespmem:$0x1FFF0];
	v48 =	vadd.f32 v62, v35;
	v46 =	vadd.f32 v17, v34;
	[tilespmem:v9+s23+$0x0] =	vst.idx.msk $0xffff, v8;
	v0 =	vshrl.u32 v0, $0x3  }
0x354: {  	s0 =	simm.s32 $0x7;
	s13 =	simm.s32 $0xF;
	v52 =	vmul.f32 $8.000000000e+00, v59;
	v24 =	vld [tilespmem:$0x1FFD0];
	[tilespmem:v5+s23+$0x0] =	vst.idx.msk $0xffff, v10;
	v61 =	vshll.u32 v0, v1;
	v59 =	vadd.s32 v3, v2  }
.LBB2_15:
0x355: {  	[tilespmem:v54+s23+$0x0] =	vst.idx.msk $0xffff, v42  }
0x356: {  	v0 =	vbroadcast v61, $0x0;
	[tilespmem:v43+s23+$0x0] =	vst.idx.msk $0xffff, v41  }
0x357: {  	v4 =	vmov s0;
	v13 =	vld [tilespmem:$0x1FE80];
	[tilespmem:v51+s23+$0x0] =	vst.idx.msk $0xffff, v46  }
0x358: {  	v2 =	vadd.f32 v56, v35;
	v15 =	vld [tilespmem:$0x1FE00];
	v4 =	vshrl.u32 v4, $0x3;
	v5 =	vadd.s32 v30, v0;
	[tilespmem:v40+s23+$0x0] =	vst.idx.msk $0xffff, v44  }
0x359: {  	v17 =	vld [tilespmem:$0x1FE10];
	v6 =	vadd.s32 v29, v0;
	v4 =	vshll.u32 v4, v1;
	[tilespmem:v55+s23+$0x0] =	vst.idx.msk $0xffff, v45  }
0x35a: {  	v19 =	vld [tilespmem:$0x1FE20];
	v3 =	vadd.s32 v31, v0;
	v0 =	vadd.s32 v28, v0;
	[tilespmem:v58+s23+$0x0] =	vst.idx.msk $0xffff, v2;
	v2 =	vbroadcast v4, $0x0  }
0x35b: {  	v20 =	vld [tilespmem:$0x1FE30];
	[tilespmem:v57+s23+$0x0] =	vst.idx.msk $0xffff, v60  }
0x35c: {  	v21 =	vld [tilespmem:$0x1FE40];
	[tilespmem:v59+s23+$0x0] =	vst.idx.msk $0xffff, v47;
	v9 =	vadd.s32 v26, v2  }
0x35d: {  	v54 =	vld [tilespmem:$0x1FE50];
	v10 =	vadd.s32 v24, v2;
	[tilespmem:v5+s23+$0x0] =	vst.idx.msk $0xffff, v49  }
0x35e: {  	v7 =	vmul.f32 $8.000000000e+00, v39;
	v56 =	vld [tilespmem:$0x1FE60];
	v12 =	vadd.f32 v52, v33;
	v49 =	vadd.s32 v25, v2;
	[tilespmem:v6+s23+$0x0] =	vst.idx.msk $0xffff, v48  }
0x35f: {  	v8 =	vmul.f32 $8.000000000e+00, v38;
	v61 =	vld [tilespmem:$0x1FEB0];
	v46 =	vadd.f32 v53, v36;
	[tilespmem:v0+s23+$0x0] =	vst.idx.msk $0xffff, v50;
	v0 =	vadd.s32 v32, v2  }
0x360: {  	v11 =	vmul.f32 $8.000000000e+00, v37;
	v62 =	vld [tilespmem:$0x1FEE0];
	v7 =	vadd.f32 v7, v35;
	[tilespmem:v3+s23+$0x0] =	vst.idx.msk $0xffff, v12  }
0x361: {  	v63 =	vld [tilespmem:$0x1FED0];
	v8 =	vadd.f32 v8, v34;
	[tilespmem:v9+s23+$0x0] =	vst.idx.msk $0xffff, v46  }
0x362: {  	v51 =	vadd.f32 v11, v33;
	v58 =	vld [tilespmem:$0x1FE70];
	[tilespmem:v10+s23+$0x0] =	vst.idx.msk $0xffff, v7  }
0x363: {  	v60 =	vld [tilespmem:$0x1FEA0];
	[tilespmem:v49+s23+$0x0] =	vst.idx.msk $0xffff, v8  }
0x364: {  	s1 =	sadd.s32 $0x400, s1;
	v59 =	vld [tilespmem:$0x1FE90];
	[tilespmem:v0+s23+$0x0] =	vst.idx.msk $0xffff, v51  }
0x365: {  	v37 =	vld [tilespmem:s1+$0x1B0]  }
0x366: {  	v38 =	vld [tilespmem:s1+$0x1A0]  }
0x367: {  	v39 =	vld [tilespmem:s1+$0x190]  }
0x368: {  	v0 =	vld [tilespmem:s1+$0xFFFFFEB0]  }
0x369: {  	v2 =	vld [tilespmem:s1+$0xFFFFFF00]  }
0x36a: {  	v3 =	vld [tilespmem:s1+$0xFFFFFEA0]  }
0x36b: {  	v4 =	vld [tilespmem:s1+$0xFFFFFE90]  }
0x36c: {  	s16 =	smov.u32 s13;
	v5 =	vld [tilespmem:s1+$0xFFFFFE80]  }
0x36d: {  	s0 =	smov.u32 s16;
	v7 =	vld [tilespmem:s1+$0xFFFFFE30]  }
0x36e: {  	s16 =	sadd.s32 $0xFFFFFFF9, s0;
	v8 =	vld [tilespmem:s1+$0xFFFFFE20]  }
0x36f: {  	v52 =	vmov s16;
	v9 =	vld [tilespmem:s1+$0xFFFFFE10]  }
0x370: {  	v6 =	vshrl.u32 v52, $0x3;
	v10 =	vld [tilespmem:s1+$0xFFFFFE00]  }
0x371: {  	v6 =	vshll.u32 v6, v1;
	v12 =	vld [tilespmem:s1+$0xFFFFFF10]  }
0x372: {  	s21 =	sadd.s32 $0xFFFFFFFA, s0;
	v6 =	vbroadcast v6, $0x0;
	v14 =	vld [tilespmem:s1+$0xFFFFFF20]  }
0x373: {  	v53 =	vmov s21;
	s21 =	sadd.s32 $0xFFFFFFFB, s0;
	v16 =	vld [tilespmem:s1+$0xFFFFFF30]  }
0x374: {  	v55 =	vmov s21;
	v13 =	vadd.s32 v13, v6;
	v18 =	vld [tilespmem:s1+$0xFFFFFF80]  }
0x375: {  	v15 =	vadd.s32 v15, v6;
	v17 =	vadd.s32 v17, v6;
	v6 =	vadd.s32 v19, v6;
	v19 =	vld [tilespmem:s1+$0xFFFFFF90]  }
0x376: {  	v11 =	vshrl.u32 v53, $0x3;
	v40 =	vshrl.u32 v55, $0x3;
	v22 =	vld [tilespmem:s1+$0xFFFFFFA0]  }
0x377: {  	v11 =	vshll.u32 v11, v1;
	v40 =	vshll.u32 v40, v1;
	v23 =	vld [tilespmem:s1+$0xFFFFFFB0]  }
0x378: {  	s21 =	sadd.s32 $0xFFFFFFFC, s0;
	v11 =	vbroadcast v11, $0x0;
	v40 =	vbroadcast v40, $0x0;
	v41 =	vld [tilespmem:s1+$0x0]  }
0x379: {  	v57 =	vmov s21;
	v42 =	vld [tilespmem:s1+$0x10]  }
0x37a: {  	v20 =	vadd.s32 v20, v11;
	v55 =	vadd.s32 v61, v40;
	v46 =	vshrl.u32 v57, $0x3;
	v43 =	vld [tilespmem:s1+$0x20]  }
0x37b: {  	v53 =	vadd.s32 v60, v40;
	v50 =	vadd.s32 v59, v40;
	v46 =	vshll.u32 v46, v1;
	v44 =	vld [tilespmem:s1+$0x30]  }
0x37c: {  	v49 =	vadd.s32 v58, v40;
	v40 =	vbroadcast v46, $0x0;
	v47 =	vld [tilespmem:s1+$0x80];
	v2 =	vmul.f32 $8.000000000e+00, v2  }
0x37d: {  	v21 =	vadd.s32 v21, v11;
	v48 =	vld [tilespmem:s1+$0x90];
	v9 =	vmul.f32 $8.000000000e+00, v9;
	v8 =	vmul.f32 $8.000000000e+00, v8  }
0x37e: {  	v45 =	vadd.s32 v54, v11;
	v52 =	vld [tilespmem:s1+$0xA0];
	v10 =	vmul.f32 $8.000000000e+00, v10;
	v7 =	vmul.f32 $8.000000000e+00, v7  }
0x37f: {  	v60 =	vadd.s32 v63, v40;
	v63 =	vld [tilespmem:$0x1FEC0];
	v5 =	vmul.f32 $8.000000000e+00, v5;
	v4 =	vmul.f32 $8.000000000e+00, v4  }
0x380: {  	s21 =	sadd.s32 $0xFFFFFFFD, s0;
	v11 =	vadd.s32 v56, v11;
	v54 =	vld [tilespmem:s1+$0xB0];
	v3 =	vmul.f32 $8.000000000e+00, v3;
	v0 =	vmul.f32 $8.000000000e+00, v0  }
0x381: {  	v51 =	vmov s21;
	v56 =	vld [tilespmem:s1+$0x100];
	v14 =	vmul.f32 $8.000000000e+00, v14;
	v12 =	vmul.f32 $8.000000000e+00, v12  }
0x382: {  	v57 =	vld [tilespmem:s1+$0x110];
	v59 =	vadd.s32 v62, v40;
	v16 =	vmul.f32 $8.000000000e+00, v16;
	v46 =	vmul.f32 $8.000000000e+00, v43  }
0x383: {  	v58 =	vld [tilespmem:s1+$0x120];
	v43 =	vshrl.u32 v51, $0x3;
	v51 =	vmul.f32 $8.000000000e+00, v42;
	v10 =	vadd.f32 v10, v36  }
0x384: {  	v61 =	vld [tilespmem:s1+$0x130];
	v63 =	vadd.s32 v63, v40;
	v42 =	vshll.u32 v43, v1;
	v9 =	vadd.f32 v9, v35  }
0x385: {  	v62 =	vld [tilespmem:s1+$0x180];
	v18 =	vmul.f32 $8.000000000e+00, v18;
	v8 =	vadd.f32 v8, v34;
	v5 =	vadd.f32 v5, v36;
	[tilespmem:v13+s23+$0x0] =	vst.idx.msk $0xffff, v10  }
0x386: {  	v41 =	vmul.f32 $8.000000000e+00, v41;
	v7 =	vadd.f32 v7, v33;
	v4 =	vadd.f32 v4, v35;
	[tilespmem:v15+s23+$0x0] =	vst.idx.msk $0xffff, v9  }
0x387: {  	v22 =	vmul.f32 $8.000000000e+00, v22;
	v3 =	vadd.f32 v3, v34;
	v0 =	vadd.f32 v0, v33;
	[tilespmem:v17+s23+$0x0] =	vst.idx.msk $0xffff, v8  }
0x388: {  	v23 =	vmul.f32 $8.000000000e+00, v23;
	v2 =	vadd.f32 v2, v36;
	v14 =	vadd.f32 v14, v34;
	v13 =	vld [tilespmem:$0x1FEF0];
	[tilespmem:v6+s23+$0x0] =	vst.idx.msk $0xffff, v7  }
0x389: {  	v19 =	vmul.f32 $8.000000000e+00, v19;
	v43 =	vld [tilespmem:$0x1FF30];
	v12 =	vadd.f32 v12, v35;
	v18 =	vadd.f32 v18, v36;
	[tilespmem:v20+s23+$0x0] =	vst.idx.msk $0xffff, v5  }
0x38a: {  	v16 =	vadd.f32 v16, v33;
	v46 =	vadd.f32 v46, v34;
	v9 =	vbroadcast v42, $0x0;
	v17 =	vld [tilespmem:$0x1FF10];
	[tilespmem:v21+s23+$0x0] =	vst.idx.msk $0xffff, v4  }
0x38b: {  	v42 =	vadd.f32 v41, v36;
	v41 =	vadd.f32 v51, v35;
	v51 =	vmul.f32 $8.000000000e+00, v44;
	[tilespmem:v45+s23+$0x0] =	vst.idx.msk $0xffff, v3;
	v3 =	vld [tilespmem:$0x1FF20]  }
0x38c: {  	v15 =	vadd.f32 v23, v33;
	v5 =	vadd.f32 v19, v35;
	v19 =	vmul.f32 $8.000000000e+00, v47;
	[tilespmem:v11+s23+$0x0] =	vst.idx.msk $0xffff, v0  }
0x38d: {  	v44 =	vadd.f32 v51, v33;
	v10 =	vadd.s32 v13, v40;
	[tilespmem:v49+s23+$0x0] =	vst.idx.msk $0xffff, v2;
	v2 =	vld [tilespmem:$0x1FF00]  }
0x38e: {  	v13 =	vadd.f32 v22, v34;
	v40 =	vadd.s32 v43, v9;
	v45 =	vadd.f32 v19, v36  }
0x38f: {  	s21 =	sadd.s32 $0xFFFFFFFE, s0;
	v23 =	vld [tilespmem:$0x1FF70];
	v19 =	vmul.f32 $8.000000000e+00, v52;
	v43 =	vadd.s32 v17, v9;
	v17 =	vmul.f32 $8.000000000e+00, v54;
	[tilespmem:v50+s23+$0x0] =	vst.idx.msk $0xffff, v12  }
0x390: {  	v21 =	vld [tilespmem:$0x1FF50];
	v52 =	vmul.f32 $8.000000000e+00, v61;
	[tilespmem:v53+s23+$0x0] =	vst.idx.msk $0xffff, v14;
	v51 =	vadd.s32 v3, v9;
	v3 =	vmov s21  }
0x391: {  	v22 =	vld [tilespmem:$0x1FF60];
	v47 =	vadd.f32 v17, v33;
	[tilespmem:v55+s23+$0x0] =	vst.idx.msk $0xffff, v16;
	v0 =	vshrl.u32 v3, $0x3;
	v3 =	vmul.f32 $8.000000000e+00, v56  }
0x392: {  	p0 =	sne.s32 s13, $0x7F;
	[tilespmem:v63+s23+$0x0] =	vst.idx.msk $0xffff, v18;
	v54 =	vadd.s32 v2, v9;
	v0 =	vshll.u32 v0, v1;
	v2 =	vmul.f32 $8.000000000e+00, v57  }
.Ltmp6:
0x393: {  	v56 =	vmul.f32 $8.000000000e+00, v48;
	[tilespmem:v60+s23+$0x0] =	vst.idx.msk $0xffff, v5;
	v60 =	vadd.f32 v19, v34;
	v0 =	vbroadcast v0, $0x0;
	(pc) =	sbr.rel @p0 .LBB2_15-.Ltmp6, $4  }
0x394: {  	s21 =	sadd.s32 $0xFFFFFFFF, s0;
	v49 =	vadd.f32 v3, v36;
	v3 =	vmul.f32 $8.000000000e+00, v58;
	v48 =	vadd.f32 v2, v35  }
0x395: {  	v2 =	vmov s21;
	v55 =	vadd.s32 v27, v0;
	v58 =	vadd.s32 v21, v0  }
0x396: {  	[tilespmem:v59+s23+$0x0] =	vst.idx.msk $0xffff, v13;
	v57 =	vadd.s32 v22, v0;
	v59 =	vadd.s32 v23, v0;
	v0 =	vshrl.u32 v2, $0x3  }
0x397: {  	s13 =	sadd.s32 $0x8, s13;
	v53 =	vmul.f32 $8.000000000e+00, v62;
	[tilespmem:v10+s23+$0x0] =	vst.idx.msk $0xffff, v15;
	v50 =	vadd.f32 v3, v34;
	v61 =	vshll.u32 v0, v1  }
0x398: {  	_ =	sdelay $0x3  }
0x399: {  	[tilespmem:v54+s23+$0x0] =	vst.idx.msk $0xffff, v42  }
0x39a: {  	v0 =	vbroadcast v61, $0x0;
	[tilespmem:v43+s23+$0x0] =	vst.idx.msk $0xffff, v41  }
0x39b: {  	v2 =	vmov s0;
	[tilespmem:v51+s23+$0x0] =	vst.idx.msk $0xffff, v46  }
0x39c: {  	v3 =	vadd.f32 v56, v35;
	v2 =	vshrl.u32 v2, $0x3;
	v4 =	vadd.s32 v30, v0;
	[tilespmem:v40+s23+$0x0] =	vst.idx.msk $0xffff, v44  }
0x39d: {  	v5 =	vadd.s32 v29, v0;
	v2 =	vshll.u32 v2, v1;
	[tilespmem:v55+s23+$0x0] =	vst.idx.msk $0xffff, v45  }
0x39e: {  	v2 =	vbroadcast v2, $0x0;
	[tilespmem:v58+s23+$0x0] =	vst.idx.msk $0xffff, v3;
	v3 =	vadd.s32 v28, v0  }
0x39f: {  	v0 =	vadd.s32 v31, v0;
	[tilespmem:v57+s23+$0x0] =	vst.idx.msk $0xffff, v60  }
0x3a0: {  	v6 =	vadd.s32 v26, v2;
	[tilespmem:v59+s23+$0x0] =	vst.idx.msk $0xffff, v47  }
0x3a1: {  	v7 =	vadd.s32 v24, v2;
	[tilespmem:v4+s23+$0x0] =	vst.idx.msk $0xffff, v49  }
0x3a2: {  	v61 =	vmul.f32 $8.000000000e+00, v39;
	v9 =	vadd.f32 v52, v33;
	v8 =	vadd.s32 v25, v2;
	[tilespmem:v5+s23+$0x0] =	vst.idx.msk $0xffff, v48  }
0x3a3: {  	v10 =	vmul.f32 $8.000000000e+00, v38;
	v62 =	vadd.f32 v53, v36;
	v2 =	vadd.s32 v32, v2;
	[tilespmem:v3+s23+$0x0] =	vst.idx.msk $0xffff, v50  }
0x3a4: {  	v63 =	vmul.f32 $8.000000000e+00, v37;
	v3 =	vadd.f32 v61, v35;
	[tilespmem:v0+s23+$0x0] =	vst.idx.msk $0xffff, v9  }
0x3a5: {  	v0 =	vadd.f32 v10, v34;
	[tilespmem:v6+s23+$0x0] =	vst.idx.msk $0xffff, v62  }
0x3a6: {  	s1 =	sshll.u32 s31, $0x12;
	v4 =	vadd.f32 v63, v33;
	[tilespmem:v7+s23+$0x0] =	vst.idx.msk $0xffff, v3  }
0x3a7: {  	s0 =	sor.u32 s8, s1;
	[tilespmem:v8+s23+$0x0] =	vst.idx.msk $0xffff, v0  }
0x3a8: {  	s21 =	sadd.s32 $0x180, s30;
	s0 =	sshrl.u32 s0, $0x3;
	[tilespmem:v2+s23+$0x0] =	vst.idx.msk $0xffff, v4  }
0x3a9: {  	[tilespmem:s18], [sflag:$0x2] =	stream.indirect.gather [hbm4b:s4+s15], $0x80, s21, s15, $0xb8;
	[tilespmem:$0x15A00] =	vst v63  }
0x3aa: {  	s13 =	simm.s32 $0x13800;
	s1 =	sadd.s32 s2, s0  }
0x3ab: {  	[hbm4b:s1+s3] =	stream.linear.scatter [tilespmem:s13], [sflag:$0x4], $0x80, $0x38;
	[tilespmem:$0x15A00] =	vst v63  }
0x3ac: {  	s16 =	simm.s32 $0x13888;
	s13 =	sadd.s32 $0x10, s1  }
0x3ad: {  	[hbm4b:s13+s3] =	stream.linear.scatter [tilespmem:s16], [sflag:$0x4], $0x80, $0x38;
	[tilespmem:$0x15A00] =	vst v63  }
0x3ae: {  	s30 =	simm.s32 $0x13BB8;
	s31 =	sadd.s32 $0x20, s1;
	s21 =	simm.s32 $0x13910  }
0x3af: {  	[hbm4b:s31+s3] =	stream.linear.scatter [tilespmem:s21], [sflag:$0x4], $0x80, $0x38;
	[tilespmem:$0x15A00] =	vst v63  }
0x3b0: {  	s0 =	simm.s32 $0x440;
	s13 =	simm.s32 $0x13998;
	s16 =	sadd.s32 $0x30, s1  }
0x3b1: {  	[hbm4b:s16+s3] =	stream.linear.scatter [tilespmem:s13], [sflag:$0x4], $0x80, $0x38;
	[tilespmem:$0x15A00] =	vst v63  }
0x3b2: {  	s21 =	simm.s32 $0x13A20;
	s31 =	sadd.s32 $0x40, s1;
	s13 =	simm.s32 $0x13AA8  }
0x3b3: {  	[hbm4b:s31+s3] =	stream.linear.scatter [tilespmem:s21], [sflag:$0x4], $0x80, $0x38;
	[tilespmem:$0x15A00] =	vst v63  }
0x3b4: {  	s16 =	sadd.s32 $0x50, s1;
	s21 =	simm.s32 $0x13B30;
	s31 =	sadd.s32 $0x60, s1  }
0x3b5: {  	[hbm4b:s16+s3] =	stream.linear.scatter [tilespmem:s13], [sflag:$0x4], $0x80, $0x38;
	[tilespmem:$0x15A00] =	vst v63  }
0x3b6: {  	s13 =	simm.s32 $0x2200;
	s16 =	sadd.s32 $0x70, s1;
	s1 =	sadd.s32 $0x1000, s1  }
0x3b7: {  	[hbm4b:s31+s3] =	stream.linear.scatter [tilespmem:s21], [sflag:$0x4], $0x80, $0x38;
	[tilespmem:$0x15A00] =	vst v63  }
.LBB2_17:
0x3b8: {  	[hbm4b:s16+s3] =	stream.linear.scatter [tilespmem:s30], [sflag:$0x4], $0x80, $0x38;
	[tilespmem:$0x15A00] =	vst v63  }
0x3b9: {  	s16 =	smov.u32 s0;
	s0 =	smov.u32 s13  }
0x3ba: {  	s21 =	sadd.s32 $0x1100, s13;
	s0 =	sshra.s32 s0, $0x2;
	s30 =	sadd.s32 $0x13800, s16  }
0x3bb: {  	[hbm4b:s1+s3] =	stream.linear.scatter [tilespmem:s30], [sflag:$0x4], $0x80, $0x38;
	[tilespmem:$0x15A00] =	vst v63  }
0x3bc: {  	p0 =	sne.s32 s13, $0x7700;
	s13 =	sadd.s32 $0x13888, s16;
	s30 =	sadd.s32 $0x10, s1  }
0x3bd: {  	[hbm4b:s30+s3] =	stream.linear.scatter [tilespmem:s13], [sflag:$0x4], $0x80, $0x38;
	[tilespmem:$0x15A00] =	vst v63  }
0x3be: {  	s13 =	sadd.s32 $0x13910, s16;
	s30 =	sadd.s32 $0x20, s1  }
0x3bf: {  	[hbm4b:s30+s3] =	stream.linear.scatter [tilespmem:s13], [sflag:$0x4], $0x80, $0x38;
	[tilespmem:$0x15A00] =	vst v63  }
0x3c0: {  	s13 =	sadd.s32 $0x13998, s16;
	s30 =	sadd.s32 $0x30, s1  }
0x3c1: {  	[hbm4b:s30+s3] =	stream.linear.scatter [tilespmem:s13], [sflag:$0x4], $0x80, $0x38;
	[tilespmem:$0x15A00] =	vst v63  }
0x3c2: {  	s13 =	sadd.s32 $0x13A20, s16;
	s30 =	sadd.s32 $0x40, s1  }
0x3c3: {  	[hbm4b:s30+s3] =	stream.linear.scatter [tilespmem:s13], [sflag:$0x4], $0x80, $0x38;
	[tilespmem:$0x15A00] =	vst v63  }
0x3c4: {  	s13 =	sadd.s32 $0x13AA8, s16;
	s30 =	sadd.s32 $0x50, s1  }
0x3c5: {  	[hbm4b:s30+s3] =	stream.linear.scatter [tilespmem:s13], [sflag:$0x4], $0x80, $0x38;
	[tilespmem:$0x15A00] =	vst v63  }
.Ltmp7:
0x3c6: {  	_ = 	snop;
	(pc) =	sbr.rel @p0 .LBB2_17-.Ltmp7, $4  }
0x3c7: {  	s13 =	sadd.s32 $0x13B30, s16;
	s30 =	sadd.s32 $0x60, s1  }
0x3c8: {  	[hbm4b:s30+s3] =	stream.linear.scatter [tilespmem:s13], [sflag:$0x4], $0x80, $0x38;
	[tilespmem:$0x15A00] =	vst v63  }
0x3c9: {  	s30 =	sadd.s32 $0x13BB8, s16  }
0x3ca: {  	s16 =	sadd.s32 $0x70, s1;
	s1 =	sadd.s32 $0x1000, s1;
	s13 =	smov.u32 s21  }
0x3cb: {  	[hbm4b:s16+s3] =	stream.linear.scatter [tilespmem:s30], [sflag:$0x4], $0x80, $0x38;
	[tilespmem:$0x15A00] =	vst v63  }
0x3cc: {  	s13 =	sadd.s32 $0x13800, s0  }
0x3cd: {  	v17 =	vld [tilespmem:$0x1FE80];
	[hbm4b:s1+s3] =	stream.linear.scatter [tilespmem:s13], [sflag:$0x4], $0x80, $0x38  }
0x3ce: {  	s30 =	sadd.s32 $0x13888, s0;
	s31 =	sadd.s32 $0x10, s1;
	v29 =	vld [tilespmem:$0x1FE00]  }
0x3cf: {  	v62 =	vld [tilespmem:$0x1FE10];
	[hbm4b:s31+s3] =	stream.linear.scatter [tilespmem:s30], [sflag:$0x4], $0x80, $0x38  }
0x3d0: {  	s16 =	sadd.s32 $0x13910, s0;
	s21 =	sadd.s32 $0x20, s1;
	v16 =	vld [tilespmem:$0x1FE20]  }
0x3d1: {  	v24 =	vld [tilespmem:$0x1FE30];
	[hbm4b:s21+s3] =	stream.linear.scatter [tilespmem:s16], [sflag:$0x4], $0x80, $0x38  }
0x3d2: {  	v20 =	vld [tilespmem:$0x1FE40];
	s30 =	sadd.s32 $0x13998, s0;
	s31 =	sadd.s32 $0x30, s1  }
0x3d3: {  	v25 =	vld [tilespmem:$0x1FE50];
	[hbm4b:s31+s3] =	stream.linear.scatter [tilespmem:s30], [sflag:$0x4], $0x80, $0x38  }
0x3d4: {  	s29 =	sadd.s32 $0x1, s29;
	v32 =	vld [tilespmem:$0x1FE60];
	s16 =	sadd.s32 $0x13A20, s0;
	s21 =	sadd.s32 $0x40, s1  }
0x3d5: {  	v26 =	vld [tilespmem:$0x1FE70];
	[hbm4b:s21+s3] =	stream.linear.scatter [tilespmem:s16], [sflag:$0x4], $0x80, $0x38  }
0x3d6: {  	v27 =	vld [tilespmem:$0x1FE90];
	p0 =	sne.s32 s29, $0x63;
	s30 =	sadd.s32 $0x13AA8, s0;
	s31 =	sadd.s32 $0x50, s1  }
0x3d7: {  	v18 =	vld [tilespmem:$0x1FEA0];
	[hbm4b:s31+s3] =	stream.linear.scatter [tilespmem:s30], [sflag:$0x4], $0x80, $0x38  }
.Ltmp8:
0x3d8: {  	v19 =	vld [tilespmem:$0x1FEB0];
	(pc) =	sbr.rel @p0 .LBB2_10-.Ltmp8, $4  }
0x3d9: {  	v40 =	vld [tilespmem:$0x1FEC0];
	s16 =	sadd.s32 $0x13B30, s0;
	s21 =	sadd.s32 $0x60, s1  }
0x3da: {  	v31 =	vld [tilespmem:$0x1FED0];
	[hbm4b:s21+s3] =	stream.linear.scatter [tilespmem:s16], [sflag:$0x4], $0x80, $0x38  }
0x3db: {  	v28 =	vld [tilespmem:$0x1FEE0];
	s30 =	sadd.s32 $0x13BB8, s0;
	s31 =	sadd.s32 $0x70, s1  }
0x3dc: {  	v30 =	vld [tilespmem:$0x1FEF0];
	[hbm4b:s31+s3] =	stream.linear.scatter [tilespmem:s30], [sflag:$0x4], $0x80, $0x38  }
0x3dd: {  	_ =	swait.ge [sflag:s25], $0x2000  }
0x3de: {  	[sflag:s25] =	ssyncset.done $0x0  }
0x3df: {  	[sflag:s25] =	ssyncadd.s32 $0xFFFFE000  }
0x3e0: {  	_ =	swait.ge [sflag:s19], $0x4000  }
0x3e1: {  	[sflag:s19] =	ssyncset.done $0x0  }
0x3e2: {  	[sflag:s19] =	ssyncadd.s32 $0xFFFFC000  }
0x3e3: {  	v36 =	vld [tilespmem:$0x9580]  }
0x3e4: {  	v35 =	vld [tilespmem:$0x9590]  }
0x3e5: {  	v33 =	vld [tilespmem:$0x95A0]  }
0x3e6: {  	s29 =	simm.s32 $0x9800;
	v34 =	vld [tilespmem:$0x95B0]  }
0x3e7: {  	v37 =	vld [tilespmem:s29+$0x1B0]  }
0x3e8: {  	v38 =	vld [tilespmem:s29+$0x1A0]  }
0x3e9: {  	v39 =	vld [tilespmem:s29+$0x190]  }
0x3ea: {  	v0 =	vld [tilespmem:s29+$0xFFFFFEB0]  }
0x3eb: {  	v2 =	vld [tilespmem:s29+$0xFFFFFF00]  }
0x3ec: {  	v3 =	vld [tilespmem:s29+$0xFFFFFEA0]  }
0x3ed: {  	v4 =	vld [tilespmem:s29+$0xFFFFFE90]  }
0x3ee: {  	v5 =	vld [tilespmem:s29+$0xFFFFFE80]  }
0x3ef: {  	v6 =	vld [tilespmem:s29+$0xFFFFFE30]  }
0x3f0: {  	v7 =	vld [tilespmem:s29+$0xFFFFFE20]  }
0x3f1: {  	v8 =	vld [tilespmem:s29+$0xFFFFFE10]  }
0x3f2: {  	s0 =	simm.s32 $0x0;
	v9 =	vld [tilespmem:s29+$0xFFFFFE00]  }
0x3f3: {  	v10 =	vmov s0;
	v11 =	vld [tilespmem:s29+$0xFFFFFF10]  }
0x3f4: {  	v10 =	vshrl.u32 v10, $0x3;
	v12 =	vld [tilespmem:s29+$0xFFFFFF20]  }
0x3f5: {  	v10 =	vshll.u32 v10, v1;
	v13 =	vld [tilespmem:s29+$0xFFFFFF30]  }
0x3f6: {  	v10 =	vbroadcast v10, $0x0;
	v15 =	vld [tilespmem:s29+$0xFFFFFF80]  }
0x3f7: {  	v61 =	vld [tilespmem:s29+$0xFFFFFF90]  }
0x3f8: {  	v50 =	vmovc v30;
	v30 =	vmov v18;
	v18 =	vadd.s32 v29, v10;
	v29 =	vmov v19;
	v19 =	vld [tilespmem:s29+$0xFFFFFFA0]  }
0x3f9: {  	v22 =	vmov v16;
	v63 =	vmov v31;
	v21 =	vld [tilespmem:s29+$0xFFFFFFB0]  }
0x3fa: {  	s1 =	simm.s32 $0x1;
	v31 =	vmovc v20;
	v17 =	vadd.s32 v17, v10;
	v20 =	vadd.s32 v62, v10;
	v10 =	vadd.s32 v22, v10;
	v22 =	vld [tilespmem:s29+$0x0]  }
0x3fb: {  	v14 =	vmov s1;
	v41 =	vld [tilespmem:s29+$0x10]  }
0x3fc: {  	v14 =	vshrl.u32 v14, $0x3;
	v42 =	vld [tilespmem:s29+$0x20]  }
0x3fd: {  	s13 =	simm.s32 $0x2;
	v14 =	vshll.u32 v14, v1;
	v45 =	vld [tilespmem:s29+$0x30]  }
0x3fe: {  	s16 =	simm.s32 $0x3;
	v44 =	vmov s13;
	v14 =	vbroadcast v14, $0x0;
	v46 =	vld [tilespmem:s29+$0x80]  }
0x3ff: {  	v49 =	vmov s16;
	v44 =	vshrl.u32 v44, $0x3;
	v48 =	vld [tilespmem:s29+$0x90]  }
0x400: {  	v49 =	vshrl.u32 v49, $0x3;
	v16 =	vmovc v28;
	v28 =	vmovc v40;
	v44 =	vshll.u32 v44, v1;
	v40 =	vadd.s32 v31, v14;
	v31 =	vld [tilespmem:s29+$0xA0]  }
0x401: {  	v49 =	vshll.u32 v49, v1;
	v44 =	vbroadcast v44, $0x0;
	v23 =	vadd.s32 v24, v14;
	v47 =	vld [tilespmem:s29+$0xB0]  }
0x402: {  	v43 =	vadd.s32 v25, v14;
	v14 =	vadd.s32 v32, v14;
	v53 =	vld [tilespmem:s29+$0x100];
	v9 =	vmul.f32 $8.000000000e+00, v9  }
0x403: {  	v51 =	vadd.s32 v26, v44;
	v52 =	vadd.s32 v27, v44;
	v55 =	vld [tilespmem:s29+$0x110];
	v8 =	vmul.f32 $8.000000000e+00, v8  }
0x404: {  	v54 =	vadd.s32 v30, v44;
	v57 =	vld [tilespmem:s29+$0x120];
	v7 =	vmul.f32 $8.000000000e+00, v7;
	v9 =	vadd.f32 v9, v36  }
0x405: {  	v59 =	vld [tilespmem:s29+$0x130];
	v56 =	vadd.s32 v29, v44;
	v6 =	vmul.f32 $8.000000000e+00, v6;
	v8 =	vadd.f32 v8, v35  }
0x406: {  	s21 =	simm.s32 $0x4;
	v60 =	vld [tilespmem:s29+$0x180];
	v44 =	vbroadcast v49, $0x0;
	v5 =	vmul.f32 $8.000000000e+00, v5;
	v7 =	vadd.f32 v7, v33;
	[tilespmem:v17+s20+$0x0] =	vst.idx.msk $0xffff, v9  }
0x407: {  	v49 =	vmov s21;
	v4 =	vmul.f32 $8.000000000e+00, v4;
	v6 =	vadd.f32 v6, v34;
	[tilespmem:v18+s20+$0x0] =	vst.idx.msk $0xffff, v8  }
0x408: {  	v32 =	vshrl.u32 v49, $0x3;
	v3 =	vmul.f32 $8.000000000e+00, v3;
	v5 =	vadd.f32 v5, v36;
	[tilespmem:v20+s20+$0x0] =	vst.idx.msk $0xffff, v7  }
0x409: {  	v58 =	vadd.s32 v63, v44;
	v0 =	vmul.f32 $8.000000000e+00, v0;
	v4 =	vadd.f32 v4, v35;
	[tilespmem:v10+s20+$0x0] =	vst.idx.msk $0xffff, v6  }
0x40a: {  	v2 =	vmul.f32 $8.000000000e+00, v2;
	v12 =	vmul.f32 $8.000000000e+00, v12;
	v3 =	vadd.f32 v3, v33;
	[tilespmem:v23+s20+$0x0] =	vst.idx.msk $0xffff, v5  }
0x40b: {  	v11 =	vmul.f32 $8.000000000e+00, v11;
	v49 =	vmul.f32 $8.000000000e+00, v41;
	v0 =	vadd.f32 v0, v34;
	[tilespmem:v40+s20+$0x0] =	vst.idx.msk $0xffff, v4  }
0x40c: {  	v13 =	vmul.f32 $8.000000000e+00, v13;
	v15 =	vmul.f32 $8.000000000e+00, v15;
	v2 =	vadd.f32 v2, v36;
	[tilespmem:v43+s20+$0x0] =	vst.idx.msk $0xffff, v3  }
0x40d: {  	v41 =	vadd.f32 v49, v35;
	v49 =	vld [tilespmem:$0x1FF10];
	v9 =	vadd.s32 v16, v44;
	v3 =	vmul.f32 $8.000000000e+00, v45;
	[tilespmem:v14+s20+$0x0] =	vst.idx.msk $0xffff, v0  }
0x40e: {  	v20 =	vmul.f32 $8.000000000e+00, v21;
	v7 =	vshll.u32 v32, v1;
	v21 =	vadd.s32 v50, v44;
	[tilespmem:v51+s20+$0x0] =	vst.idx.msk $0xffff, v2;
	v2 =	vld [tilespmem:$0x1FF20]  }
0x40f: {  	v6 =	vadd.s32 v28, v44;
	v44 =	vadd.f32 v3, v34;
	v3 =	vmul.f32 $8.000000000e+00, v47  }
0x410: {  	v30 =	vmovc v50;
	v12 =	vadd.f32 v12, v33;
	v50 =	vmul.f32 $8.000000000e+00, v53;
	v7 =	vbroadcast v7, $0x0  }
0x411: {  	v11 =	vadd.f32 v11, v35;
	v47 =	vadd.f32 v3, v34;
	v3 =	vmul.f32 $8.000000000e+00, v57  }
0x412: {  	s30 =	simm.s32 $0x5;
	v13 =	vadd.f32 v13, v34;
	v43 =	vadd.s32 v49, v7;
	v49 =	vadd.f32 v50, v36  }
0x413: {  	v50 =	vadd.f32 v3, v33;
	v3 =	vld [tilespmem:$0x1FF50];
	v51 =	vadd.s32 v2, v7;
	v2 =	vmov s30  }
0x414: {  	v18 =	vmul.f32 $8.000000000e+00, v22;
	v22 =	vmul.f32 $8.000000000e+00, v61;
	[tilespmem:v52+s20+$0x0] =	vst.idx.msk $0xffff, v11;
	v2 =	vshrl.u32 v2, $0x3  }
0x415: {  	v15 =	vadd.f32 v15, v36;
	[tilespmem:v54+s20+$0x0] =	vst.idx.msk $0xffff, v12;
	v2 =	vshll.u32 v2, v1  }
0x416: {  	v0 =	vadd.f32 v22, v35;
	[tilespmem:v56+s20+$0x0] =	vst.idx.msk $0xffff, v13;
	v2 =	vbroadcast v2, $0x0  }
0x417: {  	[tilespmem:v6+s20+$0x0] =	vst.idx.msk $0xffff, v15  }
0x418: {  	[tilespmem:v58+s20+$0x0] =	vst.idx.msk $0xffff, v0;
	v58 =	vadd.s32 v3, v2;
	v3 =	vld [tilespmem:$0x1FF60]  }
0x419: {  	v23 =	vld [tilespmem:$0x1FF30]  }
0x41a: {  	v17 =	vmul.f32 $8.000000000e+00, v42;
	v42 =	vmul.f32 $8.000000000e+00, v19;
	v52 =	vld [tilespmem:$0x1FF00]  }
0x41b: {  	v0 =	vld [tilespmem:$0x1FF40]  }
0x41c: {  	v8 =	vadd.f32 v42, v33;
	v32 =	vmul.f32 $8.000000000e+00, v46;
	v46 =	vadd.f32 v17, v33  }
0x41d: {  	v53 =	vmul.f32 $8.000000000e+00, v55;
	v42 =	vadd.f32 v18, v36;
	v57 =	vadd.s32 v3, v2;
	v3 =	vld [tilespmem:$0x1FF70]  }
0x41e: {  	v29 =	vmovc v16;
	v61 =	vmul.f32 $8.000000000e+00, v31;
	v10 =	vadd.f32 v20, v34;
	v45 =	vadd.f32 v32, v36  }
0x41f: {  	s31 =	simm.s32 $0x6;
	v31 =	vmovc v63;
	v28 =	vmovc v24;
	v40 =	vadd.s32 v23, v7;
	v56 =	vmul.f32 $8.000000000e+00, v48;
	v48 =	vadd.f32 v53, v35  }
0x420: {  	v24 =	vmovc v62;
	v32 =	vmovc v26;
	v54 =	vadd.s32 v52, v7;
	v55 =	vadd.s32 v0, v2;
	v0 =	vmov s31  }
0x421: {  	v26 =	vmovc v23;
	v53 =	vmul.f32 $8.000000000e+00, v60;
	v60 =	vadd.f32 v61, v33;
	[tilespmem:v9+s20+$0x0] =	vst.idx.msk $0xffff, v8;
	v0 =	vshrl.u32 v0, $0x3  }
0x422: {  	s0 =	simm.s32 $0x7;
	s1 =	simm.s32 $0xF;
	v52 =	vmul.f32 $8.000000000e+00, v59;
	[tilespmem:v21+s20+$0x0] =	vst.idx.msk $0xffff, v10;
	v61 =	vshll.u32 v0, v1;
	v59 =	vadd.s32 v3, v2  }
.LBB2_20:
0x423: {  	_ =	sdelay $0x1  }
0x424: {  	[tilespmem:v54+s20+$0x0] =	vst.idx.msk $0xffff, v42  }
0x425: {  	[tilespmem:v43+s20+$0x0] =	vst.idx.msk $0xffff, v41  }
0x426: {  	v3 =	vld [tilespmem:$0x1FFB0];
	[tilespmem:v51+s20+$0x0] =	vst.idx.msk $0xffff, v46  }
0x427: {  	v2 =	vadd.f32 v56, v35;
	v5 =	vld [tilespmem:$0x1FF80];
	[tilespmem:v40+s20+$0x0] =	vst.idx.msk $0xffff, v44  }
0x428: {  	v6 =	vld [tilespmem:$0x1FF90];
	[tilespmem:v55+s20+$0x0] =	vst.idx.msk $0xffff, v45  }
0x429: {  	[tilespmem:v58+s20+$0x0] =	vst.idx.msk $0xffff, v2;
	v2 =	vld [tilespmem:$0x1FFA0]  }
0x42a: {  	v0 =	vbroadcast v61, $0x0;
	_ =	sdelay $0x1  }
0x42b: {  	v5 =	vadd.s32 v5, v0  }
0x42c: {  	v6 =	vadd.s32 v6, v0  }
0x42d: {  	v3 =	vadd.s32 v3, v0;
	v0 =	vadd.s32 v2, v0  }
0x42e: {  	[tilespmem:v57+s20+$0x0] =	vst.idx.msk $0xffff, v60  }
0x42f: {  	v4 =	vmov s0;
	v9 =	vld [tilespmem:$0x1FFC0];
	[tilespmem:v59+s20+$0x0] =	vst.idx.msk $0xffff, v47  }
0x430: {  	v10 =	vld [tilespmem:$0x1FFD0];
	v4 =	vshrl.u32 v4, $0x3;
	[tilespmem:v5+s20+$0x0] =	vst.idx.msk $0xffff, v49  }
0x431: {  	v4 =	vshll.u32 v4, v1;
	v55 =	vld [tilespmem:$0x1FFE0];
	[tilespmem:v6+s20+$0x0] =	vst.idx.msk $0xffff, v48  }
0x432: {  	v2 =	vbroadcast v4, $0x0;
	[tilespmem:v0+s20+$0x0] =	vst.idx.msk $0xffff, v50;
	v0 =	vld [tilespmem:$0x1FFF0];
	_ =	sdelay $0x1  }
0x433: {  	v9 =	vadd.s32 v9, v2  }
0x434: {  	v10 =	vadd.s32 v10, v2  }
0x435: {  	v7 =	vmul.f32 $8.000000000e+00, v39;
	v13 =	vld [tilespmem:$0x1FE80];
	v12 =	vadd.f32 v52, v34;
	v5 =	vadd.s32 v55, v2  }
0x436: {  	v8 =	vmul.f32 $8.000000000e+00, v38;
	v15 =	vld [tilespmem:$0x1FE00];
	v54 =	vadd.f32 v53, v36;
	v0 =	vadd.s32 v0, v2  }
0x437: {  	v11 =	vmul.f32 $8.000000000e+00, v37;
	v19 =	vld [tilespmem:$0x1FE20];
	v7 =	vadd.f32 v7, v35;
	[tilespmem:v3+s20+$0x0] =	vst.idx.msk $0xffff, v12  }
0x438: {  	v21 =	vld [tilespmem:$0x1FE40];
	v8 =	vadd.f32 v8, v33;
	[tilespmem:v9+s20+$0x0] =	vst.idx.msk $0xffff, v54  }
0x439: {  	v62 =	vld [tilespmem:$0x1FEA0];
	v56 =	vadd.f32 v11, v34;
	[tilespmem:v10+s20+$0x0] =	vst.idx.msk $0xffff, v7  }
0x43a: {  	v63 =	vld [tilespmem:$0x1FEB0];
	[tilespmem:v5+s20+$0x0] =	vst.idx.msk $0xffff, v8  }
0x43b: {  	s29 =	sadd.s32 $0x400, s29;
	v60 =	vld [tilespmem:$0x1FE60];
	[tilespmem:v0+s20+$0x0] =	vst.idx.msk $0xffff, v56  }
0x43c: {  	v37 =	vld [tilespmem:s29+$0x1B0]  }
0x43d: {  	v38 =	vld [tilespmem:s29+$0x1A0]  }
0x43e: {  	v39 =	vld [tilespmem:s29+$0x190]  }
0x43f: {  	v0 =	vld [tilespmem:s29+$0xFFFFFEB0]  }
0x440: {  	v2 =	vld [tilespmem:s29+$0xFFFFFF00]  }
0x441: {  	v3 =	vld [tilespmem:s29+$0xFFFFFEA0]  }
0x442: {  	v4 =	vld [tilespmem:s29+$0xFFFFFE90]  }
0x443: {  	s13 =	smov.u32 s1;
	v5 =	vld [tilespmem:s29+$0xFFFFFE80]  }
0x444: {  	s0 =	smov.u32 s13;
	v7 =	vld [tilespmem:s29+$0xFFFFFE30]  }
0x445: {  	s13 =	sadd.s32 $0xFFFFFFF9, s0;
	v8 =	vld [tilespmem:s29+$0xFFFFFE20]  }
0x446: {  	v57 =	vmov s13;
	v9 =	vld [tilespmem:s29+$0xFFFFFE10]  }
0x447: {  	v6 =	vshrl.u32 v57, $0x3;
	v10 =	vld [tilespmem:s29+$0xFFFFFE00]  }
0x448: {  	v6 =	vshll.u32 v6, v1;
	v12 =	vld [tilespmem:s29+$0xFFFFFF10]  }
0x449: {  	v6 =	vbroadcast v6, $0x0;
	v14 =	vld [tilespmem:s29+$0xFFFFFF20]  }
0x44a: {  	v16 =	vld [tilespmem:s29+$0xFFFFFF30]  }
0x44b: {  	v13 =	vadd.s32 v13, v6;
	v18 =	vld [tilespmem:s29+$0xFFFFFF80]  }
0x44c: {  	v15 =	vadd.s32 v15, v6;
	v17 =	vadd.s32 v24, v6;
	v6 =	vadd.s32 v19, v6;
	v19 =	vld [tilespmem:s29+$0xFFFFFF90]  }
0x44d: {  	v22 =	vld [tilespmem:s29+$0xFFFFFFA0]  }
0x44e: {  	v23 =	vld [tilespmem:s29+$0xFFFFFFB0]  }
0x44f: {  	v41 =	vld [tilespmem:s29+$0x0]  }
0x450: {  	v42 =	vld [tilespmem:s29+$0x10]  }
0x451: {  	v43 =	vld [tilespmem:s29+$0x20]  }
0x452: {  	s30 =	sadd.s32 $0xFFFFFFFA, s0;
	v44 =	vld [tilespmem:s29+$0x30]  }
0x453: {  	v58 =	vmov s30;
	v47 =	vld [tilespmem:s29+$0x80]  }
0x454: {  	v11 =	vshrl.u32 v58, $0x3;
	v48 =	vld [tilespmem:s29+$0x90]  }
0x455: {  	s31 =	sadd.s32 $0xFFFFFFFB, s0;
	s16 =	sadd.s32 $0xFFFFFFFC, s0;
	v11 =	vshll.u32 v11, v1;
	v52 =	vld [tilespmem:s29+$0xA0]  }
0x456: {  	v61 =	vmov s16;
	v59 =	vmov s31;
	v11 =	vbroadcast v11, $0x0;
	v54 =	vld [tilespmem:s29+$0xB0]  }
0x457: {  	v46 =	vshrl.u32 v61, $0x3;
	v40 =	vshrl.u32 v59, $0x3;
	v56 =	vld [tilespmem:s29+$0x100];
	v10 =	vmul.f32 $8.000000000e+00, v10  }
0x458: {  	v40 =	vshll.u32 v40, v1;
	v20 =	vadd.s32 v28, v11;
	v57 =	vld [tilespmem:s29+$0x110];
	v9 =	vmul.f32 $8.000000000e+00, v9  }
0x459: {  	v40 =	vbroadcast v40, $0x0;
	v58 =	vld [tilespmem:s29+$0x120];
	v8 =	vmul.f32 $8.000000000e+00, v8;
	v10 =	vadd.f32 v10, v36  }
0x45a: {  	v21 =	vadd.s32 v21, v11;
	v61 =	vld [tilespmem:s29+$0x130];
	v7 =	vmul.f32 $8.000000000e+00, v7;
	v9 =	vadd.f32 v9, v35  }
0x45b: {  	v53 =	vadd.s32 v62, v40;
	v62 =	vld [tilespmem:s29+$0x180];
	v5 =	vmul.f32 $8.000000000e+00, v5;
	v8 =	vadd.f32 v8, v33;
	[tilespmem:v13+s20+$0x0] =	vst.idx.msk $0xffff, v10  }
0x45c: {  	v45 =	vadd.s32 v25, v11;
	v4 =	vmul.f32 $8.000000000e+00, v4;
	v7 =	vadd.f32 v7, v34;
	[tilespmem:v15+s20+$0x0] =	vst.idx.msk $0xffff, v9  }
0x45d: {  	v3 =	vmul.f32 $8.000000000e+00, v3;
	v5 =	vadd.f32 v5, v36;
	[tilespmem:v17+s20+$0x0] =	vst.idx.msk $0xffff, v8  }
0x45e: {  	v46 =	vshll.u32 v46, v1;
	v4 =	vadd.f32 v4, v35;
	[tilespmem:v6+s20+$0x0] =	vst.idx.msk $0xffff, v7  }
0x45f: {  	s21 =	sadd.s32 $0xFFFFFFFD, s0;
	v11 =	vadd.s32 v60, v11;
	v3 =	vadd.f32 v3, v33;
	[tilespmem:v20+s20+$0x0] =	vst.idx.msk $0xffff, v5  }
0x460: {  	v51 =	vmov s21;
	v49 =	vadd.s32 v32, v40;
	v55 =	vadd.s32 v63, v40;
	[tilespmem:v21+s20+$0x0] =	vst.idx.msk $0xffff, v4  }
0x461: {  	v50 =	vadd.s32 v27, v40;
	v40 =	vbroadcast v46, $0x0;
	v41 =	vmul.f32 $8.000000000e+00, v41;
	[tilespmem:v45+s20+$0x0] =	vst.idx.msk $0xffff, v3;
	v3 =	vld [tilespmem:$0x1FF20]  }
0x462: {  	v46 =	vmul.f32 $8.000000000e+00, v43;
	v43 =	vshrl.u32 v51, $0x3;
	v51 =	vmul.f32 $8.000000000e+00, v42  }
0x463: {  	v0 =	vmul.f32 $8.000000000e+00, v0;
	v43 =	vshll.u32 v43, v1;
	v42 =	vadd.f32 v41, v36  }
0x464: {  	v41 =	vadd.f32 v51, v35;
	v51 =	vmul.f32 $8.000000000e+00, v44;
	v9 =	vbroadcast v43, $0x0  }
0x465: {  	s30 =	sadd.s32 $0xFFFFFFFE, s0;
	v2 =	vmul.f32 $8.000000000e+00, v2;
	v12 =	vmul.f32 $8.000000000e+00, v12;
	v0 =	vadd.f32 v0, v34  }
0x466: {  	v44 =	vadd.f32 v51, v34;
	v51 =	vadd.s32 v3, v9;
	v3 =	vmov s30  }
0x467: {  	v2 =	vadd.f32 v2, v36;
	[tilespmem:v11+s20+$0x0] =	vst.idx.msk $0xffff, v0;
	v0 =	vshrl.u32 v3, $0x3;
	v3 =	vmul.f32 $8.000000000e+00, v56;
	_ =	sdelay $0x1  }
0x468: {  	v12 =	vadd.f32 v12, v35;
	[tilespmem:v49+s20+$0x0] =	vst.idx.msk $0xffff, v2;
	v49 =	vadd.f32 v3, v36;
	v3 =	vmul.f32 $8.000000000e+00, v58  }
0x469: {  	v63 =	vld [tilespmem:$0x1FEC0]  }
0x46a: {  	[tilespmem:v50+s20+$0x0] =	vst.idx.msk $0xffff, v12;
	v50 =	vadd.f32 v3, v33;
	v3 =	vld [tilespmem:$0x1FF50];
	_ =	sdelay $0x1  }
0x46b: {  	v2 =	vld [tilespmem:$0x1FF00];
	v0 =	vshll.u32 v0, v1  }
0x46c: {  	v0 =	vbroadcast v0, $0x0  }
0x46d: {  	v59 =	vadd.s32 v29, v40;
	v60 =	vadd.s32 v31, v40;
	v22 =	vmul.f32 $8.000000000e+00, v22  }
0x46e: {  	v63 =	vadd.s32 v63, v40;
	v14 =	vmul.f32 $8.000000000e+00, v14;
	v58 =	vadd.s32 v3, v0;
	v3 =	vld [tilespmem:$0x1FF60]  }
0x46f: {  	v16 =	vmul.f32 $8.000000000e+00, v16;
	v18 =	vmul.f32 $8.000000000e+00, v18;
	v13 =	vadd.f32 v22, v33  }
0x470: {  	v22 =	vmul.f32 $8.000000000e+00, v54;
	v54 =	vadd.s32 v2, v9;
	v2 =	vmul.f32 $8.000000000e+00, v57  }
0x471: {  	v23 =	vmul.f32 $8.000000000e+00, v23;
	v19 =	vmul.f32 $8.000000000e+00, v19;
	v14 =	vadd.f32 v14, v33;
	v17 =	vld [tilespmem:$0x1FF10]  }
0x472: {  	v18 =	vadd.f32 v18, v36;
	v56 =	vmul.f32 $8.000000000e+00, v48;
	v48 =	vadd.f32 v2, v35;
	v2 =	vld [tilespmem:$0x1FF40]  }
0x473: {  	v16 =	vadd.f32 v16, v34;
	v19 =	vadd.f32 v19, v35;
	v57 =	vadd.s32 v3, v0;
	v3 =	vld [tilespmem:$0x1FF70]  }
0x474: {  	p0 =	sne.s32 s1, $0x7F;
	v46 =	vadd.f32 v46, v33;
	v10 =	vadd.s32 v30, v40;
	[tilespmem:v53+s20+$0x0] =	vst.idx.msk $0xffff, v14  }
.Ltmp9:
0x475: {  	v15 =	vadd.f32 v23, v34;
	v23 =	vmul.f32 $8.000000000e+00, v52;
	v20 =	vmul.f32 $8.000000000e+00, v47;
	[tilespmem:v55+s20+$0x0] =	vst.idx.msk $0xffff, v16;
	(pc) =	sbr.rel @p0 .LBB2_20-.Ltmp9, $4  }
0x476: {  	s31 =	sadd.s32 $0xFFFFFFFF, s0;
	v52 =	vmul.f32 $8.000000000e+00, v61;
	v40 =	vadd.s32 v26, v9;
	v47 =	vadd.f32 v22, v34;
	[tilespmem:v63+s20+$0x0] =	vst.idx.msk $0xffff, v18  }
0x477: {  	v45 =	vadd.f32 v20, v36;
	[tilespmem:v60+s20+$0x0] =	vst.idx.msk $0xffff, v19;
	v55 =	vadd.s32 v2, v0;
	v2 =	vmov s31  }
0x478: {  	v43 =	vadd.s32 v17, v9;
	[tilespmem:v59+s20+$0x0] =	vst.idx.msk $0xffff, v13;
	v59 =	vadd.s32 v3, v0;
	v0 =	vshrl.u32 v2, $0x3  }
0x479: {  	s1 =	sadd.s32 $0x8, s1;
	v53 =	vmul.f32 $8.000000000e+00, v62;
	v60 =	vadd.f32 v23, v33;
	[tilespmem:v10+s20+$0x0] =	vst.idx.msk $0xffff, v15;
	v61 =	vshll.u32 v0, v1  }
0x47a: {  	_ =	sdelay $0x3  }
0x47b: {  	[tilespmem:v54+s20+$0x0] =	vst.idx.msk $0xffff, v42  }
0x47c: {  	[tilespmem:v43+s20+$0x0] =	vst.idx.msk $0xffff, v41  }
0x47d: {  	[tilespmem:v51+s20+$0x0] =	vst.idx.msk $0xffff, v46  }
0x47e: {  	v3 =	vadd.f32 v56, v35;
	v4 =	vld [tilespmem:$0x1FF80];
	[tilespmem:v40+s20+$0x0] =	vst.idx.msk $0xffff, v44  }
0x47f: {  	v5 =	vld [tilespmem:$0x1FF90];
	[tilespmem:v55+s20+$0x0] =	vst.idx.msk $0xffff, v45  }
0x480: {  	[tilespmem:v58+s20+$0x0] =	vst.idx.msk $0xffff, v3;
	v3 =	vld [tilespmem:$0x1FFA0]  }
0x481: {  	v0 =	vbroadcast v61, $0x0;
	_ =	sdelay $0x1  }
0x482: {  	v4 =	vadd.s32 v4, v0  }
0x483: {  	v5 =	vadd.s32 v5, v0  }
0x484: {  	v3 =	vadd.s32 v3, v0  }
0x485: {  	v6 =	vld [tilespmem:$0x1FFB0];
	[tilespmem:v57+s20+$0x0] =	vst.idx.msk $0xffff, v60  }
0x486: {  	v2 =	vmov s0;
	v60 =	vld [tilespmem:$0x1FFC0];
	[tilespmem:v59+s20+$0x0] =	vst.idx.msk $0xffff, v47  }
0x487: {  	v7 =	vld [tilespmem:$0x1FFD0];
	v2 =	vshrl.u32 v2, $0x3;
	[tilespmem:v4+s20+$0x0] =	vst.idx.msk $0xffff, v49  }
0x488: {  	v8 =	vld [tilespmem:$0x1FFE0];
	v2 =	vshll.u32 v2, v1;
	[tilespmem:v5+s20+$0x0] =	vst.idx.msk $0xffff, v48  }
0x489: {  	v2 =	vbroadcast v2, $0x0;
	[tilespmem:v3+s20+$0x0] =	vst.idx.msk $0xffff, v50;
	v3 =	vld [tilespmem:$0x1FFF0]  }
0x48a: {  	v0 =	vadd.s32 v6, v0  }
0x48b: {  	v6 =	vadd.s32 v60, v2  }
0x48c: {  	v7 =	vadd.s32 v7, v2  }
0x48d: {  	v61 =	vmul.f32 $8.000000000e+00, v39;
	v9 =	vadd.f32 v52, v34;
	v8 =	vadd.s32 v8, v2  }
0x48e: {  	v10 =	vmul.f32 $8.000000000e+00, v38;
	v62 =	vadd.f32 v53, v36;
	v2 =	vadd.s32 v3, v2  }
0x48f: {  	v63 =	vmul.f32 $8.000000000e+00, v37;
	[tilespmem:v0+s20+$0x0] =	vst.idx.msk $0xffff, v9;
	v3 =	vadd.f32 v61, v35  }
0x490: {  	v0 =	vadd.f32 v10, v33;
	[tilespmem:v6+s20+$0x0] =	vst.idx.msk $0xffff, v62  }
0x491: {  	v4 =	vadd.f32 v63, v34;
	[tilespmem:v7+s20+$0x0] =	vst.idx.msk $0xffff, v3  }
0x492: {  	[tilespmem:v8+s20+$0x0] =	vst.idx.msk $0xffff, v0  }
0x493: {  	s1 =	simm.s32 $0x11600;
	[tilespmem:v2+s20+$0x0] =	vst.idx.msk $0xffff, v4  }
0x494: {  	[hbm4b:s10+s3] =	stream.linear.scatter [tilespmem:s1], [sflag:$0x3], $0x80, $0x38;
	[tilespmem:$0x15A00] =	vst v63  }
0x495: {  	s13 =	simm.s32 $0x11688;
	s1 =	sadd.s32 $0x10, s10  }
0x496: {  	[hbm4b:s1+s3] =	stream.linear.scatter [tilespmem:s13], [sflag:$0x3], $0x80, $0x38;
	[tilespmem:$0x15A00] =	vst v63  }
0x497: {  	s16 =	simm.s32 $0x11710;
	s21 =	sadd.s32 $0x20, s10;
	s30 =	simm.s32 $0x11798  }
0x498: {  	[hbm4b:s21+s3] =	stream.linear.scatter [tilespmem:s16], [sflag:$0x3], $0x80, $0x38;
	[tilespmem:$0x15A00] =	vst v63  }
0x499: {  	s31 =	sadd.s32 $0x30, s10;
	s0 =	simm.s32 $0x440;
	s29 =	simm.s32 $0x119B8  }
0x49a: {  	[hbm4b:s31+s3] =	stream.linear.scatter [tilespmem:s30], [sflag:$0x3], $0x80, $0x38;
	[tilespmem:$0x15A00] =	vst v63  }
0x49b: {  	s1 =	simm.s32 $0x11820;
	s13 =	sadd.s32 $0x40, s10;
	s16 =	simm.s32 $0x118A8  }
0x49c: {  	[hbm4b:s13+s3] =	stream.linear.scatter [tilespmem:s1], [sflag:$0x3], $0x80, $0x38;
	[tilespmem:$0x15A00] =	vst v63  }
0x49d: {  	s21 =	sadd.s32 $0x50, s10;
	s30 =	simm.s32 $0x11930;
	s31 =	sadd.s32 $0x60, s10  }
0x49e: {  	[hbm4b:s21+s3] =	stream.linear.scatter [tilespmem:s16], [sflag:$0x3], $0x80, $0x38;
	[tilespmem:$0x15A00] =	vst v63  }
0x49f: {  	s13 =	simm.s32 $0x2200;
	s1 =	sadd.s32 $0x1000, s10;
	s16 =	sadd.s32 $0x70, s10  }
0x4a0: {  	[hbm4b:s31+s3] =	stream.linear.scatter [tilespmem:s30], [sflag:$0x3], $0x80, $0x38;
	[tilespmem:$0x15A00] =	vst v63  }
.LBB2_22:
0x4a1: {  	[hbm4b:s16+s3] =	stream.linear.scatter [tilespmem:s29], [sflag:$0x3], $0x80, $0x38;
	[tilespmem:$0x15A00] =	vst v63  }
0x4a2: {  	s16 =	smov.u32 s0;
	s0 =	smov.u32 s13  }
0x4a3: {  	s21 =	sadd.s32 $0x1100, s13;
	s0 =	sshra.s32 s0, $0x2;
	s29 =	sadd.s32 $0x11600, s16  }
0x4a4: {  	[hbm4b:s1+s3] =	stream.linear.scatter [tilespmem:s29], [sflag:$0x3], $0x80, $0x38;
	[tilespmem:$0x15A00] =	vst v63  }
0x4a5: {  	p0 =	sne.s32 s13, $0x7700;
	s13 =	sadd.s32 $0x11688, s16;
	s29 =	sadd.s32 $0x10, s1  }
0x4a6: {  	[hbm4b:s29+s3] =	stream.linear.scatter [tilespmem:s13], [sflag:$0x3], $0x80, $0x38;
	[tilespmem:$0x15A00] =	vst v63  }
0x4a7: {  	s13 =	sadd.s32 $0x11710, s16;
	s29 =	sadd.s32 $0x20, s1  }
0x4a8: {  	[hbm4b:s29+s3] =	stream.linear.scatter [tilespmem:s13], [sflag:$0x3], $0x80, $0x38;
	[tilespmem:$0x15A00] =	vst v63  }
0x4a9: {  	s13 =	sadd.s32 $0x11798, s16;
	s29 =	sadd.s32 $0x30, s1  }
0x4aa: {  	[hbm4b:s29+s3] =	stream.linear.scatter [tilespmem:s13], [sflag:$0x3], $0x80, $0x38;
	[tilespmem:$0x15A00] =	vst v63  }
0x4ab: {  	s13 =	sadd.s32 $0x11820, s16;
	s29 =	sadd.s32 $0x40, s1  }
0x4ac: {  	[hbm4b:s29+s3] =	stream.linear.scatter [tilespmem:s13], [sflag:$0x3], $0x80, $0x38;
	[tilespmem:$0x15A00] =	vst v63  }
0x4ad: {  	s13 =	sadd.s32 $0x118A8, s16;
	s29 =	sadd.s32 $0x50, s1  }
0x4ae: {  	[hbm4b:s29+s3] =	stream.linear.scatter [tilespmem:s13], [sflag:$0x3], $0x80, $0x38;
	[tilespmem:$0x15A00] =	vst v63  }
.Ltmp10:
0x4af: {  	_ = 	snop;
	(pc) =	sbr.rel @p0 .LBB2_22-.Ltmp10, $4  }
0x4b0: {  	s13 =	sadd.s32 $0x11930, s16;
	s29 =	sadd.s32 $0x60, s1  }
0x4b1: {  	[hbm4b:s29+s3] =	stream.linear.scatter [tilespmem:s13], [sflag:$0x3], $0x80, $0x38;
	[tilespmem:$0x15A00] =	vst v63  }
0x4b2: {  	s29 =	sadd.s32 $0x119B8, s16  }
0x4b3: {  	s16 =	sadd.s32 $0x70, s1;
	s1 =	sadd.s32 $0x1000, s1;
	s13 =	smov.u32 s21  }
0x4b4: {  	[hbm4b:s16+s3] =	stream.linear.scatter [tilespmem:s29], [sflag:$0x3], $0x80, $0x38;
	[tilespmem:$0x15A00] =	vst v63  }
0x4b5: {  	s13 =	sadd.s32 $0x11600, s0  }
0x4b6: {  	[hbm4b:s1+s3] =	stream.linear.scatter [tilespmem:s13], [sflag:$0x3], $0x80, $0x38;
	[tilespmem:$0x15A00] =	vst v63  }
0x4b7: {  	s16 =	sadd.s32 $0x11688, s0;
	s21 =	sadd.s32 $0x10, s1  }
0x4b8: {  	[hbm4b:s21+s3] =	stream.linear.scatter [tilespmem:s16], [sflag:$0x3], $0x80, $0x38;
	[tilespmem:$0x15A00] =	vst v63  }
0x4b9: {  	s30 =	sadd.s32 $0x11710, s0;
	s31 =	sadd.s32 $0x20, s1  }
0x4ba: {  	[hbm4b:s31+s3] =	stream.linear.scatter [tilespmem:s30], [sflag:$0x3], $0x80, $0x38;
	[tilespmem:$0x15A00] =	vst v63  }
0x4bb: {  	s16 =	sadd.s32 $0x11798, s0;
	s21 =	sadd.s32 $0x30, s1  }
0x4bc: {  	[hbm4b:s21+s3] =	stream.linear.scatter [tilespmem:s16], [sflag:$0x3], $0x80, $0x38;
	[tilespmem:$0x15A00] =	vst v63  }
0x4bd: {  	s30 =	sadd.s32 $0x11820, s0;
	s31 =	sadd.s32 $0x40, s1  }
0x4be: {  	[hbm4b:s31+s3] =	stream.linear.scatter [tilespmem:s30], [sflag:$0x3], $0x80, $0x38;
	[tilespmem:$0x15A00] =	vst v63  }
0x4bf: {  	s16 =	sadd.s32 $0x118A8, s0;
	s21 =	sadd.s32 $0x50, s1  }
0x4c0: {  	[hbm4b:s21+s3] =	stream.linear.scatter [tilespmem:s16], [sflag:$0x3], $0x80, $0x38;
	[tilespmem:$0x15A00] =	vst v63  }
0x4c1: {  	s30 =	sadd.s32 $0x11930, s0;
	s31 =	sadd.s32 $0x60, s1  }
0x4c2: {  	[hbm4b:s31+s3] =	stream.linear.scatter [tilespmem:s30], [sflag:$0x3], $0x80, $0x38;
	[tilespmem:$0x15A00] =	vst v63  }
0x4c3: {  	s21 =	sadd.s32 $0x119B8, s0;
	s30 =	sadd.s32 $0x70, s1  }
0x4c4: {  	[hbm4b:s30+s3] =	stream.linear.scatter [tilespmem:s21], [sflag:$0x3], $0x80, $0x38;
	[tilespmem:$0x15A00] =	vst v63  }
0x4c5: {  	_ =	swait.ge [sflag:s26], $0x2000  }
0x4c6: {  	[sflag:s26] =	ssyncset.done $0x0  }
0x4c7: {  	[sflag:s26] =	ssyncadd.s32 $0xFFFFE000  }
0x4c8: {  	_ =	swait.ge [sflag:s22], $0x4000  }
0x4c9: {  	v17 =	vld [tilespmem:$0x1FE80]  }
0x4ca: {  	v18 =	vld [tilespmem:$0x1FE00]  }
0x4cb: {  	v20 =	vld [tilespmem:$0x1FE10]  }
0x4cc: {  	v22 =	vld [tilespmem:$0x1FE20]  }
0x4cd: {  	[sflag:s22] =	ssyncset.done $0x0;
	v23 =	vld [tilespmem:$0x1FE30]  }
0x4ce: {  	v24 =	vld [tilespmem:$0x1FE40];
	[sflag:s22] =	ssyncadd.s32 $0xFFFFC000  }
0x4cf: {  	v36 =	vld [tilespmem:$0x95C0]  }
0x4d0: {  	v35 =	vld [tilespmem:$0x95D0]  }
0x4d1: {  	v33 =	vld [tilespmem:$0x95E0]  }
0x4d2: {  	s29 =	simm.s32 $0xD800;
	v34 =	vld [tilespmem:$0x95F0]  }
0x4d3: {  	v37 =	vld [tilespmem:s29+$0x1B0]  }
0x4d4: {  	v38 =	vld [tilespmem:s29+$0x1A0]  }
0x4d5: {  	v39 =	vld [tilespmem:s29+$0x190]  }
0x4d6: {  	v0 =	vld [tilespmem:s29+$0xFFFFFEB0]  }
0x4d7: {  	v2 =	vld [tilespmem:s29+$0xFFFFFF00]  }
0x4d8: {  	s1 =	simm.s32 $0x1;
	v3 =	vld [tilespmem:s29+$0xFFFFFEA0]  }
0x4d9: {  	v14 =	vmov s1;
	v4 =	vld [tilespmem:s29+$0xFFFFFE90]  }
0x4da: {  	v14 =	vshrl.u32 v14, $0x3;
	v5 =	vld [tilespmem:s29+$0xFFFFFE80]  }
0x4db: {  	v14 =	vshll.u32 v14, v1;
	v6 =	vld [tilespmem:s29+$0xFFFFFE30]  }
0x4dc: {  	v14 =	vbroadcast v14, $0x0;
	v7 =	vld [tilespmem:s29+$0xFFFFFE20]  }
0x4dd: {  	v8 =	vld [tilespmem:s29+$0xFFFFFE10]  }
0x4de: {  	v40 =	vadd.s32 v24, v14;
	v24 =	vld [tilespmem:$0x1FE50]  }
0x4df: {  	v9 =	vld [tilespmem:s29+$0xFFFFFE00]  }
0x4e0: {  	v11 =	vld [tilespmem:s29+$0xFFFFFF10]  }
0x4e1: {  	v12 =	vld [tilespmem:s29+$0xFFFFFF20]  }
0x4e2: {  	v13 =	vld [tilespmem:s29+$0xFFFFFF30]  }
0x4e3: {  	v43 =	vadd.s32 v24, v14;
	v24 =	vld [tilespmem:$0x1FE60]  }
0x4e4: {  	v15 =	vld [tilespmem:s29+$0xFFFFFF80]  }
0x4e5: {  	v16 =	vld [tilespmem:s29+$0xFFFFFF90]  }
0x4e6: {  	v19 =	vld [tilespmem:s29+$0xFFFFFFA0]  }
0x4e7: {  	s13 =	simm.s32 $0x2;
	v21 =	vld [tilespmem:s29+$0xFFFFFFB0]  }
0x4e8: {  	v44 =	vmov s13;
	v23 =	vadd.s32 v23, v14;
	v14 =	vadd.s32 v24, v14;
	v24 =	vld [tilespmem:$0x1FE70]  }
0x4e9: {  	v44 =	vshrl.u32 v44, $0x3;
	v41 =	vld [tilespmem:s29+$0x10]  }
0x4ea: {  	v44 =	vshll.u32 v44, v1;
	v42 =	vld [tilespmem:s29+$0x20]  }
0x4eb: {  	v44 =	vbroadcast v44, $0x0;
	v45 =	vld [tilespmem:s29+$0x30]  }
0x4ec: {  	v46 =	vld [tilespmem:s29+$0x80]  }
0x4ed: {  	s31 =	simm.s32 $0x0;
	v51 =	vadd.s32 v24, v44;
	v24 =	vld [tilespmem:$0x1FE90]  }
0x4ee: {  	v10 =	vmov s31;
	v48 =	vld [tilespmem:s29+$0x90]  }
0x4ef: {  	v10 =	vshrl.u32 v10, $0x3;
	v50 =	vld [tilespmem:s29+$0xA0]  }
0x4f0: {  	v10 =	vshll.u32 v10, v1;
	v47 =	vld [tilespmem:s29+$0xB0]  }
0x4f1: {  	v10 =	vbroadcast v10, $0x0;
	v53 =	vld [tilespmem:s29+$0x100]  }
0x4f2: {  	v52 =	vadd.s32 v24, v44;
	v24 =	vld [tilespmem:$0x1FEA0]  }
0x4f3: {  	v55 =	vld [tilespmem:s29+$0x110];
	v17 =	vadd.s32 v17, v10  }
0x4f4: {  	v57 =	vld [tilespmem:s29+$0x120];
	v18 =	vadd.s32 v18, v10;
	v9 =	vmul.f32 $8.000000000e+00, v9  }
0x4f5: {  	v59 =	vld [tilespmem:s29+$0x130];
	v20 =	vadd.s32 v20, v10;
	v8 =	vmul.f32 $8.000000000e+00, v8  }
0x4f6: {  	v60 =	vld [tilespmem:s29+$0x180];
	v10 =	vadd.s32 v22, v10;
	v7 =	vmul.f32 $8.000000000e+00, v7;
	v9 =	vadd.f32 v9, v36  }
0x4f7: {  	v6 =	vmul.f32 $8.000000000e+00, v6;
	v8 =	vadd.f32 v8, v35;
	v54 =	vadd.s32 v24, v44;
	v24 =	vld [tilespmem:$0x1FEB0]  }
0x4f8: {  	s16 =	simm.s32 $0x3;
	v22 =	vld [tilespmem:s29+$0x0];
	v5 =	vmul.f32 $8.000000000e+00, v5;
	v7 =	vadd.f32 v7, v33;
	[tilespmem:v17+s23+$0x0] =	vst.idx.msk $0xffff, v9  }
0x4f9: {  	v49 =	vmov s16;
	v4 =	vmul.f32 $8.000000000e+00, v4;
	v6 =	vadd.f32 v6, v34;
	[tilespmem:v18+s23+$0x0] =	vst.idx.msk $0xffff, v8  }
0x4fa: {  	v49 =	vshrl.u32 v49, $0x3;
	v32 =	vld [tilespmem:$0x1FEE0];
	v3 =	vmul.f32 $8.000000000e+00, v3;
	v5 =	vadd.f32 v5, v36;
	[tilespmem:v20+s23+$0x0] =	vst.idx.msk $0xffff, v7  }
0x4fb: {  	v49 =	vshll.u32 v49, v1;
	v0 =	vmul.f32 $8.000000000e+00, v0;
	v4 =	vadd.f32 v4, v35;
	v20 =	vld [tilespmem:$0x1FEC0];
	[tilespmem:v10+s23+$0x0] =	vst.idx.msk $0xffff, v6  }
0x4fc: {  	v2 =	vmul.f32 $8.000000000e+00, v2;
	v3 =	vadd.f32 v3, v33;
	[tilespmem:v23+s23+$0x0] =	vst.idx.msk $0xffff, v5;
	v56 =	vadd.s32 v24, v44;
	v24 =	vld [tilespmem:$0x1FED0]  }
0x4fd: {  	v0 =	vadd.f32 v0, v34;
	[tilespmem:v40+s23+$0x0] =	vst.idx.msk $0xffff, v4;
	v44 =	vbroadcast v49, $0x0;
	v49 =	vmul.f32 $8.000000000e+00, v22;
	v22 =	vld [tilespmem:$0x1FEF0]  }
0x4fe: {  	s21 =	simm.s32 $0x4;
	v12 =	vmul.f32 $8.000000000e+00, v12;
	v11 =	vmul.f32 $8.000000000e+00, v11;
	v2 =	vadd.f32 v2, v36;
	[tilespmem:v43+s23+$0x0] =	vst.idx.msk $0xffff, v3  }
0x4ff: {  	v13 =	vmul.f32 $8.000000000e+00, v13;
	v17 =	vmul.f32 $8.000000000e+00, v42;
	v42 =	vmov s21;
	[tilespmem:v14+s23+$0x0] =	vst.idx.msk $0xffff, v0  }
0x500: {  	v15 =	vmul.f32 $8.000000000e+00, v15;
	v61 =	vshrl.u32 v42, $0x3;
	v3 =	vmul.f32 $8.000000000e+00, v45;
	[tilespmem:v51+s23+$0x0] =	vst.idx.msk $0xffff, v2  }
0x501: {  	v2 =	vld [tilespmem:$0x1FF20];
	v9 =	vadd.s32 v32, v44;
	v6 =	vadd.s32 v20, v44;
	v58 =	vadd.s32 v24, v44  }
0x502: {  	v5 =	vadd.s32 v22, v44;
	v44 =	vadd.f32 v3, v34;
	v3 =	vmul.f32 $8.000000000e+00, v47  }
0x503: {  	v63 =	vmul.f32 $8.000000000e+00, v41;
	v12 =	vadd.f32 v12, v33;
	v7 =	vshll.u32 v61, v1  }
0x504: {  	v7 =	vbroadcast v7, $0x0;
	v47 =	vadd.f32 v3, v34;
	v3 =	vmul.f32 $8.000000000e+00, v57  }
0x505: {  	s30 =	simm.s32 $0x5;
	v11 =	vadd.f32 v11, v35;
	v41 =	vadd.f32 v63, v35;
	v63 =	vmul.f32 $8.000000000e+00, v50  }
0x506: {  	v51 =	vadd.s32 v2, v7;
	v2 =	vmov s30;
	v50 =	vadd.f32 v3, v33;
	v3 =	vld [tilespmem:$0x1FF50]  }
0x507: {  	v13 =	vadd.f32 v13, v34;
	v23 =	vmul.f32 $8.000000000e+00, v16;
	[tilespmem:v52+s23+$0x0] =	vst.idx.msk $0xffff, v11;
	v2 =	vshrl.u32 v2, $0x3  }
0x508: {  	v15 =	vadd.f32 v15, v36;
	v2 =	vshll.u32 v2, v1;
	[tilespmem:v54+s23+$0x0] =	vst.idx.msk $0xffff, v12  }
0x509: {  	v27 =	vld [tilespmem:$0x1FF40];
	v0 =	vadd.f32 v23, v35;
	v2 =	vbroadcast v2, $0x0;
	[tilespmem:v56+s23+$0x0] =	vst.idx.msk $0xffff, v13  }
0x50a: {  	v61 =	vld [tilespmem:$0x1FF00];
	[tilespmem:v6+s23+$0x0] =	vst.idx.msk $0xffff, v15  }
0x50b: {  	[tilespmem:v58+s23+$0x0] =	vst.idx.msk $0xffff, v0;
	v58 =	vadd.s32 v3, v2;
	v3 =	vld [tilespmem:$0x1FF60]  }
0x50c: {  	v28 =	vld [tilespmem:$0x1FF80];
	v62 =	vmul.f32 $8.000000000e+00, v19  }
0x50d: {  	v21 =	vmul.f32 $8.000000000e+00, v21;
	v32 =	vmul.f32 $8.000000000e+00, v46;
	v46 =	vld [tilespmem:$0x1FF10]  }
0x50e: {  	v31 =	vld [tilespmem:$0x1FF90];
	v8 =	vadd.f32 v62, v33  }
0x50f: {  	v25 =	vld [tilespmem:$0x1FFB0];
	v62 =	vmul.f32 $8.000000000e+00, v55;
	v10 =	vadd.f32 v21, v34;
	v40 =	vadd.s32 v26, v7  }
0x510: {  	v54 =	vadd.s32 v61, v7;
	v55 =	vadd.s32 v27, v2;
	v57 =	vadd.s32 v3, v2;
	v3 =	vld [tilespmem:$0x1FF70]  }
0x511: {  	v29 =	vld [tilespmem:$0x1FFD0];
	v42 =	vadd.f32 v49, v36;
	v49 =	vmul.f32 $8.000000000e+00, v53;
	v53 =	vmul.f32 $8.000000000e+00, v60  }
0x512: {  	s31 =	simm.s32 $0x6;
	v30 =	vld [tilespmem:$0x1FFE0];
	v60 =	vadd.f32 v63, v33;
	v45 =	vadd.f32 v32, v36;
	v43 =	vadd.s32 v46, v7  }
0x513: {  	v26 =	vld [tilespmem:$0x1FFC0];
	v49 =	vadd.f32 v49, v36;
	v56 =	vmul.f32 $8.000000000e+00, v48;
	v0 =	vmov s31  }
0x514: {  	v32 =	vld [tilespmem:$0x1FFF0];
	v48 =	vadd.f32 v62, v35;
	v46 =	vadd.f32 v17, v33;
	[tilespmem:v9+s23+$0x0] =	vst.idx.msk $0xffff, v8;
	v0 =	vshrl.u32 v0, $0x3  }
0x515: {  	s0 =	simm.s32 $0x7;
	s1 =	simm.s32 $0xF;
	v52 =	vmul.f32 $8.000000000e+00, v59;
	v24 =	vld [tilespmem:$0x1FFA0];
	[tilespmem:v5+s23+$0x0] =	vst.idx.msk $0xffff, v10;
	v61 =	vshll.u32 v0, v1;
	v59 =	vadd.s32 v3, v2  }
.LBB2_24:
0x516: {  	[tilespmem:v54+s23+$0x0] =	vst.idx.msk $0xffff, v42  }
0x517: {  	v0 =	vbroadcast v61, $0x0;
	[tilespmem:v43+s23+$0x0] =	vst.idx.msk $0xffff, v41  }
0x518: {  	v4 =	vmov s0;
	v13 =	vld [tilespmem:$0x1FE80];
	[tilespmem:v51+s23+$0x0] =	vst.idx.msk $0xffff, v46  }
0x519: {  	v2 =	vadd.f32 v56, v35;
	v15 =	vld [tilespmem:$0x1FE00];
	v4 =	vshrl.u32 v4, $0x3;
	v5 =	vadd.s32 v28, v0;
	[tilespmem:v40+s23+$0x0] =	vst.idx.msk $0xffff, v44  }
0x51a: {  	v17 =	vld [tilespmem:$0x1FE10];
	v6 =	vadd.s32 v31, v0;
	v4 =	vshll.u32 v4, v1;
	[tilespmem:v55+s23+$0x0] =	vst.idx.msk $0xffff, v45  }
0x51b: {  	v19 =	vld [tilespmem:$0x1FE20];
	v3 =	vadd.s32 v25, v0;
	v0 =	vadd.s32 v24, v0;
	[tilespmem:v58+s23+$0x0] =	vst.idx.msk $0xffff, v2;
	v2 =	vbroadcast v4, $0x0  }
0x51c: {  	v20 =	vld [tilespmem:$0x1FE30];
	[tilespmem:v57+s23+$0x0] =	vst.idx.msk $0xffff, v60  }
0x51d: {  	v21 =	vld [tilespmem:$0x1FE40];
	[tilespmem:v59+s23+$0x0] =	vst.idx.msk $0xffff, v47;
	v9 =	vadd.s32 v26, v2  }
0x51e: {  	v54 =	vld [tilespmem:$0x1FE50];
	v10 =	vadd.s32 v29, v2;
	[tilespmem:v5+s23+$0x0] =	vst.idx.msk $0xffff, v49  }
0x51f: {  	v7 =	vmul.f32 $8.000000000e+00, v39;
	v56 =	vld [tilespmem:$0x1FE60];
	v12 =	vadd.f32 v52, v34;
	v49 =	vadd.s32 v30, v2;
	[tilespmem:v6+s23+$0x0] =	vst.idx.msk $0xffff, v48  }
0x520: {  	v8 =	vmul.f32 $8.000000000e+00, v38;
	v61 =	vld [tilespmem:$0x1FEB0];
	v46 =	vadd.f32 v53, v36;
	[tilespmem:v0+s23+$0x0] =	vst.idx.msk $0xffff, v50;
	v0 =	vadd.s32 v32, v2  }
0x521: {  	v11 =	vmul.f32 $8.000000000e+00, v37;
	v62 =	vld [tilespmem:$0x1FEE0];
	v7 =	vadd.f32 v7, v35;
	[tilespmem:v3+s23+$0x0] =	vst.idx.msk $0xffff, v12  }
0x522: {  	v63 =	vld [tilespmem:$0x1FED0];
	v8 =	vadd.f32 v8, v33;
	[tilespmem:v9+s23+$0x0] =	vst.idx.msk $0xffff, v46  }
0x523: {  	v51 =	vadd.f32 v11, v34;
	v58 =	vld [tilespmem:$0x1FE70];
	[tilespmem:v10+s23+$0x0] =	vst.idx.msk $0xffff, v7  }
0x524: {  	v60 =	vld [tilespmem:$0x1FEA0];
	[tilespmem:v49+s23+$0x0] =	vst.idx.msk $0xffff, v8  }
0x525: {  	s29 =	sadd.s32 $0x400, s29;
	v59 =	vld [tilespmem:$0x1FE90];
	[tilespmem:v0+s23+$0x0] =	vst.idx.msk $0xffff, v51  }
0x526: {  	v37 =	vld [tilespmem:s29+$0x1B0]  }
0x527: {  	v38 =	vld [tilespmem:s29+$0x1A0]  }
0x528: {  	v39 =	vld [tilespmem:s29+$0x190]  }
0x529: {  	v0 =	vld [tilespmem:s29+$0xFFFFFEB0]  }
0x52a: {  	v2 =	vld [tilespmem:s29+$0xFFFFFF00]  }
0x52b: {  	v3 =	vld [tilespmem:s29+$0xFFFFFEA0]  }
0x52c: {  	v4 =	vld [tilespmem:s29+$0xFFFFFE90]  }
0x52d: {  	s13 =	smov.u32 s1;
	v5 =	vld [tilespmem:s29+$0xFFFFFE80]  }
0x52e: {  	s0 =	smov.u32 s13;
	v7 =	vld [tilespmem:s29+$0xFFFFFE30]  }
0x52f: {  	s13 =	sadd.s32 $0xFFFFFFF9, s0;
	v8 =	vld [tilespmem:s29+$0xFFFFFE20]  }
0x530: {  	v52 =	vmov s13;
	v9 =	vld [tilespmem:s29+$0xFFFFFE10]  }
0x531: {  	v6 =	vshrl.u32 v52, $0x3;
	v10 =	vld [tilespmem:s29+$0xFFFFFE00]  }
0x532: {  	v6 =	vshll.u32 v6, v1;
	v12 =	vld [tilespmem:s29+$0xFFFFFF10]  }
0x533: {  	v6 =	vbroadcast v6, $0x0;
	v14 =	vld [tilespmem:s29+$0xFFFFFF20]  }
0x534: {  	s30 =	sadd.s32 $0xFFFFFFFA, s0;
	s31 =	sadd.s32 $0xFFFFFFFB, s0;
	v16 =	vld [tilespmem:s29+$0xFFFFFF30]  }
0x535: {  	v53 =	vmov s30;
	v55 =	vmov s31;
	v13 =	vadd.s32 v13, v6;
	v18 =	vld [tilespmem:s29+$0xFFFFFF80]  }
0x536: {  	v15 =	vadd.s32 v15, v6;
	v17 =	vadd.s32 v17, v6;
	v6 =	vadd.s32 v19, v6;
	v19 =	vld [tilespmem:s29+$0xFFFFFF90]  }
0x537: {  	v11 =	vshrl.u32 v53, $0x3;
	v40 =	vshrl.u32 v55, $0x3;
	v22 =	vld [tilespmem:s29+$0xFFFFFFA0]  }
0x538: {  	v11 =	vshll.u32 v11, v1;
	v40 =	vshll.u32 v40, v1;
	v23 =	vld [tilespmem:s29+$0xFFFFFFB0]  }
0x539: {  	s16 =	sadd.s32 $0xFFFFFFFC, s0;
	v11 =	vbroadcast v11, $0x0;
	v40 =	vbroadcast v40, $0x0;
	v41 =	vld [tilespmem:s29+$0x0]  }
0x53a: {  	v57 =	vmov s16;
	v42 =	vld [tilespmem:s29+$0x10]  }
0x53b: {  	v20 =	vadd.s32 v20, v11;
	v55 =	vadd.s32 v61, v40;
	v46 =	vshrl.u32 v57, $0x3;
	v43 =	vld [tilespmem:s29+$0x20]  }
0x53c: {  	v53 =	vadd.s32 v60, v40;
	v50 =	vadd.s32 v59, v40;
	v46 =	vshll.u32 v46, v1;
	v44 =	vld [tilespmem:s29+$0x30]  }
0x53d: {  	v49 =	vadd.s32 v58, v40;
	v40 =	vbroadcast v46, $0x0;
	v47 =	vld [tilespmem:s29+$0x80];
	v2 =	vmul.f32 $8.000000000e+00, v2  }
0x53e: {  	v21 =	vadd.s32 v21, v11;
	v48 =	vld [tilespmem:s29+$0x90];
	v9 =	vmul.f32 $8.000000000e+00, v9;
	v8 =	vmul.f32 $8.000000000e+00, v8  }
0x53f: {  	v45 =	vadd.s32 v54, v11;
	v52 =	vld [tilespmem:s29+$0xA0];
	v10 =	vmul.f32 $8.000000000e+00, v10;
	v7 =	vmul.f32 $8.000000000e+00, v7  }
0x540: {  	v60 =	vadd.s32 v63, v40;
	v63 =	vld [tilespmem:$0x1FEC0];
	v5 =	vmul.f32 $8.000000000e+00, v5;
	v4 =	vmul.f32 $8.000000000e+00, v4  }
0x541: {  	s21 =	sadd.s32 $0xFFFFFFFD, s0;
	v11 =	vadd.s32 v56, v11;
	v54 =	vld [tilespmem:s29+$0xB0];
	v3 =	vmul.f32 $8.000000000e+00, v3;
	v0 =	vmul.f32 $8.000000000e+00, v0  }
0x542: {  	v51 =	vmov s21;
	v56 =	vld [tilespmem:s29+$0x100];
	v14 =	vmul.f32 $8.000000000e+00, v14;
	v12 =	vmul.f32 $8.000000000e+00, v12  }
0x543: {  	v57 =	vld [tilespmem:s29+$0x110];
	v59 =	vadd.s32 v62, v40;
	v16 =	vmul.f32 $8.000000000e+00, v16;
	v46 =	vmul.f32 $8.000000000e+00, v43  }
0x544: {  	v58 =	vld [tilespmem:s29+$0x120];
	v43 =	vshrl.u32 v51, $0x3;
	v51 =	vmul.f32 $8.000000000e+00, v42;
	v10 =	vadd.f32 v10, v36  }
0x545: {  	v61 =	vld [tilespmem:s29+$0x130];
	v63 =	vadd.s32 v63, v40;
	v42 =	vshll.u32 v43, v1;
	v9 =	vadd.f32 v9, v35  }
0x546: {  	v62 =	vld [tilespmem:s29+$0x180];
	v18 =	vmul.f32 $8.000000000e+00, v18;
	v8 =	vadd.f32 v8, v33;
	v5 =	vadd.f32 v5, v36;
	[tilespmem:v13+s23+$0x0] =	vst.idx.msk $0xffff, v10  }
0x547: {  	v41 =	vmul.f32 $8.000000000e+00, v41;
	v7 =	vadd.f32 v7, v34;
	v4 =	vadd.f32 v4, v35;
	[tilespmem:v15+s23+$0x0] =	vst.idx.msk $0xffff, v9  }
0x548: {  	v22 =	vmul.f32 $8.000000000e+00, v22;
	v3 =	vadd.f32 v3, v33;
	v0 =	vadd.f32 v0, v34;
	[tilespmem:v17+s23+$0x0] =	vst.idx.msk $0xffff, v8  }
0x549: {  	v23 =	vmul.f32 $8.000000000e+00, v23;
	v2 =	vadd.f32 v2, v36;
	v14 =	vadd.f32 v14, v33;
	v13 =	vld [tilespmem:$0x1FEF0];
	[tilespmem:v6+s23+$0x0] =	vst.idx.msk $0xffff, v7  }
0x54a: {  	v19 =	vmul.f32 $8.000000000e+00, v19;
	v43 =	vld [tilespmem:$0x1FF30];
	v12 =	vadd.f32 v12, v35;
	v18 =	vadd.f32 v18, v36;
	[tilespmem:v20+s23+$0x0] =	vst.idx.msk $0xffff, v5  }
0x54b: {  	v16 =	vadd.f32 v16, v34;
	v46 =	vadd.f32 v46, v33;
	v9 =	vbroadcast v42, $0x0;
	v17 =	vld [tilespmem:$0x1FF10];
	[tilespmem:v21+s23+$0x0] =	vst.idx.msk $0xffff, v4  }
0x54c: {  	v42 =	vadd.f32 v41, v36;
	v41 =	vadd.f32 v51, v35;
	v51 =	vmul.f32 $8.000000000e+00, v44;
	[tilespmem:v45+s23+$0x0] =	vst.idx.msk $0xffff, v3;
	v3 =	vld [tilespmem:$0x1FF20]  }
0x54d: {  	v15 =	vadd.f32 v23, v34;
	v5 =	vadd.f32 v19, v35;
	v19 =	vmul.f32 $8.000000000e+00, v47;
	[tilespmem:v11+s23+$0x0] =	vst.idx.msk $0xffff, v0  }
0x54e: {  	v44 =	vadd.f32 v51, v34;
	v10 =	vadd.s32 v13, v40;
	[tilespmem:v49+s23+$0x0] =	vst.idx.msk $0xffff, v2;
	v2 =	vld [tilespmem:$0x1FF00]  }
0x54f: {  	v13 =	vadd.f32 v22, v33;
	v40 =	vadd.s32 v43, v9;
	v45 =	vadd.f32 v19, v36  }
0x550: {  	s30 =	sadd.s32 $0xFFFFFFFE, s0;
	v23 =	vld [tilespmem:$0x1FF70];
	v19 =	vmul.f32 $8.000000000e+00, v52;
	v43 =	vadd.s32 v17, v9;
	v17 =	vmul.f32 $8.000000000e+00, v54;
	[tilespmem:v50+s23+$0x0] =	vst.idx.msk $0xffff, v12  }
0x551: {  	v21 =	vld [tilespmem:$0x1FF50];
	v52 =	vmul.f32 $8.000000000e+00, v61;
	[tilespmem:v53+s23+$0x0] =	vst.idx.msk $0xffff, v14;
	v51 =	vadd.s32 v3, v9;
	v3 =	vmov s30  }
0x552: {  	v22 =	vld [tilespmem:$0x1FF60];
	v47 =	vadd.f32 v17, v34;
	[tilespmem:v55+s23+$0x0] =	vst.idx.msk $0xffff, v16;
	v0 =	vshrl.u32 v3, $0x3;
	v3 =	vmul.f32 $8.000000000e+00, v56  }
0x553: {  	p0 =	sne.s32 s1, $0x7F;
	[tilespmem:v63+s23+$0x0] =	vst.idx.msk $0xffff, v18;
	v54 =	vadd.s32 v2, v9;
	v0 =	vshll.u32 v0, v1;
	v2 =	vmul.f32 $8.000000000e+00, v57  }
.Ltmp11:
0x554: {  	v56 =	vmul.f32 $8.000000000e+00, v48;
	[tilespmem:v60+s23+$0x0] =	vst.idx.msk $0xffff, v5;
	v60 =	vadd.f32 v19, v33;
	v0 =	vbroadcast v0, $0x0;
	(pc) =	sbr.rel @p0 .LBB2_24-.Ltmp11, $4  }
0x555: {  	s31 =	sadd.s32 $0xFFFFFFFF, s0;
	v49 =	vadd.f32 v3, v36;
	v3 =	vmul.f32 $8.000000000e+00, v58;
	v48 =	vadd.f32 v2, v35  }
0x556: {  	v2 =	vmov s31;
	v55 =	vadd.s32 v27, v0;
	v58 =	vadd.s32 v21, v0  }
0x557: {  	[tilespmem:v59+s23+$0x0] =	vst.idx.msk $0xffff, v13;
	v57 =	vadd.s32 v22, v0;
	v59 =	vadd.s32 v23, v0;
	v0 =	vshrl.u32 v2, $0x3  }
0x558: {  	s1 =	sadd.s32 $0x8, s1;
	v53 =	vmul.f32 $8.000000000e+00, v62;
	[tilespmem:v10+s23+$0x0] =	vst.idx.msk $0xffff, v15;
	v50 =	vadd.f32 v3, v33;
	v61 =	vshll.u32 v0, v1  }
0x559: {  	_ =	sdelay $0x3  }
0x55a: {  	[tilespmem:v54+s23+$0x0] =	vst.idx.msk $0xffff, v42  }
0x55b: {  	v0 =	vbroadcast v61, $0x0;
	[tilespmem:v43+s23+$0x0] =	vst.idx.msk $0xffff, v41  }
0x55c: {  	v2 =	vmov s0;
	[tilespmem:v51+s23+$0x0] =	vst.idx.msk $0xffff, v46  }
0x55d: {  	v3 =	vadd.f32 v56, v35;
	v2 =	vshrl.u32 v2, $0x3;
	v4 =	vadd.s32 v28, v0;
	[tilespmem:v40+s23+$0x0] =	vst.idx.msk $0xffff, v44  }
0x55e: {  	v5 =	vadd.s32 v31, v0;
	v2 =	vshll.u32 v2, v1;
	[tilespmem:v55+s23+$0x0] =	vst.idx.msk $0xffff, v45  }
0x55f: {  	v2 =	vbroadcast v2, $0x0;
	[tilespmem:v58+s23+$0x0] =	vst.idx.msk $0xffff, v3;
	v3 =	vadd.s32 v24, v0  }
0x560: {  	v0 =	vadd.s32 v25, v0;
	[tilespmem:v57+s23+$0x0] =	vst.idx.msk $0xffff, v60  }
0x561: {  	v6 =	vadd.s32 v26, v2;
	[tilespmem:v59+s23+$0x0] =	vst.idx.msk $0xffff, v47  }
0x562: {  	v7 =	vadd.s32 v29, v2;
	[tilespmem:v4+s23+$0x0] =	vst.idx.msk $0xffff, v49  }
0x563: {  	v61 =	vmul.f32 $8.000000000e+00, v39;
	v9 =	vadd.f32 v52, v34;
	v8 =	vadd.s32 v30, v2;
	[tilespmem:v5+s23+$0x0] =	vst.idx.msk $0xffff, v48  }
0x564: {  	v10 =	vmul.f32 $8.000000000e+00, v38;
	v62 =	vadd.f32 v53, v36;
	v2 =	vadd.s32 v32, v2;
	[tilespmem:v3+s23+$0x0] =	vst.idx.msk $0xffff, v50  }
0x565: {  	v63 =	vmul.f32 $8.000000000e+00, v37;
	v3 =	vadd.f32 v61, v35;
	[tilespmem:v0+s23+$0x0] =	vst.idx.msk $0xffff, v9  }
0x566: {  	v0 =	vadd.f32 v10, v33;
	[tilespmem:v6+s23+$0x0] =	vst.idx.msk $0xffff, v62  }
0x567: {  	v4 =	vadd.f32 v63, v34;
	[tilespmem:v7+s23+$0x0] =	vst.idx.msk $0xffff, v3  }
0x568: {  	[tilespmem:v8+s23+$0x0] =	vst.idx.msk $0xffff, v0  }
0x569: {  	s1 =	simm.s32 $0x13800;
	[tilespmem:v2+s23+$0x0] =	vst.idx.msk $0xffff, v4  }
0x56a: {  	[hbm4b:s11+s3] =	stream.linear.scatter [tilespmem:s1], [sflag:$0x4], $0x80, $0x38;
	[tilespmem:$0x15A00] =	vst v63  }
0x56b: {  	s13 =	simm.s32 $0x13888;
	s1 =	sadd.s32 $0x10, s11  }
0x56c: {  	[hbm4b:s1+s3] =	stream.linear.scatter [tilespmem:s13], [sflag:$0x4], $0x80, $0x38;
	[tilespmem:$0x15A00] =	vst v63  }
0x56d: {  	s16 =	simm.s32 $0x13910;
	s21 =	sadd.s32 $0x20, s11;
	s30 =	simm.s32 $0x13998  }
0x56e: {  	[hbm4b:s21+s3] =	stream.linear.scatter [tilespmem:s16], [sflag:$0x4], $0x80, $0x38;
	[tilespmem:$0x15A00] =	vst v63  }
0x56f: {  	s31 =	sadd.s32 $0x30, s11;
	s0 =	simm.s32 $0x440;
	s29 =	simm.s32 $0x13BB8  }
0x570: {  	[hbm4b:s31+s3] =	stream.linear.scatter [tilespmem:s30], [sflag:$0x4], $0x80, $0x38;
	[tilespmem:$0x15A00] =	vst v63  }
0x571: {  	s1 =	simm.s32 $0x13A20;
	s13 =	sadd.s32 $0x40, s11;
	s16 =	simm.s32 $0x13AA8  }
0x572: {  	[hbm4b:s13+s3] =	stream.linear.scatter [tilespmem:s1], [sflag:$0x4], $0x80, $0x38;
	[tilespmem:$0x15A00] =	vst v63  }
0x573: {  	s21 =	sadd.s32 $0x50, s11;
	s30 =	simm.s32 $0x13B30;
	s31 =	sadd.s32 $0x60, s11  }
0x574: {  	[hbm4b:s21+s3] =	stream.linear.scatter [tilespmem:s16], [sflag:$0x4], $0x80, $0x38;
	[tilespmem:$0x15A00] =	vst v63  }
0x575: {  	s13 =	simm.s32 $0x2200;
	s1 =	sadd.s32 $0x1000, s11;
	s16 =	sadd.s32 $0x70, s11  }
0x576: {  	v37 =	vmovc v25;
	v11 =	vmovc v32;
	v36 =	vmov v24;
	v34 =	vmov v28;
	v35 =	vmov v31;
	[hbm4b:s31+s3] =	stream.linear.scatter [tilespmem:s30], [sflag:$0x4], $0x80, $0x38;
	[tilespmem:$0x15A00] =	vst v63  }
.LBB2_26:
0x577: {  	[hbm4b:s16+s3] =	stream.linear.scatter [tilespmem:s29], [sflag:$0x4], $0x80, $0x38;
	[tilespmem:$0x15A00] =	vst v63  }
0x578: {  	s16 =	smov.u32 s0;
	s0 =	smov.u32 s13  }
0x579: {  	s21 =	sadd.s32 $0x1100, s13;
	s0 =	sshra.s32 s0, $0x2;
	s29 =	sadd.s32 $0x13800, s16  }
0x57a: {  	[hbm4b:s1+s3] =	stream.linear.scatter [tilespmem:s29], [sflag:$0x4], $0x80, $0x38;
	[tilespmem:$0x15A00] =	vst v63  }
0x57b: {  	p0 =	sne.s32 s13, $0x7700;
	s13 =	sadd.s32 $0x13888, s16;
	s29 =	sadd.s32 $0x10, s1  }
0x57c: {  	[hbm4b:s29+s3] =	stream.linear.scatter [tilespmem:s13], [sflag:$0x4], $0x80, $0x38;
	[tilespmem:$0x15A00] =	vst v63  }
0x57d: {  	s13 =	sadd.s32 $0x13910, s16;
	s29 =	sadd.s32 $0x20, s1  }
0x57e: {  	[hbm4b:s29+s3] =	stream.linear.scatter [tilespmem:s13], [sflag:$0x4], $0x80, $0x38;
	[tilespmem:$0x15A00] =	vst v63  }
0x57f: {  	s13 =	sadd.s32 $0x13998, s16;
	s29 =	sadd.s32 $0x30, s1  }
0x580: {  	[hbm4b:s29+s3] =	stream.linear.scatter [tilespmem:s13], [sflag:$0x4], $0x80, $0x38;
	[tilespmem:$0x15A00] =	vst v63  }
0x581: {  	s13 =	sadd.s32 $0x13A20, s16;
	s29 =	sadd.s32 $0x40, s1  }
0x582: {  	[hbm4b:s29+s3] =	stream.linear.scatter [tilespmem:s13], [sflag:$0x4], $0x80, $0x38;
	[tilespmem:$0x15A00] =	vst v63  }
0x583: {  	s13 =	sadd.s32 $0x13AA8, s16;
	s29 =	sadd.s32 $0x50, s1  }
0x584: {  	[hbm4b:s29+s3] =	stream.linear.scatter [tilespmem:s13], [sflag:$0x4], $0x80, $0x38;
	[tilespmem:$0x15A00] =	vst v63  }
.Ltmp12:
0x585: {  	_ = 	snop;
	(pc) =	sbr.rel @p0 .LBB2_26-.Ltmp12, $4  }
0x586: {  	s13 =	sadd.s32 $0x13B30, s16;
	s29 =	sadd.s32 $0x60, s1  }
0x587: {  	[hbm4b:s29+s3] =	stream.linear.scatter [tilespmem:s13], [sflag:$0x4], $0x80, $0x38;
	[tilespmem:$0x15A00] =	vst v63  }
0x588: {  	s29 =	sadd.s32 $0x13BB8, s16  }
0x589: {  	s16 =	sadd.s32 $0x70, s1;
	s1 =	sadd.s32 $0x1000, s1;
	s13 =	smov.u32 s21  }
0x58a: {  	[hbm4b:s16+s3] =	stream.linear.scatter [tilespmem:s29], [sflag:$0x4], $0x80, $0x38;
	[tilespmem:$0x15A00] =	vst v63  }
0x58b: {  	s13 =	sadd.s32 $0x13800, s0  }
0x58c: {  	[hbm4b:s1+s3] =	stream.linear.scatter [tilespmem:s13], [sflag:$0x4], $0x80, $0x38;
	[tilespmem:$0x15A00] =	vst v63  }
0x58d: {  	s30 =	sadd.s32 $0x13888, s0;
	s31 =	sadd.s32 $0x10, s1  }
0x58e: {  	[hbm4b:s31+s3] =	stream.linear.scatter [tilespmem:s30], [sflag:$0x4], $0x80, $0x38;
	[tilespmem:$0x15A00] =	vst v63  }
0x58f: {  	s21 =	sadd.s32 $0x13910, s0;
	s29 =	sadd.s32 $0x20, s1  }
0x590: {  	[hbm4b:s29+s3] =	stream.linear.scatter [tilespmem:s21], [sflag:$0x4], $0x80, $0x38;
	[tilespmem:$0x15A00] =	vst v63  }
0x591: {  	s30 =	sadd.s32 $0x13998, s0;
	s31 =	sadd.s32 $0x30, s1  }
0x592: {  	[hbm4b:s31+s3] =	stream.linear.scatter [tilespmem:s30], [sflag:$0x4], $0x80, $0x38;
	[tilespmem:$0x15A00] =	vst v63  }
0x593: {  	s21 =	sadd.s32 $0x13A20, s0;
	s29 =	sadd.s32 $0x40, s1  }
0x594: {  	[hbm4b:s29+s3] =	stream.linear.scatter [tilespmem:s21], [sflag:$0x4], $0x80, $0x38;
	[tilespmem:$0x15A00] =	vst v63  }
0x595: {  	s30 =	sadd.s32 $0x13AA8, s0;
	s31 =	sadd.s32 $0x50, s1  }
0x596: {  	[hbm4b:s31+s3] =	stream.linear.scatter [tilespmem:s30], [sflag:$0x4], $0x80, $0x38;
	[tilespmem:$0x15A00] =	vst v63  }
0x597: {  	s21 =	sadd.s32 $0x13B30, s0;
	s29 =	sadd.s32 $0x60, s1  }
0x598: {  	[hbm4b:s29+s3] =	stream.linear.scatter [tilespmem:s21], [sflag:$0x4], $0x80, $0x38;
	[tilespmem:$0x15A00] =	vst v63  }
0x599: {  	s30 =	sadd.s32 $0x13BB8, s0;
	s31 =	sadd.s32 $0x70, s1  }
0x59a: {  	[hbm4b:s31+s3] =	stream.linear.scatter [tilespmem:s30], [sflag:$0x4], $0x80, $0x38;
	[tilespmem:$0x15A00] =	vst v63  }
0x59b: {  	_ =	swait.ge [sflag:s25], $0x2000  }
0x59c: {  	[sflag:s25] =	ssyncset.done $0x0  }
0x59d: {  	[sflag:s25] =	ssyncadd.s32 $0xFFFFE000  }
0x59e: {  	_ =	swait.ge [sflag:s26], $0x2000  }
0x59f: {  	v17 =	vld [tilespmem:$0x1FE80]  }
0x5a0: {  	v63 =	vld [tilespmem:$0x1FE00]  }
0x5a1: {  	v14 =	vld [tilespmem:$0x1FE10]  }
0x5a2: {  	v16 =	vld [tilespmem:$0x1FE20]  }
0x5a3: {  	v24 =	vld [tilespmem:$0x1FE30]  }
0x5a4: {  	v20 =	vld [tilespmem:$0x1FE40]  }
0x5a5: {  	v25 =	vld [tilespmem:$0x1FE50]  }
0x5a6: {  	v32 =	vld [tilespmem:$0x1FE60]  }
0x5a7: {  	v26 =	vld [tilespmem:$0x1FE70]  }
0x5a8: {  	v27 =	vld [tilespmem:$0x1FE90]  }
0x5a9: {  	v18 =	vld [tilespmem:$0x1FEA0]  }
0x5aa: {  	v19 =	vld [tilespmem:$0x1FEB0]  }
0x5ab: {  	v15 =	vld [tilespmem:$0x1FEC0]  }
0x5ac: {  	v31 =	vld [tilespmem:$0x1FED0]  }
0x5ad: {  	v28 =	vld [tilespmem:$0x1FEE0]  }
0x5ae: {  	s28 =	sadd.s32 $0x1, s28;
	v0 =	vld [tilespmem:$0x1FEF0]  }
0x5af: {  	p0 =	sne.s32 s28, s12;
	v3 =	vld [tilespmem:$0x1FF00]  }
.Ltmp13:
0x5b0: {  	v29 =	vld [tilespmem:$0x1FF10];
	(pc) =	sbr.rel @p0 .LBB2_1-.Ltmp13, $4  }
0x5b1: {  	v13 =	vld [tilespmem:$0x1FF20]  }
0x5b2: {  	v5 =	vld [tilespmem:$0x1FF30]  }
0x5b3: {  	[sflag:s26] =	ssyncset.done $0x0;
	v6 =	vld [tilespmem:$0x1FF40]  }
0x5b4: {  	v30 =	vld [tilespmem:$0x1FFE0];
	[sflag:s26] =	ssyncadd.s32 $0xFFFFE000  }
0x5b5: {  	_ =	sfence.sel $0x180000  }
0x5b6: {  	[bflag:$0x0] =	sbarrier.arrive $0xFFFF  }
0x5b7: {  	_ =	strace $0x90000047  }
0x5b8: {  	s0 =	stileid.u32;
	[bflag:$0x2] =	sbarrier.arrive $0xFFFF  }
0x5b9: {  	p0 =	sne.s32 s0, $0x0;
	s0 =	rddreg [dreg:$0x2]  }
0x5ba: {  	s0 =	sadd.s32 @!p0 $0x100000, s0  }
0x5bb: {  	[sflag:s0] =	ssyncadd.tile.s32 @!p0 $0x1;
	_ =	shalt  }
.Lfunc_end2:
_tile_overlayer_lowered:
.L_overlay_start_2:
0x5bc: {  	(tag) =	ssettag $0x2  }
0x5bd: {  	s0 =	rddreg [dreg:$0x0];
	s2 =	stileid.u32  }
0x5be: {  	s1 =	rddreg [dreg:$0x1];
	p0 =	sne.s32 s2, $0x0  }
0x5bf: {  	s3 =	rddreg [dreg:$0x2];
	[bflag:$0x3] =	sbarrier.arrive $0xFFFF;
	s2 =	simm.s32 @!p0 $0x1C05  }
0x5c0: {  	[timem:s3], [sflag:s2] =	dma.local @!p0 [hbm:s0], s1  }
0x5c1: {  	s0 =	simm.s32 @!p0 $0x5  }
0x5c2: {  	_ =	swait.ge @!p0 [sflag:s0], s1  }
0x5c3: {  	s1 =	ssub.s32 @!p0 $0x0, s1;
	[sflag:s0] =	ssyncset.done @!p0 $0x0  }
0x5c4: {  	[sflag:s0] =	ssyncadd.s32 @!p0 s1  }
0x5c5: {  	[bflag:$0x3] =	sbarrier.arrive $0xFFFF  }
0x5c6: {  	_ =	shalt  }

</sc_bundles>
